<compile_context>
chip_gen: v7x
topology: tpu7x:2x2x1
jax: 0.10.2.dev20260603
libtpu: 0.0.44.dev20260713+nightly
codegen_flags: <defaults>
</compile_context>

<pallas_src>
import functools

import jax
import jax.numpy as jnp
from jax import lax
from jax.experimental import pallas as pl
from jax.experimental.pallas import tpu as pltpu
from jax.experimental.pallas import tpu_sc as plsc

EMB_DIM = 64
LTM_N = 1000000
STM_CAP = 128
K = 3
RADIUS2 = 9.0
SIM_THRESHOLD = 0.7
EPS = 1e-8
NEG_INF = float("-inf")
BIG_I32 = 1 << 30
DN_T = (((1,), (1,)), ((), ()))

NSTREAM = 4
STEP_ROWS = 32768
SUB_ROWS = STEP_ROWS // NSTREAM
XSUB = SUB_ROWS // 2
TC_NBLK = 15
TC_ROWS = TC_NBLK * STEP_ROWS
TAIL_START = 999424
TAIL_N = LTM_N - TAIL_START

NWORK = 32
SC_START = TC_ROWS
WROWS = 15872
CHUNK = 496
NCHUNK = 32
GROUPS = CHUNK // 16
assert SC_START + NWORK * WROWS == TAIL_START


def _scalar(x2d):
    return x2d[0, 0]


def _v_rsqrt(a):
    ai = plsc.bitcast(a, jnp.int32)
    yi = 0x5F3759DF - lax.shift_right_logical(ai, 1)
    y = plsc.bitcast(yi, jnp.float32)
    for _ in range(3):
        y = y * (1.5 - 0.5 * a * y * y)
    return y


def _merge_scalar(run_v, run_i, cv, ci):
    v0, v1, v2 = run_v[0], run_v[1], run_v[2]
    i0, i1, i2 = run_i[0], run_i[1], run_i[2]

    def better(rv, ri):
        return (cv > rv) | ((cv == rv) & (ci < ri))

    b0, b1, b2 = better(v0, i0), better(v1, i1), better(v2, i2)
    run_v[0] = jnp.where(b0, cv, v0)
    run_i[0] = jnp.where(b0, ci, i0)
    run_v[1] = jnp.where(b0, v0, jnp.where(b1, cv, v1))
    run_i[1] = jnp.where(b0, i0, jnp.where(b1, ci, i1))
    run_v[2] = jnp.where(b1, v1, jnp.where(b2, cv, v2))
    run_i[2] = jnp.where(b1, i1, jnp.where(b2, ci, i2))


def _top3_tc(vals2d, gidx2d, alive0):
    alive = alive0
    out_v, out_i = [], []
    for _ in range(K):
        masked = jnp.where(alive, vals2d, NEG_INF)
        m2d = jnp.max(masked, keepdims=True)
        sel = alive & (masked == m2d)
        i2d = jnp.min(jnp.where(sel, gidx2d, BIG_I32), keepdims=True)
        out_v.append(_scalar(m2d))
        out_i.append(_scalar(i2d))
        alive = alive & (gidx2d != i2d)
    return out_v, out_i



def _make_sc_scan():
    mesh = plsc.VectorSubcoreMesh(core_axis_name="c", subcore_axis_name="s")

    @functools.partial(
        pl.kernel,
        mesh=mesh,
        out_type=[
            jax.ShapeDtypeStruct((NWORK, 16), jnp.float32),
            jax.ShapeDtypeStruct((NWORK, 16), jnp.int32),
        ],
        scratch_types=[
            pltpu.VMEM((CHUNK * EMB_DIM,), jnp.float32),
            pltpu.VMEM((CHUNK * EMB_DIM,), jnp.float32),
            pltpu.VMEM((EMB_DIM, 16), jnp.float32),
            pltpu.VMEM((16,), jnp.float32),
            pltpu.VMEM((16,), jnp.int32),
            pltpu.SMEM((4,), jnp.float32),
            pltpu.SMEM((4,), jnp.int32),
            pltpu.SemaphoreType.DMA,
            pltpu.SemaphoreType.DMA,
        ],
        compiler_params=pltpu.CompilerParams(needs_layout_passes=False),
    )
    def sc_scan(ltm_flat_hbm, qrot_hbm, vals_out, idx_out,
                buf_a, buf_b, qrot_v, vstage, istage, run_v, run_i,
                sem_a, sem_b):
        wid = lax.axis_index("s") * 2 + lax.axis_index("c")
        base = SC_START + wid * WROWS
        pltpu.sync_copy(qrot_hbm, qrot_v)
        for k in range(K):
            run_v[k] = NEG_INF
            run_i[k] = 0

        lane = lax.iota(jnp.int32, 16)
        lane64 = lane * EMB_DIM

        def _src(c):
            return ltm_flat_hbm.at[pl.ds((base + c * CHUNK) * EMB_DIM,
                                         CHUNK * EMB_DIM)]

        def _process(buf, cb):
            def grp_body(g, carry2):
                bvec = lane64 + g * (16 * EMB_DIM)
                zero = jnp.zeros((16,), jnp.float32)
                dacc = [zero, zero, zero, zero]
                nacc = [zero, zero, zero, zero]
                for j in range(EMB_DIM):
                    rot = (lane + j) & (EMB_DIM - 1)
                    col = plsc.load_gather(buf, [bvec + rot])
                    qj = qrot_v[j, :]
                    dacc[j % 4] = dacc[j % 4] + col * qj
                    nacc[j % 4] = nacc[j % 4] + col * col
                dot = (dacc[0] + dacc[1]) + (dacc[2] + dacc[3])
                n2 = (nacc[0] + nacc[1]) + (nacc[2] + nacc[3])
                sims = dot * _v_rsqrt(jnp.maximum(n2, 1e-30))
                m = jnp.max(sims)

                @pl.when(m > run_v[2])
                def _extract():
                    masked = sims
                    for _ in range(K):
                        mk = jnp.max(masked)
                        lk = jnp.min(jnp.where(masked == mk, lane, BIG_I32))
                        gk = cb + g * 16 + lk
                        _merge_scalar(run_v, run_i, mk, gk)
                        masked = jnp.where(lane == lk, NEG_INF, masked)

                return carry2

            lax.fori_loop(0, GROUPS, grp_body, 0)

        pltpu.async_copy(_src(0), buf_a, sem_a)

        def pair_body(it, carry):
            c = it * 2
            pltpu.make_async_copy(_src(c), buf_a, sem_a).wait()
            pltpu.async_copy(_src(c + 1), buf_b, sem_b)
            _process(buf_a, base + c * CHUNK)
            pltpu.make_async_copy(_src(c + 1), buf_b, sem_b).wait()

            @pl.when(c + 2 < NCHUNK)
            def _start_next():
                pltpu.async_copy(_src(c + 2), buf_a, sem_a)

            _process(buf_b, base + (c + 1) * CHUNK)
            return carry

        lax.fori_loop(0, NCHUNK // 2, pair_body, 0)

        vv = jnp.where(lane == 0, run_v[0],
                       jnp.where(lane == 1, run_v[1],
                                 jnp.where(lane == 2, run_v[2], NEG_INF)))
        iv = jnp.where(lane == 0, run_i[0],
                       jnp.where(lane == 1, run_i[1],
                                 jnp.where(lane == 2, run_i[2], BIG_I32)))
        vstage[...] = vv
        istage[...] = iv
        pltpu.sync_copy(vstage, vals_out.at[wid])
        pltpu.sync_copy(istage, idx_out.at[wid])

    return sc_scan



def _tc_scan_body(qpad2_ref, qpad64_ref, *rest):
    x_refs = rest[:NSTREAM]
    tail_ref = rest[NSTREAM]
    tcv_out, tci_out = rest[NSTREAM + 1:NSTREAM + 3]
    run_v, run_i = rest[NSTREAM + 3:NSTREAM + 5]

    i = pl.program_id(0)

    @pl.when(i == 0)
    def _init():
        for k in range(K):
            run_v[k] = NEG_INF
            run_i[k] = 0

    qpad2 = qpad2_ref[...]
    sims_parts = []
    for j in range(NSTREAM):
        x = x_refs[j][...]
        d8 = jax.lax.dot_general(qpad2, x, DN_T,
                                 preferred_element_type=jnp.float32)
        n8 = jax.lax.dot_general(qpad2, x * x, DN_T,
                                 preferred_element_type=jnp.float32)
        sims_parts.append(d8[0:2, :]
                          * jax.lax.rsqrt(jnp.maximum(n8[2:4, :], 1e-30)))
    sims = jnp.concatenate(sims_parts, axis=0)
    mx = _scalar(jnp.max(sims, keepdims=True))

    @pl.when(mx > run_v[2])
    def _extract():
        rr = jax.lax.broadcasted_iota(jnp.int32, (2 * NSTREAM, XSUB), 0)
        cc = jax.lax.broadcasted_iota(jnp.int32, (2 * NSTREAM, XSUB), 1)
        gidx = (i * STEP_ROWS + (rr >> 1) * SUB_ROWS + cc * 2 + (rr & 1))
        cand_v, cand_i = _top3_tc(sims, gidx, gidx < BIG_I32)
        for k in range(K):
            _merge_scalar(run_v, run_i, cand_v[k], cand_i[k])

    @pl.when(i == TC_NBLK - 1)
    def _final():
        qpad64 = qpad64_ref[...]
        tail = tail_ref[...]
        d8 = jax.lax.dot_general(qpad64, tail, DN_T,
                                 preferred_element_type=jnp.float32)
        n8 = jax.lax.dot_general(qpad64, tail * tail, DN_T,
                                 preferred_element_type=jnp.float32)
        tsims = d8[0:1, :] * jax.lax.rsqrt(jnp.maximum(n8[1:2, :], 1e-30))
        tgidx = (jax.lax.broadcasted_iota(jnp.int32, (1, TAIL_N), 1)
                 + TAIL_START)
        tv, ti = _top3_tc(tsims, tgidx, tgidx < BIG_I32)
        for k in range(K):
            _merge_scalar(run_v, run_i, tv[k], ti[k])
        for k in range(16):
            tcv_out[0, k] = run_v[k] if k < K else NEG_INF
            tci_out[0, k] = run_i[k] if k < K else BIG_I32


def _tc_scan(qpad2, qpad64, ltm_x, ltm_tail):
    def _xmap(j):
        return lambda i: (NSTREAM * i + j, 0)

    return pl.pallas_call(
        _tc_scan_body,
        grid=(TC_NBLK,),
        in_specs=[
            pl.BlockSpec((8, 2 * EMB_DIM), lambda i: (0, 0)),
            pl.BlockSpec((8, EMB_DIM), lambda i: (0, 0)),
        ] + [
            pl.BlockSpec((XSUB, 2 * EMB_DIM), _xmap(j)) for j in range(NSTREAM)
        ] + [
            pl.BlockSpec((TAIL_N, EMB_DIM), lambda i: (0, 0)),
        ],
        out_specs=(
            pl.BlockSpec(memory_space=pltpu.SMEM),
            pl.BlockSpec(memory_space=pltpu.SMEM),
        ),
        out_shape=(
            jax.ShapeDtypeStruct((1, 16), jnp.float32),
            jax.ShapeDtypeStruct((1, 16), jnp.int32),
        ),
        scratch_shapes=[
            pltpu.SMEM((4,), jnp.float32),
            pltpu.SMEM((4,), jnp.int32),
        ],
        compiler_params=pltpu.CompilerParams(
            dimension_semantics=("arbitrary",)),
    )(qpad2, qpad64, *([ltm_x] * NSTREAM), ltm_tail)



def _finish_body(q_ref, qpad64_ref, qrel_ref, node_ref, stm_e_ref, stm_r_ref,
                 cv_ref, ci_ref, ltm_e_hbm, ltm_p_hbm,
                 emb_out, pos_out, sco_out, src_out, sem):
    q = q_ref[...]
    qpad64 = qpad64_ref[...]
    qn2 = _scalar(jnp.sum(q * q, keepdims=True))
    qinv = 1.0 / (jnp.sqrt(qn2) + EPS)

    cvals = cv_ref[...]
    cidx = ci_ref[...]
    lv, li = _top3_tc(cvals, cidx, cidx < BIG_I32)

    qrel = qrel_ref[...]
    stm_r = stm_r_ref[...]
    diff = stm_r - qrel
    d2 = jnp.sum(diff * diff, axis=1)
    within = (d2 <= RADIUS2).reshape(1, STM_CAP)
    stm_e = stm_e_ref[...]
    sd8 = jax.lax.dot_general(qpad64, stm_e, DN_T,
                              preferred_element_type=jnp.float32)
    sn8 = jax.lax.dot_general(qpad64, stm_e * stm_e, DN_T,
                              preferred_element_type=jnp.float32)
    ssim = (sd8[0:1, :] / (jnp.sqrt(sn8[1:2, :]) + EPS)) * qinv
    ssim2 = jnp.where(within, ssim, NEG_INF)
    scol = jax.lax.broadcasted_iota(jnp.int32, (1, STM_CAP), 1)
    sv, si = _top3_tc(ssim2, scol, scol < BIG_I32)

    stm_hit = sv[0] >= SIM_THRESHOLD
    src_out[0, 0] = jnp.where(stm_hit, 1.0, 0.0).astype(jnp.float32)
    for k in range(K):
        sco_out[0, k] = jnp.where(stm_hit, sv[k], lv[k] * qinv)

    @pl.when(stm_hit)
    def _stm_write():
        for k in range(K):
            cp = pltpu.make_async_copy(
                stm_e_ref.at[pl.ds(si[k], 1)], emb_out.at[pl.ds(k, 1)], sem)
            cp.start()
            cp.wait()
            cp = pltpu.make_async_copy(
                stm_r_ref.at[pl.ds(si[k], 1)], pos_out.at[pl.ds(k, 1)], sem)
            cp.start()
            cp.wait()
        pos_out[...] = pos_out[...] + node_ref[...]

    @pl.when(jnp.logical_not(stm_hit))
    def _ltm_write():
        for k in range(K):
            cp = pltpu.make_async_copy(
                ltm_e_hbm.at[pl.ds(li[k], 1)], emb_out.at[pl.ds(k, 1)], sem)
            cp.start()
            cp.wait()
            cp = pltpu.make_async_copy(
                ltm_p_hbm.at[pl.ds(li[k], 1)], pos_out.at[pl.ds(k, 1)], sem)
            cp.start()
            cp.wait()


def kernel(current_observation_embedding, current_absolute_position,
           current_semantic_node_position, stm_embeddings, stm_rel_positions,
           ltm_embeddings, ltm_positions):
    q = current_observation_embedding
    q2 = q.reshape(1, EMB_DIM)
    qpad2 = jnp.zeros((8, 2 * EMB_DIM), jnp.float32)
    qpad2 = qpad2.at[0, :EMB_DIM].set(q)
    qpad2 = qpad2.at[1, EMB_DIM:].set(q)
    qpad2 = qpad2.at[2, :EMB_DIM].set(1.0)
    qpad2 = qpad2.at[3, EMB_DIM:].set(1.0)
    qpad64 = jnp.zeros((8, EMB_DIM), jnp.float32)
    qpad64 = qpad64.at[0, :].set(q)
    qpad64 = qpad64.at[1, :].set(1.0)
    rot = (jnp.arange(EMB_DIM)[:, None] + jnp.arange(16)[None, :]) % EMB_DIM
    qrot = q[rot]
    qrel = (current_absolute_position - current_semantic_node_position).reshape(1, 3)
    node = current_semantic_node_position.reshape(1, 3)
    ltm_x = ltm_embeddings.reshape(LTM_N // 2, 2 * EMB_DIM)
    ltm_tail = ltm_embeddings[TAIL_START:, :]

    sc_scan = _make_sc_scan()
    scv, sci = sc_scan(ltm_embeddings.reshape(LTM_N * EMB_DIM), qrot)
    tcv, tci = _tc_scan(qpad2, qpad64, ltm_x, ltm_tail)

    cvals = jnp.concatenate([tcv, scv.reshape(1, NWORK * 16)], axis=1)
    cidx = jnp.concatenate([tci, sci.reshape(1, NWORK * 16)], axis=1)
    ncand = 16 + NWORK * 16

    out_shape = (
        jax.ShapeDtypeStruct((K, EMB_DIM), jnp.float32),
        jax.ShapeDtypeStruct((K, 3), jnp.float32),
        jax.ShapeDtypeStruct((1, K), jnp.float32),
        jax.ShapeDtypeStruct((1, 1), jnp.float32),
    )
    emb, pos, sco, src = pl.pallas_call(
        _finish_body,
        grid=(1,),
        in_specs=[
            pl.BlockSpec((1, EMB_DIM), lambda i: (0, 0)),
            pl.BlockSpec((8, EMB_DIM), lambda i: (0, 0)),
            pl.BlockSpec((1, 3), lambda i: (0, 0)),
            pl.BlockSpec((1, 3), lambda i: (0, 0)),
            pl.BlockSpec((STM_CAP, EMB_DIM), lambda i: (0, 0)),
            pl.BlockSpec((STM_CAP, 3), lambda i: (0, 0)),
            pl.BlockSpec((1, ncand), lambda i: (0, 0)),
            pl.BlockSpec((1, ncand), lambda i: (0, 0)),
            pl.BlockSpec(memory_space=pl.ANY),
            pl.BlockSpec(memory_space=pl.ANY),
        ],
        out_specs=(
            pl.BlockSpec((K, EMB_DIM), lambda i: (0, 0)),
            pl.BlockSpec((K, 3), lambda i: (0, 0)),
            pl.BlockSpec(memory_space=pltpu.SMEM),
            pl.BlockSpec(memory_space=pltpu.SMEM),
        ),
        out_shape=out_shape,
        scratch_shapes=[pltpu.SemaphoreType.DMA],
    )(q2, qpad64, qrel, node, stm_embeddings, stm_rel_positions,
      cvals, cidx, ltm_embeddings, ltm_positions)
    return emb, pos, sco.reshape(K), src.reshape(())

# --- scband reference (transcript-rebuilt; emitter-appended) ---
"""Pipeline reference for scband-memory-retrieval-17489106829505 (READ-ONLY COPY).

The authoritative reference and input builder live on the scoring server;
editing this copy changes nothing except your own understanding.
"""

import jax, jax.numpy as jnp
import numpy as np

EMB_DIM = 64
LTM_N = 1000000
STM_CAP = 128
STM_K = 3
LTM_K = 3
SPATIAL_RADIUS = 3.0
SIM_THRESHOLD = 0.7
EPS = 1e-8


def setup_inputs(seed: int = 0) -> dict:
    key = jax.random.key(seed)
    k1, k2, k3, k4, k5, k6, k7 = jax.random.split(key, 7)
    return {
        "current_observation_embedding": jax.random.normal(k1, (EMB_DIM,), dtype=jnp.float32),
        "current_absolute_position": jax.random.normal(k2, (3,), dtype=jnp.float32),
        "current_semantic_node_position": jax.random.normal(k3, (3,), dtype=jnp.float32),
        # learned / stored memory state (parameters of the memory module)
        "stm_embeddings": jax.random.normal(k4, (STM_CAP, EMB_DIM), dtype=jnp.float32),
        "stm_rel_positions": jax.random.normal(k5, (STM_CAP, 3), dtype=jnp.float32),
        "ltm_embeddings": jax.random.normal(k6, (LTM_N, EMB_DIM), dtype=jnp.float32),
        "ltm_positions": jax.random.normal(k7, (LTM_N, 3), dtype=jnp.float32),
    }


def reference(current_observation_embedding, current_absolute_position,
              current_semantic_node_position, stm_embeddings, stm_rel_positions,
              ltm_embeddings, ltm_positions):
    q = current_observation_embedding
    # relative query position w.r.t. current semantic node (STM frame)
    q_rel = current_absolute_position - current_semantic_node_position

    # ---- STM retrieval: spatial-radius filter + cosine-sim top-k ----
    d2 = jnp.sum((stm_rel_positions - q_rel[None, :]) ** 2, axis=1)
    within = d2 <= SPATIAL_RADIUS ** 2
    q_n = q / (jnp.linalg.norm(q) + EPS)
    stm_n = stm_embeddings / (jnp.linalg.norm(stm_embeddings, axis=1, keepdims=True) + EPS)
    stm_sim = stm_n @ q_n
    masked_sim = jnp.where(within, stm_sim, -jnp.inf)
    stm_vals, stm_idx = jax.lax.top_k(masked_sim, STM_K)
    stm_emb = jnp.take(stm_embeddings, stm_idx, axis=0)
    stm_pos = jnp.take(stm_rel_positions, stm_idx, axis=0) + current_semantic_node_position[None, :]
    stm_hit = jnp.max(stm_vals) >= SIM_THRESHOLD

    # ---- LTM retrieval fallback: cosine kNN over the full LTM token table ----
    ltm_n = ltm_embeddings / (jnp.linalg.norm(ltm_embeddings, axis=1, keepdims=True) + EPS)
    ltm_sim = ltm_n @ q_n
    ltm_vals, ltm_idx = jax.lax.top_k(ltm_sim, LTM_K)
    ltm_emb = jnp.take(ltm_embeddings, ltm_idx, axis=0)
    ltm_pos = jnp.take(ltm_positions, ltm_idx, axis=0)

    # ---- multi-level selection (STM if similarity >= threshold, else LTM) ----
    emb = jnp.where(stm_hit, stm_emb, ltm_emb)
    pos = jnp.where(stm_hit, stm_pos, ltm_pos)
    scores = jnp.where(stm_hit, stm_vals, ltm_vals)
    source_is_stm = stm_hit.astype(jnp.float32)
    return emb, pos, scores, source_is_stm

if __name__ == "__main__":
    import jax
    _d = setup_inputs()
    print(jax.jit(kernel)(*tuple(_d.values())))

</pallas_src>

<mosaic_0001>
#map = affine_map<(d0, d1) -> (0)>
#map1 = affine_map<(d0, d1) -> (0, 0)>
module attributes {stable_mosaic.version = 14 : i64} {
  func.func @sc_scan(%arg0: i32, %arg1: i32, %arg2: memref<64000000xf32, #tpu.memory_space<hbm>>, %arg3: memref<64x16xf32, #tpu.memory_space<hbm>>, %arg4: memref<32x16xf32, #tpu.memory_space<hbm>>, %arg5: memref<32x16xi32, #tpu.memory_space<hbm>>, %arg6: memref<31744xf32, #tpu.memory_space<vmem>>, %arg7: memref<31744xf32, #tpu.memory_space<vmem>>, %arg8: memref<64x16xf32, #tpu.memory_space<vmem>>, %arg9: memref<16xf32, #tpu.memory_space<vmem>>, %arg10: memref<16xi32, #tpu.memory_space<vmem>>, %arg11: memref<4xf32, #tpu.memory_space<smem>>, %arg12: memref<4xi32, #tpu.memory_space<smem>>, %arg13: memref<!tpu.dma_semaphore, #tpu.memory_space<semaphore_mem>>, %arg14: memref<!tpu.dma_semaphore, #tpu.memory_space<semaphore_mem>>) attributes {dimension_semantics = [#tpu.dimension_semantics<core_parallel>, #tpu.dimension_semantics<subcore_parallel>], iteration_bounds = array<i64: 2, 16>, scalar_prefetch = 0 : i64, scratch_operands = 9 : i64, tpu.core_type = #tpu.core_type<sc_vector_subcore>, window_params = [{transform_indices = #map}, {transform_indices = #map1}, {transform_indices = #map1}, {transform_indices = #map1}]} {
    %mul3A = arith.constant 2 : i32
    %mul3A_0 = arith.muli %arg1, %mul3A : i32
    %add3A = arith.addi %mul3A_0, %arg0 : i32
    %mul3A_1 = arith.constant 15872 : i32
    %mul3A_2 = arith.muli %add3A, %mul3A_1 : i32
    %add3A_3 = arith.constant 491520 : i32
    %add3A_4 = arith.addi %add3A_3, %mul3A_2 : i32
    "tpu.region"() ({
      %run_scoped3A = tpu.sem_alloc : memref<!tpu.dma_semaphore, #tpu.memory_space<semaphore_mem>>
      tpu.enqueue_dma source(%arg3 : memref<64x16xf32, #tpu.memory_space<hbm>>) target(%arg8 : memref<64x16xf32, #tpu.memory_space<vmem>>) target_semaphore(%run_scoped3A : memref<!tpu.dma_semaphore, #tpu.memory_space<semaphore_mem>>)
      tpu.wait_dma2 semaphore(%run_scoped3A : memref<!tpu.dma_semaphore, #tpu.memory_space<semaphore_mem>>) src(%arg3 : memref<64x16xf32, #tpu.memory_space<hbm>>) dst(%arg8 : memref<64x16xf32, #tpu.memory_space<vmem>>)
      tpu.yield
    }) : () -> ()
    %swap3A = arith.constant 0xFF800000 : f32
    %swap3A_5 = arith.constant 0 : i32
    %swap3A_6 = arith.index_cast %swap3A_5 : i32 to index
    %swap3A_7 = memref.load %arg11[%swap3A_6] : memref<4xf32, #tpu.memory_space<smem>>
    memref.store %swap3A, %arg11[%swap3A_6] : memref<4xf32, #tpu.memory_space<smem>>
    %swap3A_8 = arith.constant 0 : i32
    %swap3A_9 = arith.constant 0 : i32
    %swap3A_10 = arith.index_cast %swap3A_9 : i32 to index
    %swap3A_11 = memref.load %arg12[%swap3A_10] : memref<4xi32, #tpu.memory_space<smem>>
    memref.store %swap3A_8, %arg12[%swap3A_10] : memref<4xi32, #tpu.memory_space<smem>>
    %swap3A_12 = arith.constant 0xFF800000 : f32
    %swap3A_13 = arith.constant 1 : i32
    %swap3A_14 = arith.index_cast %swap3A_13 : i32 to index
    %swap3A_15 = memref.load %arg11[%swap3A_14] : memref<4xf32, #tpu.memory_space<smem>>
    memref.store %swap3A_12, %arg11[%swap3A_14] : memref<4xf32, #tpu.memory_space<smem>>
    %swap3A_16 = arith.constant 0 : i32
    %swap3A_17 = arith.constant 1 : i32
    %swap3A_18 = arith.index_cast %swap3A_17 : i32 to index
    %swap3A_19 = memref.load %arg12[%swap3A_18] : memref<4xi32, #tpu.memory_space<smem>>
    memref.store %swap3A_16, %arg12[%swap3A_18] : memref<4xi32, #tpu.memory_space<smem>>
    %swap3A_20 = arith.constant 0xFF800000 : f32
    %swap3A_21 = arith.constant 2 : i32
    %swap3A_22 = arith.index_cast %swap3A_21 : i32 to index
    %swap3A_23 = memref.load %arg11[%swap3A_22] : memref<4xf32, #tpu.memory_space<smem>>
    memref.store %swap3A_20, %arg11[%swap3A_22] : memref<4xf32, #tpu.memory_space<smem>>
    %swap3A_24 = arith.constant 0 : i32
    %swap3A_25 = arith.constant 2 : i32
    %swap3A_26 = arith.index_cast %swap3A_25 : i32 to index
    %swap3A_27 = memref.load %arg12[%swap3A_26] : memref<4xi32, #tpu.memory_space<smem>>
    memref.store %swap3A_24, %arg12[%swap3A_26] : memref<4xi32, #tpu.memory_space<smem>>
    %iota3A = tpu.iota {dimensions = array<i32: 0>} : vector<16xi32>
    %mul3A_28 = arith.constant 64 : i32
    %mul3A_29 = vector.broadcast %mul3A_28 : i32 to vector<16xi32>
    %mul3A_30 = arith.muli %iota3A, %mul3A_29 : vector<16xi32>
    %add3A_31 = arith.constant 0 : i32
    %add3A_32 = arith.addi %add3A_4, %add3A_31 : i32
    %mul3A_33 = arith.constant 64 : i32
    %mul3A_34 = arith.muli %add3A_32, %mul3A_33 : i32
    %dma_start3A = tpu.memref_slice %arg2[%mul3A_34] : memref<64000000xf32, #tpu.memory_space<hbm>> -> memref<31744xf32, #tpu.memory_space<hbm>>
    %dma_start3A_35 = tpu.memref_slice %arg2[%mul3A_34] : memref<64000000xf32, #tpu.memory_space<hbm>> -> memref<31744xf32, #tpu.memory_space<hbm>>
    tpu.enqueue_dma source(%dma_start3A_35 : memref<31744xf32, #tpu.memory_space<hbm>>) target(%arg6 : memref<31744xf32, #tpu.memory_space<vmem>>) target_semaphore(%arg13 : memref<!tpu.dma_semaphore, #tpu.memory_space<semaphore_mem>>)
    %scan3A = arith.constant 0 : i32
    %scan3A_36 = arith.constant 0 : i32
    %scan3A_37 = arith.constant 16 : i32
    %scan3A_38 = arith.addi %scan3A_36, %scan3A_37 : i32
    %scan3A_39 = arith.constant 1 : i32
    scf.for %scan3A_92 = %scan3A_36 to %scan3A_38 step %scan3A_39  : i32 {
      %mul3A_93 = arith.constant 2 : i32
      %mul3A_94 = arith.muli %scan3A_92, %mul3A_93 : i32
      %mul3A_95 = arith.constant 496 : i32
      %mul3A_96 = arith.muli %mul3A_94, %mul3A_95 : i32
      %add3A_97 = arith.addi %add3A_4, %mul3A_96 : i32
      %mul3A_98 = arith.constant 64 : i32
      %mul3A_99 = arith.muli %add3A_97, %mul3A_98 : i32
      %dma_wait3A = tpu.memref_slice %arg2[%mul3A_99] : memref<64000000xf32, #tpu.memory_space<hbm>> -> memref<31744xf32, #tpu.memory_space<hbm>>
      %dma_wait3A_100 = tpu.memref_slice %arg2[%mul3A_99] : memref<64000000xf32, #tpu.memory_space<hbm>> -> memref<31744xf32, #tpu.memory_space<hbm>>
      tpu.wait_dma2 semaphore(%arg13 : memref<!tpu.dma_semaphore, #tpu.memory_space<semaphore_mem>>) src(%dma_wait3A_100 : memref<31744xf32, #tpu.memory_space<hbm>>) dst(%arg6 : memref<31744xf32, #tpu.memory_space<vmem>>)
      %add3A_101 = arith.constant 1 : i32
      %add3A_102 = arith.addi %mul3A_94, %add3A_101 : i32
      %mul3A_103 = arith.constant 496 : i32
      %mul3A_104 = arith.muli %add3A_102, %mul3A_103 : i32
      %add3A_105 = arith.addi %add3A_4, %mul3A_104 : i32
      %mul3A_106 = arith.constant 64 : i32
      %mul3A_107 = arith.muli %add3A_105, %mul3A_106 : i32
      %dma_start3A_108 = tpu.memref_slice %arg2[%mul3A_107] : memref<64000000xf32, #tpu.memory_space<hbm>> -> memref<31744xf32, #tpu.memory_space<hbm>>
      %dma_start3A_109 = tpu.memref_slice %arg2[%mul3A_107] : memref<64000000xf32, #tpu.memory_space<hbm>> -> memref<31744xf32, #tpu.memory_space<hbm>>
      tpu.enqueue_dma source(%dma_start3A_109 : memref<31744xf32, #tpu.memory_space<hbm>>) target(%arg7 : memref<31744xf32, #tpu.memory_space<vmem>>) target_semaphore(%arg14 : memref<!tpu.dma_semaphore, #tpu.memory_space<semaphore_mem>>)
      %mul3A_110 = arith.constant 496 : i32
      %mul3A_111 = arith.muli %mul3A_94, %mul3A_110 : i32
      %add3A_112 = arith.addi %add3A_4, %mul3A_111 : i32
      %scan3A_113 = arith.constant 0 : i32
      %scan3A_114 = arith.constant 0 : i32
      %scan3A_115 = arith.constant 31 : i32
      %scan3A_116 = arith.addi %scan3A_114, %scan3A_115 : i32
      %scan3A_117 = arith.constant 1 : i32
      scf.for %scan3A_143 = %scan3A_114 to %scan3A_116 step %scan3A_117  : i32 {
        %mul3A_144 = arith.constant 1024 : i32
        %mul3A_145 = arith.muli %scan3A_143, %mul3A_144 : i32
        %add3A_146 = vector.broadcast %mul3A_145 : i32 to vector<16xi32>
        %add3A_147 = arith.addi %mul3A_30, %add3A_146 : vector<16xi32>
        %broadcast_in_dim3A_148 = arith.constant 0.000000e+00 : f32
        %broadcast_in_dim3A_149 = vector.broadcast %broadcast_in_dim3A_148 : f32 to vector<16xf32>
        %add3A_150 = arith.constant 0 : i32
        %add3A_151 = vector.broadcast %add3A_150 : i32 to vector<16xi32>
        %add3A_152 = arith.addi %iota3A, %add3A_151 : vector<16xi32>
        %and3A = arith.constant 63 : i32
        %and3A_153 = vector.broadcast %and3A : i32 to vector<16xi32>
        %and3A_154 = arith.andi %add3A_152, %and3A_153 : vector<16xi32>
        %add3A_155 = arith.addi %add3A_147, %and3A_154 : vector<16xi32>
        %gather3A = tpu.vector_load_idx %arg6[%add3A_155] : memref<31744xf32, #tpu.memory_space<vmem>>[vector<16xi32>], vector<16xf32>,
        %get3A_156 = arith.constant 0 : i32
        %get3A_157 = arith.index_cast %get3A_156 : i32 to index
        %get3A_158 = arith.constant 0 : index
        %get3A_159 = tpu.vector_load %arg8[%get3A_157, %get3A_158] {strides = array<i32>} : memref<64x16xf32, #tpu.memory_space<vmem>>, vector<16xf32>,
        %mul3A_160 = arith.mulf %gather3A, %get3A_159 : vector<16xf32>
        %add3A_161 = arith.addf %broadcast_in_dim3A_149, %mul3A_160 : vector<16xf32>
        %mul3A_162 = arith.mulf %gather3A, %gather3A : vector<16xf32>
        %add3A_163 = arith.addf %broadcast_in_dim3A_149, %mul3A_162 : vector<16xf32>
        %add3A_164 = arith.constant 1 : i32
        %add3A_165 = vector.broadcast %add3A_164 : i32 to vector<16xi32>
        %add3A_166 = arith.addi %iota3A, %add3A_165 : vector<16xi32>
        %and3A_167 = arith.constant 63 : i32
        %and3A_168 = vector.broadcast %and3A_167 : i32 to vector<16xi32>
        %and3A_169 = arith.andi %add3A_166, %and3A_168 : vector<16xi32>
        %add3A_170 = arith.addi %add3A_147, %and3A_169 : vector<16xi32>
        %gather3A_171 = tpu.vector_load_idx %arg6[%add3A_170] : memref<31744xf32, #tpu.memory_space<vmem>>[vector<16xi32>], vector<16xf32>,
        %get3A_172 = arith.constant 1 : i32
        %get3A_173 = arith.index_cast %get3A_172 : i32 to index
        %get3A_174 = arith.constant 0 : index
        %get3A_175 = tpu.vector_load %arg8[%get3A_173, %get3A_174] {strides = array<i32>} : memref<64x16xf32, #tpu.memory_space<vmem>>, vector<16xf32>,
        %mul3A_176 = arith.mulf %gather3A_171, %get3A_175 : vector<16xf32>
        %add3A_177 = arith.addf %broadcast_in_dim3A_149, %mul3A_176 : vector<16xf32>
        %mul3A_178 = arith.mulf %gather3A_171, %gather3A_171 : vector<16xf32>
        %add3A_179 = arith.addf %broadcast_in_dim3A_149, %mul3A_178 : vector<16xf32>
        %add3A_180 = arith.constant 2 : i32
        %add3A_181 = vector.broadcast %add3A_180 : i32 to vector<16xi32>
        %add3A_182 = arith.addi %iota3A, %add3A_181 : vector<16xi32>
        %and3A_183 = arith.constant 63 : i32
        %and3A_184 = vector.broadcast %and3A_183 : i32 to vector<16xi32>
        %and3A_185 = arith.andi %add3A_182, %and3A_184 : vector<16xi32>
        %add3A_186 = arith.addi %add3A_147, %and3A_185 : vector<16xi32>
        %gather3A_187 = tpu.vector_load_idx %arg6[%add3A_186] : memref<31744xf32, #tpu.memory_space<vmem>>[vector<16xi32>], vector<16xf32>,
        %get3A_188 = arith.constant 2 : i32
        %get3A_189 = arith.index_cast %get3A_188 : i32 to index
        %get3A_190 = arith.constant 0 : index
        %get3A_191 = tpu.vector_load %arg8[%get3A_189, %get3A_190] {strides = array<i32>} : memref<64x16xf32, #tpu.memory_space<vmem>>, vector<16xf32>,
        %mul3A_192 = arith.mulf %gather3A_187, %get3A_191 : vector<16xf32>
        %add3A_193 = arith.addf %broadcast_in_dim3A_149, %mul3A_192 : vector<16xf32>
        %mul3A_194 = arith.mulf %gather3A_187, %gather3A_187 : vector<16xf32>
        %add3A_195 = arith.addf %broadcast_in_dim3A_149, %mul3A_194 : vector<16xf32>
        %add3A_196 = arith.constant 3 : i32
        %add3A_197 = vector.broadcast %add3A_196 : i32 to vector<16xi32>
        %add3A_198 = arith.addi %iota3A, %add3A_197 : vector<16xi32>
        %and3A_199 = arith.constant 63 : i32
        %and3A_200 = vector.broadcast %and3A_199 : i32 to vector<16xi32>
        %and3A_201 = arith.andi %add3A_198, %and3A_200 : vector<16xi32>
        %add3A_202 = arith.addi %add3A_147, %and3A_201 : vector<16xi32>
        %gather3A_203 = tpu.vector_load_idx %arg6[%add3A_202] : memref<31744xf32, #tpu.memory_space<vmem>>[vector<16xi32>], vector<16xf32>,
        %get3A_204 = arith.constant 3 : i32
        %get3A_205 = arith.index_cast %get3A_204 : i32 to index
        %get3A_206 = arith.constant 0 : index
        %get3A_207 = tpu.vector_load %arg8[%get3A_205, %get3A_206] {strides = array<i32>} : memref<64x16xf32, #tpu.memory_space<vmem>>, vector<16xf32>,
        %mul3A_208 = arith.mulf %gather3A_203, %get3A_207 : vector<16xf32>
        %add3A_209 = arith.addf %broadcast_in_dim3A_149, %mul3A_208 : vector<16xf32>
        %mul3A_210 = arith.mulf %gather3A_203, %gather3A_203 : vector<16xf32>
        %add3A_211 = arith.addf %broadcast_in_dim3A_149, %mul3A_210 : vector<16xf32>
        %add3A_212 = arith.constant 4 : i32
        %add3A_213 = vector.broadcast %add3A_212 : i32 to vector<16xi32>
        %add3A_214 = arith.addi %iota3A, %add3A_213 : vector<16xi32>
        %and3A_215 = arith.constant 63 : i32
        %and3A_216 = vector.broadcast %and3A_215 : i32 to vector<16xi32>
        %and3A_217 = arith.andi %add3A_214, %and3A_216 : vector<16xi32>
        %add3A_218 = arith.addi %add3A_147, %and3A_217 : vector<16xi32>
        %gather3A_219 = tpu.vector_load_idx %arg6[%add3A_218] : memref<31744xf32, #tpu.memory_space<vmem>>[vector<16xi32>], vector<16xf32>,
        %get3A_220 = arith.constant 4 : i32
        %get3A_221 = arith.index_cast %get3A_220 : i32 to index
        %get3A_222 = arith.constant 0 : index
        %get3A_223 = tpu.vector_load %arg8[%get3A_221, %get3A_222] {strides = array<i32>} : memref<64x16xf32, #tpu.memory_space<vmem>>, vector<16xf32>,
        %mul3A_224 = arith.mulf %gather3A_219, %get3A_223 : vector<16xf32>
        %add3A_225 = arith.addf %add3A_161, %mul3A_224 : vector<16xf32>
        %mul3A_226 = arith.mulf %gather3A_219, %gather3A_219 : vector<16xf32>
        %add3A_227 = arith.addf %add3A_163, %mul3A_226 : vector<16xf32>
        %add3A_228 = arith.constant 5 : i32
        %add3A_229 = vector.broadcast %add3A_228 : i32 to vector<16xi32>
        %add3A_230 = arith.addi %iota3A, %add3A_229 : vector<16xi32>
        %and3A_231 = arith.constant 63 : i32
        %and3A_232 = vector.broadcast %and3A_231 : i32 to vector<16xi32>
        %and3A_233 = arith.andi %add3A_230, %and3A_232 : vector<16xi32>
        %add3A_234 = arith.addi %add3A_147, %and3A_233 : vector<16xi32>
        %gather3A_235 = tpu.vector_load_idx %arg6[%add3A_234] : memref<31744xf32, #tpu.memory_space<vmem>>[vector<16xi32>], vector<16xf32>,
        %get3A_236 = arith.constant 5 : i32
        %get3A_237 = arith.index_cast %get3A_236 : i32 to index
        %get3A_238 = arith.constant 0 : index
        %get3A_239 = tpu.vector_load %arg8[%get3A_237, %get3A_238] {strides = array<i32>} : memref<64x16xf32, #tpu.memory_space<vmem>>, vector<16xf32>,
        %mul3A_240 = arith.mulf %gather3A_235, %get3A_239 : vector<16xf32>
        %add3A_241 = arith.addf %add3A_177, %mul3A_240 : vector<16xf32>
        %mul3A_242 = arith.mulf %gather3A_235, %gather3A_235 : vector<16xf32>
        %add3A_243 = arith.addf %add3A_179, %mul3A_242 : vector<16xf32>
        %add3A_244 = arith.constant 6 : i32
        %add3A_245 = vector.broadcast %add3A_244 : i32 to vector<16xi32>
        %add3A_246 = arith.addi %iota3A, %add3A_245 : vector<16xi32>
        %and3A_247 = arith.constant 63 : i32
        %and3A_248 = vector.broadcast %and3A_247 : i32 to vector<16xi32>
        %and3A_249 = arith.andi %add3A_246, %and3A_248 : vector<16xi32>
        %add3A_250 = arith.addi %add3A_147, %and3A_249 : vector<16xi32>
        %gather3A_251 = tpu.vector_load_idx %arg6[%add3A_250] : memref<31744xf32, #tpu.memory_space<vmem>>[vector<16xi32>], vector<16xf32>,
        %get3A_252 = arith.constant 6 : i32
        %get3A_253 = arith.index_cast %get3A_252 : i32 to index
        %get3A_254 = arith.constant 0 : index
        %get3A_255 = tpu.vector_load %arg8[%get3A_253, %get3A_254] {strides = array<i32>} : memref<64x16xf32, #tpu.memory_space<vmem>>, vector<16xf32>,
        %mul3A_256 = arith.mulf %gather3A_251, %get3A_255 : vector<16xf32>
        %add3A_257 = arith.addf %add3A_193, %mul3A_256 : vector<16xf32>
        %mul3A_258 = arith.mulf %gather3A_251, %gather3A_251 : vector<16xf32>
        %add3A_259 = arith.addf %add3A_195, %mul3A_258 : vector<16xf32>
        %add3A_260 = arith.constant 7 : i32
        %add3A_261 = vector.broadcast %add3A_260 : i32 to vector<16xi32>
        %add3A_262 = arith.addi %iota3A, %add3A_261 : vector<16xi32>
        %and3A_263 = arith.constant 63 : i32
        %and3A_264 = vector.broadcast %and3A_263 : i32 to vector<16xi32>
        %and3A_265 = arith.andi %add3A_262, %and3A_264 : vector<16xi32>
        %add3A_266 = arith.addi %add3A_147, %and3A_265 : vector<16xi32>
        %gather3A_267 = tpu.vector_load_idx %arg6[%add3A_266] : memref<31744xf32, #tpu.memory_space<vmem>>[vector<16xi32>], vector<16xf32>,
        %get3A_268 = arith.constant 7 : i32
        %get3A_269 = arith.index_cast %get3A_268 : i32 to index
        %get3A_270 = arith.constant 0 : index
        %get3A_271 = tpu.vector_load %arg8[%get3A_269, %get3A_270] {strides = array<i32>} : memref<64x16xf32, #tpu.memory_space<vmem>>, vector<16xf32>,
        %mul3A_272 = arith.mulf %gather3A_267, %get3A_271 : vector<16xf32>
        %add3A_273 = arith.addf %add3A_209, %mul3A_272 : vector<16xf32>
        %mul3A_274 = arith.mulf %gather3A_267, %gather3A_267 : vector<16xf32>
        %add3A_275 = arith.addf %add3A_211, %mul3A_274 : vector<16xf32>
        %add3A_276 = arith.constant 8 : i32
        %add3A_277 = vector.broadcast %add3A_276 : i32 to vector<16xi32>
        %add3A_278 = arith.addi %iota3A, %add3A_277 : vector<16xi32>
        %and3A_279 = arith.constant 63 : i32
        %and3A_280 = vector.broadcast %and3A_279 : i32 to vector<16xi32>
        %and3A_281 = arith.andi %add3A_278, %and3A_280 : vector<16xi32>
        %add3A_282 = arith.addi %add3A_147, %and3A_281 : vector<16xi32>
        %gather3A_283 = tpu.vector_load_idx %arg6[%add3A_282] : memref<31744xf32, #tpu.memory_space<vmem>>[vector<16xi32>], vector<16xf32>,
        %get3A_284 = arith.constant 8 : i32
        %get3A_285 = arith.index_cast %get3A_284 : i32 to index
        %get3A_286 = arith.constant 0 : index
        %get3A_287 = tpu.vector_load %arg8[%get3A_285, %get3A_286] {strides = array<i32>} : memref<64x16xf32, #tpu.memory_space<vmem>>, vector<16xf32>,
        %mul3A_288 = arith.mulf %gather3A_283, %get3A_287 : vector<16xf32>
        %add3A_289 = arith.addf %add3A_225, %mul3A_288 : vector<16xf32>
        %mul3A_290 = arith.mulf %gather3A_283, %gather3A_283 : vector<16xf32>
        %add3A_291 = arith.addf %add3A_227, %mul3A_290 : vector<16xf32>
        %add3A_292 = arith.constant 9 : i32
        %add3A_293 = vector.broadcast %add3A_292 : i32 to vector<16xi32>
        %add3A_294 = arith.addi %iota3A, %add3A_293 : vector<16xi32>
        %and3A_295 = arith.constant 63 : i32
        %and3A_296 = vector.broadcast %and3A_295 : i32 to vector<16xi32>
        %and3A_297 = arith.andi %add3A_294, %and3A_296 : vector<16xi32>
        %add3A_298 = arith.addi %add3A_147, %and3A_297 : vector<16xi32>
        %gather3A_299 = tpu.vector_load_idx %arg6[%add3A_298] : memref<31744xf32, #tpu.memory_space<vmem>>[vector<16xi32>], vector<16xf32>,
        %get3A_300 = arith.constant 9 : i32
        %get3A_301 = arith.index_cast %get3A_300 : i32 to index
        %get3A_302 = arith.constant 0 : index
        %get3A_303 = tpu.vector_load %arg8[%get3A_301, %get3A_302] {strides = array<i32>} : memref<64x16xf32, #tpu.memory_space<vmem>>, vector<16xf32>,
        %mul3A_304 = arith.mulf %gather3A_299, %get3A_303 : vector<16xf32>
        %add3A_305 = arith.addf %add3A_241, %mul3A_304 : vector<16xf32>
        %mul3A_306 = arith.mulf %gather3A_299, %gather3A_299 : vector<16xf32>
        %add3A_307 = arith.addf %add3A_243, %mul3A_306 : vector<16xf32>
        %add3A_308 = arith.constant 10 : i32
        %add3A_309 = vector.broadcast %add3A_308 : i32 to vector<16xi32>
        %add3A_310 = arith.addi %iota3A, %add3A_309 : vector<16xi32>
        %and3A_311 = arith.constant 63 : i32
        %and3A_312 = vector.broadcast %and3A_311 : i32 to vector<16xi32>
        %and3A_313 = arith.andi %add3A_310, %and3A_312 : vector<16xi32>
        %add3A_314 = arith.addi %add3A_147, %and3A_313 : vector<16xi32>
        %gather3A_315 = tpu.vector_load_idx %arg6[%add3A_314] : memref<31744xf32, #tpu.memory_space<vmem>>[vector<16xi32>], vector<16xf32>,
        %get3A_316 = arith.constant 10 : i32
        %get3A_317 = arith.index_cast %get3A_316 : i32 to index
        %get3A_318 = arith.constant 0 : index
        %get3A_319 = tpu.vector_load %arg8[%get3A_317, %get3A_318] {strides = array<i32>} : memref<64x16xf32, #tpu.memory_space<vmem>>, vector<16xf32>,
        %mul3A_320 = arith.mulf %gather3A_315, %get3A_319 : vector<16xf32>
        %add3A_321 = arith.addf %add3A_257, %mul3A_320 : vector<16xf32>
        %mul3A_322 = arith.mulf %gather3A_315, %gather3A_315 : vector<16xf32>
        %add3A_323 = arith.addf %add3A_259, %mul3A_322 : vector<16xf32>
        %add3A_324 = arith.constant 11 : i32
        %add3A_325 = vector.broadcast %add3A_324 : i32 to vector<16xi32>
        %add3A_326 = arith.addi %iota3A, %add3A_325 : vector<16xi32>
        %and3A_327 = arith.constant 63 : i32
        %and3A_328 = vector.broadcast %and3A_327 : i32 to vector<16xi32>
        %and3A_329 = arith.andi %add3A_326, %and3A_328 : vector<16xi32>
        %add3A_330 = arith.addi %add3A_147, %and3A_329 : vector<16xi32>
        %gather3A_331 = tpu.vector_load_idx %arg6[%add3A_330] : memref<31744xf32, #tpu.memory_space<vmem>>[vector<16xi32>], vector<16xf32>,
        %get3A_332 = arith.constant 11 : i32
        %get3A_333 = arith.index_cast %get3A_332 : i32 to index
        %get3A_334 = arith.constant 0 : index
        %get3A_335 = tpu.vector_load %arg8[%get3A_333, %get3A_334] {strides = array<i32>} : memref<64x16xf32, #tpu.memory_space<vmem>>, vector<16xf32>,
        %mul3A_336 = arith.mulf %gather3A_331, %get3A_335 : vector<16xf32>
        %add3A_337 = arith.addf %add3A_273, %mul3A_336 : vector<16xf32>
        %mul3A_338 = arith.mulf %gather3A_331, %gather3A_331 : vector<16xf32>
        %add3A_339 = arith.addf %add3A_275, %mul3A_338 : vector<16xf32>
        %add3A_340 = arith.constant 12 : i32
        %add3A_341 = vector.broadcast %add3A_340 : i32 to vector<16xi32>
        %add3A_342 = arith.addi %iota3A, %add3A_341 : vector<16xi32>
        %and3A_343 = arith.constant 63 : i32
        %and3A_344 = vector.broadcast %and3A_343 : i32 to vector<16xi32>
        %and3A_345 = arith.andi %add3A_342, %and3A_344 : vector<16xi32>
        %add3A_346 = arith.addi %add3A_147, %and3A_345 : vector<16xi32>
        %gather3A_347 = tpu.vector_load_idx %arg6[%add3A_346] : memref<31744xf32, #tpu.memory_space<vmem>>[vector<16xi32>], vector<16xf32>,
        %get3A_348 = arith.constant 12 : i32
        %get3A_349 = arith.index_cast %get3A_348 : i32 to index
        %get3A_350 = arith.constant 0 : index
        %get3A_351 = tpu.vector_load %arg8[%get3A_349, %get3A_350] {strides = array<i32>} : memref<64x16xf32, #tpu.memory_space<vmem>>, vector<16xf32>,
        %mul3A_352 = arith.mulf %gather3A_347, %get3A_351 : vector<16xf32>
        %add3A_353 = arith.addf %add3A_289, %mul3A_352 : vector<16xf32>
        %mul3A_354 = arith.mulf %gather3A_347, %gather3A_347 : vector<16xf32>
        %add3A_355 = arith.addf %add3A_291, %mul3A_354 : vector<16xf32>
        %add3A_356 = arith.constant 13 : i32
        %add3A_357 = vector.broadcast %add3A_356 : i32 to vector<16xi32>
        %add3A_358 = arith.addi %iota3A, %add3A_357 : vector<16xi32>
        %and3A_359 = arith.constant 63 : i32
        %and3A_360 = vector.broadcast %and3A_359 : i32 to vector<16xi32>
        %and3A_361 = arith.andi %add3A_358, %and3A_360 : vector<16xi32>
        %add3A_362 = arith.addi %add3A_147, %and3A_361 : vector<16xi32>
        %gather3A_363 = tpu.vector_load_idx %arg6[%add3A_362] : memref<31744xf32, #tpu.memory_space<vmem>>[vector<16xi32>], vector<16xf32>,
        %get3A_364 = arith.constant 13 : i32
        %get3A_365 = arith.index_cast %get3A_364 : i32 to index
        %get3A_366 = arith.constant 0 : index
        %get3A_367 = tpu.vector_load %arg8[%get3A_365, %get3A_366] {strides = array<i32>} : memref<64x16xf32, #tpu.memory_space<vmem>>, vector<16xf32>,
        %mul3A_368 = arith.mulf %gather3A_363, %get3A_367 : vector<16xf32>
        %add3A_369 = arith.addf %add3A_305, %mul3A_368 : vector<16xf32>
        %mul3A_370 = arith.mulf %gather3A_363, %gather3A_363 : vector<16xf32>
        %add3A_371 = arith.addf %add3A_307, %mul3A_370 : vector<16xf32>
        %add3A_372 = arith.constant 14 : i32
        %add3A_373 = vector.broadcast %add3A_372 : i32 to vector<16xi32>
        %add3A_374 = arith.addi %iota3A, %add3A_373 : vector<16xi32>
        %and3A_375 = arith.constant 63 : i32
        %and3A_376 = vector.broadcast %and3A_375 : i32 to vector<16xi32>
        %and3A_377 = arith.andi %add3A_374, %and3A_376 : vector<16xi32>
        %add3A_378 = arith.addi %add3A_147, %and3A_377 : vector<16xi32>
        %gather3A_379 = tpu.vector_load_idx %arg6[%add3A_378] : memref<31744xf32, #tpu.memory_space<vmem>>[vector<16xi32>], vector<16xf32>,
        %get3A_380 = arith.constant 14 : i32
        %get3A_381 = arith.index_cast %get3A_380 : i32 to index
        %get3A_382 = arith.constant 0 : index
        %get3A_383 = tpu.vector_load %arg8[%get3A_381, %get3A_382] {strides = array<i32>} : memref<64x16xf32, #tpu.memory_space<vmem>>, vector<16xf32>,
        %mul3A_384 = arith.mulf %gather3A_379, %get3A_383 : vector<16xf32>
        %add3A_385 = arith.addf %add3A_321, %mul3A_384 : vector<16xf32>
        %mul3A_386 = arith.mulf %gather3A_379, %gather3A_379 : vector<16xf32>
        %add3A_387 = arith.addf %add3A_323, %mul3A_386 : vector<16xf32>
        %add3A_388 = arith.constant 15 : i32
        %add3A_389 = vector.broadcast %add3A_388 : i32 to vector<16xi32>
        %add3A_390 = arith.addi %iota3A, %add3A_389 : vector<16xi32>
        %and3A_391 = arith.constant 63 : i32
        %and3A_392 = vector.broadcast %and3A_391 : i32 to vector<16xi32>
        %and3A_393 = arith.andi %add3A_390, %and3A_392 : vector<16xi32>
        %add3A_394 = arith.addi %add3A_147, %and3A_393 : vector<16xi32>
        %gather3A_395 = tpu.vector_load_idx %arg6[%add3A_394] : memref<31744xf32, #tpu.memory_space<vmem>>[vector<16xi32>], vector<16xf32>,
        %get3A_396 = arith.constant 15 : i32
        %get3A_397 = arith.index_cast %get3A_396 : i32 to index
        %get3A_398 = arith.constant 0 : index
        %get3A_399 = tpu.vector_load %arg8[%get3A_397, %get3A_398] {strides = array<i32>} : memref<64x16xf32, #tpu.memory_space<vmem>>, vector<16xf32>,
        %mul3A_400 = arith.mulf %gather3A_395, %get3A_399 : vector<16xf32>
        %add3A_401 = arith.addf %add3A_337, %mul3A_400 : vector<16xf32>
        %mul3A_402 = arith.mulf %gather3A_395, %gather3A_395 : vector<16xf32>
        %add3A_403 = arith.addf %add3A_339, %mul3A_402 : vector<16xf32>
        %add3A_404 = arith.constant 16 : i32
        %add3A_405 = vector.broadcast %add3A_404 : i32 to vector<16xi32>
        %add3A_406 = arith.addi %iota3A, %add3A_405 : vector<16xi32>
        %and3A_407 = arith.constant 63 : i32
        %and3A_408 = vector.broadcast %and3A_407 : i32 to vector<16xi32>
        %and3A_409 = arith.andi %add3A_406, %and3A_408 : vector<16xi32>
        %add3A_410 = arith.addi %add3A_147, %and3A_409 : vector<16xi32>
        %gather3A_411 = tpu.vector_load_idx %arg6[%add3A_410] : memref<31744xf32, #tpu.memory_space<vmem>>[vector<16xi32>], vector<16xf32>,
        %get3A_412 = arith.constant 16 : i32
        %get3A_413 = arith.index_cast %get3A_412 : i32 to index
        %get3A_414 = arith.constant 0 : index
        %get3A_415 = tpu.vector_load %arg8[%get3A_413, %get3A_414] {strides = array<i32>} : memref<64x16xf32, #tpu.memory_space<vmem>>, vector<16xf32>,
        %mul3A_416 = arith.mulf %gather3A_411, %get3A_415 : vector<16xf32>
        %add3A_417 = arith.addf %add3A_353, %mul3A_416 : vector<16xf32>
        %mul3A_418 = arith.mulf %gather3A_411, %gather3A_411 : vector<16xf32>
        %add3A_419 = arith.addf %add3A_355, %mul3A_418 : vector<16xf32>
        %add3A_420 = arith.constant 17 : i32
        %add3A_421 = vector.broadcast %add3A_420 : i32 to vector<16xi32>
        %add3A_422 = arith.addi %iota3A, %add3A_421 : vector<16xi32>
        %and3A_423 = arith.constant 63 : i32
        %and3A_424 = vector.broadcast %and3A_423 : i32 to vector<16xi32>
        %and3A_425 = arith.andi %add3A_422, %and3A_424 : vector<16xi32>
        %add3A_426 = arith.addi %add3A_147, %and3A_425 : vector<16xi32>
        %gather3A_427 = tpu.vector_load_idx %arg6[%add3A_426] : memref<31744xf32, #tpu.memory_space<vmem>>[vector<16xi32>], vector<16xf32>,
        %get3A_428 = arith.constant 17 : i32
        %get3A_429 = arith.index_cast %get3A_428 : i32 to index
        %get3A_430 = arith.constant 0 : index
        %get3A_431 = tpu.vector_load %arg8[%get3A_429, %get3A_430] {strides = array<i32>} : memref<64x16xf32, #tpu.memory_space<vmem>>, vector<16xf32>,
        %mul3A_432 = arith.mulf %gather3A_427, %get3A_431 : vector<16xf32>
        %add3A_433 = arith.addf %add3A_369, %mul3A_432 : vector<16xf32>
        %mul3A_434 = arith.mulf %gather3A_427, %gather3A_427 : vector<16xf32>
        %add3A_435 = arith.addf %add3A_371, %mul3A_434 : vector<16xf32>
        %add3A_436 = arith.constant 18 : i32
        %add3A_437 = vector.broadcast %add3A_436 : i32 to vector<16xi32>
        %add3A_438 = arith.addi %iota3A, %add3A_437 : vector<16xi32>
        %and3A_439 = arith.constant 63 : i32
        %and3A_440 = vector.broadcast %and3A_439 : i32 to vector<16xi32>
        %and3A_441 = arith.andi %add3A_438, %and3A_440 : vector<16xi32>
        %add3A_442 = arith.addi %add3A_147, %and3A_441 : vector<16xi32>
        %gather3A_443 = tpu.vector_load_idx %arg6[%add3A_442] : memref<31744xf32, #tpu.memory_space<vmem>>[vector<16xi32>], vector<16xf32>,
        %get3A_444 = arith.constant 18 : i32
        %get3A_445 = arith.index_cast %get3A_444 : i32 to index
        %get3A_446 = arith.constant 0 : index
        %get3A_447 = tpu.vector_load %arg8[%get3A_445, %get3A_446] {strides = array<i32>} : memref<64x16xf32, #tpu.memory_space<vmem>>, vector<16xf32>,
        %mul3A_448 = arith.mulf %gather3A_443, %get3A_447 : vector<16xf32>
        %add3A_449 = arith.addf %add3A_385, %mul3A_448 : vector<16xf32>
        %mul3A_450 = arith.mulf %gather3A_443, %gather3A_443 : vector<16xf32>
        %add3A_451 = arith.addf %add3A_387, %mul3A_450 : vector<16xf32>
        %add3A_452 = arith.constant 19 : i32
        %add3A_453 = vector.broadcast %add3A_452 : i32 to vector<16xi32>
        %add3A_454 = arith.addi %iota3A, %add3A_453 : vector<16xi32>
        %and3A_455 = arith.constant 63 : i32
        %and3A_456 = vector.broadcast %and3A_455 : i32 to vector<16xi32>
        %and3A_457 = arith.andi %add3A_454, %and3A_456 : vector<16xi32>
        %add3A_458 = arith.addi %add3A_147, %and3A_457 : vector<16xi32>
        %gather3A_459 = tpu.vector_load_idx %arg6[%add3A_458] : memref<31744xf32, #tpu.memory_space<vmem>>[vector<16xi32>], vector<16xf32>,
        %get3A_460 = arith.constant 19 : i32
        %get3A_461 = arith.index_cast %get3A_460 : i32 to index
        %get3A_462 = arith.constant 0 : index
        %get3A_463 = tpu.vector_load %arg8[%get3A_461, %get3A_462] {strides = array<i32>} : memref<64x16xf32, #tpu.memory_space<vmem>>, vector<16xf32>,
        %mul3A_464 = arith.mulf %gather3A_459, %get3A_463 : vector<16xf32>
        %add3A_465 = arith.addf %add3A_401, %mul3A_464 : vector<16xf32>
        %mul3A_466 = arith.mulf %gather3A_459, %gather3A_459 : vector<16xf32>
        %add3A_467 = arith.addf %add3A_403, %mul3A_466 : vector<16xf32>
        %add3A_468 = arith.constant 20 : i32
        %add3A_469 = vector.broadcast %add3A_468 : i32 to vector<16xi32>
        %add3A_470 = arith.addi %iota3A, %add3A_469 : vector<16xi32>
        %and3A_471 = arith.constant 63 : i32
        %and3A_472 = vector.broadcast %and3A_471 : i32 to vector<16xi32>
        %and3A_473 = arith.andi %add3A_470, %and3A_472 : vector<16xi32>
        %add3A_474 = arith.addi %add3A_147, %and3A_473 : vector<16xi32>
        %gather3A_475 = tpu.vector_load_idx %arg6[%add3A_474] : memref<31744xf32, #tpu.memory_space<vmem>>[vector<16xi32>], vector<16xf32>,
        %get3A_476 = arith.constant 20 : i32
        %get3A_477 = arith.index_cast %get3A_476 : i32 to index
        %get3A_478 = arith.constant 0 : index
        %get3A_479 = tpu.vector_load %arg8[%get3A_477, %get3A_478] {strides = array<i32>} : memref<64x16xf32, #tpu.memory_space<vmem>>, vector<16xf32>,
        %mul3A_480 = arith.mulf %gather3A_475, %get3A_479 : vector<16xf32>
        %add3A_481 = arith.addf %add3A_417, %mul3A_480 : vector<16xf32>
        %mul3A_482 = arith.mulf %gather3A_475, %gather3A_475 : vector<16xf32>
        %add3A_483 = arith.addf %add3A_419, %mul3A_482 : vector<16xf32>
        %add3A_484 = arith.constant 21 : i32
        %add3A_485 = vector.broadcast %add3A_484 : i32 to vector<16xi32>
        %add3A_486 = arith.addi %iota3A, %add3A_485 : vector<16xi32>
        %and3A_487 = arith.constant 63 : i32
        %and3A_488 = vector.broadcast %and3A_487 : i32 to vector<16xi32>
        %and3A_489 = arith.andi %add3A_486, %and3A_488 : vector<16xi32>
        %add3A_490 = arith.addi %add3A_147, %and3A_489 : vector<16xi32>
        %gather3A_491 = tpu.vector_load_idx %arg6[%add3A_490] : memref<31744xf32, #tpu.memory_space<vmem>>[vector<16xi32>], vector<16xf32>,
        %get3A_492 = arith.constant 21 : i32
        %get3A_493 = arith.index_cast %get3A_492 : i32 to index
        %get3A_494 = arith.constant 0 : index
        %get3A_495 = tpu.vector_load %arg8[%get3A_493, %get3A_494] {strides = array<i32>} : memref<64x16xf32, #tpu.memory_space<vmem>>, vector<16xf32>,
        %mul3A_496 = arith.mulf %gather3A_491, %get3A_495 : vector<16xf32>
        %add3A_497 = arith.addf %add3A_433, %mul3A_496 : vector<16xf32>
        %mul3A_498 = arith.mulf %gather3A_491, %gather3A_491 : vector<16xf32>
        %add3A_499 = arith.addf %add3A_435, %mul3A_498 : vector<16xf32>
        %add3A_500 = arith.constant 22 : i32
        %add3A_501 = vector.broadcast %add3A_500 : i32 to vector<16xi32>
        %add3A_502 = arith.addi %iota3A, %add3A_501 : vector<16xi32>
        %and3A_503 = arith.constant 63 : i32
        %and3A_504 = vector.broadcast %and3A_503 : i32 to vector<16xi32>
        %and3A_505 = arith.andi %add3A_502, %and3A_504 : vector<16xi32>
        %add3A_506 = arith.addi %add3A_147, %and3A_505 : vector<16xi32>
        %gather3A_507 = tpu.vector_load_idx %arg6[%add3A_506] : memref<31744xf32, #tpu.memory_space<vmem>>[vector<16xi32>], vector<16xf32>,
        %get3A_508 = arith.constant 22 : i32
        %get3A_509 = arith.index_cast %get3A_508 : i32 to index
        %get3A_510 = arith.constant 0 : index
        %get3A_511 = tpu.vector_load %arg8[%get3A_509, %get3A_510] {strides = array<i32>} : memref<64x16xf32, #tpu.memory_space<vmem>>, vector<16xf32>,
        %mul3A_512 = arith.mulf %gather3A_507, %get3A_511 : vector<16xf32>
        %add3A_513 = arith.addf %add3A_449, %mul3A_512 : vector<16xf32>
        %mul3A_514 = arith.mulf %gather3A_507, %gather3A_507 : vector<16xf32>
        %add3A_515 = arith.addf %add3A_451, %mul3A_514 : vector<16xf32>
        %add3A_516 = arith.constant 23 : i32
        %add3A_517 = vector.broadcast %add3A_516 : i32 to vector<16xi32>
        %add3A_518 = arith.addi %iota3A, %add3A_517 : vector<16xi32>
        %and3A_519 = arith.constant 63 : i32
        %and3A_520 = vector.broadcast %and3A_519 : i32 to vector<16xi32>
        %and3A_521 = arith.andi %add3A_518, %and3A_520 : vector<16xi32>
        %add3A_522 = arith.addi %add3A_147, %and3A_521 : vector<16xi32>
        %gather3A_523 = tpu.vector_load_idx %arg6[%add3A_522] : memref<31744xf32, #tpu.memory_space<vmem>>[vector<16xi32>], vector<16xf32>,
        %get3A_524 = arith.constant 23 : i32
        %get3A_525 = arith.index_cast %get3A_524 : i32 to index
        %get3A_526 = arith.constant 0 : index
        %get3A_527 = tpu.vector_load %arg8[%get3A_525, %get3A_526] {strides = array<i32>} : memref<64x16xf32, #tpu.memory_space<vmem>>, vector<16xf32>,
        %mul3A_528 = arith.mulf %gather3A_523, %get3A_527 : vector<16xf32>
        %add3A_529 = arith.addf %add3A_465, %mul3A_528 : vector<16xf32>
        %mul3A_530 = arith.mulf %gather3A_523, %gather3A_523 : vector<16xf32>
        %add3A_531 = arith.addf %add3A_467, %mul3A_530 : vector<16xf32>
        %add3A_532 = arith.constant 24 : i32
        %add3A_533 = vector.broadcast %add3A_532 : i32 to vector<16xi32>
        %add3A_534 = arith.addi %iota3A, %add3A_533 : vector<16xi32>
        %and3A_535 = arith.constant 63 : i32
        %and3A_536 = vector.broadcast %and3A_535 : i32 to vector<16xi32>
        %and3A_537 = arith.andi %add3A_534, %and3A_536 : vector<16xi32>
        %add3A_538 = arith.addi %add3A_147, %and3A_537 : vector<16xi32>
        %gather3A_539 = tpu.vector_load_idx %arg6[%add3A_538] : memref<31744xf32, #tpu.memory_space<vmem>>[vector<16xi32>], vector<16xf32>,
        %get3A_540 = arith.constant 24 : i32
        %get3A_541 = arith.index_cast %get3A_540 : i32 to index
        %get3A_542 = arith.constant 0 : index
        %get3A_543 = tpu.vector_load %arg8[%get3A_541, %get3A_542] {strides = array<i32>} : memref<64x16xf32, #tpu.memory_space<vmem>>, vector<16xf32>,
        %mul3A_544 = arith.mulf %gather3A_539, %get3A_543 : vector<16xf32>
        %add3A_545 = arith.addf %add3A_481, %mul3A_544 : vector<16xf32>
        %mul3A_546 = arith.mulf %gather3A_539, %gather3A_539 : vector<16xf32>
        %add3A_547 = arith.addf %add3A_483, %mul3A_546 : vector<16xf32>
        %add3A_548 = arith.constant 25 : i32
        %add3A_549 = vector.broadcast %add3A_548 : i32 to vector<16xi32>
        %add3A_550 = arith.addi %iota3A, %add3A_549 : vector<16xi32>
        %and3A_551 = arith.constant 63 : i32
        %and3A_552 = vector.broadcast %and3A_551 : i32 to vector<16xi32>
        %and3A_553 = arith.andi %add3A_550, %and3A_552 : vector<16xi32>
        %add3A_554 = arith.addi %add3A_147, %and3A_553 : vector<16xi32>
        %gather3A_555 = tpu.vector_load_idx %arg6[%add3A_554] : memref<31744xf32, #tpu.memory_space<vmem>>[vector<16xi32>], vector<16xf32>,
        %get3A_556 = arith.constant 25 : i32
        %get3A_557 = arith.index_cast %get3A_556 : i32 to index
        %get3A_558 = arith.constant 0 : index
        %get3A_559 = tpu.vector_load %arg8[%get3A_557, %get3A_558] {strides = array<i32>} : memref<64x16xf32, #tpu.memory_space<vmem>>, vector<16xf32>,
        %mul3A_560 = arith.mulf %gather3A_555, %get3A_559 : vector<16xf32>
        %add3A_561 = arith.addf %add3A_497, %mul3A_560 : vector<16xf32>
        %mul3A_562 = arith.mulf %gather3A_555, %gather3A_555 : vector<16xf32>
        %add3A_563 = arith.addf %add3A_499, %mul3A_562 : vector<16xf32>
        %add3A_564 = arith.constant 26 : i32
        %add3A_565 = vector.broadcast %add3A_564 : i32 to vector<16xi32>
        %add3A_566 = arith.addi %iota3A, %add3A_565 : vector<16xi32>
        %and3A_567 = arith.constant 63 : i32
        %and3A_568 = vector.broadcast %and3A_567 : i32 to vector<16xi32>
        %and3A_569 = arith.andi %add3A_566, %and3A_568 : vector<16xi32>
        %add3A_570 = arith.addi %add3A_147, %and3A_569 : vector<16xi32>
        %gather3A_571 = tpu.vector_load_idx %arg6[%add3A_570] : memref<31744xf32, #tpu.memory_space<vmem>>[vector<16xi32>], vector<16xf32>,
        %get3A_572 = arith.constant 26 : i32
        %get3A_573 = arith.index_cast %get3A_572 : i32 to index
        %get3A_574 = arith.constant 0 : index
        %get3A_575 = tpu.vector_load %arg8[%get3A_573, %get3A_574] {strides = array<i32>} : memref<64x16xf32, #tpu.memory_space<vmem>>, vector<16xf32>,
        %mul3A_576 = arith.mulf %gather3A_571, %get3A_575 : vector<16xf32>
        %add3A_577 = arith.addf %add3A_513, %mul3A_576 : vector<16xf32>
        %mul3A_578 = arith.mulf %gather3A_571, %gather3A_571 : vector<16xf32>
        %add3A_579 = arith.addf %add3A_515, %mul3A_578 : vector<16xf32>
        %add3A_580 = arith.constant 27 : i32
        %add3A_581 = vector.broadcast %add3A_580 : i32 to vector<16xi32>
        %add3A_582 = arith.addi %iota3A, %add3A_581 : vector<16xi32>
        %and3A_583 = arith.constant 63 : i32
        %and3A_584 = vector.broadcast %and3A_583 : i32 to vector<16xi32>
        %and3A_585 = arith.andi %add3A_582, %and3A_584 : vector<16xi32>
        %add3A_586 = arith.addi %add3A_147, %and3A_585 : vector<16xi32>
        %gather3A_587 = tpu.vector_load_idx %arg6[%add3A_586] : memref<31744xf32, #tpu.memory_space<vmem>>[vector<16xi32>], vector<16xf32>,
        %get3A_588 = arith.constant 27 : i32
        %get3A_589 = arith.index_cast %get3A_588 : i32 to index
        %get3A_590 = arith.constant 0 : index
        %get3A_591 = tpu.vector_load %arg8[%get3A_589, %get3A_590] {strides = array<i32>} : memref<64x16xf32, #tpu.memory_space<vmem>>, vector<16xf32>,
        %mul3A_592 = arith.mulf %gather3A_587, %get3A_591 : vector<16xf32>
        %add3A_593 = arith.addf %add3A_529, %mul3A_592 : vector<16xf32>
        %mul3A_594 = arith.mulf %gather3A_587, %gather3A_587 : vector<16xf32>
        %add3A_595 = arith.addf %add3A_531, %mul3A_594 : vector<16xf32>
        %add3A_596 = arith.constant 28 : i32
        %add3A_597 = vector.broadcast %add3A_596 : i32 to vector<16xi32>
        %add3A_598 = arith.addi %iota3A, %add3A_597 : vector<16xi32>
        %and3A_599 = arith.constant 63 : i32
        %and3A_600 = vector.broadcast %and3A_599 : i32 to vector<16xi32>
        %and3A_601 = arith.andi %add3A_598, %and3A_600 : vector<16xi32>
        %add3A_602 = arith.addi %add3A_147, %and3A_601 : vector<16xi32>
        %gather3A_603 = tpu.vector_load_idx %arg6[%add3A_602] : memref<31744xf32, #tpu.memory_space<vmem>>[vector<16xi32>], vector<16xf32>,
        %get3A_604 = arith.constant 28 : i32
        %get3A_605 = arith.index_cast %get3A_604 : i32 to index
        %get3A_606 = arith.constant 0 : index
        %get3A_607 = tpu.vector_load %arg8[%get3A_605, %get3A_606] {strides = array<i32>} : memref<64x16xf32, #tpu.memory_space<vmem>>, vector<16xf32>,
        %mul3A_608 = arith.mulf %gather3A_603, %get3A_607 : vector<16xf32>
        %add3A_609 = arith.addf %add3A_545, %mul3A_608 : vector<16xf32>
        %mul3A_610 = arith.mulf %gather3A_603, %gather3A_603 : vector<16xf32>
        %add3A_611 = arith.addf %add3A_547, %mul3A_610 : vector<16xf32>
        %add3A_612 = arith.constant 29 : i32
        %add3A_613 = vector.broadcast %add3A_612 : i32 to vector<16xi32>
        %add3A_614 = arith.addi %iota3A, %add3A_613 : vector<16xi32>
        %and3A_615 = arith.constant 63 : i32
        %and3A_616 = vector.broadcast %and3A_615 : i32 to vector<16xi32>
        %and3A_617 = arith.andi %add3A_614, %and3A_616 : vector<16xi32>
        %add3A_618 = arith.addi %add3A_147, %and3A_617 : vector<16xi32>
        %gather3A_619 = tpu.vector_load_idx %arg6[%add3A_618] : memref<31744xf32, #tpu.memory_space<vmem>>[vector<16xi32>], vector<16xf32>,
        %get3A_620 = arith.constant 29 : i32
        %get3A_621 = arith.index_cast %get3A_620 : i32 to index
        %get3A_622 = arith.constant 0 : index
        %get3A_623 = tpu.vector_load %arg8[%get3A_621, %get3A_622] {strides = array<i32>} : memref<64x16xf32, #tpu.memory_space<vmem>>, vector<16xf32>,
        %mul3A_624 = arith.mulf %gather3A_619, %get3A_623 : vector<16xf32>
        %add3A_625 = arith.addf %add3A_561, %mul3A_624 : vector<16xf32>
        %mul3A_626 = arith.mulf %gather3A_619, %gather3A_619 : vector<16xf32>
        %add3A_627 = arith.addf %add3A_563, %mul3A_626 : vector<16xf32>
        %add3A_628 = arith.constant 30 : i32
        %add3A_629 = vector.broadcast %add3A_628 : i32 to vector<16xi32>
        %add3A_630 = arith.addi %iota3A, %add3A_629 : vector<16xi32>
        %and3A_631 = arith.constant 63 : i32
        %and3A_632 = vector.broadcast %and3A_631 : i32 to vector<16xi32>
        %and3A_633 = arith.andi %add3A_630, %and3A_632 : vector<16xi32>
        %add3A_634 = arith.addi %add3A_147, %and3A_633 : vector<16xi32>
        %gather3A_635 = tpu.vector_load_idx %arg6[%add3A_634] : memref<31744xf32, #tpu.memory_space<vmem>>[vector<16xi32>], vector<16xf32>,
        %get3A_636 = arith.constant 30 : i32
        %get3A_637 = arith.index_cast %get3A_636 : i32 to index
        %get3A_638 = arith.constant 0 : index
        %get3A_639 = tpu.vector_load %arg8[%get3A_637, %get3A_638] {strides = array<i32>} : memref<64x16xf32, #tpu.memory_space<vmem>>, vector<16xf32>,
        %mul3A_640 = arith.mulf %gather3A_635, %get3A_639 : vector<16xf32>
        %add3A_641 = arith.addf %add3A_577, %mul3A_640 : vector<16xf32>
        %mul3A_642 = arith.mulf %gather3A_635, %gather3A_635 : vector<16xf32>
        %add3A_643 = arith.addf %add3A_579, %mul3A_642 : vector<16xf32>
        %add3A_644 = arith.constant 31 : i32
        %add3A_645 = vector.broadcast %add3A_644 : i32 to vector<16xi32>
        %add3A_646 = arith.addi %iota3A, %add3A_645 : vector<16xi32>
        %and3A_647 = arith.constant 63 : i32
        %and3A_648 = vector.broadcast %and3A_647 : i32 to vector<16xi32>
        %and3A_649 = arith.andi %add3A_646, %and3A_648 : vector<16xi32>
        %add3A_650 = arith.addi %add3A_147, %and3A_649 : vector<16xi32>
        %gather3A_651 = tpu.vector_load_idx %arg6[%add3A_650] : memref<31744xf32, #tpu.memory_space<vmem>>[vector<16xi32>], vector<16xf32>,
        %get3A_652 = arith.constant 31 : i32
        %get3A_653 = arith.index_cast %get3A_652 : i32 to index
        %get3A_654 = arith.constant 0 : index
        %get3A_655 = tpu.vector_load %arg8[%get3A_653, %get3A_654] {strides = array<i32>} : memref<64x16xf32, #tpu.memory_space<vmem>>, vector<16xf32>,
        %mul3A_656 = arith.mulf %gather3A_651, %get3A_655 : vector<16xf32>
        %add3A_657 = arith.addf %add3A_593, %mul3A_656 : vector<16xf32>
        %mul3A_658 = arith.mulf %gather3A_651, %gather3A_651 : vector<16xf32>
        %add3A_659 = arith.addf %add3A_595, %mul3A_658 : vector<16xf32>
        %add3A_660 = arith.constant 32 : i32
        %add3A_661 = vector.broadcast %add3A_660 : i32 to vector<16xi32>
        %add3A_662 = arith.addi %iota3A, %add3A_661 : vector<16xi32>
        %and3A_663 = arith.constant 63 : i32
        %and3A_664 = vector.broadcast %and3A_663 : i32 to vector<16xi32>
        %and3A_665 = arith.andi %add3A_662, %and3A_664 : vector<16xi32>
        %add3A_666 = arith.addi %add3A_147, %and3A_665 : vector<16xi32>
        %gather3A_667 = tpu.vector_load_idx %arg6[%add3A_666] : memref<31744xf32, #tpu.memory_space<vmem>>[vector<16xi32>], vector<16xf32>,
        %get3A_668 = arith.constant 32 : i32
        %get3A_669 = arith.index_cast %get3A_668 : i32 to index
        %get3A_670 = arith.constant 0 : index
        %get3A_671 = tpu.vector_load %arg8[%get3A_669, %get3A_670] {strides = array<i32>} : memref<64x16xf32, #tpu.memory_space<vmem>>, vector<16xf32>,
        %mul3A_672 = arith.mulf %gather3A_667, %get3A_671 : vector<16xf32>
        %add3A_673 = arith.addf %add3A_609, %mul3A_672 : vector<16xf32>
        %mul3A_674 = arith.mulf %gather3A_667, %gather3A_667 : vector<16xf32>
        %add3A_675 = arith.addf %add3A_611, %mul3A_674 : vector<16xf32>
        %add3A_676 = arith.constant 33 : i32
        %add3A_677 = vector.broadcast %add3A_676 : i32 to vector<16xi32>
        %add3A_678 = arith.addi %iota3A, %add3A_677 : vector<16xi32>
        %and3A_679 = arith.constant 63 : i32
        %and3A_680 = vector.broadcast %and3A_679 : i32 to vector<16xi32>
        %and3A_681 = arith.andi %add3A_678, %and3A_680 : vector<16xi32>
        %add3A_682 = arith.addi %add3A_147, %and3A_681 : vector<16xi32>
        %gather3A_683 = tpu.vector_load_idx %arg6[%add3A_682] : memref<31744xf32, #tpu.memory_space<vmem>>[vector<16xi32>], vector<16xf32>,
        %get3A_684 = arith.constant 33 : i32
        %get3A_685 = arith.index_cast %get3A_684 : i32 to index
        %get3A_686 = arith.constant 0 : index
        %get3A_687 = tpu.vector_load %arg8[%get3A_685, %get3A_686] {strides = array<i32>} : memref<64x16xf32, #tpu.memory_space<vmem>>, vector<16xf32>,
        %mul3A_688 = arith.mulf %gather3A_683, %get3A_687 : vector<16xf32>
        %add3A_689 = arith.addf %add3A_625, %mul3A_688 : vector<16xf32>
        %mul3A_690 = arith.mulf %gather3A_683, %gather3A_683 : vector<16xf32>
        %add3A_691 = arith.addf %add3A_627, %mul3A_690 : vector<16xf32>
        %add3A_692 = arith.constant 34 : i32
        %add3A_693 = vector.broadcast %add3A_692 : i32 to vector<16xi32>
        %add3A_694 = arith.addi %iota3A, %add3A_693 : vector<16xi32>
        %and3A_695 = arith.constant 63 : i32
        %and3A_696 = vector.broadcast %and3A_695 : i32 to vector<16xi32>
        %and3A_697 = arith.andi %add3A_694, %and3A_696 : vector<16xi32>
        %add3A_698 = arith.addi %add3A_147, %and3A_697 : vector<16xi32>
        %gather3A_699 = tpu.vector_load_idx %arg6[%add3A_698] : memref<31744xf32, #tpu.memory_space<vmem>>[vector<16xi32>], vector<16xf32>,
        %get3A_700 = arith.constant 34 : i32
        %get3A_701 = arith.index_cast %get3A_700 : i32 to index
        %get3A_702 = arith.constant 0 : index
        %get3A_703 = tpu.vector_load %arg8[%get3A_701, %get3A_702] {strides = array<i32>} : memref<64x16xf32, #tpu.memory_space<vmem>>, vector<16xf32>,
        %mul3A_704 = arith.mulf %gather3A_699, %get3A_703 : vector<16xf32>
        %add3A_705 = arith.addf %add3A_641, %mul3A_704 : vector<16xf32>
        %mul3A_706 = arith.mulf %gather3A_699, %gather3A_699 : vector<16xf32>
        %add3A_707 = arith.addf %add3A_643, %mul3A_706 : vector<16xf32>
        %add3A_708 = arith.constant 35 : i32
        %add3A_709 = vector.broadcast %add3A_708 : i32 to vector<16xi32>
        %add3A_710 = arith.addi %iota3A, %add3A_709 : vector<16xi32>
        %and3A_711 = arith.constant 63 : i32
        %and3A_712 = vector.broadcast %and3A_711 : i32 to vector<16xi32>
        %and3A_713 = arith.andi %add3A_710, %and3A_712 : vector<16xi32>
        %add3A_714 = arith.addi %add3A_147, %and3A_713 : vector<16xi32>
        %gather3A_715 = tpu.vector_load_idx %arg6[%add3A_714] : memref<31744xf32, #tpu.memory_space<vmem>>[vector<16xi32>], vector<16xf32>,
        %get3A_716 = arith.constant 35 : i32
        %get3A_717 = arith.index_cast %get3A_716 : i32 to index
        %get3A_718 = arith.constant 0 : index
        %get3A_719 = tpu.vector_load %arg8[%get3A_717, %get3A_718] {strides = array<i32>} : memref<64x16xf32, #tpu.memory_space<vmem>>, vector<16xf32>,
        %mul3A_720 = arith.mulf %gather3A_715, %get3A_719 : vector<16xf32>
        %add3A_721 = arith.addf %add3A_657, %mul3A_720 : vector<16xf32>
        %mul3A_722 = arith.mulf %gather3A_715, %gather3A_715 : vector<16xf32>
        %add3A_723 = arith.addf %add3A_659, %mul3A_722 : vector<16xf32>
        %add3A_724 = arith.constant 36 : i32
        %add3A_725 = vector.broadcast %add3A_724 : i32 to vector<16xi32>
        %add3A_726 = arith.addi %iota3A, %add3A_725 : vector<16xi32>
        %and3A_727 = arith.constant 63 : i32
        %and3A_728 = vector.broadcast %and3A_727 : i32 to vector<16xi32>
        %and3A_729 = arith.andi %add3A_726, %and3A_728 : vector<16xi32>
        %add3A_730 = arith.addi %add3A_147, %and3A_729 : vector<16xi32>
        %gather3A_731 = tpu.vector_load_idx %arg6[%add3A_730] : memref<31744xf32, #tpu.memory_space<vmem>>[vector<16xi32>], vector<16xf32>,
        %get3A_732 = arith.constant 36 : i32
        %get3A_733 = arith.index_cast %get3A_732 : i32 to index
        %get3A_734 = arith.constant 0 : index
        %get3A_735 = tpu.vector_load %arg8[%get3A_733, %get3A_734] {strides = array<i32>} : memref<64x16xf32, #tpu.memory_space<vmem>>, vector<16xf32>,
        %mul3A_736 = arith.mulf %gather3A_731, %get3A_735 : vector<16xf32>
        %add3A_737 = arith.addf %add3A_673, %mul3A_736 : vector<16xf32>
        %mul3A_738 = arith.mulf %gather3A_731, %gather3A_731 : vector<16xf32>
        %add3A_739 = arith.addf %add3A_675, %mul3A_738 : vector<16xf32>
        %add3A_740 = arith.constant 37 : i32
        %add3A_741 = vector.broadcast %add3A_740 : i32 to vector<16xi32>
        %add3A_742 = arith.addi %iota3A, %add3A_741 : vector<16xi32>
        %and3A_743 = arith.constant 63 : i32
        %and3A_744 = vector.broadcast %and3A_743 : i32 to vector<16xi32>
        %and3A_745 = arith.andi %add3A_742, %and3A_744 : vector<16xi32>
        %add3A_746 = arith.addi %add3A_147, %and3A_745 : vector<16xi32>
        %gather3A_747 = tpu.vector_load_idx %arg6[%add3A_746] : memref<31744xf32, #tpu.memory_space<vmem>>[vector<16xi32>], vector<16xf32>,
        %get3A_748 = arith.constant 37 : i32
        %get3A_749 = arith.index_cast %get3A_748 : i32 to index
        %get3A_750 = arith.constant 0 : index
        %get3A_751 = tpu.vector_load %arg8[%get3A_749, %get3A_750] {strides = array<i32>} : memref<64x16xf32, #tpu.memory_space<vmem>>, vector<16xf32>,
        %mul3A_752 = arith.mulf %gather3A_747, %get3A_751 : vector<16xf32>
        %add3A_753 = arith.addf %add3A_689, %mul3A_752 : vector<16xf32>
        %mul3A_754 = arith.mulf %gather3A_747, %gather3A_747 : vector<16xf32>
        %add3A_755 = arith.addf %add3A_691, %mul3A_754 : vector<16xf32>
        %add3A_756 = arith.constant 38 : i32
        %add3A_757 = vector.broadcast %add3A_756 : i32 to vector<16xi32>
        %add3A_758 = arith.addi %iota3A, %add3A_757 : vector<16xi32>
        %and3A_759 = arith.constant 63 : i32
        %and3A_760 = vector.broadcast %and3A_759 : i32 to vector<16xi32>
        %and3A_761 = arith.andi %add3A_758, %and3A_760 : vector<16xi32>
        %add3A_762 = arith.addi %add3A_147, %and3A_761 : vector<16xi32>
        %gather3A_763 = tpu.vector_load_idx %arg6[%add3A_762] : memref<31744xf32, #tpu.memory_space<vmem>>[vector<16xi32>], vector<16xf32>,
        %get3A_764 = arith.constant 38 : i32
        %get3A_765 = arith.index_cast %get3A_764 : i32 to index
        %get3A_766 = arith.constant 0 : index
        %get3A_767 = tpu.vector_load %arg8[%get3A_765, %get3A_766] {strides = array<i32>} : memref<64x16xf32, #tpu.memory_space<vmem>>, vector<16xf32>,
        %mul3A_768 = arith.mulf %gather3A_763, %get3A_767 : vector<16xf32>
        %add3A_769 = arith.addf %add3A_705, %mul3A_768 : vector<16xf32>
        %mul3A_770 = arith.mulf %gather3A_763, %gather3A_763 : vector<16xf32>
        %add3A_771 = arith.addf %add3A_707, %mul3A_770 : vector<16xf32>
        %add3A_772 = arith.constant 39 : i32
        %add3A_773 = vector.broadcast %add3A_772 : i32 to vector<16xi32>
        %add3A_774 = arith.addi %iota3A, %add3A_773 : vector<16xi32>
        %and3A_775 = arith.constant 63 : i32
        %and3A_776 = vector.broadcast %and3A_775 : i32 to vector<16xi32>
        %and3A_777 = arith.andi %add3A_774, %and3A_776 : vector<16xi32>
        %add3A_778 = arith.addi %add3A_147, %and3A_777 : vector<16xi32>
        %gather3A_779 = tpu.vector_load_idx %arg6[%add3A_778] : memref<31744xf32, #tpu.memory_space<vmem>>[vector<16xi32>], vector<16xf32>,
        %get3A_780 = arith.constant 39 : i32
        %get3A_781 = arith.index_cast %get3A_780 : i32 to index
        %get3A_782 = arith.constant 0 : index
        %get3A_783 = tpu.vector_load %arg8[%get3A_781, %get3A_782] {strides = array<i32>} : memref<64x16xf32, #tpu.memory_space<vmem>>, vector<16xf32>,
        %mul3A_784 = arith.mulf %gather3A_779, %get3A_783 : vector<16xf32>
        %add3A_785 = arith.addf %add3A_721, %mul3A_784 : vector<16xf32>
        %mul3A_786 = arith.mulf %gather3A_779, %gather3A_779 : vector<16xf32>
        %add3A_787 = arith.addf %add3A_723, %mul3A_786 : vector<16xf32>
        %add3A_788 = arith.constant 40 : i32
        %add3A_789 = vector.broadcast %add3A_788 : i32 to vector<16xi32>
        %add3A_790 = arith.addi %iota3A, %add3A_789 : vector<16xi32>
        %and3A_791 = arith.constant 63 : i32
        %and3A_792 = vector.broadcast %and3A_791 : i32 to vector<16xi32>
        %and3A_793 = arith.andi %add3A_790, %and3A_792 : vector<16xi32>
        %add3A_794 = arith.addi %add3A_147, %and3A_793 : vector<16xi32>
        %gather3A_795 = tpu.vector_load_idx %arg6[%add3A_794] : memref<31744xf32, #tpu.memory_space<vmem>>[vector<16xi32>], vector<16xf32>,
        %get3A_796 = arith.constant 40 : i32
        %get3A_797 = arith.index_cast %get3A_796 : i32 to index
        %get3A_798 = arith.constant 0 : index
        %get3A_799 = tpu.vector_load %arg8[%get3A_797, %get3A_798] {strides = array<i32>} : memref<64x16xf32, #tpu.memory_space<vmem>>, vector<16xf32>,
        %mul3A_800 = arith.mulf %gather3A_795, %get3A_799 : vector<16xf32>
        %add3A_801 = arith.addf %add3A_737, %mul3A_800 : vector<16xf32>
        %mul3A_802 = arith.mulf %gather3A_795, %gather3A_795 : vector<16xf32>
        %add3A_803 = arith.addf %add3A_739, %mul3A_802 : vector<16xf32>
        %add3A_804 = arith.constant 41 : i32
        %add3A_805 = vector.broadcast %add3A_804 : i32 to vector<16xi32>
        %add3A_806 = arith.addi %iota3A, %add3A_805 : vector<16xi32>
        %and3A_807 = arith.constant 63 : i32
        %and3A_808 = vector.broadcast %and3A_807 : i32 to vector<16xi32>
        %and3A_809 = arith.andi %add3A_806, %and3A_808 : vector<16xi32>
        %add3A_810 = arith.addi %add3A_147, %and3A_809 : vector<16xi32>
        %gather3A_811 = tpu.vector_load_idx %arg6[%add3A_810] : memref<31744xf32, #tpu.memory_space<vmem>>[vector<16xi32>], vector<16xf32>,
        %get3A_812 = arith.constant 41 : i32
        %get3A_813 = arith.index_cast %get3A_812 : i32 to index
        %get3A_814 = arith.constant 0 : index
        %get3A_815 = tpu.vector_load %arg8[%get3A_813, %get3A_814] {strides = array<i32>} : memref<64x16xf32, #tpu.memory_space<vmem>>, vector<16xf32>,
        %mul3A_816 = arith.mulf %gather3A_811, %get3A_815 : vector<16xf32>
        %add3A_817 = arith.addf %add3A_753, %mul3A_816 : vector<16xf32>
        %mul3A_818 = arith.mulf %gather3A_811, %gather3A_811 : vector<16xf32>
        %add3A_819 = arith.addf %add3A_755, %mul3A_818 : vector<16xf32>
        %add3A_820 = arith.constant 42 : i32
        %add3A_821 = vector.broadcast %add3A_820 : i32 to vector<16xi32>
        %add3A_822 = arith.addi %iota3A, %add3A_821 : vector<16xi32>
        %and3A_823 = arith.constant 63 : i32
        %and3A_824 = vector.broadcast %and3A_823 : i32 to vector<16xi32>
        %and3A_825 = arith.andi %add3A_822, %and3A_824 : vector<16xi32>
        %add3A_826 = arith.addi %add3A_147, %and3A_825 : vector<16xi32>
        %gather3A_827 = tpu.vector_load_idx %arg6[%add3A_826] : memref<31744xf32, #tpu.memory_space<vmem>>[vector<16xi32>], vector<16xf32>,
        %get3A_828 = arith.constant 42 : i32
        %get3A_829 = arith.index_cast %get3A_828 : i32 to index
        %get3A_830 = arith.constant 0 : index
        %get3A_831 = tpu.vector_load %arg8[%get3A_829, %get3A_830] {strides = array<i32>} : memref<64x16xf32, #tpu.memory_space<vmem>>, vector<16xf32>,
        %mul3A_832 = arith.mulf %gather3A_827, %get3A_831 : vector<16xf32>
        %add3A_833 = arith.addf %add3A_769, %mul3A_832 : vector<16xf32>
        %mul3A_834 = arith.mulf %gather3A_827, %gather3A_827 : vector<16xf32>
        %add3A_835 = arith.addf %add3A_771, %mul3A_834 : vector<16xf32>
        %add3A_836 = arith.constant 43 : i32
        %add3A_837 = vector.broadcast %add3A_836 : i32 to vector<16xi32>
        %add3A_838 = arith.addi %iota3A, %add3A_837 : vector<16xi32>
        %and3A_839 = arith.constant 63 : i32
        %and3A_840 = vector.broadcast %and3A_839 : i32 to vector<16xi32>
        %and3A_841 = arith.andi %add3A_838, %and3A_840 : vector<16xi32>
        %add3A_842 = arith.addi %add3A_147, %and3A_841 : vector<16xi32>
        %gather3A_843 = tpu.vector_load_idx %arg6[%add3A_842] : memref<31744xf32, #tpu.memory_space<vmem>>[vector<16xi32>], vector<16xf32>,
        %get3A_844 = arith.constant 43 : i32
        %get3A_845 = arith.index_cast %get3A_844 : i32 to index
        %get3A_846 = arith.constant 0 : index
        %get3A_847 = tpu.vector_load %arg8[%get3A_845, %get3A_846] {strides = array<i32>} : memref<64x16xf32, #tpu.memory_space<vmem>>, vector<16xf32>,
        %mul3A_848 = arith.mulf %gather3A_843, %get3A_847 : vector<16xf32>
        %add3A_849 = arith.addf %add3A_785, %mul3A_848 : vector<16xf32>
        %mul3A_850 = arith.mulf %gather3A_843, %gather3A_843 : vector<16xf32>
        %add3A_851 = arith.addf %add3A_787, %mul3A_850 : vector<16xf32>
        %add3A_852 = arith.constant 44 : i32
        %add3A_853 = vector.broadcast %add3A_852 : i32 to vector<16xi32>
        %add3A_854 = arith.addi %iota3A, %add3A_853 : vector<16xi32>
        %and3A_855 = arith.constant 63 : i32
        %and3A_856 = vector.broadcast %and3A_855 : i32 to vector<16xi32>
        %and3A_857 = arith.andi %add3A_854, %and3A_856 : vector<16xi32>
        %add3A_858 = arith.addi %add3A_147, %and3A_857 : vector<16xi32>
        %gather3A_859 = tpu.vector_load_idx %arg6[%add3A_858] : memref<31744xf32, #tpu.memory_space<vmem>>[vector<16xi32>], vector<16xf32>,
        %get3A_860 = arith.constant 44 : i32
        %get3A_861 = arith.index_cast %get3A_860 : i32 to index
        %get3A_862 = arith.constant 0 : index
        %get3A_863 = tpu.vector_load %arg8[%get3A_861, %get3A_862] {strides = array<i32>} : memref<64x16xf32, #tpu.memory_space<vmem>>, vector<16xf32>,
        %mul3A_864 = arith.mulf %gather3A_859, %get3A_863 : vector<16xf32>
        %add3A_865 = arith.addf %add3A_801, %mul3A_864 : vector<16xf32>
        %mul3A_866 = arith.mulf %gather3A_859, %gather3A_859 : vector<16xf32>
        %add3A_867 = arith.addf %add3A_803, %mul3A_866 : vector<16xf32>
        %add3A_868 = arith.constant 45 : i32
        %add3A_869 = vector.broadcast %add3A_868 : i32 to vector<16xi32>
        %add3A_870 = arith.addi %iota3A, %add3A_869 : vector<16xi32>
        %and3A_871 = arith.constant 63 : i32
        %and3A_872 = vector.broadcast %and3A_871 : i32 to vector<16xi32>
        %and3A_873 = arith.andi %add3A_870, %and3A_872 : vector<16xi32>
        %add3A_874 = arith.addi %add3A_147, %and3A_873 : vector<16xi32>
        %gather3A_875 = tpu.vector_load_idx %arg6[%add3A_874] : memref<31744xf32, #tpu.memory_space<vmem>>[vector<16xi32>], vector<16xf32>,
        %get3A_876 = arith.constant 45 : i32
        %get3A_877 = arith.index_cast %get3A_876 : i32 to index
        %get3A_878 = arith.constant 0 : index
        %get3A_879 = tpu.vector_load %arg8[%get3A_877, %get3A_878] {strides = array<i32>} : memref<64x16xf32, #tpu.memory_space<vmem>>, vector<16xf32>,
        %mul3A_880 = arith.mulf %gather3A_875, %get3A_879 : vector<16xf32>
        %add3A_881 = arith.addf %add3A_817, %mul3A_880 : vector<16xf32>
        %mul3A_882 = arith.mulf %gather3A_875, %gather3A_875 : vector<16xf32>
        %add3A_883 = arith.addf %add3A_819, %mul3A_882 : vector<16xf32>
        %add3A_884 = arith.constant 46 : i32
        %add3A_885 = vector.broadcast %add3A_884 : i32 to vector<16xi32>
        %add3A_886 = arith.addi %iota3A, %add3A_885 : vector<16xi32>
        %and3A_887 = arith.constant 63 : i32
        %and3A_888 = vector.broadcast %and3A_887 : i32 to vector<16xi32>
        %and3A_889 = arith.andi %add3A_886, %and3A_888 : vector<16xi32>
        %add3A_890 = arith.addi %add3A_147, %and3A_889 : vector<16xi32>
        %gather3A_891 = tpu.vector_load_idx %arg6[%add3A_890] : memref<31744xf32, #tpu.memory_space<vmem>>[vector<16xi32>], vector<16xf32>,
        %get3A_892 = arith.constant 46 : i32
        %get3A_893 = arith.index_cast %get3A_892 : i32 to index
        %get3A_894 = arith.constant 0 : index
        %get3A_895 = tpu.vector_load %arg8[%get3A_893, %get3A_894] {strides = array<i32>} : memref<64x16xf32, #tpu.memory_space<vmem>>, vector<16xf32>,
        %mul3A_896 = arith.mulf %gather3A_891, %get3A_895 : vector<16xf32>
        %add3A_897 = arith.addf %add3A_833, %mul3A_896 : vector<16xf32>
        %mul3A_898 = arith.mulf %gather3A_891, %gather3A_891 : vector<16xf32>
        %add3A_899 = arith.addf %add3A_835, %mul3A_898 : vector<16xf32>
        %add3A_900 = arith.constant 47 : i32
        %add3A_901 = vector.broadcast %add3A_900 : i32 to vector<16xi32>
        %add3A_902 = arith.addi %iota3A, %add3A_901 : vector<16xi32>
        %and3A_903 = arith.constant 63 : i32
        %and3A_904 = vector.broadcast %and3A_903 : i32 to vector<16xi32>
        %and3A_905 = arith.andi %add3A_902, %and3A_904 : vector<16xi32>
        %add3A_906 = arith.addi %add3A_147, %and3A_905 : vector<16xi32>
        %gather3A_907 = tpu.vector_load_idx %arg6[%add3A_906] : memref<31744xf32, #tpu.memory_space<vmem>>[vector<16xi32>], vector<16xf32>,
        %get3A_908 = arith.constant 47 : i32
        %get3A_909 = arith.index_cast %get3A_908 : i32 to index
        %get3A_910 = arith.constant 0 : index
        %get3A_911 = tpu.vector_load %arg8[%get3A_909, %get3A_910] {strides = array<i32>} : memref<64x16xf32, #tpu.memory_space<vmem>>, vector<16xf32>,
        %mul3A_912 = arith.mulf %gather3A_907, %get3A_911 : vector<16xf32>
        %add3A_913 = arith.addf %add3A_849, %mul3A_912 : vector<16xf32>
        %mul3A_914 = arith.mulf %gather3A_907, %gather3A_907 : vector<16xf32>
        %add3A_915 = arith.addf %add3A_851, %mul3A_914 : vector<16xf32>
        %add3A_916 = arith.constant 48 : i32
        %add3A_917 = vector.broadcast %add3A_916 : i32 to vector<16xi32>
        %add3A_918 = arith.addi %iota3A, %add3A_917 : vector<16xi32>
        %and3A_919 = arith.constant 63 : i32
        %and3A_920 = vector.broadcast %and3A_919 : i32 to vector<16xi32>
        %and3A_921 = arith.andi %add3A_918, %and3A_920 : vector<16xi32>
        %add3A_922 = arith.addi %add3A_147, %and3A_921 : vector<16xi32>
        %gather3A_923 = tpu.vector_load_idx %arg6[%add3A_922] : memref<31744xf32, #tpu.memory_space<vmem>>[vector<16xi32>], vector<16xf32>,
        %get3A_924 = arith.constant 48 : i32
        %get3A_925 = arith.index_cast %get3A_924 : i32 to index
        %get3A_926 = arith.constant 0 : index
        %get3A_927 = tpu.vector_load %arg8[%get3A_925, %get3A_926] {strides = array<i32>} : memref<64x16xf32, #tpu.memory_space<vmem>>, vector<16xf32>,
        %mul3A_928 = arith.mulf %gather3A_923, %get3A_927 : vector<16xf32>
        %add3A_929 = arith.addf %add3A_865, %mul3A_928 : vector<16xf32>
        %mul3A_930 = arith.mulf %gather3A_923, %gather3A_923 : vector<16xf32>
        %add3A_931 = arith.addf %add3A_867, %mul3A_930 : vector<16xf32>
        %add3A_932 = arith.constant 49 : i32
        %add3A_933 = vector.broadcast %add3A_932 : i32 to vector<16xi32>
        %add3A_934 = arith.addi %iota3A, %add3A_933 : vector<16xi32>
        %and3A_935 = arith.constant 63 : i32
        %and3A_936 = vector.broadcast %and3A_935 : i32 to vector<16xi32>
        %and3A_937 = arith.andi %add3A_934, %and3A_936 : vector<16xi32>
        %add3A_938 = arith.addi %add3A_147, %and3A_937 : vector<16xi32>
        %gather3A_939 = tpu.vector_load_idx %arg6[%add3A_938] : memref<31744xf32, #tpu.memory_space<vmem>>[vector<16xi32>], vector<16xf32>,
        %get3A_940 = arith.constant 49 : i32
        %get3A_941 = arith.index_cast %get3A_940 : i32 to index
        %get3A_942 = arith.constant 0 : index
        %get3A_943 = tpu.vector_load %arg8[%get3A_941, %get3A_942] {strides = array<i32>} : memref<64x16xf32, #tpu.memory_space<vmem>>, vector<16xf32>,
        %mul3A_944 = arith.mulf %gather3A_939, %get3A_943 : vector<16xf32>
        %add3A_945 = arith.addf %add3A_881, %mul3A_944 : vector<16xf32>
        %mul3A_946 = arith.mulf %gather3A_939, %gather3A_939 : vector<16xf32>
        %add3A_947 = arith.addf %add3A_883, %mul3A_946 : vector<16xf32>
        %add3A_948 = arith.constant 50 : i32
        %add3A_949 = vector.broadcast %add3A_948 : i32 to vector<16xi32>
        %add3A_950 = arith.addi %iota3A, %add3A_949 : vector<16xi32>
        %and3A_951 = arith.constant 63 : i32
        %and3A_952 = vector.broadcast %and3A_951 : i32 to vector<16xi32>
        %and3A_953 = arith.andi %add3A_950, %and3A_952 : vector<16xi32>
        %add3A_954 = arith.addi %add3A_147, %and3A_953 : vector<16xi32>
        %gather3A_955 = tpu.vector_load_idx %arg6[%add3A_954] : memref<31744xf32, #tpu.memory_space<vmem>>[vector<16xi32>], vector<16xf32>,
        %get3A_956 = arith.constant 50 : i32
        %get3A_957 = arith.index_cast %get3A_956 : i32 to index
        %get3A_958 = arith.constant 0 : index
        %get3A_959 = tpu.vector_load %arg8[%get3A_957, %get3A_958] {strides = array<i32>} : memref<64x16xf32, #tpu.memory_space<vmem>>, vector<16xf32>,
        %mul3A_960 = arith.mulf %gather3A_955, %get3A_959 : vector<16xf32>
        %add3A_961 = arith.addf %add3A_897, %mul3A_960 : vector<16xf32>
        %mul3A_962 = arith.mulf %gather3A_955, %gather3A_955 : vector<16xf32>
        %add3A_963 = arith.addf %add3A_899, %mul3A_962 : vector<16xf32>
        %add3A_964 = arith.constant 51 : i32
        %add3A_965 = vector.broadcast %add3A_964 : i32 to vector<16xi32>
        %add3A_966 = arith.addi %iota3A, %add3A_965 : vector<16xi32>
        %and3A_967 = arith.constant 63 : i32
        %and3A_968 = vector.broadcast %and3A_967 : i32 to vector<16xi32>
        %and3A_969 = arith.andi %add3A_966, %and3A_968 : vector<16xi32>
        %add3A_970 = arith.addi %add3A_147, %and3A_969 : vector<16xi32>
        %gather3A_971 = tpu.vector_load_idx %arg6[%add3A_970] : memref<31744xf32, #tpu.memory_space<vmem>>[vector<16xi32>], vector<16xf32>,
        %get3A_972 = arith.constant 51 : i32
        %get3A_973 = arith.index_cast %get3A_972 : i32 to index
        %get3A_974 = arith.constant 0 : index
        %get3A_975 = tpu.vector_load %arg8[%get3A_973, %get3A_974] {strides = array<i32>} : memref<64x16xf32, #tpu.memory_space<vmem>>, vector<16xf32>,
        %mul3A_976 = arith.mulf %gather3A_971, %get3A_975 : vector<16xf32>
        %add3A_977 = arith.addf %add3A_913, %mul3A_976 : vector<16xf32>
        %mul3A_978 = arith.mulf %gather3A_971, %gather3A_971 : vector<16xf32>
        %add3A_979 = arith.addf %add3A_915, %mul3A_978 : vector<16xf32>
        %add3A_980 = arith.constant 52 : i32
        %add3A_981 = vector.broadcast %add3A_980 : i32 to vector<16xi32>
        %add3A_982 = arith.addi %iota3A, %add3A_981 : vector<16xi32>
        %and3A_983 = arith.constant 63 : i32
        %and3A_984 = vector.broadcast %and3A_983 : i32 to vector<16xi32>
        %and3A_985 = arith.andi %add3A_982, %and3A_984 : vector<16xi32>
        %add3A_986 = arith.addi %add3A_147, %and3A_985 : vector<16xi32>
        %gather3A_987 = tpu.vector_load_idx %arg6[%add3A_986] : memref<31744xf32, #tpu.memory_space<vmem>>[vector<16xi32>], vector<16xf32>,
        %get3A_988 = arith.constant 52 : i32
        %get3A_989 = arith.index_cast %get3A_988 : i32 to index
        %get3A_990 = arith.constant 0 : index
        %get3A_991 = tpu.vector_load %arg8[%get3A_989, %get3A_990] {strides = array<i32>} : memref<64x16xf32, #tpu.memory_space<vmem>>, vector<16xf32>,
        %mul3A_992 = arith.mulf %gather3A_987, %get3A_991 : vector<16xf32>
        %add3A_993 = arith.addf %add3A_929, %mul3A_992 : vector<16xf32>
        %mul3A_994 = arith.mulf %gather3A_987, %gather3A_987 : vector<16xf32>
        %add3A_995 = arith.addf %add3A_931, %mul3A_994 : vector<16xf32>
        %add3A_996 = arith.constant 53 : i32
        %add3A_997 = vector.broadcast %add3A_996 : i32 to vector<16xi32>
        %add3A_998 = arith.addi %iota3A, %add3A_997 : vector<16xi32>
        %and3A_999 = arith.constant 63 : i32
        %and3A_1000 = vector.broadcast %and3A_999 : i32 to vector<16xi32>
        %and3A_1001 = arith.andi %add3A_998, %and3A_1000 : vector<16xi32>
        %add3A_1002 = arith.addi %add3A_147, %and3A_1001 : vector<16xi32>
        %gather3A_1003 = tpu.vector_load_idx %arg6[%add3A_1002] : memref<31744xf32, #tpu.memory_space<vmem>>[vector<16xi32>], vector<16xf32>,
        %get3A_1004 = arith.constant 53 : i32
        %get3A_1005 = arith.index_cast %get3A_1004 : i32 to index
        %get3A_1006 = arith.constant 0 : index
        %get3A_1007 = tpu.vector_load %arg8[%get3A_1005, %get3A_1006] {strides = array<i32>} : memref<64x16xf32, #tpu.memory_space<vmem>>, vector<16xf32>,
        %mul3A_1008 = arith.mulf %gather3A_1003, %get3A_1007 : vector<16xf32>
        %add3A_1009 = arith.addf %add3A_945, %mul3A_1008 : vector<16xf32>
        %mul3A_1010 = arith.mulf %gather3A_1003, %gather3A_1003 : vector<16xf32>
        %add3A_1011 = arith.addf %add3A_947, %mul3A_1010 : vector<16xf32>
        %add3A_1012 = arith.constant 54 : i32
        %add3A_1013 = vector.broadcast %add3A_1012 : i32 to vector<16xi32>
        %add3A_1014 = arith.addi %iota3A, %add3A_1013 : vector<16xi32>
        %and3A_1015 = arith.constant 63 : i32
        %and3A_1016 = vector.broadcast %and3A_1015 : i32 to vector<16xi32>
        %and3A_1017 = arith.andi %add3A_1014, %and3A_1016 : vector<16xi32>
        %add3A_1018 = arith.addi %add3A_147, %and3A_1017 : vector<16xi32>
        %gather3A_1019 = tpu.vector_load_idx %arg6[%add3A_1018] : memref<31744xf32, #tpu.memory_space<vmem>>[vector<16xi32>], vector<16xf32>,
        %get3A_1020 = arith.constant 54 : i32
        %get3A_1021 = arith.index_cast %get3A_1020 : i32 to index
        %get3A_1022 = arith.constant 0 : index
        %get3A_1023 = tpu.vector_load %arg8[%get3A_1021, %get3A_1022] {strides = array<i32>} : memref<64x16xf32, #tpu.memory_space<vmem>>, vector<16xf32>,
        %mul3A_1024 = arith.mulf %gather3A_1019, %get3A_1023 : vector<16xf32>
        %add3A_1025 = arith.addf %add3A_961, %mul3A_1024 : vector<16xf32>
        %mul3A_1026 = arith.mulf %gather3A_1019, %gather3A_1019 : vector<16xf32>
        %add3A_1027 = arith.addf %add3A_963, %mul3A_1026 : vector<16xf32>
        %add3A_1028 = arith.constant 55 : i32
        %add3A_1029 = vector.broadcast %add3A_1028 : i32 to vector<16xi32>
        %add3A_1030 = arith.addi %iota3A, %add3A_1029 : vector<16xi32>
        %and3A_1031 = arith.constant 63 : i32
        %and3A_1032 = vector.broadcast %and3A_1031 : i32 to vector<16xi32>
        %and3A_1033 = arith.andi %add3A_1030, %and3A_1032 : vector<16xi32>
        %add3A_1034 = arith.addi %add3A_147, %and3A_1033 : vector<16xi32>
        %gather3A_1035 = tpu.vector_load_idx %arg6[%add3A_1034] : memref<31744xf32, #tpu.memory_space<vmem>>[vector<16xi32>], vector<16xf32>,
        %get3A_1036 = arith.constant 55 : i32
        %get3A_1037 = arith.index_cast %get3A_1036 : i32 to index
        %get3A_1038 = arith.constant 0 : index
        %get3A_1039 = tpu.vector_load %arg8[%get3A_1037, %get3A_1038] {strides = array<i32>} : memref<64x16xf32, #tpu.memory_space<vmem>>, vector<16xf32>,
        %mul3A_1040 = arith.mulf %gather3A_1035, %get3A_1039 : vector<16xf32>
        %add3A_1041 = arith.addf %add3A_977, %mul3A_1040 : vector<16xf32>
        %mul3A_1042 = arith.mulf %gather3A_1035, %gather3A_1035 : vector<16xf32>
        %add3A_1043 = arith.addf %add3A_979, %mul3A_1042 : vector<16xf32>
        %add3A_1044 = arith.constant 56 : i32
        %add3A_1045 = vector.broadcast %add3A_1044 : i32 to vector<16xi32>
        %add3A_1046 = arith.addi %iota3A, %add3A_1045 : vector<16xi32>
        %and3A_1047 = arith.constant 63 : i32
        %and3A_1048 = vector.broadcast %and3A_1047 : i32 to vector<16xi32>
        %and3A_1049 = arith.andi %add3A_1046, %and3A_1048 : vector<16xi32>
        %add3A_1050 = arith.addi %add3A_147, %and3A_1049 : vector<16xi32>
        %gather3A_1051 = tpu.vector_load_idx %arg6[%add3A_1050] : memref<31744xf32, #tpu.memory_space<vmem>>[vector<16xi32>], vector<16xf32>,
        %get3A_1052 = arith.constant 56 : i32
        %get3A_1053 = arith.index_cast %get3A_1052 : i32 to index
        %get3A_1054 = arith.constant 0 : index
        %get3A_1055 = tpu.vector_load %arg8[%get3A_1053, %get3A_1054] {strides = array<i32>} : memref<64x16xf32, #tpu.memory_space<vmem>>, vector<16xf32>,
        %mul3A_1056 = arith.mulf %gather3A_1051, %get3A_1055 : vector<16xf32>
        %add3A_1057 = arith.addf %add3A_993, %mul3A_1056 : vector<16xf32>
        %mul3A_1058 = arith.mulf %gather3A_1051, %gather3A_1051 : vector<16xf32>
        %add3A_1059 = arith.addf %add3A_995, %mul3A_1058 : vector<16xf32>
        %add3A_1060 = arith.constant 57 : i32
        %add3A_1061 = vector.broadcast %add3A_1060 : i32 to vector<16xi32>
        %add3A_1062 = arith.addi %iota3A, %add3A_1061 : vector<16xi32>
        %and3A_1063 = arith.constant 63 : i32
        %and3A_1064 = vector.broadcast %and3A_1063 : i32 to vector<16xi32>
        %and3A_1065 = arith.andi %add3A_1062, %and3A_1064 : vector<16xi32>
        %add3A_1066 = arith.addi %add3A_147, %and3A_1065 : vector<16xi32>
        %gather3A_1067 = tpu.vector_load_idx %arg6[%add3A_1066] : memref<31744xf32, #tpu.memory_space<vmem>>[vector<16xi32>], vector<16xf32>,
        %get3A_1068 = arith.constant 57 : i32
        %get3A_1069 = arith.index_cast %get3A_1068 : i32 to index
        %get3A_1070 = arith.constant 0 : index
        %get3A_1071 = tpu.vector_load %arg8[%get3A_1069, %get3A_1070] {strides = array<i32>} : memref<64x16xf32, #tpu.memory_space<vmem>>, vector<16xf32>,
        %mul3A_1072 = arith.mulf %gather3A_1067, %get3A_1071 : vector<16xf32>
        %add3A_1073 = arith.addf %add3A_1009, %mul3A_1072 : vector<16xf32>
        %mul3A_1074 = arith.mulf %gather3A_1067, %gather3A_1067 : vector<16xf32>
        %add3A_1075 = arith.addf %add3A_1011, %mul3A_1074 : vector<16xf32>
        %add3A_1076 = arith.constant 58 : i32
        %add3A_1077 = vector.broadcast %add3A_1076 : i32 to vector<16xi32>
        %add3A_1078 = arith.addi %iota3A, %add3A_1077 : vector<16xi32>
        %and3A_1079 = arith.constant 63 : i32
        %and3A_1080 = vector.broadcast %and3A_1079 : i32 to vector<16xi32>
        %and3A_1081 = arith.andi %add3A_1078, %and3A_1080 : vector<16xi32>
        %add3A_1082 = arith.addi %add3A_147, %and3A_1081 : vector<16xi32>
        %gather3A_1083 = tpu.vector_load_idx %arg6[%add3A_1082] : memref<31744xf32, #tpu.memory_space<vmem>>[vector<16xi32>], vector<16xf32>,
        %get3A_1084 = arith.constant 58 : i32
        %get3A_1085 = arith.index_cast %get3A_1084 : i32 to index
        %get3A_1086 = arith.constant 0 : index
        %get3A_1087 = tpu.vector_load %arg8[%get3A_1085, %get3A_1086] {strides = array<i32>} : memref<64x16xf32, #tpu.memory_space<vmem>>, vector<16xf32>,
        %mul3A_1088 = arith.mulf %gather3A_1083, %get3A_1087 : vector<16xf32>
        %add3A_1089 = arith.addf %add3A_1025, %mul3A_1088 : vector<16xf32>
        %mul3A_1090 = arith.mulf %gather3A_1083, %gather3A_1083 : vector<16xf32>
        %add3A_1091 = arith.addf %add3A_1027, %mul3A_1090 : vector<16xf32>
        %add3A_1092 = arith.constant 59 : i32
        %add3A_1093 = vector.broadcast %add3A_1092 : i32 to vector<16xi32>
        %add3A_1094 = arith.addi %iota3A, %add3A_1093 : vector<16xi32>
        %and3A_1095 = arith.constant 63 : i32
        %and3A_1096 = vector.broadcast %and3A_1095 : i32 to vector<16xi32>
        %and3A_1097 = arith.andi %add3A_1094, %and3A_1096 : vector<16xi32>
        %add3A_1098 = arith.addi %add3A_147, %and3A_1097 : vector<16xi32>
        %gather3A_1099 = tpu.vector_load_idx %arg6[%add3A_1098] : memref<31744xf32, #tpu.memory_space<vmem>>[vector<16xi32>], vector<16xf32>,
        %get3A_1100 = arith.constant 59 : i32
        %get3A_1101 = arith.index_cast %get3A_1100 : i32 to index
        %get3A_1102 = arith.constant 0 : index
        %get3A_1103 = tpu.vector_load %arg8[%get3A_1101, %get3A_1102] {strides = array<i32>} : memref<64x16xf32, #tpu.memory_space<vmem>>, vector<16xf32>,
        %mul3A_1104 = arith.mulf %gather3A_1099, %get3A_1103 : vector<16xf32>
        %add3A_1105 = arith.addf %add3A_1041, %mul3A_1104 : vector<16xf32>
        %mul3A_1106 = arith.mulf %gather3A_1099, %gather3A_1099 : vector<16xf32>
        %add3A_1107 = arith.addf %add3A_1043, %mul3A_1106 : vector<16xf32>
        %add3A_1108 = arith.constant 60 : i32
        %add3A_1109 = vector.broadcast %add3A_1108 : i32 to vector<16xi32>
        %add3A_1110 = arith.addi %iota3A, %add3A_1109 : vector<16xi32>
        %and3A_1111 = arith.constant 63 : i32
        %and3A_1112 = vector.broadcast %and3A_1111 : i32 to vector<16xi32>
        %and3A_1113 = arith.andi %add3A_1110, %and3A_1112 : vector<16xi32>
        %add3A_1114 = arith.addi %add3A_147, %and3A_1113 : vector<16xi32>
        %gather3A_1115 = tpu.vector_load_idx %arg6[%add3A_1114] : memref<31744xf32, #tpu.memory_space<vmem>>[vector<16xi32>], vector<16xf32>,
        %get3A_1116 = arith.constant 60 : i32
        %get3A_1117 = arith.index_cast %get3A_1116 : i32 to index
        %get3A_1118 = arith.constant 0 : index
        %get3A_1119 = tpu.vector_load %arg8[%get3A_1117, %get3A_1118] {strides = array<i32>} : memref<64x16xf32, #tpu.memory_space<vmem>>, vector<16xf32>,
        %mul3A_1120 = arith.mulf %gather3A_1115, %get3A_1119 : vector<16xf32>
        %add3A_1121 = arith.addf %add3A_1057, %mul3A_1120 : vector<16xf32>
        %mul3A_1122 = arith.mulf %gather3A_1115, %gather3A_1115 : vector<16xf32>
        %add3A_1123 = arith.addf %add3A_1059, %mul3A_1122 : vector<16xf32>
        %add3A_1124 = arith.constant 61 : i32
        %add3A_1125 = vector.broadcast %add3A_1124 : i32 to vector<16xi32>
        %add3A_1126 = arith.addi %iota3A, %add3A_1125 : vector<16xi32>
        %and3A_1127 = arith.constant 63 : i32
        %and3A_1128 = vector.broadcast %and3A_1127 : i32 to vector<16xi32>
        %and3A_1129 = arith.andi %add3A_1126, %and3A_1128 : vector<16xi32>
        %add3A_1130 = arith.addi %add3A_147, %and3A_1129 : vector<16xi32>
        %gather3A_1131 = tpu.vector_load_idx %arg6[%add3A_1130] : memref<31744xf32, #tpu.memory_space<vmem>>[vector<16xi32>], vector<16xf32>,
        %get3A_1132 = arith.constant 61 : i32
        %get3A_1133 = arith.index_cast %get3A_1132 : i32 to index
        %get3A_1134 = arith.constant 0 : index
        %get3A_1135 = tpu.vector_load %arg8[%get3A_1133, %get3A_1134] {strides = array<i32>} : memref<64x16xf32, #tpu.memory_space<vmem>>, vector<16xf32>,
        %mul3A_1136 = arith.mulf %gather3A_1131, %get3A_1135 : vector<16xf32>
        %add3A_1137 = arith.addf %add3A_1073, %mul3A_1136 : vector<16xf32>
        %mul3A_1138 = arith.mulf %gather3A_1131, %gather3A_1131 : vector<16xf32>
        %add3A_1139 = arith.addf %add3A_1075, %mul3A_1138 : vector<16xf32>
        %add3A_1140 = arith.constant 62 : i32
        %add3A_1141 = vector.broadcast %add3A_1140 : i32 to vector<16xi32>
        %add3A_1142 = arith.addi %iota3A, %add3A_1141 : vector<16xi32>
        %and3A_1143 = arith.constant 63 : i32
        %and3A_1144 = vector.broadcast %and3A_1143 : i32 to vector<16xi32>
        %and3A_1145 = arith.andi %add3A_1142, %and3A_1144 : vector<16xi32>
        %add3A_1146 = arith.addi %add3A_147, %and3A_1145 : vector<16xi32>
        %gather3A_1147 = tpu.vector_load_idx %arg6[%add3A_1146] : memref<31744xf32, #tpu.memory_space<vmem>>[vector<16xi32>], vector<16xf32>,
        %get3A_1148 = arith.constant 62 : i32
        %get3A_1149 = arith.index_cast %get3A_1148 : i32 to index
        %get3A_1150 = arith.constant 0 : index
        %get3A_1151 = tpu.vector_load %arg8[%get3A_1149, %get3A_1150] {strides = array<i32>} : memref<64x16xf32, #tpu.memory_space<vmem>>, vector<16xf32>,
        %mul3A_1152 = arith.mulf %gather3A_1147, %get3A_1151 : vector<16xf32>
        %add3A_1153 = arith.addf %add3A_1089, %mul3A_1152 : vector<16xf32>
        %mul3A_1154 = arith.mulf %gather3A_1147, %gather3A_1147 : vector<16xf32>
        %add3A_1155 = arith.addf %add3A_1091, %mul3A_1154 : vector<16xf32>
        %add3A_1156 = arith.constant 63 : i32
        %add3A_1157 = vector.broadcast %add3A_1156 : i32 to vector<16xi32>
        %add3A_1158 = arith.addi %iota3A, %add3A_1157 : vector<16xi32>
        %and3A_1159 = arith.constant 63 : i32
        %and3A_1160 = vector.broadcast %and3A_1159 : i32 to vector<16xi32>
        %and3A_1161 = arith.andi %add3A_1158, %and3A_1160 : vector<16xi32>
        %add3A_1162 = arith.addi %add3A_147, %and3A_1161 : vector<16xi32>
        %gather3A_1163 = tpu.vector_load_idx %arg6[%add3A_1162] : memref<31744xf32, #tpu.memory_space<vmem>>[vector<16xi32>], vector<16xf32>,
        %get3A_1164 = arith.constant 63 : i32
        %get3A_1165 = arith.index_cast %get3A_1164 : i32 to index
        %get3A_1166 = arith.constant 0 : index
        %get3A_1167 = tpu.vector_load %arg8[%get3A_1165, %get3A_1166] {strides = array<i32>} : memref<64x16xf32, #tpu.memory_space<vmem>>, vector<16xf32>,
        %mul3A_1168 = arith.mulf %gather3A_1163, %get3A_1167 : vector<16xf32>
        %add3A_1169 = arith.addf %add3A_1105, %mul3A_1168 : vector<16xf32>
        %mul3A_1170 = arith.mulf %gather3A_1163, %gather3A_1163 : vector<16xf32>
        %add3A_1171 = arith.addf %add3A_1107, %mul3A_1170 : vector<16xf32>
        %add3A_1172 = arith.addf %add3A_1121, %add3A_1137 : vector<16xf32>
        %add3A_1173 = arith.addf %add3A_1153, %add3A_1169 : vector<16xf32>
        %add3A_1174 = arith.addf %add3A_1172, %add3A_1173 : vector<16xf32>
        %add3A_1175 = arith.addf %add3A_1123, %add3A_1139 : vector<16xf32>
        %add3A_1176 = arith.addf %add3A_1155, %add3A_1171 : vector<16xf32>
        %add3A_1177 = arith.addf %add3A_1175, %add3A_1176 : vector<16xf32>
        %max3A = arith.constant 1.000000e-30 : f32
        %max3A_1178 = vector.broadcast %max3A : f32 to vector<16xf32>
        %max3A_1179 = arith.maximumf %add3A_1177, %max3A_1178 : vector<16xf32>
        %bitcast3A = vector.bitcast %max3A_1179 : vector<16xf32> to vector<16xi32>
        %shift_right_logical3A = arith.constant 1 : i32
        %shift_right_logical3A_1180 = vector.broadcast %shift_right_logical3A : i32 to vector<16xi32>
        %shift_right_logical3A_1181 = arith.shrui %bitcast3A, %shift_right_logical3A_1180 : vector<16xi32>
        %sub3A = arith.constant 1597463007 : i32
        %sub3A_1182 = vector.broadcast %sub3A : i32 to vector<16xi32>
        %sub3A_1183 = arith.subi %sub3A_1182, %shift_right_logical3A_1181 : vector<16xi32>
        %bitcast3A_1184 = vector.bitcast %sub3A_1183 : vector<16xi32> to vector<16xf32>
        %mul3A_1185 = arith.constant 5.000000e-01 : f32
        %mul3A_1186 = vector.broadcast %mul3A_1185 : f32 to vector<16xf32>
        %mul3A_1187 = arith.mulf %mul3A_1186, %max3A_1179 : vector<16xf32>
        %mul3A_1188 = arith.mulf %mul3A_1187, %bitcast3A_1184 : vector<16xf32>
        %mul3A_1189 = arith.mulf %mul3A_1188, %bitcast3A_1184 : vector<16xf32>
        %sub3A_1190 = arith.constant 1.500000e+00 : f32
        %sub3A_1191 = vector.broadcast %sub3A_1190 : f32 to vector<16xf32>
        %sub3A_1192 = arith.subf %sub3A_1191, %mul3A_1189 : vector<16xf32>
        %mul3A_1193 = arith.mulf %bitcast3A_1184, %sub3A_1192 : vector<16xf32>
        %mul3A_1194 = arith.constant 5.000000e-01 : f32
        %mul3A_1195 = vector.broadcast %mul3A_1194 : f32 to vector<16xf32>
        %mul3A_1196 = arith.mulf %mul3A_1195, %max3A_1179 : vector<16xf32>
        %mul3A_1197 = arith.mulf %mul3A_1196, %mul3A_1193 : vector<16xf32>
        %mul3A_1198 = arith.mulf %mul3A_1197, %mul3A_1193 : vector<16xf32>
        %sub3A_1199 = arith.constant 1.500000e+00 : f32
        %sub3A_1200 = vector.broadcast %sub3A_1199 : f32 to vector<16xf32>
        %sub3A_1201 = arith.subf %sub3A_1200, %mul3A_1198 : vector<16xf32>
        %mul3A_1202 = arith.mulf %mul3A_1193, %sub3A_1201 : vector<16xf32>
        %mul3A_1203 = arith.constant 5.000000e-01 : f32
        %mul3A_1204 = vector.broadcast %mul3A_1203 : f32 to vector<16xf32>
        %mul3A_1205 = arith.mulf %mul3A_1204, %max3A_1179 : vector<16xf32>
        %mul3A_1206 = arith.mulf %mul3A_1205, %mul3A_1202 : vector<16xf32>
        %mul3A_1207 = arith.mulf %mul3A_1206, %mul3A_1202 : vector<16xf32>
        %sub3A_1208 = arith.constant 1.500000e+00 : f32
        %sub3A_1209 = vector.broadcast %sub3A_1208 : f32 to vector<16xf32>
        %sub3A_1210 = arith.subf %sub3A_1209, %mul3A_1207 : vector<16xf32>
        %mul3A_1211 = arith.mulf %mul3A_1202, %sub3A_1210 : vector<16xf32>
        %mul3A_1212 = arith.mulf %add3A_1174, %mul3A_1211 : vector<16xf32>
        %reduce_max3A = arith.constant true
        %reduce_max3A_1213 = vector.broadcast %reduce_max3A : i1 to vector<16xi1>
        %reduce_max3A_1214 = tpu.scan <max>, %mul3A_1212 masked %reduce_max3A_1213 : vector<16xf32>, vector<16xi1> -> vector<16xf32>
        %reduce_max3A_1215 = vector.extract %reduce_max3A_1214[15] : f32 from vector<16xf32>
        %get3A_1216 = arith.constant 2 : i32
        %get3A_1217 = arith.index_cast %get3A_1216 : i32 to index
        %get3A_1218 = memref.load %arg11[%get3A_1217] : memref<4xf32, #tpu.memory_space<smem>>
        %gt3A = arith.cmpf ogt, %reduce_max3A_1215, %get3A_1218 : f32
        %convert_element_type3A_1219 = arith.extui %gt3A : i1 to i32
        %cond3A_1220 = arith.constant 0 : i32
        %cond3A_1221 = arith.cmpi ne, %convert_element_type3A_1219, %cond3A_1220 : i32
        scf.if %cond3A_1221 {
          %reduce_max3A_1222 = arith.constant true
          %reduce_max3A_1223 = vector.broadcast %reduce_max3A_1222 : i1 to vector<16xi1>
          %reduce_max3A_1224 = tpu.scan <max>, %mul3A_1212 masked %reduce_max3A_1223 : vector<16xf32>, vector<16xi1> -> vector<16xf32>
          %reduce_max3A_1225 = vector.extract %reduce_max3A_1224[15] : f32 from vector<16xf32>
          %eq3A_1226 = vector.broadcast %reduce_max3A_1225 : f32 to vector<16xf32>
          %eq3A_1227 = arith.cmpf oeq, %mul3A_1212, %eq3A_1226 : vector<16xf32>
          %jit3A_1228 = arith.constant 1073741824 : i32
          %broadcast_in_dim3A_1229 = vector.broadcast %jit3A_1228 : i32 to vector<16xi32>
          %select_n3A_1230 = arith.select %eq3A_1227, %iota3A, %broadcast_in_dim3A_1229 : vector<16xi1>, vector<16xi32>
          %reduce_min3A = arith.constant true
          %reduce_min3A_1231 = vector.broadcast %reduce_min3A : i1 to vector<16xi1>
          %reduce_min3A_1232 = arith.constant -2147483648 : i32
          %reduce_min3A_1233 = vector.broadcast %reduce_min3A_1232 : i32 to vector<16xi32>
          %reduce_min3A_1234 = arith.xori %select_n3A_1230, %reduce_min3A_1233 : vector<16xi32>
          %reduce_min3A_1235 = tpu.scan <min>, %reduce_min3A_1234 masked %reduce_min3A_1231 : vector<16xi32>, vector<16xi1> -> vector<16xi32>
          %reduce_min3A_1236 = arith.xori %reduce_min3A_1235, %reduce_min3A_1233 : vector<16xi32>
          %reduce_min3A_1237 = vector.extract %reduce_min3A_1236[15] : i32 from vector<16xi32>
          %mul3A_1238 = arith.constant 16 : i32
          %mul3A_1239 = arith.muli %scan3A_143, %mul3A_1238 : i32
          %add3A_1240 = arith.addi %add3A_112, %mul3A_1239 : i32
          %add3A_1241 = arith.addi %add3A_1240, %reduce_min3A_1237 : i32
          %get3A_1242 = arith.constant 0 : i32
          %get3A_1243 = arith.index_cast %get3A_1242 : i32 to index
          %get3A_1244 = memref.load %arg11[%get3A_1243] : memref<4xf32, #tpu.memory_space<smem>>
          %get3A_1245 = arith.constant 1 : i32
          %get3A_1246 = arith.index_cast %get3A_1245 : i32 to index
          %get3A_1247 = memref.load %arg11[%get3A_1246] : memref<4xf32, #tpu.memory_space<smem>>
          %get3A_1248 = arith.constant 2 : i32
          %get3A_1249 = arith.index_cast %get3A_1248 : i32 to index
          %get3A_1250 = memref.load %arg11[%get3A_1249] : memref<4xf32, #tpu.memory_space<smem>>
          %get3A_1251 = arith.constant 0 : i32
          %get3A_1252 = arith.index_cast %get3A_1251 : i32 to index
          %get3A_1253 = memref.load %arg12[%get3A_1252] : memref<4xi32, #tpu.memory_space<smem>>
          %get3A_1254 = arith.constant 1 : i32
          %get3A_1255 = arith.index_cast %get3A_1254 : i32 to index
          %get3A_1256 = memref.load %arg12[%get3A_1255] : memref<4xi32, #tpu.memory_space<smem>>
          %get3A_1257 = arith.constant 2 : i32
          %get3A_1258 = arith.index_cast %get3A_1257 : i32 to index
          %get3A_1259 = memref.load %arg12[%get3A_1258] : memref<4xi32, #tpu.memory_space<smem>>
          %gt3A_1260 = arith.cmpf ogt, %reduce_max3A_1225, %get3A_1244 : f32
          %eq3A_1261 = arith.cmpf oeq, %reduce_max3A_1225, %get3A_1244 : f32
          %lt3A_1262 = arith.cmpi slt, %add3A_1241, %get3A_1253 : i32
          %and3A_1263 = arith.andi %eq3A_1261, %lt3A_1262 : i1
          %or3A = arith.ori %gt3A_1260, %and3A_1263 : i1
          %gt3A_1264 = arith.cmpf ogt, %reduce_max3A_1225, %get3A_1247 : f32
          %eq3A_1265 = arith.cmpf oeq, %reduce_max3A_1225, %get3A_1247 : f32
          %lt3A_1266 = arith.cmpi slt, %add3A_1241, %get3A_1256 : i32
          %and3A_1267 = arith.andi %eq3A_1265, %lt3A_1266 : i1
          %or3A_1268 = arith.ori %gt3A_1264, %and3A_1267 : i1
          %gt3A_1269 = arith.cmpf ogt, %reduce_max3A_1225, %get3A_1250 : f32
          %eq3A_1270 = arith.cmpf oeq, %reduce_max3A_1225, %get3A_1250 : f32
          %lt3A_1271 = arith.cmpi slt, %add3A_1241, %get3A_1259 : i32
          %and3A_1272 = arith.andi %eq3A_1270, %lt3A_1271 : i1
          %or3A_1273 = arith.ori %gt3A_1269, %and3A_1272 : i1
          %select_n3A_1274 = arith.select %or3A, %reduce_max3A_1225, %get3A_1244 : f32
          %swap3A_1275 = arith.constant 0 : i32
          %swap3A_1276 = arith.index_cast %swap3A_1275 : i32 to index
          %swap3A_1277 = memref.load %arg11[%swap3A_1276] : memref<4xf32, #tpu.memory_space<smem>>
          memref.store %select_n3A_1274, %arg11[%swap3A_1276] : memref<4xf32, #tpu.memory_space<smem>>
          %select_n3A_1278 = arith.select %or3A, %add3A_1241, %get3A_1253 : i32
          %swap3A_1279 = arith.constant 0 : i32
          %swap3A_1280 = arith.index_cast %swap3A_1279 : i32 to index
          %swap3A_1281 = memref.load %arg12[%swap3A_1280] : memref<4xi32, #tpu.memory_space<smem>>
          memref.store %select_n3A_1278, %arg12[%swap3A_1280] : memref<4xi32, #tpu.memory_space<smem>>
          %select_n3A_1282 = arith.select %or3A_1268, %reduce_max3A_1225, %get3A_1247 : f32
          %select_n3A_1283 = arith.select %or3A, %get3A_1244, %select_n3A_1282 : f32
          %swap3A_1284 = arith.constant 1 : i32
          %swap3A_1285 = arith.index_cast %swap3A_1284 : i32 to index
          %swap3A_1286 = memref.load %arg11[%swap3A_1285] : memref<4xf32, #tpu.memory_space<smem>>
          memref.store %select_n3A_1283, %arg11[%swap3A_1285] : memref<4xf32, #tpu.memory_space<smem>>
          %select_n3A_1287 = arith.select %or3A_1268, %add3A_1241, %get3A_1256 : i32
          %select_n3A_1288 = arith.select %or3A, %get3A_1253, %select_n3A_1287 : i32
          %swap3A_1289 = arith.constant 1 : i32
          %swap3A_1290 = arith.index_cast %swap3A_1289 : i32 to index
          %swap3A_1291 = memref.load %arg12[%swap3A_1290] : memref<4xi32, #tpu.memory_space<smem>>
          memref.store %select_n3A_1288, %arg12[%swap3A_1290] : memref<4xi32, #tpu.memory_space<smem>>
          %select_n3A_1292 = arith.select %or3A_1273, %reduce_max3A_1225, %get3A_1250 : f32
          %select_n3A_1293 = arith.select %or3A_1268, %get3A_1247, %select_n3A_1292 : f32
          %swap3A_1294 = arith.constant 2 : i32
          %swap3A_1295 = arith.index_cast %swap3A_1294 : i32 to index
          %swap3A_1296 = memref.load %arg11[%swap3A_1295] : memref<4xf32, #tpu.memory_space<smem>>
          memref.store %select_n3A_1293, %arg11[%swap3A_1295] : memref<4xf32, #tpu.memory_space<smem>>
          %select_n3A_1297 = arith.select %or3A_1273, %add3A_1241, %get3A_1259 : i32
          %select_n3A_1298 = arith.select %or3A_1268, %get3A_1256, %select_n3A_1297 : i32
          %swap3A_1299 = arith.constant 2 : i32
          %swap3A_1300 = arith.index_cast %swap3A_1299 : i32 to index
          %swap3A_1301 = memref.load %arg12[%swap3A_1300] : memref<4xi32, #tpu.memory_space<smem>>
          memref.store %select_n3A_1298, %arg12[%swap3A_1300] : memref<4xi32, #tpu.memory_space<smem>>
          %eq3A_1302 = vector.broadcast %reduce_min3A_1237 : i32 to vector<16xi32>
          %eq3A_1303 = arith.cmpi eq, %iota3A, %eq3A_1302 : vector<16xi32>
          %jit3A_1304 = arith.constant 0xFF800000 : f32
          %broadcast_in_dim3A_1305 = vector.broadcast %jit3A_1304 : f32 to vector<16xf32>
          %select_n3A_1306 = arith.select %eq3A_1303, %broadcast_in_dim3A_1305, %mul3A_1212 : vector<16xi1>, vector<16xf32>
          %reduce_max3A_1307 = arith.constant true
          %reduce_max3A_1308 = vector.broadcast %reduce_max3A_1307 : i1 to vector<16xi1>
          %reduce_max3A_1309 = tpu.scan <max>, %select_n3A_1306 masked %reduce_max3A_1308 : vector<16xf32>, vector<16xi1> -> vector<16xf32>
          %reduce_max3A_1310 = vector.extract %reduce_max3A_1309[15] : f32 from vector<16xf32>
          %eq3A_1311 = vector.broadcast %reduce_max3A_1310 : f32 to vector<16xf32>
          %eq3A_1312 = arith.cmpf oeq, %select_n3A_1306, %eq3A_1311 : vector<16xf32>
          %jit3A_1313 = arith.constant 1073741824 : i32
          %broadcast_in_dim3A_1314 = vector.broadcast %jit3A_1313 : i32 to vector<16xi32>
          %select_n3A_1315 = arith.select %eq3A_1312, %iota3A, %broadcast_in_dim3A_1314 : vector<16xi1>, vector<16xi32>
          %reduce_min3A_1316 = arith.constant true
          %reduce_min3A_1317 = vector.broadcast %reduce_min3A_1316 : i1 to vector<16xi1>
          %reduce_min3A_1318 = arith.constant -2147483648 : i32
          %reduce_min3A_1319 = vector.broadcast %reduce_min3A_1318 : i32 to vector<16xi32>
          %reduce_min3A_1320 = arith.xori %select_n3A_1315, %reduce_min3A_1319 : vector<16xi32>
          %reduce_min3A_1321 = tpu.scan <min>, %reduce_min3A_1320 masked %reduce_min3A_1317 : vector<16xi32>, vector<16xi1> -> vector<16xi32>
          %reduce_min3A_1322 = arith.xori %reduce_min3A_1321, %reduce_min3A_1319 : vector<16xi32>
          %reduce_min3A_1323 = vector.extract %reduce_min3A_1322[15] : i32 from vector<16xi32>
          %mul3A_1324 = arith.constant 16 : i32
          %mul3A_1325 = arith.muli %scan3A_143, %mul3A_1324 : i32
          %add3A_1326 = arith.addi %add3A_112, %mul3A_1325 : i32
          %add3A_1327 = arith.addi %add3A_1326, %reduce_min3A_1323 : i32
          %get3A_1328 = arith.constant 0 : i32
          %get3A_1329 = arith.index_cast %get3A_1328 : i32 to index
          %get3A_1330 = memref.load %arg11[%get3A_1329] : memref<4xf32, #tpu.memory_space<smem>>
          %get3A_1331 = arith.constant 1 : i32
          %get3A_1332 = arith.index_cast %get3A_1331 : i32 to index
          %get3A_1333 = memref.load %arg11[%get3A_1332] : memref<4xf32, #tpu.memory_space<smem>>
          %get3A_1334 = arith.constant 2 : i32
          %get3A_1335 = arith.index_cast %get3A_1334 : i32 to index
          %get3A_1336 = memref.load %arg11[%get3A_1335] : memref<4xf32, #tpu.memory_space<smem>>
          %get3A_1337 = arith.constant 0 : i32
          %get3A_1338 = arith.index_cast %get3A_1337 : i32 to index
          %get3A_1339 = memref.load %arg12[%get3A_1338] : memref<4xi32, #tpu.memory_space<smem>>
          %get3A_1340 = arith.constant 1 : i32
          %get3A_1341 = arith.index_cast %get3A_1340 : i32 to index
          %get3A_1342 = memref.load %arg12[%get3A_1341] : memref<4xi32, #tpu.memory_space<smem>>
          %get3A_1343 = arith.constant 2 : i32
          %get3A_1344 = arith.index_cast %get3A_1343 : i32 to index
          %get3A_1345 = memref.load %arg12[%get3A_1344] : memref<4xi32, #tpu.memory_space<smem>>
          %gt3A_1346 = arith.cmpf ogt, %reduce_max3A_1310, %get3A_1330 : f32
          %eq3A_1347 = arith.cmpf oeq, %reduce_max3A_1310, %get3A_1330 : f32
          %lt3A_1348 = arith.cmpi slt, %add3A_1327, %get3A_1339 : i32
          %and3A_1349 = arith.andi %eq3A_1347, %lt3A_1348 : i1
          %or3A_1350 = arith.ori %gt3A_1346, %and3A_1349 : i1
          %gt3A_1351 = arith.cmpf ogt, %reduce_max3A_1310, %get3A_1333 : f32
          %eq3A_1352 = arith.cmpf oeq, %reduce_max3A_1310, %get3A_1333 : f32
          %lt3A_1353 = arith.cmpi slt, %add3A_1327, %get3A_1342 : i32
          %and3A_1354 = arith.andi %eq3A_1352, %lt3A_1353 : i1
          %or3A_1355 = arith.ori %gt3A_1351, %and3A_1354 : i1
          %gt3A_1356 = arith.cmpf ogt, %reduce_max3A_1310, %get3A_1336 : f32
          %eq3A_1357 = arith.cmpf oeq, %reduce_max3A_1310, %get3A_1336 : f32
          %lt3A_1358 = arith.cmpi slt, %add3A_1327, %get3A_1345 : i32
          %and3A_1359 = arith.andi %eq3A_1357, %lt3A_1358 : i1
          %or3A_1360 = arith.ori %gt3A_1356, %and3A_1359 : i1
          %select_n3A_1361 = arith.select %or3A_1350, %reduce_max3A_1310, %get3A_1330 : f32
          %swap3A_1362 = arith.constant 0 : i32
          %swap3A_1363 = arith.index_cast %swap3A_1362 : i32 to index
          %swap3A_1364 = memref.load %arg11[%swap3A_1363] : memref<4xf32, #tpu.memory_space<smem>>
          memref.store %select_n3A_1361, %arg11[%swap3A_1363] : memref<4xf32, #tpu.memory_space<smem>>
          %select_n3A_1365 = arith.select %or3A_1350, %add3A_1327, %get3A_1339 : i32
          %swap3A_1366 = arith.constant 0 : i32
          %swap3A_1367 = arith.index_cast %swap3A_1366 : i32 to index
          %swap3A_1368 = memref.load %arg12[%swap3A_1367] : memref<4xi32, #tpu.memory_space<smem>>
          memref.store %select_n3A_1365, %arg12[%swap3A_1367] : memref<4xi32, #tpu.memory_space<smem>>
          %select_n3A_1369 = arith.select %or3A_1355, %reduce_max3A_1310, %get3A_1333 : f32
          %select_n3A_1370 = arith.select %or3A_1350, %get3A_1330, %select_n3A_1369 : f32
          %swap3A_1371 = arith.constant 1 : i32
          %swap3A_1372 = arith.index_cast %swap3A_1371 : i32 to index
          %swap3A_1373 = memref.load %arg11[%swap3A_1372] : memref<4xf32, #tpu.memory_space<smem>>
          memref.store %select_n3A_1370, %arg11[%swap3A_1372] : memref<4xf32, #tpu.memory_space<smem>>
          %select_n3A_1374 = arith.select %or3A_1355, %add3A_1327, %get3A_1342 : i32
          %select_n3A_1375 = arith.select %or3A_1350, %get3A_1339, %select_n3A_1374 : i32
          %swap3A_1376 = arith.constant 1 : i32
          %swap3A_1377 = arith.index_cast %swap3A_1376 : i32 to index
          %swap3A_1378 = memref.load %arg12[%swap3A_1377] : memref<4xi32, #tpu.memory_space<smem>>
          memref.store %select_n3A_1375, %arg12[%swap3A_1377] : memref<4xi32, #tpu.memory_space<smem>>
          %select_n3A_1379 = arith.select %or3A_1360, %reduce_max3A_1310, %get3A_1336 : f32
          %select_n3A_1380 = arith.select %or3A_1355, %get3A_1333, %select_n3A_1379 : f32
          %swap3A_1381 = arith.constant 2 : i32
          %swap3A_1382 = arith.index_cast %swap3A_1381 : i32 to index
          %swap3A_1383 = memref.load %arg11[%swap3A_1382] : memref<4xf32, #tpu.memory_space<smem>>
          memref.store %select_n3A_1380, %arg11[%swap3A_1382] : memref<4xf32, #tpu.memory_space<smem>>
          %select_n3A_1384 = arith.select %or3A_1360, %add3A_1327, %get3A_1345 : i32
          %select_n3A_1385 = arith.select %or3A_1355, %get3A_1342, %select_n3A_1384 : i32
          %swap3A_1386 = arith.constant 2 : i32
          %swap3A_1387 = arith.index_cast %swap3A_1386 : i32 to index
          %swap3A_1388 = memref.load %arg12[%swap3A_1387] : memref<4xi32, #tpu.memory_space<smem>>
          memref.store %select_n3A_1385, %arg12[%swap3A_1387] : memref<4xi32, #tpu.memory_space<smem>>
          %eq3A_1389 = vector.broadcast %reduce_min3A_1323 : i32 to vector<16xi32>
          %eq3A_1390 = arith.cmpi eq, %iota3A, %eq3A_1389 : vector<16xi32>
          %jit3A_1391 = arith.constant 0xFF800000 : f32
          %broadcast_in_dim3A_1392 = vector.broadcast %jit3A_1391 : f32 to vector<16xf32>
          %select_n3A_1393 = arith.select %eq3A_1390, %broadcast_in_dim3A_1392, %select_n3A_1306 : vector<16xi1>, vector<16xf32>
          %reduce_max3A_1394 = arith.constant true
          %reduce_max3A_1395 = vector.broadcast %reduce_max3A_1394 : i1 to vector<16xi1>
          %reduce_max3A_1396 = tpu.scan <max>, %select_n3A_1393 masked %reduce_max3A_1395 : vector<16xf32>, vector<16xi1> -> vector<16xf32>
          %reduce_max3A_1397 = vector.extract %reduce_max3A_1396[15] : f32 from vector<16xf32>
          %eq3A_1398 = vector.broadcast %reduce_max3A_1397 : f32 to vector<16xf32>
          %eq3A_1399 = arith.cmpf oeq, %select_n3A_1393, %eq3A_1398 : vector<16xf32>
          %jit3A_1400 = arith.constant 1073741824 : i32
          %broadcast_in_dim3A_1401 = vector.broadcast %jit3A_1400 : i32 to vector<16xi32>
          %select_n3A_1402 = arith.select %eq3A_1399, %iota3A, %broadcast_in_dim3A_1401 : vector<16xi1>, vector<16xi32>
          %reduce_min3A_1403 = arith.constant true
          %reduce_min3A_1404 = vector.broadcast %reduce_min3A_1403 : i1 to vector<16xi1>
          %reduce_min3A_1405 = arith.constant -2147483648 : i32
          %reduce_min3A_1406 = vector.broadcast %reduce_min3A_1405 : i32 to vector<16xi32>
          %reduce_min3A_1407 = arith.xori %select_n3A_1402, %reduce_min3A_1406 : vector<16xi32>
          %reduce_min3A_1408 = tpu.scan <min>, %reduce_min3A_1407 masked %reduce_min3A_1404 : vector<16xi32>, vector<16xi1> -> vector<16xi32>
          %reduce_min3A_1409 = arith.xori %reduce_min3A_1408, %reduce_min3A_1406 : vector<16xi32>
          %reduce_min3A_1410 = vector.extract %reduce_min3A_1409[15] : i32 from vector<16xi32>
          %mul3A_1411 = arith.constant 16 : i32
          %mul3A_1412 = arith.muli %scan3A_143, %mul3A_1411 : i32
          %add3A_1413 = arith.addi %add3A_112, %mul3A_1412 : i32
          %add3A_1414 = arith.addi %add3A_1413, %reduce_min3A_1410 : i32
          %get3A_1415 = arith.constant 0 : i32
          %get3A_1416 = arith.index_cast %get3A_1415 : i32 to index
          %get3A_1417 = memref.load %arg11[%get3A_1416] : memref<4xf32, #tpu.memory_space<smem>>
          %get3A_1418 = arith.constant 1 : i32
          %get3A_1419 = arith.index_cast %get3A_1418 : i32 to index
          %get3A_1420 = memref.load %arg11[%get3A_1419] : memref<4xf32, #tpu.memory_space<smem>>
          %get3A_1421 = arith.constant 2 : i32
          %get3A_1422 = arith.index_cast %get3A_1421 : i32 to index
          %get3A_1423 = memref.load %arg11[%get3A_1422] : memref<4xf32, #tpu.memory_space<smem>>
          %get3A_1424 = arith.constant 0 : i32
          %get3A_1425 = arith.index_cast %get3A_1424 : i32 to index
          %get3A_1426 = memref.load %arg12[%get3A_1425] : memref<4xi32, #tpu.memory_space<smem>>
          %get3A_1427 = arith.constant 1 : i32
          %get3A_1428 = arith.index_cast %get3A_1427 : i32 to index
          %get3A_1429 = memref.load %arg12[%get3A_1428] : memref<4xi32, #tpu.memory_space<smem>>
          %get3A_1430 = arith.constant 2 : i32
          %get3A_1431 = arith.index_cast %get3A_1430 : i32 to index
          %get3A_1432 = memref.load %arg12[%get3A_1431] : memref<4xi32, #tpu.memory_space<smem>>
          %gt3A_1433 = arith.cmpf ogt, %reduce_max3A_1397, %get3A_1417 : f32
          %eq3A_1434 = arith.cmpf oeq, %reduce_max3A_1397, %get3A_1417 : f32
          %lt3A_1435 = arith.cmpi slt, %add3A_1414, %get3A_1426 : i32
          %and3A_1436 = arith.andi %eq3A_1434, %lt3A_1435 : i1
          %or3A_1437 = arith.ori %gt3A_1433, %and3A_1436 : i1
          %gt3A_1438 = arith.cmpf ogt, %reduce_max3A_1397, %get3A_1420 : f32
          %eq3A_1439 = arith.cmpf oeq, %reduce_max3A_1397, %get3A_1420 : f32
          %lt3A_1440 = arith.cmpi slt, %add3A_1414, %get3A_1429 : i32
          %and3A_1441 = arith.andi %eq3A_1439, %lt3A_1440 : i1
          %or3A_1442 = arith.ori %gt3A_1438, %and3A_1441 : i1
          %gt3A_1443 = arith.cmpf ogt, %reduce_max3A_1397, %get3A_1423 : f32
          %eq3A_1444 = arith.cmpf oeq, %reduce_max3A_1397, %get3A_1423 : f32
          %lt3A_1445 = arith.cmpi slt, %add3A_1414, %get3A_1432 : i32
          %and3A_1446 = arith.andi %eq3A_1444, %lt3A_1445 : i1
          %or3A_1447 = arith.ori %gt3A_1443, %and3A_1446 : i1
          %select_n3A_1448 = arith.select %or3A_1437, %reduce_max3A_1397, %get3A_1417 : f32
          %swap3A_1449 = arith.constant 0 : i32
          %swap3A_1450 = arith.index_cast %swap3A_1449 : i32 to index
          %swap3A_1451 = memref.load %arg11[%swap3A_1450] : memref<4xf32, #tpu.memory_space<smem>>
          memref.store %select_n3A_1448, %arg11[%swap3A_1450] : memref<4xf32, #tpu.memory_space<smem>>
          %select_n3A_1452 = arith.select %or3A_1437, %add3A_1414, %get3A_1426 : i32
          %swap3A_1453 = arith.constant 0 : i32
          %swap3A_1454 = arith.index_cast %swap3A_1453 : i32 to index
          %swap3A_1455 = memref.load %arg12[%swap3A_1454] : memref<4xi32, #tpu.memory_space<smem>>
          memref.store %select_n3A_1452, %arg12[%swap3A_1454] : memref<4xi32, #tpu.memory_space<smem>>
          %select_n3A_1456 = arith.select %or3A_1442, %reduce_max3A_1397, %get3A_1420 : f32
          %select_n3A_1457 = arith.select %or3A_1437, %get3A_1417, %select_n3A_1456 : f32
          %swap3A_1458 = arith.constant 1 : i32
          %swap3A_1459 = arith.index_cast %swap3A_1458 : i32 to index
          %swap3A_1460 = memref.load %arg11[%swap3A_1459] : memref<4xf32, #tpu.memory_space<smem>>
          memref.store %select_n3A_1457, %arg11[%swap3A_1459] : memref<4xf32, #tpu.memory_space<smem>>
          %select_n3A_1461 = arith.select %or3A_1442, %add3A_1414, %get3A_1429 : i32
          %select_n3A_1462 = arith.select %or3A_1437, %get3A_1426, %select_n3A_1461 : i32
          %swap3A_1463 = arith.constant 1 : i32
          %swap3A_1464 = arith.index_cast %swap3A_1463 : i32 to index
          %swap3A_1465 = memref.load %arg12[%swap3A_1464] : memref<4xi32, #tpu.memory_space<smem>>
          memref.store %select_n3A_1462, %arg12[%swap3A_1464] : memref<4xi32, #tpu.memory_space<smem>>
          %select_n3A_1466 = arith.select %or3A_1447, %reduce_max3A_1397, %get3A_1423 : f32
          %select_n3A_1467 = arith.select %or3A_1442, %get3A_1420, %select_n3A_1466 : f32
          %swap3A_1468 = arith.constant 2 : i32
          %swap3A_1469 = arith.index_cast %swap3A_1468 : i32 to index
          %swap3A_1470 = memref.load %arg11[%swap3A_1469] : memref<4xf32, #tpu.memory_space<smem>>
          memref.store %select_n3A_1467, %arg11[%swap3A_1469] : memref<4xf32, #tpu.memory_space<smem>>
          %select_n3A_1471 = arith.select %or3A_1447, %add3A_1414, %get3A_1432 : i32
          %select_n3A_1472 = arith.select %or3A_1442, %get3A_1429, %select_n3A_1471 : i32
          %swap3A_1473 = arith.constant 2 : i32
          %swap3A_1474 = arith.index_cast %swap3A_1473 : i32 to index
          %swap3A_1475 = memref.load %arg12[%swap3A_1474] : memref<4xi32, #tpu.memory_space<smem>>
          memref.store %select_n3A_1472, %arg12[%swap3A_1474] : memref<4xi32, #tpu.memory_space<smem>>
          %eq3A_1476 = vector.broadcast %reduce_min3A_1410 : i32 to vector<16xi32>
          %eq3A_1477 = arith.cmpi eq, %iota3A, %eq3A_1476 : vector<16xi32>
          %jit3A_1478 = arith.constant 0xFF800000 : f32
          %broadcast_in_dim3A_1479 = vector.broadcast %jit3A_1478 : f32 to vector<16xf32>
          %select_n3A_1480 = arith.select %eq3A_1477, %broadcast_in_dim3A_1479, %select_n3A_1393 : vector<16xi1>, vector<16xf32>
        } else {
        }
      }
      %scan3A_118 = arith.constant 31 : i32
      %add3A_119 = arith.constant 1 : i32
      %add3A_120 = arith.addi %mul3A_94, %add3A_119 : i32
      %mul3A_121 = arith.constant 496 : i32
      %mul3A_122 = arith.muli %add3A_120, %mul3A_121 : i32
      %add3A_123 = arith.addi %add3A_4, %mul3A_122 : i32
      %mul3A_124 = arith.constant 64 : i32
      %mul3A_125 = arith.muli %add3A_123, %mul3A_124 : i32
      %dma_wait3A_126 = tpu.memref_slice %arg2[%mul3A_125] : memref<64000000xf32, #tpu.memory_space<hbm>> -> memref<31744xf32, #tpu.memory_space<hbm>>
      %dma_wait3A_127 = tpu.memref_slice %arg2[%mul3A_125] : memref<64000000xf32, #tpu.memory_space<hbm>> -> memref<31744xf32, #tpu.memory_space<hbm>>
      tpu.wait_dma2 semaphore(%arg14 : memref<!tpu.dma_semaphore, #tpu.memory_space<semaphore_mem>>) src(%dma_wait3A_127 : memref<31744xf32, #tpu.memory_space<hbm>>) dst(%arg7 : memref<31744xf32, #tpu.memory_space<vmem>>)
      %add3A_128 = arith.constant 2 : i32
      %add3A_129 = arith.addi %mul3A_94, %add3A_128 : i32
      %lt3A = arith.constant 32 : i32
      %lt3A_130 = arith.cmpi slt, %add3A_129, %lt3A : i32
      %convert_element_type3A = arith.extui %lt3A_130 : i1 to i32
      %cond3A = arith.constant 0 : i32
      %cond3A_131 = arith.cmpi ne, %convert_element_type3A, %cond3A : i32
      scf.if %cond3A_131 {
        %add3A_143 = arith.constant 2 : i32
        %add3A_144 = arith.addi %mul3A_94, %add3A_143 : i32
        %mul3A_145 = arith.constant 496 : i32
        %mul3A_146 = arith.muli %add3A_144, %mul3A_145 : i32
        %add3A_147 = arith.addi %add3A_4, %mul3A_146 : i32
        %mul3A_148 = arith.constant 64 : i32
        %mul3A_149 = arith.muli %add3A_147, %mul3A_148 : i32
        %dma_start3A_150 = tpu.memref_slice %arg2[%mul3A_149] : memref<64000000xf32, #tpu.memory_space<hbm>> -> memref<31744xf32, #tpu.memory_space<hbm>>
        %dma_start3A_151 = tpu.memref_slice %arg2[%mul3A_149] : memref<64000000xf32, #tpu.memory_space<hbm>> -> memref<31744xf32, #tpu.memory_space<hbm>>
        tpu.enqueue_dma source(%dma_start3A_151 : memref<31744xf32, #tpu.memory_space<hbm>>) target(%arg6 : memref<31744xf32, #tpu.memory_space<vmem>>) target_semaphore(%arg13 : memref<!tpu.dma_semaphore, #tpu.memory_space<semaphore_mem>>)
      } else {
      }
      %add3A_132 = arith.constant 1 : i32
      %add3A_133 = arith.addi %mul3A_94, %add3A_132 : i32
      %mul3A_134 = arith.constant 496 : i32
      %mul3A_135 = arith.muli %add3A_133, %mul3A_134 : i32
      %add3A_136 = arith.addi %add3A_4, %mul3A_135 : i32
      %scan3A_137 = arith.constant 0 : i32
      %scan3A_138 = arith.constant 0 : i32
      %scan3A_139 = arith.constant 31 : i32
      %scan3A_140 = arith.addi %scan3A_138, %scan3A_139 : i32
      %scan3A_141 = arith.constant 1 : i32
      scf.for %scan3A_143 = %scan3A_138 to %scan3A_140 step %scan3A_141  : i32 {
        %mul3A_144 = arith.constant 1024 : i32
        %mul3A_145 = arith.muli %scan3A_143, %mul3A_144 : i32
        %add3A_146 = vector.broadcast %mul3A_145 : i32 to vector<16xi32>
        %add3A_147 = arith.addi %mul3A_30, %add3A_146 : vector<16xi32>
        %broadcast_in_dim3A_148 = arith.constant 0.000000e+00 : f32
        %broadcast_in_dim3A_149 = vector.broadcast %broadcast_in_dim3A_148 : f32 to vector<16xf32>
        %add3A_150 = arith.constant 0 : i32
        %add3A_151 = vector.broadcast %add3A_150 : i32 to vector<16xi32>
        %add3A_152 = arith.addi %iota3A, %add3A_151 : vector<16xi32>
        %and3A = arith.constant 63 : i32
        %and3A_153 = vector.broadcast %and3A : i32 to vector<16xi32>
        %and3A_154 = arith.andi %add3A_152, %and3A_153 : vector<16xi32>
        %add3A_155 = arith.addi %add3A_147, %and3A_154 : vector<16xi32>
        %gather3A = tpu.vector_load_idx %arg7[%add3A_155] : memref<31744xf32, #tpu.memory_space<vmem>>[vector<16xi32>], vector<16xf32>,
        %get3A_156 = arith.constant 0 : i32
        %get3A_157 = arith.index_cast %get3A_156 : i32 to index
        %get3A_158 = arith.constant 0 : index
        %get3A_159 = tpu.vector_load %arg8[%get3A_157, %get3A_158] {strides = array<i32>} : memref<64x16xf32, #tpu.memory_space<vmem>>, vector<16xf32>,
        %mul3A_160 = arith.mulf %gather3A, %get3A_159 : vector<16xf32>
        %add3A_161 = arith.addf %broadcast_in_dim3A_149, %mul3A_160 : vector<16xf32>
        %mul3A_162 = arith.mulf %gather3A, %gather3A : vector<16xf32>
        %add3A_163 = arith.addf %broadcast_in_dim3A_149, %mul3A_162 : vector<16xf32>
        %add3A_164 = arith.constant 1 : i32
        %add3A_165 = vector.broadcast %add3A_164 : i32 to vector<16xi32>
        %add3A_166 = arith.addi %iota3A, %add3A_165 : vector<16xi32>
        %and3A_167 = arith.constant 63 : i32
        %and3A_168 = vector.broadcast %and3A_167 : i32 to vector<16xi32>
        %and3A_169 = arith.andi %add3A_166, %and3A_168 : vector<16xi32>
        %add3A_170 = arith.addi %add3A_147, %and3A_169 : vector<16xi32>
        %gather3A_171 = tpu.vector_load_idx %arg7[%add3A_170] : memref<31744xf32, #tpu.memory_space<vmem>>[vector<16xi32>], vector<16xf32>,
        %get3A_172 = arith.constant 1 : i32
        %get3A_173 = arith.index_cast %get3A_172 : i32 to index
        %get3A_174 = arith.constant 0 : index
        %get3A_175 = tpu.vector_load %arg8[%get3A_173, %get3A_174] {strides = array<i32>} : memref<64x16xf32, #tpu.memory_space<vmem>>, vector<16xf32>,
        %mul3A_176 = arith.mulf %gather3A_171, %get3A_175 : vector<16xf32>
        %add3A_177 = arith.addf %broadcast_in_dim3A_149, %mul3A_176 : vector<16xf32>
        %mul3A_178 = arith.mulf %gather3A_171, %gather3A_171 : vector<16xf32>
        %add3A_179 = arith.addf %broadcast_in_dim3A_149, %mul3A_178 : vector<16xf32>
        %add3A_180 = arith.constant 2 : i32
        %add3A_181 = vector.broadcast %add3A_180 : i32 to vector<16xi32>
        %add3A_182 = arith.addi %iota3A, %add3A_181 : vector<16xi32>
        %and3A_183 = arith.constant 63 : i32
        %and3A_184 = vector.broadcast %and3A_183 : i32 to vector<16xi32>
        %and3A_185 = arith.andi %add3A_182, %and3A_184 : vector<16xi32>
        %add3A_186 = arith.addi %add3A_147, %and3A_185 : vector<16xi32>
        %gather3A_187 = tpu.vector_load_idx %arg7[%add3A_186] : memref<31744xf32, #tpu.memory_space<vmem>>[vector<16xi32>], vector<16xf32>,
        %get3A_188 = arith.constant 2 : i32
        %get3A_189 = arith.index_cast %get3A_188 : i32 to index
        %get3A_190 = arith.constant 0 : index
        %get3A_191 = tpu.vector_load %arg8[%get3A_189, %get3A_190] {strides = array<i32>} : memref<64x16xf32, #tpu.memory_space<vmem>>, vector<16xf32>,
        %mul3A_192 = arith.mulf %gather3A_187, %get3A_191 : vector<16xf32>
        %add3A_193 = arith.addf %broadcast_in_dim3A_149, %mul3A_192 : vector<16xf32>
        %mul3A_194 = arith.mulf %gather3A_187, %gather3A_187 : vector<16xf32>
        %add3A_195 = arith.addf %broadcast_in_dim3A_149, %mul3A_194 : vector<16xf32>
        %add3A_196 = arith.constant 3 : i32
        %add3A_197 = vector.broadcast %add3A_196 : i32 to vector<16xi32>
        %add3A_198 = arith.addi %iota3A, %add3A_197 : vector<16xi32>
        %and3A_199 = arith.constant 63 : i32
        %and3A_200 = vector.broadcast %and3A_199 : i32 to vector<16xi32>
        %and3A_201 = arith.andi %add3A_198, %and3A_200 : vector<16xi32>
        %add3A_202 = arith.addi %add3A_147, %and3A_201 : vector<16xi32>
        %gather3A_203 = tpu.vector_load_idx %arg7[%add3A_202] : memref<31744xf32, #tpu.memory_space<vmem>>[vector<16xi32>], vector<16xf32>,
        %get3A_204 = arith.constant 3 : i32
        %get3A_205 = arith.index_cast %get3A_204 : i32 to index
        %get3A_206 = arith.constant 0 : index
        %get3A_207 = tpu.vector_load %arg8[%get3A_205, %get3A_206] {strides = array<i32>} : memref<64x16xf32, #tpu.memory_space<vmem>>, vector<16xf32>,
        %mul3A_208 = arith.mulf %gather3A_203, %get3A_207 : vector<16xf32>
        %add3A_209 = arith.addf %broadcast_in_dim3A_149, %mul3A_208 : vector<16xf32>
        %mul3A_210 = arith.mulf %gather3A_203, %gather3A_203 : vector<16xf32>
        %add3A_211 = arith.addf %broadcast_in_dim3A_149, %mul3A_210 : vector<16xf32>
        %add3A_212 = arith.constant 4 : i32
        %add3A_213 = vector.broadcast %add3A_212 : i32 to vector<16xi32>
        %add3A_214 = arith.addi %iota3A, %add3A_213 : vector<16xi32>
        %and3A_215 = arith.constant 63 : i32
        %and3A_216 = vector.broadcast %and3A_215 : i32 to vector<16xi32>
        %and3A_217 = arith.andi %add3A_214, %and3A_216 : vector<16xi32>
        %add3A_218 = arith.addi %add3A_147, %and3A_217 : vector<16xi32>
        %gather3A_219 = tpu.vector_load_idx %arg7[%add3A_218] : memref<31744xf32, #tpu.memory_space<vmem>>[vector<16xi32>], vector<16xf32>,
        %get3A_220 = arith.constant 4 : i32
        %get3A_221 = arith.index_cast %get3A_220 : i32 to index
        %get3A_222 = arith.constant 0 : index
        %get3A_223 = tpu.vector_load %arg8[%get3A_221, %get3A_222] {strides = array<i32>} : memref<64x16xf32, #tpu.memory_space<vmem>>, vector<16xf32>,
        %mul3A_224 = arith.mulf %gather3A_219, %get3A_223 : vector<16xf32>
        %add3A_225 = arith.addf %add3A_161, %mul3A_224 : vector<16xf32>
        %mul3A_226 = arith.mulf %gather3A_219, %gather3A_219 : vector<16xf32>
        %add3A_227 = arith.addf %add3A_163, %mul3A_226 : vector<16xf32>
        %add3A_228 = arith.constant 5 : i32
        %add3A_229 = vector.broadcast %add3A_228 : i32 to vector<16xi32>
        %add3A_230 = arith.addi %iota3A, %add3A_229 : vector<16xi32>
        %and3A_231 = arith.constant 63 : i32
        %and3A_232 = vector.broadcast %and3A_231 : i32 to vector<16xi32>
        %and3A_233 = arith.andi %add3A_230, %and3A_232 : vector<16xi32>
        %add3A_234 = arith.addi %add3A_147, %and3A_233 : vector<16xi32>
        %gather3A_235 = tpu.vector_load_idx %arg7[%add3A_234] : memref<31744xf32, #tpu.memory_space<vmem>>[vector<16xi32>], vector<16xf32>,
        %get3A_236 = arith.constant 5 : i32
        %get3A_237 = arith.index_cast %get3A_236 : i32 to index
        %get3A_238 = arith.constant 0 : index
        %get3A_239 = tpu.vector_load %arg8[%get3A_237, %get3A_238] {strides = array<i32>} : memref<64x16xf32, #tpu.memory_space<vmem>>, vector<16xf32>,
        %mul3A_240 = arith.mulf %gather3A_235, %get3A_239 : vector<16xf32>
        %add3A_241 = arith.addf %add3A_177, %mul3A_240 : vector<16xf32>
        %mul3A_242 = arith.mulf %gather3A_235, %gather3A_235 : vector<16xf32>
        %add3A_243 = arith.addf %add3A_179, %mul3A_242 : vector<16xf32>
        %add3A_244 = arith.constant 6 : i32
        %add3A_245 = vector.broadcast %add3A_244 : i32 to vector<16xi32>
        %add3A_246 = arith.addi %iota3A, %add3A_245 : vector<16xi32>
        %and3A_247 = arith.constant 63 : i32
        %and3A_248 = vector.broadcast %and3A_247 : i32 to vector<16xi32>
        %and3A_249 = arith.andi %add3A_246, %and3A_248 : vector<16xi32>
        %add3A_250 = arith.addi %add3A_147, %and3A_249 : vector<16xi32>
        %gather3A_251 = tpu.vector_load_idx %arg7[%add3A_250] : memref<31744xf32, #tpu.memory_space<vmem>>[vector<16xi32>], vector<16xf32>,
        %get3A_252 = arith.constant 6 : i32
        %get3A_253 = arith.index_cast %get3A_252 : i32 to index
        %get3A_254 = arith.constant 0 : index
        %get3A_255 = tpu.vector_load %arg8[%get3A_253, %get3A_254] {strides = array<i32>} : memref<64x16xf32, #tpu.memory_space<vmem>>, vector<16xf32>,
        %mul3A_256 = arith.mulf %gather3A_251, %get3A_255 : vector<16xf32>
        %add3A_257 = arith.addf %add3A_193, %mul3A_256 : vector<16xf32>
        %mul3A_258 = arith.mulf %gather3A_251, %gather3A_251 : vector<16xf32>
        %add3A_259 = arith.addf %add3A_195, %mul3A_258 : vector<16xf32>
        %add3A_260 = arith.constant 7 : i32
        %add3A_261 = vector.broadcast %add3A_260 : i32 to vector<16xi32>
        %add3A_262 = arith.addi %iota3A, %add3A_261 : vector<16xi32>
        %and3A_263 = arith.constant 63 : i32
        %and3A_264 = vector.broadcast %and3A_263 : i32 to vector<16xi32>
        %and3A_265 = arith.andi %add3A_262, %and3A_264 : vector<16xi32>
        %add3A_266 = arith.addi %add3A_147, %and3A_265 : vector<16xi32>
        %gather3A_267 = tpu.vector_load_idx %arg7[%add3A_266] : memref<31744xf32, #tpu.memory_space<vmem>>[vector<16xi32>], vector<16xf32>,
        %get3A_268 = arith.constant 7 : i32
        %get3A_269 = arith.index_cast %get3A_268 : i32 to index
        %get3A_270 = arith.constant 0 : index
        %get3A_271 = tpu.vector_load %arg8[%get3A_269, %get3A_270] {strides = array<i32>} : memref<64x16xf32, #tpu.memory_space<vmem>>, vector<16xf32>,
        %mul3A_272 = arith.mulf %gather3A_267, %get3A_271 : vector<16xf32>
        %add3A_273 = arith.addf %add3A_209, %mul3A_272 : vector<16xf32>
        %mul3A_274 = arith.mulf %gather3A_267, %gather3A_267 : vector<16xf32>
        %add3A_275 = arith.addf %add3A_211, %mul3A_274 : vector<16xf32>
        %add3A_276 = arith.constant 8 : i32
        %add3A_277 = vector.broadcast %add3A_276 : i32 to vector<16xi32>
        %add3A_278 = arith.addi %iota3A, %add3A_277 : vector<16xi32>
        %and3A_279 = arith.constant 63 : i32
        %and3A_280 = vector.broadcast %and3A_279 : i32 to vector<16xi32>
        %and3A_281 = arith.andi %add3A_278, %and3A_280 : vector<16xi32>
        %add3A_282 = arith.addi %add3A_147, %and3A_281 : vector<16xi32>
        %gather3A_283 = tpu.vector_load_idx %arg7[%add3A_282] : memref<31744xf32, #tpu.memory_space<vmem>>[vector<16xi32>], vector<16xf32>,
        %get3A_284 = arith.constant 8 : i32
        %get3A_285 = arith.index_cast %get3A_284 : i32 to index
        %get3A_286 = arith.constant 0 : index
        %get3A_287 = tpu.vector_load %arg8[%get3A_285, %get3A_286] {strides = array<i32>} : memref<64x16xf32, #tpu.memory_space<vmem>>, vector<16xf32>,
        %mul3A_288 = arith.mulf %gather3A_283, %get3A_287 : vector<16xf32>
        %add3A_289 = arith.addf %add3A_225, %mul3A_288 : vector<16xf32>
        %mul3A_290 = arith.mulf %gather3A_283, %gather3A_283 : vector<16xf32>
        %add3A_291 = arith.addf %add3A_227, %mul3A_290 : vector<16xf32>
        %add3A_292 = arith.constant 9 : i32
        %add3A_293 = vector.broadcast %add3A_292 : i32 to vector<16xi32>
        %add3A_294 = arith.addi %iota3A, %add3A_293 : vector<16xi32>
        %and3A_295 = arith.constant 63 : i32
        %and3A_296 = vector.broadcast %and3A_295 : i32 to vector<16xi32>
        %and3A_297 = arith.andi %add3A_294, %and3A_296 : vector<16xi32>
        %add3A_298 = arith.addi %add3A_147, %and3A_297 : vector<16xi32>
        %gather3A_299 = tpu.vector_load_idx %arg7[%add3A_298] : memref<31744xf32, #tpu.memory_space<vmem>>[vector<16xi32>], vector<16xf32>,
        %get3A_300 = arith.constant 9 : i32
        %get3A_301 = arith.index_cast %get3A_300 : i32 to index
        %get3A_302 = arith.constant 0 : index
        %get3A_303 = tpu.vector_load %arg8[%get3A_301, %get3A_302] {strides = array<i32>} : memref<64x16xf32, #tpu.memory_space<vmem>>, vector<16xf32>,
        %mul3A_304 = arith.mulf %gather3A_299, %get3A_303 : vector<16xf32>
        %add3A_305 = arith.addf %add3A_241, %mul3A_304 : vector<16xf32>
        %mul3A_306 = arith.mulf %gather3A_299, %gather3A_299 : vector<16xf32>
        %add3A_307 = arith.addf %add3A_243, %mul3A_306 : vector<16xf32>
        %add3A_308 = arith.constant 10 : i32
        %add3A_309 = vector.broadcast %add3A_308 : i32 to vector<16xi32>
        %add3A_310 = arith.addi %iota3A, %add3A_309 : vector<16xi32>
        %and3A_311 = arith.constant 63 : i32
        %and3A_312 = vector.broadcast %and3A_311 : i32 to vector<16xi32>
        %and3A_313 = arith.andi %add3A_310, %and3A_312 : vector<16xi32>
        %add3A_314 = arith.addi %add3A_147, %and3A_313 : vector<16xi32>
        %gather3A_315 = tpu.vector_load_idx %arg7[%add3A_314] : memref<31744xf32, #tpu.memory_space<vmem>>[vector<16xi32>], vector<16xf32>,
        %get3A_316 = arith.constant 10 : i32
        %get3A_317 = arith.index_cast %get3A_316 : i32 to index
        %get3A_318 = arith.constant 0 : index
        %get3A_319 = tpu.vector_load %arg8[%get3A_317, %get3A_318] {strides = array<i32>} : memref<64x16xf32, #tpu.memory_space<vmem>>, vector<16xf32>,
        %mul3A_320 = arith.mulf %gather3A_315, %get3A_319 : vector<16xf32>
        %add3A_321 = arith.addf %add3A_257, %mul3A_320 : vector<16xf32>
        %mul3A_322 = arith.mulf %gather3A_315, %gather3A_315 : vector<16xf32>
        %add3A_323 = arith.addf %add3A_259, %mul3A_322 : vector<16xf32>
        %add3A_324 = arith.constant 11 : i32
        %add3A_325 = vector.broadcast %add3A_324 : i32 to vector<16xi32>
        %add3A_326 = arith.addi %iota3A, %add3A_325 : vector<16xi32>
        %and3A_327 = arith.constant 63 : i32
        %and3A_328 = vector.broadcast %and3A_327 : i32 to vector<16xi32>
        %and3A_329 = arith.andi %add3A_326, %and3A_328 : vector<16xi32>
        %add3A_330 = arith.addi %add3A_147, %and3A_329 : vector<16xi32>
        %gather3A_331 = tpu.vector_load_idx %arg7[%add3A_330] : memref<31744xf32, #tpu.memory_space<vmem>>[vector<16xi32>], vector<16xf32>,
        %get3A_332 = arith.constant 11 : i32
        %get3A_333 = arith.index_cast %get3A_332 : i32 to index
        %get3A_334 = arith.constant 0 : index
        %get3A_335 = tpu.vector_load %arg8[%get3A_333, %get3A_334] {strides = array<i32>} : memref<64x16xf32, #tpu.memory_space<vmem>>, vector<16xf32>,
        %mul3A_336 = arith.mulf %gather3A_331, %get3A_335 : vector<16xf32>
        %add3A_337 = arith.addf %add3A_273, %mul3A_336 : vector<16xf32>
        %mul3A_338 = arith.mulf %gather3A_331, %gather3A_331 : vector<16xf32>
        %add3A_339 = arith.addf %add3A_275, %mul3A_338 : vector<16xf32>
        %add3A_340 = arith.constant 12 : i32
        %add3A_341 = vector.broadcast %add3A_340 : i32 to vector<16xi32>
        %add3A_342 = arith.addi %iota3A, %add3A_341 : vector<16xi32>
        %and3A_343 = arith.constant 63 : i32
        %and3A_344 = vector.broadcast %and3A_343 : i32 to vector<16xi32>
        %and3A_345 = arith.andi %add3A_342, %and3A_344 : vector<16xi32>
        %add3A_346 = arith.addi %add3A_147, %and3A_345 : vector<16xi32>
        %gather3A_347 = tpu.vector_load_idx %arg7[%add3A_346] : memref<31744xf32, #tpu.memory_space<vmem>>[vector<16xi32>], vector<16xf32>,
        %get3A_348 = arith.constant 12 : i32
        %get3A_349 = arith.index_cast %get3A_348 : i32 to index
        %get3A_350 = arith.constant 0 : index
        %get3A_351 = tpu.vector_load %arg8[%get3A_349, %get3A_350] {strides = array<i32>} : memref<64x16xf32, #tpu.memory_space<vmem>>, vector<16xf32>,
        %mul3A_352 = arith.mulf %gather3A_347, %get3A_351 : vector<16xf32>
        %add3A_353 = arith.addf %add3A_289, %mul3A_352 : vector<16xf32>
        %mul3A_354 = arith.mulf %gather3A_347, %gather3A_347 : vector<16xf32>
        %add3A_355 = arith.addf %add3A_291, %mul3A_354 : vector<16xf32>
        %add3A_356 = arith.constant 13 : i32
        %add3A_357 = vector.broadcast %add3A_356 : i32 to vector<16xi32>
        %add3A_358 = arith.addi %iota3A, %add3A_357 : vector<16xi32>
        %and3A_359 = arith.constant 63 : i32
        %and3A_360 = vector.broadcast %and3A_359 : i32 to vector<16xi32>
        %and3A_361 = arith.andi %add3A_358, %and3A_360 : vector<16xi32>
        %add3A_362 = arith.addi %add3A_147, %and3A_361 : vector<16xi32>
        %gather3A_363 = tpu.vector_load_idx %arg7[%add3A_362] : memref<31744xf32, #tpu.memory_space<vmem>>[vector<16xi32>], vector<16xf32>,
        %get3A_364 = arith.constant 13 : i32
        %get3A_365 = arith.index_cast %get3A_364 : i32 to index
        %get3A_366 = arith.constant 0 : index
        %get3A_367 = tpu.vector_load %arg8[%get3A_365, %get3A_366] {strides = array<i32>} : memref<64x16xf32, #tpu.memory_space<vmem>>, vector<16xf32>,
        %mul3A_368 = arith.mulf %gather3A_363, %get3A_367 : vector<16xf32>
        %add3A_369 = arith.addf %add3A_305, %mul3A_368 : vector<16xf32>
        %mul3A_370 = arith.mulf %gather3A_363, %gather3A_363 : vector<16xf32>
        %add3A_371 = arith.addf %add3A_307, %mul3A_370 : vector<16xf32>
        %add3A_372 = arith.constant 14 : i32
        %add3A_373 = vector.broadcast %add3A_372 : i32 to vector<16xi32>
        %add3A_374 = arith.addi %iota3A, %add3A_373 : vector<16xi32>
        %and3A_375 = arith.constant 63 : i32
        %and3A_376 = vector.broadcast %and3A_375 : i32 to vector<16xi32>
        %and3A_377 = arith.andi %add3A_374, %and3A_376 : vector<16xi32>
        %add3A_378 = arith.addi %add3A_147, %and3A_377 : vector<16xi32>
        %gather3A_379 = tpu.vector_load_idx %arg7[%add3A_378] : memref<31744xf32, #tpu.memory_space<vmem>>[vector<16xi32>], vector<16xf32>,
        %get3A_380 = arith.constant 14 : i32
        %get3A_381 = arith.index_cast %get3A_380 : i32 to index
        %get3A_382 = arith.constant 0 : index
        %get3A_383 = tpu.vector_load %arg8[%get3A_381, %get3A_382] {strides = array<i32>} : memref<64x16xf32, #tpu.memory_space<vmem>>, vector<16xf32>,
        %mul3A_384 = arith.mulf %gather3A_379, %get3A_383 : vector<16xf32>
        %add3A_385 = arith.addf %add3A_321, %mul3A_384 : vector<16xf32>
        %mul3A_386 = arith.mulf %gather3A_379, %gather3A_379 : vector<16xf32>
        %add3A_387 = arith.addf %add3A_323, %mul3A_386 : vector<16xf32>
        %add3A_388 = arith.constant 15 : i32
        %add3A_389 = vector.broadcast %add3A_388 : i32 to vector<16xi32>
        %add3A_390 = arith.addi %iota3A, %add3A_389 : vector<16xi32>
        %and3A_391 = arith.constant 63 : i32
        %and3A_392 = vector.broadcast %and3A_391 : i32 to vector<16xi32>
        %and3A_393 = arith.andi %add3A_390, %and3A_392 : vector<16xi32>
        %add3A_394 = arith.addi %add3A_147, %and3A_393 : vector<16xi32>
        %gather3A_395 = tpu.vector_load_idx %arg7[%add3A_394] : memref<31744xf32, #tpu.memory_space<vmem>>[vector<16xi32>], vector<16xf32>,
        %get3A_396 = arith.constant 15 : i32
        %get3A_397 = arith.index_cast %get3A_396 : i32 to index
        %get3A_398 = arith.constant 0 : index
        %get3A_399 = tpu.vector_load %arg8[%get3A_397, %get3A_398] {strides = array<i32>} : memref<64x16xf32, #tpu.memory_space<vmem>>, vector<16xf32>,
        %mul3A_400 = arith.mulf %gather3A_395, %get3A_399 : vector<16xf32>
        %add3A_401 = arith.addf %add3A_337, %mul3A_400 : vector<16xf32>
        %mul3A_402 = arith.mulf %gather3A_395, %gather3A_395 : vector<16xf32>
        %add3A_403 = arith.addf %add3A_339, %mul3A_402 : vector<16xf32>
        %add3A_404 = arith.constant 16 : i32
        %add3A_405 = vector.broadcast %add3A_404 : i32 to vector<16xi32>
        %add3A_406 = arith.addi %iota3A, %add3A_405 : vector<16xi32>
        %and3A_407 = arith.constant 63 : i32
        %and3A_408 = vector.broadcast %and3A_407 : i32 to vector<16xi32>
        %and3A_409 = arith.andi %add3A_406, %and3A_408 : vector<16xi32>
        %add3A_410 = arith.addi %add3A_147, %and3A_409 : vector<16xi32>
        %gather3A_411 = tpu.vector_load_idx %arg7[%add3A_410] : memref<31744xf32, #tpu.memory_space<vmem>>[vector<16xi32>], vector<16xf32>,
        %get3A_412 = arith.constant 16 : i32
        %get3A_413 = arith.index_cast %get3A_412 : i32 to index
        %get3A_414 = arith.constant 0 : index
        %get3A_415 = tpu.vector_load %arg8[%get3A_413, %get3A_414] {strides = array<i32>} : memref<64x16xf32, #tpu.memory_space<vmem>>, vector<16xf32>,
        %mul3A_416 = arith.mulf %gather3A_411, %get3A_415 : vector<16xf32>
        %add3A_417 = arith.addf %add3A_353, %mul3A_416 : vector<16xf32>
        %mul3A_418 = arith.mulf %gather3A_411, %gather3A_411 : vector<16xf32>
        %add3A_419 = arith.addf %add3A_355, %mul3A_418 : vector<16xf32>
        %add3A_420 = arith.constant 17 : i32
        %add3A_421 = vector.broadcast %add3A_420 : i32 to vector<16xi32>
        %add3A_422 = arith.addi %iota3A, %add3A_421 : vector<16xi32>
        %and3A_423 = arith.constant 63 : i32
        %and3A_424 = vector.broadcast %and3A_423 : i32 to vector<16xi32>
        %and3A_425 = arith.andi %add3A_422, %and3A_424 : vector<16xi32>
        %add3A_426 = arith.addi %add3A_147, %and3A_425 : vector<16xi32>
        %gather3A_427 = tpu.vector_load_idx %arg7[%add3A_426] : memref<31744xf32, #tpu.memory_space<vmem>>[vector<16xi32>], vector<16xf32>,
        %get3A_428 = arith.constant 17 : i32
        %get3A_429 = arith.index_cast %get3A_428 : i32 to index
        %get3A_430 = arith.constant 0 : index
        %get3A_431 = tpu.vector_load %arg8[%get3A_429, %get3A_430] {strides = array<i32>} : memref<64x16xf32, #tpu.memory_space<vmem>>, vector<16xf32>,
        %mul3A_432 = arith.mulf %gather3A_427, %get3A_431 : vector<16xf32>
        %add3A_433 = arith.addf %add3A_369, %mul3A_432 : vector<16xf32>
        %mul3A_434 = arith.mulf %gather3A_427, %gather3A_427 : vector<16xf32>
        %add3A_435 = arith.addf %add3A_371, %mul3A_434 : vector<16xf32>
        %add3A_436 = arith.constant 18 : i32
        %add3A_437 = vector.broadcast %add3A_436 : i32 to vector<16xi32>
        %add3A_438 = arith.addi %iota3A, %add3A_437 : vector<16xi32>
        %and3A_439 = arith.constant 63 : i32
        %and3A_440 = vector.broadcast %and3A_439 : i32 to vector<16xi32>
        %and3A_441 = arith.andi %add3A_438, %and3A_440 : vector<16xi32>
        %add3A_442 = arith.addi %add3A_147, %and3A_441 : vector<16xi32>
        %gather3A_443 = tpu.vector_load_idx %arg7[%add3A_442] : memref<31744xf32, #tpu.memory_space<vmem>>[vector<16xi32>], vector<16xf32>,
        %get3A_444 = arith.constant 18 : i32
        %get3A_445 = arith.index_cast %get3A_444 : i32 to index
        %get3A_446 = arith.constant 0 : index
        %get3A_447 = tpu.vector_load %arg8[%get3A_445, %get3A_446] {strides = array<i32>} : memref<64x16xf32, #tpu.memory_space<vmem>>, vector<16xf32>,
        %mul3A_448 = arith.mulf %gather3A_443, %get3A_447 : vector<16xf32>
        %add3A_449 = arith.addf %add3A_385, %mul3A_448 : vector<16xf32>
        %mul3A_450 = arith.mulf %gather3A_443, %gather3A_443 : vector<16xf32>
        %add3A_451 = arith.addf %add3A_387, %mul3A_450 : vector<16xf32>
        %add3A_452 = arith.constant 19 : i32
        %add3A_453 = vector.broadcast %add3A_452 : i32 to vector<16xi32>
        %add3A_454 = arith.addi %iota3A, %add3A_453 : vector<16xi32>
        %and3A_455 = arith.constant 63 : i32
        %and3A_456 = vector.broadcast %and3A_455 : i32 to vector<16xi32>
        %and3A_457 = arith.andi %add3A_454, %and3A_456 : vector<16xi32>
        %add3A_458 = arith.addi %add3A_147, %and3A_457 : vector<16xi32>
        %gather3A_459 = tpu.vector_load_idx %arg7[%add3A_458] : memref<31744xf32, #tpu.memory_space<vmem>>[vector<16xi32>], vector<16xf32>,
        %get3A_460 = arith.constant 19 : i32
        %get3A_461 = arith.index_cast %get3A_460 : i32 to index
        %get3A_462 = arith.constant 0 : index
        %get3A_463 = tpu.vector_load %arg8[%get3A_461, %get3A_462] {strides = array<i32>} : memref<64x16xf32, #tpu.memory_space<vmem>>, vector<16xf32>,
        %mul3A_464 = arith.mulf %gather3A_459, %get3A_463 : vector<16xf32>
        %add3A_465 = arith.addf %add3A_401, %mul3A_464 : vector<16xf32>
        %mul3A_466 = arith.mulf %gather3A_459, %gather3A_459 : vector<16xf32>
        %add3A_467 = arith.addf %add3A_403, %mul3A_466 : vector<16xf32>
        %add3A_468 = arith.constant 20 : i32
        %add3A_469 = vector.broadcast %add3A_468 : i32 to vector<16xi32>
        %add3A_470 = arith.addi %iota3A, %add3A_469 : vector<16xi32>
        %and3A_471 = arith.constant 63 : i32
        %and3A_472 = vector.broadcast %and3A_471 : i32 to vector<16xi32>
        %and3A_473 = arith.andi %add3A_470, %and3A_472 : vector<16xi32>
        %add3A_474 = arith.addi %add3A_147, %and3A_473 : vector<16xi32>
        %gather3A_475 = tpu.vector_load_idx %arg7[%add3A_474] : memref<31744xf32, #tpu.memory_space<vmem>>[vector<16xi32>], vector<16xf32>,
        %get3A_476 = arith.constant 20 : i32
        %get3A_477 = arith.index_cast %get3A_476 : i32 to index
        %get3A_478 = arith.constant 0 : index
        %get3A_479 = tpu.vector_load %arg8[%get3A_477, %get3A_478] {strides = array<i32>} : memref<64x16xf32, #tpu.memory_space<vmem>>, vector<16xf32>,
        %mul3A_480 = arith.mulf %gather3A_475, %get3A_479 : vector<16xf32>
        %add3A_481 = arith.addf %add3A_417, %mul3A_480 : vector<16xf32>
        %mul3A_482 = arith.mulf %gather3A_475, %gather3A_475 : vector<16xf32>
        %add3A_483 = arith.addf %add3A_419, %mul3A_482 : vector<16xf32>
        %add3A_484 = arith.constant 21 : i32
        %add3A_485 = vector.broadcast %add3A_484 : i32 to vector<16xi32>
        %add3A_486 = arith.addi %iota3A, %add3A_485 : vector<16xi32>
        %and3A_487 = arith.constant 63 : i32
        %and3A_488 = vector.broadcast %and3A_487 : i32 to vector<16xi32>
        %and3A_489 = arith.andi %add3A_486, %and3A_488 : vector<16xi32>
        %add3A_490 = arith.addi %add3A_147, %and3A_489 : vector<16xi32>
        %gather3A_491 = tpu.vector_load_idx %arg7[%add3A_490] : memref<31744xf32, #tpu.memory_space<vmem>>[vector<16xi32>], vector<16xf32>,
        %get3A_492 = arith.constant 21 : i32
        %get3A_493 = arith.index_cast %get3A_492 : i32 to index
        %get3A_494 = arith.constant 0 : index
        %get3A_495 = tpu.vector_load %arg8[%get3A_493, %get3A_494] {strides = array<i32>} : memref<64x16xf32, #tpu.memory_space<vmem>>, vector<16xf32>,
        %mul3A_496 = arith.mulf %gather3A_491, %get3A_495 : vector<16xf32>
        %add3A_497 = arith.addf %add3A_433, %mul3A_496 : vector<16xf32>
        %mul3A_498 = arith.mulf %gather3A_491, %gather3A_491 : vector<16xf32>
        %add3A_499 = arith.addf %add3A_435, %mul3A_498 : vector<16xf32>
        %add3A_500 = arith.constant 22 : i32
        %add3A_501 = vector.broadcast %add3A_500 : i32 to vector<16xi32>
        %add3A_502 = arith.addi %iota3A, %add3A_501 : vector<16xi32>
        %and3A_503 = arith.constant 63 : i32
        %and3A_504 = vector.broadcast %and3A_503 : i32 to vector<16xi32>
        %and3A_505 = arith.andi %add3A_502, %and3A_504 : vector<16xi32>
        %add3A_506 = arith.addi %add3A_147, %and3A_505 : vector<16xi32>
        %gather3A_507 = tpu.vector_load_idx %arg7[%add3A_506] : memref<31744xf32, #tpu.memory_space<vmem>>[vector<16xi32>], vector<16xf32>,
        %get3A_508 = arith.constant 22 : i32
        %get3A_509 = arith.index_cast %get3A_508 : i32 to index
        %get3A_510 = arith.constant 0 : index
        %get3A_511 = tpu.vector_load %arg8[%get3A_509, %get3A_510] {strides = array<i32>} : memref<64x16xf32, #tpu.memory_space<vmem>>, vector<16xf32>,
        %mul3A_512 = arith.mulf %gather3A_507, %get3A_511 : vector<16xf32>
        %add3A_513 = arith.addf %add3A_449, %mul3A_512 : vector<16xf32>
        %mul3A_514 = arith.mulf %gather3A_507, %gather3A_507 : vector<16xf32>
        %add3A_515 = arith.addf %add3A_451, %mul3A_514 : vector<16xf32>
        %add3A_516 = arith.constant 23 : i32
        %add3A_517 = vector.broadcast %add3A_516 : i32 to vector<16xi32>
        %add3A_518 = arith.addi %iota3A, %add3A_517 : vector<16xi32>
        %and3A_519 = arith.constant 63 : i32
        %and3A_520 = vector.broadcast %and3A_519 : i32 to vector<16xi32>
        %and3A_521 = arith.andi %add3A_518, %and3A_520 : vector<16xi32>
        %add3A_522 = arith.addi %add3A_147, %and3A_521 : vector<16xi32>
        %gather3A_523 = tpu.vector_load_idx %arg7[%add3A_522] : memref<31744xf32, #tpu.memory_space<vmem>>[vector<16xi32>], vector<16xf32>,
        %get3A_524 = arith.constant 23 : i32
        %get3A_525 = arith.index_cast %get3A_524 : i32 to index
        %get3A_526 = arith.constant 0 : index
        %get3A_527 = tpu.vector_load %arg8[%get3A_525, %get3A_526] {strides = array<i32>} : memref<64x16xf32, #tpu.memory_space<vmem>>, vector<16xf32>,
        %mul3A_528 = arith.mulf %gather3A_523, %get3A_527 : vector<16xf32>
        %add3A_529 = arith.addf %add3A_465, %mul3A_528 : vector<16xf32>
        %mul3A_530 = arith.mulf %gather3A_523, %gather3A_523 : vector<16xf32>
        %add3A_531 = arith.addf %add3A_467, %mul3A_530 : vector<16xf32>
        %add3A_532 = arith.constant 24 : i32
        %add3A_533 = vector.broadcast %add3A_532 : i32 to vector<16xi32>
        %add3A_534 = arith.addi %iota3A, %add3A_533 : vector<16xi32>
        %and3A_535 = arith.constant 63 : i32
        %and3A_536 = vector.broadcast %and3A_535 : i32 to vector<16xi32>
        %and3A_537 = arith.andi %add3A_534, %and3A_536 : vector<16xi32>
        %add3A_538 = arith.addi %add3A_147, %and3A_537 : vector<16xi32>
        %gather3A_539 = tpu.vector_load_idx %arg7[%add3A_538] : memref<31744xf32, #tpu.memory_space<vmem>>[vector<16xi32>], vector<16xf32>,
        %get3A_540 = arith.constant 24 : i32
        %get3A_541 = arith.index_cast %get3A_540 : i32 to index
        %get3A_542 = arith.constant 0 : index
        %get3A_543 = tpu.vector_load %arg8[%get3A_541, %get3A_542] {strides = array<i32>} : memref<64x16xf32, #tpu.memory_space<vmem>>, vector<16xf32>,
        %mul3A_544 = arith.mulf %gather3A_539, %get3A_543 : vector<16xf32>
        %add3A_545 = arith.addf %add3A_481, %mul3A_544 : vector<16xf32>
        %mul3A_546 = arith.mulf %gather3A_539, %gather3A_539 : vector<16xf32>
        %add3A_547 = arith.addf %add3A_483, %mul3A_546 : vector<16xf32>
        %add3A_548 = arith.constant 25 : i32
        %add3A_549 = vector.broadcast %add3A_548 : i32 to vector<16xi32>
        %add3A_550 = arith.addi %iota3A, %add3A_549 : vector<16xi32>
        %and3A_551 = arith.constant 63 : i32
        %and3A_552 = vector.broadcast %and3A_551 : i32 to vector<16xi32>
        %and3A_553 = arith.andi %add3A_550, %and3A_552 : vector<16xi32>
        %add3A_554 = arith.addi %add3A_147, %and3A_553 : vector<16xi32>
        %gather3A_555 = tpu.vector_load_idx %arg7[%add3A_554] : memref<31744xf32, #tpu.memory_space<vmem>>[vector<16xi32>], vector<16xf32>,
        %get3A_556 = arith.constant 25 : i32
        %get3A_557 = arith.index_cast %get3A_556 : i32 to index
        %get3A_558 = arith.constant 0 : index
        %get3A_559 = tpu.vector_load %arg8[%get3A_557, %get3A_558] {strides = array<i32>} : memref<64x16xf32, #tpu.memory_space<vmem>>, vector<16xf32>,
        %mul3A_560 = arith.mulf %gather3A_555, %get3A_559 : vector<16xf32>
        %add3A_561 = arith.addf %add3A_497, %mul3A_560 : vector<16xf32>
        %mul3A_562 = arith.mulf %gather3A_555, %gather3A_555 : vector<16xf32>
        %add3A_563 = arith.addf %add3A_499, %mul3A_562 : vector<16xf32>
        %add3A_564 = arith.constant 26 : i32
        %add3A_565 = vector.broadcast %add3A_564 : i32 to vector<16xi32>
        %add3A_566 = arith.addi %iota3A, %add3A_565 : vector<16xi32>
        %and3A_567 = arith.constant 63 : i32
        %and3A_568 = vector.broadcast %and3A_567 : i32 to vector<16xi32>
        %and3A_569 = arith.andi %add3A_566, %and3A_568 : vector<16xi32>
        %add3A_570 = arith.addi %add3A_147, %and3A_569 : vector<16xi32>
        %gather3A_571 = tpu.vector_load_idx %arg7[%add3A_570] : memref<31744xf32, #tpu.memory_space<vmem>>[vector<16xi32>], vector<16xf32>,
        %get3A_572 = arith.constant 26 : i32
        %get3A_573 = arith.index_cast %get3A_572 : i32 to index
        %get3A_574 = arith.constant 0 : index
        %get3A_575 = tpu.vector_load %arg8[%get3A_573, %get3A_574] {strides = array<i32>} : memref<64x16xf32, #tpu.memory_space<vmem>>, vector<16xf32>,
        %mul3A_576 = arith.mulf %gather3A_571, %get3A_575 : vector<16xf32>
        %add3A_577 = arith.addf %add3A_513, %mul3A_576 : vector<16xf32>
        %mul3A_578 = arith.mulf %gather3A_571, %gather3A_571 : vector<16xf32>
        %add3A_579 = arith.addf %add3A_515, %mul3A_578 : vector<16xf32>
        %add3A_580 = arith.constant 27 : i32
        %add3A_581 = vector.broadcast %add3A_580 : i32 to vector<16xi32>
        %add3A_582 = arith.addi %iota3A, %add3A_581 : vector<16xi32>
        %and3A_583 = arith.constant 63 : i32
        %and3A_584 = vector.broadcast %and3A_583 : i32 to vector<16xi32>
        %and3A_585 = arith.andi %add3A_582, %and3A_584 : vector<16xi32>
        %add3A_586 = arith.addi %add3A_147, %and3A_585 : vector<16xi32>
        %gather3A_587 = tpu.vector_load_idx %arg7[%add3A_586] : memref<31744xf32, #tpu.memory_space<vmem>>[vector<16xi32>], vector<16xf32>,
        %get3A_588 = arith.constant 27 : i32
        %get3A_589 = arith.index_cast %get3A_588 : i32 to index
        %get3A_590 = arith.constant 0 : index
        %get3A_591 = tpu.vector_load %arg8[%get3A_589, %get3A_590] {strides = array<i32>} : memref<64x16xf32, #tpu.memory_space<vmem>>, vector<16xf32>,
        %mul3A_592 = arith.mulf %gather3A_587, %get3A_591 : vector<16xf32>
        %add3A_593 = arith.addf %add3A_529, %mul3A_592 : vector<16xf32>
        %mul3A_594 = arith.mulf %gather3A_587, %gather3A_587 : vector<16xf32>
        %add3A_595 = arith.addf %add3A_531, %mul3A_594 : vector<16xf32>
        %add3A_596 = arith.constant 28 : i32
        %add3A_597 = vector.broadcast %add3A_596 : i32 to vector<16xi32>
        %add3A_598 = arith.addi %iota3A, %add3A_597 : vector<16xi32>
        %and3A_599 = arith.constant 63 : i32
        %and3A_600 = vector.broadcast %and3A_599 : i32 to vector<16xi32>
        %and3A_601 = arith.andi %add3A_598, %and3A_600 : vector<16xi32>
        %add3A_602 = arith.addi %add3A_147, %and3A_601 : vector<16xi32>
        %gather3A_603 = tpu.vector_load_idx %arg7[%add3A_602] : memref<31744xf32, #tpu.memory_space<vmem>>[vector<16xi32>], vector<16xf32>,
        %get3A_604 = arith.constant 28 : i32
        %get3A_605 = arith.index_cast %get3A_604 : i32 to index
        %get3A_606 = arith.constant 0 : index
        %get3A_607 = tpu.vector_load %arg8[%get3A_605, %get3A_606] {strides = array<i32>} : memref<64x16xf32, #tpu.memory_space<vmem>>, vector<16xf32>,
        %mul3A_608 = arith.mulf %gather3A_603, %get3A_607 : vector<16xf32>
        %add3A_609 = arith.addf %add3A_545, %mul3A_608 : vector<16xf32>
        %mul3A_610 = arith.mulf %gather3A_603, %gather3A_603 : vector<16xf32>
        %add3A_611 = arith.addf %add3A_547, %mul3A_610 : vector<16xf32>
        %add3A_612 = arith.constant 29 : i32
        %add3A_613 = vector.broadcast %add3A_612 : i32 to vector<16xi32>
        %add3A_614 = arith.addi %iota3A, %add3A_613 : vector<16xi32>
        %and3A_615 = arith.constant 63 : i32
        %and3A_616 = vector.broadcast %and3A_615 : i32 to vector<16xi32>
        %and3A_617 = arith.andi %add3A_614, %and3A_616 : vector<16xi32>
        %add3A_618 = arith.addi %add3A_147, %and3A_617 : vector<16xi32>
        %gather3A_619 = tpu.vector_load_idx %arg7[%add3A_618] : memref<31744xf32, #tpu.memory_space<vmem>>[vector<16xi32>], vector<16xf32>,
        %get3A_620 = arith.constant 29 : i32
        %get3A_621 = arith.index_cast %get3A_620 : i32 to index
        %get3A_622 = arith.constant 0 : index
        %get3A_623 = tpu.vector_load %arg8[%get3A_621, %get3A_622] {strides = array<i32>} : memref<64x16xf32, #tpu.memory_space<vmem>>, vector<16xf32>,
        %mul3A_624 = arith.mulf %gather3A_619, %get3A_623 : vector<16xf32>
        %add3A_625 = arith.addf %add3A_561, %mul3A_624 : vector<16xf32>
        %mul3A_626 = arith.mulf %gather3A_619, %gather3A_619 : vector<16xf32>
        %add3A_627 = arith.addf %add3A_563, %mul3A_626 : vector<16xf32>
        %add3A_628 = arith.constant 30 : i32
        %add3A_629 = vector.broadcast %add3A_628 : i32 to vector<16xi32>
        %add3A_630 = arith.addi %iota3A, %add3A_629 : vector<16xi32>
        %and3A_631 = arith.constant 63 : i32
        %and3A_632 = vector.broadcast %and3A_631 : i32 to vector<16xi32>
        %and3A_633 = arith.andi %add3A_630, %and3A_632 : vector<16xi32>
        %add3A_634 = arith.addi %add3A_147, %and3A_633 : vector<16xi32>
        %gather3A_635 = tpu.vector_load_idx %arg7[%add3A_634] : memref<31744xf32, #tpu.memory_space<vmem>>[vector<16xi32>], vector<16xf32>,
        %get3A_636 = arith.constant 30 : i32
        %get3A_637 = arith.index_cast %get3A_636 : i32 to index
        %get3A_638 = arith.constant 0 : index
        %get3A_639 = tpu.vector_load %arg8[%get3A_637, %get3A_638] {strides = array<i32>} : memref<64x16xf32, #tpu.memory_space<vmem>>, vector<16xf32>,
        %mul3A_640 = arith.mulf %gather3A_635, %get3A_639 : vector<16xf32>
        %add3A_641 = arith.addf %add3A_577, %mul3A_640 : vector<16xf32>
        %mul3A_642 = arith.mulf %gather3A_635, %gather3A_635 : vector<16xf32>
        %add3A_643 = arith.addf %add3A_579, %mul3A_642 : vector<16xf32>
        %add3A_644 = arith.constant 31 : i32
        %add3A_645 = vector.broadcast %add3A_644 : i32 to vector<16xi32>
        %add3A_646 = arith.addi %iota3A, %add3A_645 : vector<16xi32>
        %and3A_647 = arith.constant 63 : i32
        %and3A_648 = vector.broadcast %and3A_647 : i32 to vector<16xi32>
        %and3A_649 = arith.andi %add3A_646, %and3A_648 : vector<16xi32>
        %add3A_650 = arith.addi %add3A_147, %and3A_649 : vector<16xi32>
        %gather3A_651 = tpu.vector_load_idx %arg7[%add3A_650] : memref<31744xf32, #tpu.memory_space<vmem>>[vector<16xi32>], vector<16xf32>,
        %get3A_652 = arith.constant 31 : i32
        %get3A_653 = arith.index_cast %get3A_652 : i32 to index
        %get3A_654 = arith.constant 0 : index
        %get3A_655 = tpu.vector_load %arg8[%get3A_653, %get3A_654] {strides = array<i32>} : memref<64x16xf32, #tpu.memory_space<vmem>>, vector<16xf32>,
        %mul3A_656 = arith.mulf %gather3A_651, %get3A_655 : vector<16xf32>
        %add3A_657 = arith.addf %add3A_593, %mul3A_656 : vector<16xf32>
        %mul3A_658 = arith.mulf %gather3A_651, %gather3A_651 : vector<16xf32>
        %add3A_659 = arith.addf %add3A_595, %mul3A_658 : vector<16xf32>
        %add3A_660 = arith.constant 32 : i32
        %add3A_661 = vector.broadcast %add3A_660 : i32 to vector<16xi32>
        %add3A_662 = arith.addi %iota3A, %add3A_661 : vector<16xi32>
        %and3A_663 = arith.constant 63 : i32
        %and3A_664 = vector.broadcast %and3A_663 : i32 to vector<16xi32>
        %and3A_665 = arith.andi %add3A_662, %and3A_664 : vector<16xi32>
        %add3A_666 = arith.addi %add3A_147, %and3A_665 : vector<16xi32>
        %gather3A_667 = tpu.vector_load_idx %arg7[%add3A_666] : memref<31744xf32, #tpu.memory_space<vmem>>[vector<16xi32>], vector<16xf32>,
        %get3A_668 = arith.constant 32 : i32
        %get3A_669 = arith.index_cast %get3A_668 : i32 to index
        %get3A_670 = arith.constant 0 : index
        %get3A_671 = tpu.vector_load %arg8[%get3A_669, %get3A_670] {strides = array<i32>} : memref<64x16xf32, #tpu.memory_space<vmem>>, vector<16xf32>,
        %mul3A_672 = arith.mulf %gather3A_667, %get3A_671 : vector<16xf32>
        %add3A_673 = arith.addf %add3A_609, %mul3A_672 : vector<16xf32>
        %mul3A_674 = arith.mulf %gather3A_667, %gather3A_667 : vector<16xf32>
        %add3A_675 = arith.addf %add3A_611, %mul3A_674 : vector<16xf32>
        %add3A_676 = arith.constant 33 : i32
        %add3A_677 = vector.broadcast %add3A_676 : i32 to vector<16xi32>
        %add3A_678 = arith.addi %iota3A, %add3A_677 : vector<16xi32>
        %and3A_679 = arith.constant 63 : i32
        %and3A_680 = vector.broadcast %and3A_679 : i32 to vector<16xi32>
        %and3A_681 = arith.andi %add3A_678, %and3A_680 : vector<16xi32>
        %add3A_682 = arith.addi %add3A_147, %and3A_681 : vector<16xi32>
        %gather3A_683 = tpu.vector_load_idx %arg7[%add3A_682] : memref<31744xf32, #tpu.memory_space<vmem>>[vector<16xi32>], vector<16xf32>,
        %get3A_684 = arith.constant 33 : i32
        %get3A_685 = arith.index_cast %get3A_684 : i32 to index
        %get3A_686 = arith.constant 0 : index
        %get3A_687 = tpu.vector_load %arg8[%get3A_685, %get3A_686] {strides = array<i32>} : memref<64x16xf32, #tpu.memory_space<vmem>>, vector<16xf32>,
        %mul3A_688 = arith.mulf %gather3A_683, %get3A_687 : vector<16xf32>
        %add3A_689 = arith.addf %add3A_625, %mul3A_688 : vector<16xf32>
        %mul3A_690 = arith.mulf %gather3A_683, %gather3A_683 : vector<16xf32>
        %add3A_691 = arith.addf %add3A_627, %mul3A_690 : vector<16xf32>
        %add3A_692 = arith.constant 34 : i32
        %add3A_693 = vector.broadcast %add3A_692 : i32 to vector<16xi32>
        %add3A_694 = arith.addi %iota3A, %add3A_693 : vector<16xi32>
        %and3A_695 = arith.constant 63 : i32
        %and3A_696 = vector.broadcast %and3A_695 : i32 to vector<16xi32>
        %and3A_697 = arith.andi %add3A_694, %and3A_696 : vector<16xi32>
        %add3A_698 = arith.addi %add3A_147, %and3A_697 : vector<16xi32>
        %gather3A_699 = tpu.vector_load_idx %arg7[%add3A_698] : memref<31744xf32, #tpu.memory_space<vmem>>[vector<16xi32>], vector<16xf32>,
        %get3A_700 = arith.constant 34 : i32
        %get3A_701 = arith.index_cast %get3A_700 : i32 to index
        %get3A_702 = arith.constant 0 : index
        %get3A_703 = tpu.vector_load %arg8[%get3A_701, %get3A_702] {strides = array<i32>} : memref<64x16xf32, #tpu.memory_space<vmem>>, vector<16xf32>,
        %mul3A_704 = arith.mulf %gather3A_699, %get3A_703 : vector<16xf32>
        %add3A_705 = arith.addf %add3A_641, %mul3A_704 : vector<16xf32>
        %mul3A_706 = arith.mulf %gather3A_699, %gather3A_699 : vector<16xf32>
        %add3A_707 = arith.addf %add3A_643, %mul3A_706 : vector<16xf32>
        %add3A_708 = arith.constant 35 : i32
        %add3A_709 = vector.broadcast %add3A_708 : i32 to vector<16xi32>
        %add3A_710 = arith.addi %iota3A, %add3A_709 : vector<16xi32>
        %and3A_711 = arith.constant 63 : i32
        %and3A_712 = vector.broadcast %and3A_711 : i32 to vector<16xi32>
        %and3A_713 = arith.andi %add3A_710, %and3A_712 : vector<16xi32>
        %add3A_714 = arith.addi %add3A_147, %and3A_713 : vector<16xi32>
        %gather3A_715 = tpu.vector_load_idx %arg7[%add3A_714] : memref<31744xf32, #tpu.memory_space<vmem>>[vector<16xi32>], vector<16xf32>,
        %get3A_716 = arith.constant 35 : i32
        %get3A_717 = arith.index_cast %get3A_716 : i32 to index
        %get3A_718 = arith.constant 0 : index
        %get3A_719 = tpu.vector_load %arg8[%get3A_717, %get3A_718] {strides = array<i32>} : memref<64x16xf32, #tpu.memory_space<vmem>>, vector<16xf32>,
        %mul3A_720 = arith.mulf %gather3A_715, %get3A_719 : vector<16xf32>
        %add3A_721 = arith.addf %add3A_657, %mul3A_720 : vector<16xf32>
        %mul3A_722 = arith.mulf %gather3A_715, %gather3A_715 : vector<16xf32>
        %add3A_723 = arith.addf %add3A_659, %mul3A_722 : vector<16xf32>
        %add3A_724 = arith.constant 36 : i32
        %add3A_725 = vector.broadcast %add3A_724 : i32 to vector<16xi32>
        %add3A_726 = arith.addi %iota3A, %add3A_725 : vector<16xi32>
        %and3A_727 = arith.constant 63 : i32
        %and3A_728 = vector.broadcast %and3A_727 : i32 to vector<16xi32>
        %and3A_729 = arith.andi %add3A_726, %and3A_728 : vector<16xi32>
        %add3A_730 = arith.addi %add3A_147, %and3A_729 : vector<16xi32>
        %gather3A_731 = tpu.vector_load_idx %arg7[%add3A_730] : memref<31744xf32, #tpu.memory_space<vmem>>[vector<16xi32>], vector<16xf32>,
        %get3A_732 = arith.constant 36 : i32
        %get3A_733 = arith.index_cast %get3A_732 : i32 to index
        %get3A_734 = arith.constant 0 : index
        %get3A_735 = tpu.vector_load %arg8[%get3A_733, %get3A_734] {strides = array<i32>} : memref<64x16xf32, #tpu.memory_space<vmem>>, vector<16xf32>,
        %mul3A_736 = arith.mulf %gather3A_731, %get3A_735 : vector<16xf32>
        %add3A_737 = arith.addf %add3A_673, %mul3A_736 : vector<16xf32>
        %mul3A_738 = arith.mulf %gather3A_731, %gather3A_731 : vector<16xf32>
        %add3A_739 = arith.addf %add3A_675, %mul3A_738 : vector<16xf32>
        %add3A_740 = arith.constant 37 : i32
        %add3A_741 = vector.broadcast %add3A_740 : i32 to vector<16xi32>
        %add3A_742 = arith.addi %iota3A, %add3A_741 : vector<16xi32>
        %and3A_743 = arith.constant 63 : i32
        %and3A_744 = vector.broadcast %and3A_743 : i32 to vector<16xi32>
        %and3A_745 = arith.andi %add3A_742, %and3A_744 : vector<16xi32>
        %add3A_746 = arith.addi %add3A_147, %and3A_745 : vector<16xi32>
        %gather3A_747 = tpu.vector_load_idx %arg7[%add3A_746] : memref<31744xf32, #tpu.memory_space<vmem>>[vector<16xi32>], vector<16xf32>,
        %get3A_748 = arith.constant 37 : i32
        %get3A_749 = arith.index_cast %get3A_748 : i32 to index
        %get3A_750 = arith.constant 0 : index
        %get3A_751 = tpu.vector_load %arg8[%get3A_749, %get3A_750] {strides = array<i32>} : memref<64x16xf32, #tpu.memory_space<vmem>>, vector<16xf32>,
        %mul3A_752 = arith.mulf %gather3A_747, %get3A_751 : vector<16xf32>
        %add3A_753 = arith.addf %add3A_689, %mul3A_752 : vector<16xf32>
        %mul3A_754 = arith.mulf %gather3A_747, %gather3A_747 : vector<16xf32>
        %add3A_755 = arith.addf %add3A_691, %mul3A_754 : vector<16xf32>
        %add3A_756 = arith.constant 38 : i32
        %add3A_757 = vector.broadcast %add3A_756 : i32 to vector<16xi32>
        %add3A_758 = arith.addi %iota3A, %add3A_757 : vector<16xi32>
        %and3A_759 = arith.constant 63 : i32
        %and3A_760 = vector.broadcast %and3A_759 : i32 to vector<16xi32>
        %and3A_761 = arith.andi %add3A_758, %and3A_760 : vector<16xi32>
        %add3A_762 = arith.addi %add3A_147, %and3A_761 : vector<16xi32>
        %gather3A_763 = tpu.vector_load_idx %arg7[%add3A_762] : memref<31744xf32, #tpu.memory_space<vmem>>[vector<16xi32>], vector<16xf32>,
        %get3A_764 = arith.constant 38 : i32
        %get3A_765 = arith.index_cast %get3A_764 : i32 to index
        %get3A_766 = arith.constant 0 : index
        %get3A_767 = tpu.vector_load %arg8[%get3A_765, %get3A_766] {strides = array<i32>} : memref<64x16xf32, #tpu.memory_space<vmem>>, vector<16xf32>,
        %mul3A_768 = arith.mulf %gather3A_763, %get3A_767 : vector<16xf32>
        %add3A_769 = arith.addf %add3A_705, %mul3A_768 : vector<16xf32>
        %mul3A_770 = arith.mulf %gather3A_763, %gather3A_763 : vector<16xf32>
        %add3A_771 = arith.addf %add3A_707, %mul3A_770 : vector<16xf32>
        %add3A_772 = arith.constant 39 : i32
        %add3A_773 = vector.broadcast %add3A_772 : i32 to vector<16xi32>
        %add3A_774 = arith.addi %iota3A, %add3A_773 : vector<16xi32>
        %and3A_775 = arith.constant 63 : i32
        %and3A_776 = vector.broadcast %and3A_775 : i32 to vector<16xi32>
        %and3A_777 = arith.andi %add3A_774, %and3A_776 : vector<16xi32>
        %add3A_778 = arith.addi %add3A_147, %and3A_777 : vector<16xi32>
        %gather3A_779 = tpu.vector_load_idx %arg7[%add3A_778] : memref<31744xf32, #tpu.memory_space<vmem>>[vector<16xi32>], vector<16xf32>,
        %get3A_780 = arith.constant 39 : i32
        %get3A_781 = arith.index_cast %get3A_780 : i32 to index
        %get3A_782 = arith.constant 0 : index
        %get3A_783 = tpu.vector_load %arg8[%get3A_781, %get3A_782] {strides = array<i32>} : memref<64x16xf32, #tpu.memory_space<vmem>>, vector<16xf32>,
        %mul3A_784 = arith.mulf %gather3A_779, %get3A_783 : vector<16xf32>
        %add3A_785 = arith.addf %add3A_721, %mul3A_784 : vector<16xf32>
        %mul3A_786 = arith.mulf %gather3A_779, %gather3A_779 : vector<16xf32>
        %add3A_787 = arith.addf %add3A_723, %mul3A_786 : vector<16xf32>
        %add3A_788 = arith.constant 40 : i32
        %add3A_789 = vector.broadcast %add3A_788 : i32 to vector<16xi32>
        %add3A_790 = arith.addi %iota3A, %add3A_789 : vector<16xi32>
        %and3A_791 = arith.constant 63 : i32
        %and3A_792 = vector.broadcast %and3A_791 : i32 to vector<16xi32>
        %and3A_793 = arith.andi %add3A_790, %and3A_792 : vector<16xi32>
        %add3A_794 = arith.addi %add3A_147, %and3A_793 : vector<16xi32>
        %gather3A_795 = tpu.vector_load_idx %arg7[%add3A_794] : memref<31744xf32, #tpu.memory_space<vmem>>[vector<16xi32>], vector<16xf32>,
        %get3A_796 = arith.constant 40 : i32
        %get3A_797 = arith.index_cast %get3A_796 : i32 to index
        %get3A_798 = arith.constant 0 : index
        %get3A_799 = tpu.vector_load %arg8[%get3A_797, %get3A_798] {strides = array<i32>} : memref<64x16xf32, #tpu.memory_space<vmem>>, vector<16xf32>,
        %mul3A_800 = arith.mulf %gather3A_795, %get3A_799 : vector<16xf32>
        %add3A_801 = arith.addf %add3A_737, %mul3A_800 : vector<16xf32>
        %mul3A_802 = arith.mulf %gather3A_795, %gather3A_795 : vector<16xf32>
        %add3A_803 = arith.addf %add3A_739, %mul3A_802 : vector<16xf32>
        %add3A_804 = arith.constant 41 : i32
        %add3A_805 = vector.broadcast %add3A_804 : i32 to vector<16xi32>
        %add3A_806 = arith.addi %iota3A, %add3A_805 : vector<16xi32>
        %and3A_807 = arith.constant 63 : i32
        %and3A_808 = vector.broadcast %and3A_807 : i32 to vector<16xi32>
        %and3A_809 = arith.andi %add3A_806, %and3A_808 : vector<16xi32>
        %add3A_810 = arith.addi %add3A_147, %and3A_809 : vector<16xi32>
        %gather3A_811 = tpu.vector_load_idx %arg7[%add3A_810] : memref<31744xf32, #tpu.memory_space<vmem>>[vector<16xi32>], vector<16xf32>,
        %get3A_812 = arith.constant 41 : i32
        %get3A_813 = arith.index_cast %get3A_812 : i32 to index
        %get3A_814 = arith.constant 0 : index
        %get3A_815 = tpu.vector_load %arg8[%get3A_813, %get3A_814] {strides = array<i32>} : memref<64x16xf32, #tpu.memory_space<vmem>>, vector<16xf32>,
        %mul3A_816 = arith.mulf %gather3A_811, %get3A_815 : vector<16xf32>
        %add3A_817 = arith.addf %add3A_753, %mul3A_816 : vector<16xf32>
        %mul3A_818 = arith.mulf %gather3A_811, %gather3A_811 : vector<16xf32>
        %add3A_819 = arith.addf %add3A_755, %mul3A_818 : vector<16xf32>
        %add3A_820 = arith.constant 42 : i32
        %add3A_821 = vector.broadcast %add3A_820 : i32 to vector<16xi32>
        %add3A_822 = arith.addi %iota3A, %add3A_821 : vector<16xi32>
        %and3A_823 = arith.constant 63 : i32
        %and3A_824 = vector.broadcast %and3A_823 : i32 to vector<16xi32>
        %and3A_825 = arith.andi %add3A_822, %and3A_824 : vector<16xi32>
        %add3A_826 = arith.addi %add3A_147, %and3A_825 : vector<16xi32>
        %gather3A_827 = tpu.vector_load_idx %arg7[%add3A_826] : memref<31744xf32, #tpu.memory_space<vmem>>[vector<16xi32>], vector<16xf32>,
        %get3A_828 = arith.constant 42 : i32
        %get3A_829 = arith.index_cast %get3A_828 : i32 to index
        %get3A_830 = arith.constant 0 : index
        %get3A_831 = tpu.vector_load %arg8[%get3A_829, %get3A_830] {strides = array<i32>} : memref<64x16xf32, #tpu.memory_space<vmem>>, vector<16xf32>,
        %mul3A_832 = arith.mulf %gather3A_827, %get3A_831 : vector<16xf32>
        %add3A_833 = arith.addf %add3A_769, %mul3A_832 : vector<16xf32>
        %mul3A_834 = arith.mulf %gather3A_827, %gather3A_827 : vector<16xf32>
        %add3A_835 = arith.addf %add3A_771, %mul3A_834 : vector<16xf32>
        %add3A_836 = arith.constant 43 : i32
        %add3A_837 = vector.broadcast %add3A_836 : i32 to vector<16xi32>
        %add3A_838 = arith.addi %iota3A, %add3A_837 : vector<16xi32>
        %and3A_839 = arith.constant 63 : i32
        %and3A_840 = vector.broadcast %and3A_839 : i32 to vector<16xi32>
        %and3A_841 = arith.andi %add3A_838, %and3A_840 : vector<16xi32>
        %add3A_842 = arith.addi %add3A_147, %and3A_841 : vector<16xi32>
        %gather3A_843 = tpu.vector_load_idx %arg7[%add3A_842] : memref<31744xf32, #tpu.memory_space<vmem>>[vector<16xi32>], vector<16xf32>,
        %get3A_844 = arith.constant 43 : i32
        %get3A_845 = arith.index_cast %get3A_844 : i32 to index
        %get3A_846 = arith.constant 0 : index
        %get3A_847 = tpu.vector_load %arg8[%get3A_845, %get3A_846] {strides = array<i32>} : memref<64x16xf32, #tpu.memory_space<vmem>>, vector<16xf32>,
        %mul3A_848 = arith.mulf %gather3A_843, %get3A_847 : vector<16xf32>
        %add3A_849 = arith.addf %add3A_785, %mul3A_848 : vector<16xf32>
        %mul3A_850 = arith.mulf %gather3A_843, %gather3A_843 : vector<16xf32>
        %add3A_851 = arith.addf %add3A_787, %mul3A_850 : vector<16xf32>
        %add3A_852 = arith.constant 44 : i32
        %add3A_853 = vector.broadcast %add3A_852 : i32 to vector<16xi32>
        %add3A_854 = arith.addi %iota3A, %add3A_853 : vector<16xi32>
        %and3A_855 = arith.constant 63 : i32
        %and3A_856 = vector.broadcast %and3A_855 : i32 to vector<16xi32>
        %and3A_857 = arith.andi %add3A_854, %and3A_856 : vector<16xi32>
        %add3A_858 = arith.addi %add3A_147, %and3A_857 : vector<16xi32>
        %gather3A_859 = tpu.vector_load_idx %arg7[%add3A_858] : memref<31744xf32, #tpu.memory_space<vmem>>[vector<16xi32>], vector<16xf32>,
        %get3A_860 = arith.constant 44 : i32
        %get3A_861 = arith.index_cast %get3A_860 : i32 to index
        %get3A_862 = arith.constant 0 : index
        %get3A_863 = tpu.vector_load %arg8[%get3A_861, %get3A_862] {strides = array<i32>} : memref<64x16xf32, #tpu.memory_space<vmem>>, vector<16xf32>,
        %mul3A_864 = arith.mulf %gather3A_859, %get3A_863 : vector<16xf32>
        %add3A_865 = arith.addf %add3A_801, %mul3A_864 : vector<16xf32>
        %mul3A_866 = arith.mulf %gather3A_859, %gather3A_859 : vector<16xf32>
        %add3A_867 = arith.addf %add3A_803, %mul3A_866 : vector<16xf32>
        %add3A_868 = arith.constant 45 : i32
        %add3A_869 = vector.broadcast %add3A_868 : i32 to vector<16xi32>
        %add3A_870 = arith.addi %iota3A, %add3A_869 : vector<16xi32>
        %and3A_871 = arith.constant 63 : i32
        %and3A_872 = vector.broadcast %and3A_871 : i32 to vector<16xi32>
        %and3A_873 = arith.andi %add3A_870, %and3A_872 : vector<16xi32>
        %add3A_874 = arith.addi %add3A_147, %and3A_873 : vector<16xi32>
        %gather3A_875 = tpu.vector_load_idx %arg7[%add3A_874] : memref<31744xf32, #tpu.memory_space<vmem>>[vector<16xi32>], vector<16xf32>,
        %get3A_876 = arith.constant 45 : i32
        %get3A_877 = arith.index_cast %get3A_876 : i32 to index
        %get3A_878 = arith.constant 0 : index
        %get3A_879 = tpu.vector_load %arg8[%get3A_877, %get3A_878] {strides = array<i32>} : memref<64x16xf32, #tpu.memory_space<vmem>>, vector<16xf32>,
        %mul3A_880 = arith.mulf %gather3A_875, %get3A_879 : vector<16xf32>
        %add3A_881 = arith.addf %add3A_817, %mul3A_880 : vector<16xf32>
        %mul3A_882 = arith.mulf %gather3A_875, %gather3A_875 : vector<16xf32>
        %add3A_883 = arith.addf %add3A_819, %mul3A_882 : vector<16xf32>
        %add3A_884 = arith.constant 46 : i32
        %add3A_885 = vector.broadcast %add3A_884 : i32 to vector<16xi32>
        %add3A_886 = arith.addi %iota3A, %add3A_885 : vector<16xi32>
        %and3A_887 = arith.constant 63 : i32
        %and3A_888 = vector.broadcast %and3A_887 : i32 to vector<16xi32>
        %and3A_889 = arith.andi %add3A_886, %and3A_888 : vector<16xi32>
        %add3A_890 = arith.addi %add3A_147, %and3A_889 : vector<16xi32>
        %gather3A_891 = tpu.vector_load_idx %arg7[%add3A_890] : memref<31744xf32, #tpu.memory_space<vmem>>[vector<16xi32>], vector<16xf32>,
        %get3A_892 = arith.constant 46 : i32
        %get3A_893 = arith.index_cast %get3A_892 : i32 to index
        %get3A_894 = arith.constant 0 : index
        %get3A_895 = tpu.vector_load %arg8[%get3A_893, %get3A_894] {strides = array<i32>} : memref<64x16xf32, #tpu.memory_space<vmem>>, vector<16xf32>,
        %mul3A_896 = arith.mulf %gather3A_891, %get3A_895 : vector<16xf32>
        %add3A_897 = arith.addf %add3A_833, %mul3A_896 : vector<16xf32>
        %mul3A_898 = arith.mulf %gather3A_891, %gather3A_891 : vector<16xf32>
        %add3A_899 = arith.addf %add3A_835, %mul3A_898 : vector<16xf32>
        %add3A_900 = arith.constant 47 : i32
        %add3A_901 = vector.broadcast %add3A_900 : i32 to vector<16xi32>
        %add3A_902 = arith.addi %iota3A, %add3A_901 : vector<16xi32>
        %and3A_903 = arith.constant 63 : i32
        %and3A_904 = vector.broadcast %and3A_903 : i32 to vector<16xi32>
        %and3A_905 = arith.andi %add3A_902, %and3A_904 : vector<16xi32>
        %add3A_906 = arith.addi %add3A_147, %and3A_905 : vector<16xi32>
        %gather3A_907 = tpu.vector_load_idx %arg7[%add3A_906] : memref<31744xf32, #tpu.memory_space<vmem>>[vector<16xi32>], vector<16xf32>,
        %get3A_908 = arith.constant 47 : i32
        %get3A_909 = arith.index_cast %get3A_908 : i32 to index
        %get3A_910 = arith.constant 0 : index
        %get3A_911 = tpu.vector_load %arg8[%get3A_909, %get3A_910] {strides = array<i32>} : memref<64x16xf32, #tpu.memory_space<vmem>>, vector<16xf32>,
        %mul3A_912 = arith.mulf %gather3A_907, %get3A_911 : vector<16xf32>
        %add3A_913 = arith.addf %add3A_849, %mul3A_912 : vector<16xf32>
        %mul3A_914 = arith.mulf %gather3A_907, %gather3A_907 : vector<16xf32>
        %add3A_915 = arith.addf %add3A_851, %mul3A_914 : vector<16xf32>
        %add3A_916 = arith.constant 48 : i32
        %add3A_917 = vector.broadcast %add3A_916 : i32 to vector<16xi32>
        %add3A_918 = arith.addi %iota3A, %add3A_917 : vector<16xi32>
        %and3A_919 = arith.constant 63 : i32
        %and3A_920 = vector.broadcast %and3A_919 : i32 to vector<16xi32>
        %and3A_921 = arith.andi %add3A_918, %and3A_920 : vector<16xi32>
        %add3A_922 = arith.addi %add3A_147, %and3A_921 : vector<16xi32>
        %gather3A_923 = tpu.vector_load_idx %arg7[%add3A_922] : memref<31744xf32, #tpu.memory_space<vmem>>[vector<16xi32>], vector<16xf32>,
        %get3A_924 = arith.constant 48 : i32
        %get3A_925 = arith.index_cast %get3A_924 : i32 to index
        %get3A_926 = arith.constant 0 : index
        %get3A_927 = tpu.vector_load %arg8[%get3A_925, %get3A_926] {strides = array<i32>} : memref<64x16xf32, #tpu.memory_space<vmem>>, vector<16xf32>,
        %mul3A_928 = arith.mulf %gather3A_923, %get3A_927 : vector<16xf32>
        %add3A_929 = arith.addf %add3A_865, %mul3A_928 : vector<16xf32>
        %mul3A_930 = arith.mulf %gather3A_923, %gather3A_923 : vector<16xf32>
        %add3A_931 = arith.addf %add3A_867, %mul3A_930 : vector<16xf32>
        %add3A_932 = arith.constant 49 : i32
        %add3A_933 = vector.broadcast %add3A_932 : i32 to vector<16xi32>
        %add3A_934 = arith.addi %iota3A, %add3A_933 : vector<16xi32>
        %and3A_935 = arith.constant 63 : i32
        %and3A_936 = vector.broadcast %and3A_935 : i32 to vector<16xi32>
        %and3A_937 = arith.andi %add3A_934, %and3A_936 : vector<16xi32>
        %add3A_938 = arith.addi %add3A_147, %and3A_937 : vector<16xi32>
        %gather3A_939 = tpu.vector_load_idx %arg7[%add3A_938] : memref<31744xf32, #tpu.memory_space<vmem>>[vector<16xi32>], vector<16xf32>,
        %get3A_940 = arith.constant 49 : i32
        %get3A_941 = arith.index_cast %get3A_940 : i32 to index
        %get3A_942 = arith.constant 0 : index
        %get3A_943 = tpu.vector_load %arg8[%get3A_941, %get3A_942] {strides = array<i32>} : memref<64x16xf32, #tpu.memory_space<vmem>>, vector<16xf32>,
        %mul3A_944 = arith.mulf %gather3A_939, %get3A_943 : vector<16xf32>
        %add3A_945 = arith.addf %add3A_881, %mul3A_944 : vector<16xf32>
        %mul3A_946 = arith.mulf %gather3A_939, %gather3A_939 : vector<16xf32>
        %add3A_947 = arith.addf %add3A_883, %mul3A_946 : vector<16xf32>
        %add3A_948 = arith.constant 50 : i32
        %add3A_949 = vector.broadcast %add3A_948 : i32 to vector<16xi32>
        %add3A_950 = arith.addi %iota3A, %add3A_949 : vector<16xi32>
        %and3A_951 = arith.constant 63 : i32
        %and3A_952 = vector.broadcast %and3A_951 : i32 to vector<16xi32>
        %and3A_953 = arith.andi %add3A_950, %and3A_952 : vector<16xi32>
        %add3A_954 = arith.addi %add3A_147, %and3A_953 : vector<16xi32>
        %gather3A_955 = tpu.vector_load_idx %arg7[%add3A_954] : memref<31744xf32, #tpu.memory_space<vmem>>[vector<16xi32>], vector<16xf32>,
        %get3A_956 = arith.constant 50 : i32
        %get3A_957 = arith.index_cast %get3A_956 : i32 to index
        %get3A_958 = arith.constant 0 : index
        %get3A_959 = tpu.vector_load %arg8[%get3A_957, %get3A_958] {strides = array<i32>} : memref<64x16xf32, #tpu.memory_space<vmem>>, vector<16xf32>,
        %mul3A_960 = arith.mulf %gather3A_955, %get3A_959 : vector<16xf32>
        %add3A_961 = arith.addf %add3A_897, %mul3A_960 : vector<16xf32>
        %mul3A_962 = arith.mulf %gather3A_955, %gather3A_955 : vector<16xf32>
        %add3A_963 = arith.addf %add3A_899, %mul3A_962 : vector<16xf32>
        %add3A_964 = arith.constant 51 : i32
        %add3A_965 = vector.broadcast %add3A_964 : i32 to vector<16xi32>
        %add3A_966 = arith.addi %iota3A, %add3A_965 : vector<16xi32>
        %and3A_967 = arith.constant 63 : i32
        %and3A_968 = vector.broadcast %and3A_967 : i32 to vector<16xi32>
        %and3A_969 = arith.andi %add3A_966, %and3A_968 : vector<16xi32>
        %add3A_970 = arith.addi %add3A_147, %and3A_969 : vector<16xi32>
        %gather3A_971 = tpu.vector_load_idx %arg7[%add3A_970] : memref<31744xf32, #tpu.memory_space<vmem>>[vector<16xi32>], vector<16xf32>,
        %get3A_972 = arith.constant 51 : i32
        %get3A_973 = arith.index_cast %get3A_972 : i32 to index
        %get3A_974 = arith.constant 0 : index
        %get3A_975 = tpu.vector_load %arg8[%get3A_973, %get3A_974] {strides = array<i32>} : memref<64x16xf32, #tpu.memory_space<vmem>>, vector<16xf32>,
        %mul3A_976 = arith.mulf %gather3A_971, %get3A_975 : vector<16xf32>
        %add3A_977 = arith.addf %add3A_913, %mul3A_976 : vector<16xf32>
        %mul3A_978 = arith.mulf %gather3A_971, %gather3A_971 : vector<16xf32>
        %add3A_979 = arith.addf %add3A_915, %mul3A_978 : vector<16xf32>
        %add3A_980 = arith.constant 52 : i32
        %add3A_981 = vector.broadcast %add3A_980 : i32 to vector<16xi32>
        %add3A_982 = arith.addi %iota3A, %add3A_981 : vector<16xi32>
        %and3A_983 = arith.constant 63 : i32
        %and3A_984 = vector.broadcast %and3A_983 : i32 to vector<16xi32>
        %and3A_985 = arith.andi %add3A_982, %and3A_984 : vector<16xi32>
        %add3A_986 = arith.addi %add3A_147, %and3A_985 : vector<16xi32>
        %gather3A_987 = tpu.vector_load_idx %arg7[%add3A_986] : memref<31744xf32, #tpu.memory_space<vmem>>[vector<16xi32>], vector<16xf32>,
        %get3A_988 = arith.constant 52 : i32
        %get3A_989 = arith.index_cast %get3A_988 : i32 to index
        %get3A_990 = arith.constant 0 : index
        %get3A_991 = tpu.vector_load %arg8[%get3A_989, %get3A_990] {strides = array<i32>} : memref<64x16xf32, #tpu.memory_space<vmem>>, vector<16xf32>,
        %mul3A_992 = arith.mulf %gather3A_987, %get3A_991 : vector<16xf32>
        %add3A_993 = arith.addf %add3A_929, %mul3A_992 : vector<16xf32>
        %mul3A_994 = arith.mulf %gather3A_987, %gather3A_987 : vector<16xf32>
        %add3A_995 = arith.addf %add3A_931, %mul3A_994 : vector<16xf32>
        %add3A_996 = arith.constant 53 : i32
        %add3A_997 = vector.broadcast %add3A_996 : i32 to vector<16xi32>
        %add3A_998 = arith.addi %iota3A, %add3A_997 : vector<16xi32>
        %and3A_999 = arith.constant 63 : i32
        %and3A_1000 = vector.broadcast %and3A_999 : i32 to vector<16xi32>
        %and3A_1001 = arith.andi %add3A_998, %and3A_1000 : vector<16xi32>
        %add3A_1002 = arith.addi %add3A_147, %and3A_1001 : vector<16xi32>
        %gather3A_1003 = tpu.vector_load_idx %arg7[%add3A_1002] : memref<31744xf32, #tpu.memory_space<vmem>>[vector<16xi32>], vector<16xf32>,
        %get3A_1004 = arith.constant 53 : i32
        %get3A_1005 = arith.index_cast %get3A_1004 : i32 to index
        %get3A_1006 = arith.constant 0 : index
        %get3A_1007 = tpu.vector_load %arg8[%get3A_1005, %get3A_1006] {strides = array<i32>} : memref<64x16xf32, #tpu.memory_space<vmem>>, vector<16xf32>,
        %mul3A_1008 = arith.mulf %gather3A_1003, %get3A_1007 : vector<16xf32>
        %add3A_1009 = arith.addf %add3A_945, %mul3A_1008 : vector<16xf32>
        %mul3A_1010 = arith.mulf %gather3A_1003, %gather3A_1003 : vector<16xf32>
        %add3A_1011 = arith.addf %add3A_947, %mul3A_1010 : vector<16xf32>
        %add3A_1012 = arith.constant 54 : i32
        %add3A_1013 = vector.broadcast %add3A_1012 : i32 to vector<16xi32>
        %add3A_1014 = arith.addi %iota3A, %add3A_1013 : vector<16xi32>
        %and3A_1015 = arith.constant 63 : i32
        %and3A_1016 = vector.broadcast %and3A_1015 : i32 to vector<16xi32>
        %and3A_1017 = arith.andi %add3A_1014, %and3A_1016 : vector<16xi32>
        %add3A_1018 = arith.addi %add3A_147, %and3A_1017 : vector<16xi32>
        %gather3A_1019 = tpu.vector_load_idx %arg7[%add3A_1018] : memref<31744xf32, #tpu.memory_space<vmem>>[vector<16xi32>], vector<16xf32>,
        %get3A_1020 = arith.constant 54 : i32
        %get3A_1021 = arith.index_cast %get3A_1020 : i32 to index
        %get3A_1022 = arith.constant 0 : index
        %get3A_1023 = tpu.vector_load %arg8[%get3A_1021, %get3A_1022] {strides = array<i32>} : memref<64x16xf32, #tpu.memory_space<vmem>>, vector<16xf32>,
        %mul3A_1024 = arith.mulf %gather3A_1019, %get3A_1023 : vector<16xf32>
        %add3A_1025 = arith.addf %add3A_961, %mul3A_1024 : vector<16xf32>
        %mul3A_1026 = arith.mulf %gather3A_1019, %gather3A_1019 : vector<16xf32>
        %add3A_1027 = arith.addf %add3A_963, %mul3A_1026 : vector<16xf32>
        %add3A_1028 = arith.constant 55 : i32
        %add3A_1029 = vector.broadcast %add3A_1028 : i32 to vector<16xi32>
        %add3A_1030 = arith.addi %iota3A, %add3A_1029 : vector<16xi32>
        %and3A_1031 = arith.constant 63 : i32
        %and3A_1032 = vector.broadcast %and3A_1031 : i32 to vector<16xi32>
        %and3A_1033 = arith.andi %add3A_1030, %and3A_1032 : vector<16xi32>
        %add3A_1034 = arith.addi %add3A_147, %and3A_1033 : vector<16xi32>
        %gather3A_1035 = tpu.vector_load_idx %arg7[%add3A_1034] : memref<31744xf32, #tpu.memory_space<vmem>>[vector<16xi32>], vector<16xf32>,
        %get3A_1036 = arith.constant 55 : i32
        %get3A_1037 = arith.index_cast %get3A_1036 : i32 to index
        %get3A_1038 = arith.constant 0 : index
        %get3A_1039 = tpu.vector_load %arg8[%get3A_1037, %get3A_1038] {strides = array<i32>} : memref<64x16xf32, #tpu.memory_space<vmem>>, vector<16xf32>,
        %mul3A_1040 = arith.mulf %gather3A_1035, %get3A_1039 : vector<16xf32>
        %add3A_1041 = arith.addf %add3A_977, %mul3A_1040 : vector<16xf32>
        %mul3A_1042 = arith.mulf %gather3A_1035, %gather3A_1035 : vector<16xf32>
        %add3A_1043 = arith.addf %add3A_979, %mul3A_1042 : vector<16xf32>
        %add3A_1044 = arith.constant 56 : i32
        %add3A_1045 = vector.broadcast %add3A_1044 : i32 to vector<16xi32>
        %add3A_1046 = arith.addi %iota3A, %add3A_1045 : vector<16xi32>
        %and3A_1047 = arith.constant 63 : i32
        %and3A_1048 = vector.broadcast %and3A_1047 : i32 to vector<16xi32>
        %and3A_1049 = arith.andi %add3A_1046, %and3A_1048 : vector<16xi32>
        %add3A_1050 = arith.addi %add3A_147, %and3A_1049 : vector<16xi32>
        %gather3A_1051 = tpu.vector_load_idx %arg7[%add3A_1050] : memref<31744xf32, #tpu.memory_space<vmem>>[vector<16xi32>], vector<16xf32>,
        %get3A_1052 = arith.constant 56 : i32
        %get3A_1053 = arith.index_cast %get3A_1052 : i32 to index
        %get3A_1054 = arith.constant 0 : index
        %get3A_1055 = tpu.vector_load %arg8[%get3A_1053, %get3A_1054] {strides = array<i32>} : memref<64x16xf32, #tpu.memory_space<vmem>>, vector<16xf32>,
        %mul3A_1056 = arith.mulf %gather3A_1051, %get3A_1055 : vector<16xf32>
        %add3A_1057 = arith.addf %add3A_993, %mul3A_1056 : vector<16xf32>
        %mul3A_1058 = arith.mulf %gather3A_1051, %gather3A_1051 : vector<16xf32>
        %add3A_1059 = arith.addf %add3A_995, %mul3A_1058 : vector<16xf32>
        %add3A_1060 = arith.constant 57 : i32
        %add3A_1061 = vector.broadcast %add3A_1060 : i32 to vector<16xi32>
        %add3A_1062 = arith.addi %iota3A, %add3A_1061 : vector<16xi32>
        %and3A_1063 = arith.constant 63 : i32
        %and3A_1064 = vector.broadcast %and3A_1063 : i32 to vector<16xi32>
        %and3A_1065 = arith.andi %add3A_1062, %and3A_1064 : vector<16xi32>
        %add3A_1066 = arith.addi %add3A_147, %and3A_1065 : vector<16xi32>
        %gather3A_1067 = tpu.vector_load_idx %arg7[%add3A_1066] : memref<31744xf32, #tpu.memory_space<vmem>>[vector<16xi32>], vector<16xf32>,
        %get3A_1068 = arith.constant 57 : i32
        %get3A_1069 = arith.index_cast %get3A_1068 : i32 to index
        %get3A_1070 = arith.constant 0 : index
        %get3A_1071 = tpu.vector_load %arg8[%get3A_1069, %get3A_1070] {strides = array<i32>} : memref<64x16xf32, #tpu.memory_space<vmem>>, vector<16xf32>,
        %mul3A_1072 = arith.mulf %gather3A_1067, %get3A_1071 : vector<16xf32>
        %add3A_1073 = arith.addf %add3A_1009, %mul3A_1072 : vector<16xf32>
        %mul3A_1074 = arith.mulf %gather3A_1067, %gather3A_1067 : vector<16xf32>
        %add3A_1075 = arith.addf %add3A_1011, %mul3A_1074 : vector<16xf32>
        %add3A_1076 = arith.constant 58 : i32
        %add3A_1077 = vector.broadcast %add3A_1076 : i32 to vector<16xi32>
        %add3A_1078 = arith.addi %iota3A, %add3A_1077 : vector<16xi32>
        %and3A_1079 = arith.constant 63 : i32
        %and3A_1080 = vector.broadcast %and3A_1079 : i32 to vector<16xi32>
        %and3A_1081 = arith.andi %add3A_1078, %and3A_1080 : vector<16xi32>
        %add3A_1082 = arith.addi %add3A_147, %and3A_1081 : vector<16xi32>
        %gather3A_1083 = tpu.vector_load_idx %arg7[%add3A_1082] : memref<31744xf32, #tpu.memory_space<vmem>>[vector<16xi32>], vector<16xf32>,
        %get3A_1084 = arith.constant 58 : i32
        %get3A_1085 = arith.index_cast %get3A_1084 : i32 to index
        %get3A_1086 = arith.constant 0 : index
        %get3A_1087 = tpu.vector_load %arg8[%get3A_1085, %get3A_1086] {strides = array<i32>} : memref<64x16xf32, #tpu.memory_space<vmem>>, vector<16xf32>,
        %mul3A_1088 = arith.mulf %gather3A_1083, %get3A_1087 : vector<16xf32>
        %add3A_1089 = arith.addf %add3A_1025, %mul3A_1088 : vector<16xf32>
        %mul3A_1090 = arith.mulf %gather3A_1083, %gather3A_1083 : vector<16xf32>
        %add3A_1091 = arith.addf %add3A_1027, %mul3A_1090 : vector<16xf32>
        %add3A_1092 = arith.constant 59 : i32
        %add3A_1093 = vector.broadcast %add3A_1092 : i32 to vector<16xi32>
        %add3A_1094 = arith.addi %iota3A, %add3A_1093 : vector<16xi32>
        %and3A_1095 = arith.constant 63 : i32
        %and3A_1096 = vector.broadcast %and3A_1095 : i32 to vector<16xi32>
        %and3A_1097 = arith.andi %add3A_1094, %and3A_1096 : vector<16xi32>
        %add3A_1098 = arith.addi %add3A_147, %and3A_1097 : vector<16xi32>
        %gather3A_1099 = tpu.vector_load_idx %arg7[%add3A_1098] : memref<31744xf32, #tpu.memory_space<vmem>>[vector<16xi32>], vector<16xf32>,
        %get3A_1100 = arith.constant 59 : i32
        %get3A_1101 = arith.index_cast %get3A_1100 : i32 to index
        %get3A_1102 = arith.constant 0 : index
        %get3A_1103 = tpu.vector_load %arg8[%get3A_1101, %get3A_1102] {strides = array<i32>} : memref<64x16xf32, #tpu.memory_space<vmem>>, vector<16xf32>,
        %mul3A_1104 = arith.mulf %gather3A_1099, %get3A_1103 : vector<16xf32>
        %add3A_1105 = arith.addf %add3A_1041, %mul3A_1104 : vector<16xf32>
        %mul3A_1106 = arith.mulf %gather3A_1099, %gather3A_1099 : vector<16xf32>
        %add3A_1107 = arith.addf %add3A_1043, %mul3A_1106 : vector<16xf32>
        %add3A_1108 = arith.constant 60 : i32
        %add3A_1109 = vector.broadcast %add3A_1108 : i32 to vector<16xi32>
        %add3A_1110 = arith.addi %iota3A, %add3A_1109 : vector<16xi32>
        %and3A_1111 = arith.constant 63 : i32
        %and3A_1112 = vector.broadcast %and3A_1111 : i32 to vector<16xi32>
        %and3A_1113 = arith.andi %add3A_1110, %and3A_1112 : vector<16xi32>
        %add3A_1114 = arith.addi %add3A_147, %and3A_1113 : vector<16xi32>
        %gather3A_1115 = tpu.vector_load_idx %arg7[%add3A_1114] : memref<31744xf32, #tpu.memory_space<vmem>>[vector<16xi32>], vector<16xf32>,
        %get3A_1116 = arith.constant 60 : i32
        %get3A_1117 = arith.index_cast %get3A_1116 : i32 to index
        %get3A_1118 = arith.constant 0 : index
        %get3A_1119 = tpu.vector_load %arg8[%get3A_1117, %get3A_1118] {strides = array<i32>} : memref<64x16xf32, #tpu.memory_space<vmem>>, vector<16xf32>,
        %mul3A_1120 = arith.mulf %gather3A_1115, %get3A_1119 : vector<16xf32>
        %add3A_1121 = arith.addf %add3A_1057, %mul3A_1120 : vector<16xf32>
        %mul3A_1122 = arith.mulf %gather3A_1115, %gather3A_1115 : vector<16xf32>
        %add3A_1123 = arith.addf %add3A_1059, %mul3A_1122 : vector<16xf32>
        %add3A_1124 = arith.constant 61 : i32
        %add3A_1125 = vector.broadcast %add3A_1124 : i32 to vector<16xi32>
        %add3A_1126 = arith.addi %iota3A, %add3A_1125 : vector<16xi32>
        %and3A_1127 = arith.constant 63 : i32
        %and3A_1128 = vector.broadcast %and3A_1127 : i32 to vector<16xi32>
        %and3A_1129 = arith.andi %add3A_1126, %and3A_1128 : vector<16xi32>
        %add3A_1130 = arith.addi %add3A_147, %and3A_1129 : vector<16xi32>
        %gather3A_1131 = tpu.vector_load_idx %arg7[%add3A_1130] : memref<31744xf32, #tpu.memory_space<vmem>>[vector<16xi32>], vector<16xf32>,
        %get3A_1132 = arith.constant 61 : i32
        %get3A_1133 = arith.index_cast %get3A_1132 : i32 to index
        %get3A_1134 = arith.constant 0 : index
        %get3A_1135 = tpu.vector_load %arg8[%get3A_1133, %get3A_1134] {strides = array<i32>} : memref<64x16xf32, #tpu.memory_space<vmem>>, vector<16xf32>,
        %mul3A_1136 = arith.mulf %gather3A_1131, %get3A_1135 : vector<16xf32>
        %add3A_1137 = arith.addf %add3A_1073, %mul3A_1136 : vector<16xf32>
        %mul3A_1138 = arith.mulf %gather3A_1131, %gather3A_1131 : vector<16xf32>
        %add3A_1139 = arith.addf %add3A_1075, %mul3A_1138 : vector<16xf32>
        %add3A_1140 = arith.constant 62 : i32
        %add3A_1141 = vector.broadcast %add3A_1140 : i32 to vector<16xi32>
        %add3A_1142 = arith.addi %iota3A, %add3A_1141 : vector<16xi32>
        %and3A_1143 = arith.constant 63 : i32
        %and3A_1144 = vector.broadcast %and3A_1143 : i32 to vector<16xi32>
        %and3A_1145 = arith.andi %add3A_1142, %and3A_1144 : vector<16xi32>
        %add3A_1146 = arith.addi %add3A_147, %and3A_1145 : vector<16xi32>
        %gather3A_1147 = tpu.vector_load_idx %arg7[%add3A_1146] : memref<31744xf32, #tpu.memory_space<vmem>>[vector<16xi32>], vector<16xf32>,
        %get3A_1148 = arith.constant 62 : i32
        %get3A_1149 = arith.index_cast %get3A_1148 : i32 to index
        %get3A_1150 = arith.constant 0 : index
        %get3A_1151 = tpu.vector_load %arg8[%get3A_1149, %get3A_1150] {strides = array<i32>} : memref<64x16xf32, #tpu.memory_space<vmem>>, vector<16xf32>,
        %mul3A_1152 = arith.mulf %gather3A_1147, %get3A_1151 : vector<16xf32>
        %add3A_1153 = arith.addf %add3A_1089, %mul3A_1152 : vector<16xf32>
        %mul3A_1154 = arith.mulf %gather3A_1147, %gather3A_1147 : vector<16xf32>
        %add3A_1155 = arith.addf %add3A_1091, %mul3A_1154 : vector<16xf32>
        %add3A_1156 = arith.constant 63 : i32
        %add3A_1157 = vector.broadcast %add3A_1156 : i32 to vector<16xi32>
        %add3A_1158 = arith.addi %iota3A, %add3A_1157 : vector<16xi32>
        %and3A_1159 = arith.constant 63 : i32
        %and3A_1160 = vector.broadcast %and3A_1159 : i32 to vector<16xi32>
        %and3A_1161 = arith.andi %add3A_1158, %and3A_1160 : vector<16xi32>
        %add3A_1162 = arith.addi %add3A_147, %and3A_1161 : vector<16xi32>
        %gather3A_1163 = tpu.vector_load_idx %arg7[%add3A_1162] : memref<31744xf32, #tpu.memory_space<vmem>>[vector<16xi32>], vector<16xf32>,
        %get3A_1164 = arith.constant 63 : i32
        %get3A_1165 = arith.index_cast %get3A_1164 : i32 to index
        %get3A_1166 = arith.constant 0 : index
        %get3A_1167 = tpu.vector_load %arg8[%get3A_1165, %get3A_1166] {strides = array<i32>} : memref<64x16xf32, #tpu.memory_space<vmem>>, vector<16xf32>,
        %mul3A_1168 = arith.mulf %gather3A_1163, %get3A_1167 : vector<16xf32>
        %add3A_1169 = arith.addf %add3A_1105, %mul3A_1168 : vector<16xf32>
        %mul3A_1170 = arith.mulf %gather3A_1163, %gather3A_1163 : vector<16xf32>
        %add3A_1171 = arith.addf %add3A_1107, %mul3A_1170 : vector<16xf32>
        %add3A_1172 = arith.addf %add3A_1121, %add3A_1137 : vector<16xf32>
        %add3A_1173 = arith.addf %add3A_1153, %add3A_1169 : vector<16xf32>
        %add3A_1174 = arith.addf %add3A_1172, %add3A_1173 : vector<16xf32>
        %add3A_1175 = arith.addf %add3A_1123, %add3A_1139 : vector<16xf32>
        %add3A_1176 = arith.addf %add3A_1155, %add3A_1171 : vector<16xf32>
        %add3A_1177 = arith.addf %add3A_1175, %add3A_1176 : vector<16xf32>
        %max3A = arith.constant 1.000000e-30 : f32
        %max3A_1178 = vector.broadcast %max3A : f32 to vector<16xf32>
        %max3A_1179 = arith.maximumf %add3A_1177, %max3A_1178 : vector<16xf32>
        %bitcast3A = vector.bitcast %max3A_1179 : vector<16xf32> to vector<16xi32>
        %shift_right_logical3A = arith.constant 1 : i32
        %shift_right_logical3A_1180 = vector.broadcast %shift_right_logical3A : i32 to vector<16xi32>
        %shift_right_logical3A_1181 = arith.shrui %bitcast3A, %shift_right_logical3A_1180 : vector<16xi32>
        %sub3A = arith.constant 1597463007 : i32
        %sub3A_1182 = vector.broadcast %sub3A : i32 to vector<16xi32>
        %sub3A_1183 = arith.subi %sub3A_1182, %shift_right_logical3A_1181 : vector<16xi32>
        %bitcast3A_1184 = vector.bitcast %sub3A_1183 : vector<16xi32> to vector<16xf32>
        %mul3A_1185 = arith.constant 5.000000e-01 : f32
        %mul3A_1186 = vector.broadcast %mul3A_1185 : f32 to vector<16xf32>
        %mul3A_1187 = arith.mulf %mul3A_1186, %max3A_1179 : vector<16xf32>
        %mul3A_1188 = arith.mulf %mul3A_1187, %bitcast3A_1184 : vector<16xf32>
        %mul3A_1189 = arith.mulf %mul3A_1188, %bitcast3A_1184 : vector<16xf32>
        %sub3A_1190 = arith.constant 1.500000e+00 : f32
        %sub3A_1191 = vector.broadcast %sub3A_1190 : f32 to vector<16xf32>
        %sub3A_1192 = arith.subf %sub3A_1191, %mul3A_1189 : vector<16xf32>
        %mul3A_1193 = arith.mulf %bitcast3A_1184, %sub3A_1192 : vector<16xf32>
        %mul3A_1194 = arith.constant 5.000000e-01 : f32
        %mul3A_1195 = vector.broadcast %mul3A_1194 : f32 to vector<16xf32>
        %mul3A_1196 = arith.mulf %mul3A_1195, %max3A_1179 : vector<16xf32>
        %mul3A_1197 = arith.mulf %mul3A_1196, %mul3A_1193 : vector<16xf32>
        %mul3A_1198 = arith.mulf %mul3A_1197, %mul3A_1193 : vector<16xf32>
        %sub3A_1199 = arith.constant 1.500000e+00 : f32
        %sub3A_1200 = vector.broadcast %sub3A_1199 : f32 to vector<16xf32>
        %sub3A_1201 = arith.subf %sub3A_1200, %mul3A_1198 : vector<16xf32>
        %mul3A_1202 = arith.mulf %mul3A_1193, %sub3A_1201 : vector<16xf32>
        %mul3A_1203 = arith.constant 5.000000e-01 : f32
        %mul3A_1204 = vector.broadcast %mul3A_1203 : f32 to vector<16xf32>
        %mul3A_1205 = arith.mulf %mul3A_1204, %max3A_1179 : vector<16xf32>
        %mul3A_1206 = arith.mulf %mul3A_1205, %mul3A_1202 : vector<16xf32>
        %mul3A_1207 = arith.mulf %mul3A_1206, %mul3A_1202 : vector<16xf32>
        %sub3A_1208 = arith.constant 1.500000e+00 : f32
        %sub3A_1209 = vector.broadcast %sub3A_1208 : f32 to vector<16xf32>
        %sub3A_1210 = arith.subf %sub3A_1209, %mul3A_1207 : vector<16xf32>
        %mul3A_1211 = arith.mulf %mul3A_1202, %sub3A_1210 : vector<16xf32>
        %mul3A_1212 = arith.mulf %add3A_1174, %mul3A_1211 : vector<16xf32>
        %reduce_max3A = arith.constant true
        %reduce_max3A_1213 = vector.broadcast %reduce_max3A : i1 to vector<16xi1>
        %reduce_max3A_1214 = tpu.scan <max>, %mul3A_1212 masked %reduce_max3A_1213 : vector<16xf32>, vector<16xi1> -> vector<16xf32>
        %reduce_max3A_1215 = vector.extract %reduce_max3A_1214[15] : f32 from vector<16xf32>
        %get3A_1216 = arith.constant 2 : i32
        %get3A_1217 = arith.index_cast %get3A_1216 : i32 to index
        %get3A_1218 = memref.load %arg11[%get3A_1217] : memref<4xf32, #tpu.memory_space<smem>>
        %gt3A = arith.cmpf ogt, %reduce_max3A_1215, %get3A_1218 : f32
        %convert_element_type3A_1219 = arith.extui %gt3A : i1 to i32
        %cond3A_1220 = arith.constant 0 : i32
        %cond3A_1221 = arith.cmpi ne, %convert_element_type3A_1219, %cond3A_1220 : i32
        scf.if %cond3A_1221 {
          %reduce_max3A_1222 = arith.constant true
          %reduce_max3A_1223 = vector.broadcast %reduce_max3A_1222 : i1 to vector<16xi1>
          %reduce_max3A_1224 = tpu.scan <max>, %mul3A_1212 masked %reduce_max3A_1223 : vector<16xf32>, vector<16xi1> -> vector<16xf32>
          %reduce_max3A_1225 = vector.extract %reduce_max3A_1224[15] : f32 from vector<16xf32>
          %eq3A_1226 = vector.broadcast %reduce_max3A_1225 : f32 to vector<16xf32>
          %eq3A_1227 = arith.cmpf oeq, %mul3A_1212, %eq3A_1226 : vector<16xf32>
          %jit3A_1228 = arith.constant 1073741824 : i32
          %broadcast_in_dim3A_1229 = vector.broadcast %jit3A_1228 : i32 to vector<16xi32>
          %select_n3A_1230 = arith.select %eq3A_1227, %iota3A, %broadcast_in_dim3A_1229 : vector<16xi1>, vector<16xi32>
          %reduce_min3A = arith.constant true
          %reduce_min3A_1231 = vector.broadcast %reduce_min3A : i1 to vector<16xi1>
          %reduce_min3A_1232 = arith.constant -2147483648 : i32
          %reduce_min3A_1233 = vector.broadcast %reduce_min3A_1232 : i32 to vector<16xi32>
          %reduce_min3A_1234 = arith.xori %select_n3A_1230, %reduce_min3A_1233 : vector<16xi32>
          %reduce_min3A_1235 = tpu.scan <min>, %reduce_min3A_1234 masked %reduce_min3A_1231 : vector<16xi32>, vector<16xi1> -> vector<16xi32>
          %reduce_min3A_1236 = arith.xori %reduce_min3A_1235, %reduce_min3A_1233 : vector<16xi32>
          %reduce_min3A_1237 = vector.extract %reduce_min3A_1236[15] : i32 from vector<16xi32>
          %mul3A_1238 = arith.constant 16 : i32
          %mul3A_1239 = arith.muli %scan3A_143, %mul3A_1238 : i32
          %add3A_1240 = arith.addi %add3A_136, %mul3A_1239 : i32
          %add3A_1241 = arith.addi %add3A_1240, %reduce_min3A_1237 : i32
          %get3A_1242 = arith.constant 0 : i32
          %get3A_1243 = arith.index_cast %get3A_1242 : i32 to index
          %get3A_1244 = memref.load %arg11[%get3A_1243] : memref<4xf32, #tpu.memory_space<smem>>
          %get3A_1245 = arith.constant 1 : i32
          %get3A_1246 = arith.index_cast %get3A_1245 : i32 to index
          %get3A_1247 = memref.load %arg11[%get3A_1246] : memref<4xf32, #tpu.memory_space<smem>>
          %get3A_1248 = arith.constant 2 : i32
          %get3A_1249 = arith.index_cast %get3A_1248 : i32 to index
          %get3A_1250 = memref.load %arg11[%get3A_1249] : memref<4xf32, #tpu.memory_space<smem>>
          %get3A_1251 = arith.constant 0 : i32
          %get3A_1252 = arith.index_cast %get3A_1251 : i32 to index
          %get3A_1253 = memref.load %arg12[%get3A_1252] : memref<4xi32, #tpu.memory_space<smem>>
          %get3A_1254 = arith.constant 1 : i32
          %get3A_1255 = arith.index_cast %get3A_1254 : i32 to index
          %get3A_1256 = memref.load %arg12[%get3A_1255] : memref<4xi32, #tpu.memory_space<smem>>
          %get3A_1257 = arith.constant 2 : i32
          %get3A_1258 = arith.index_cast %get3A_1257 : i32 to index
          %get3A_1259 = memref.load %arg12[%get3A_1258] : memref<4xi32, #tpu.memory_space<smem>>
          %gt3A_1260 = arith.cmpf ogt, %reduce_max3A_1225, %get3A_1244 : f32
          %eq3A_1261 = arith.cmpf oeq, %reduce_max3A_1225, %get3A_1244 : f32
          %lt3A_1262 = arith.cmpi slt, %add3A_1241, %get3A_1253 : i32
          %and3A_1263 = arith.andi %eq3A_1261, %lt3A_1262 : i1
          %or3A = arith.ori %gt3A_1260, %and3A_1263 : i1
          %gt3A_1264 = arith.cmpf ogt, %reduce_max3A_1225, %get3A_1247 : f32
          %eq3A_1265 = arith.cmpf oeq, %reduce_max3A_1225, %get3A_1247 : f32
          %lt3A_1266 = arith.cmpi slt, %add3A_1241, %get3A_1256 : i32
          %and3A_1267 = arith.andi %eq3A_1265, %lt3A_1266 : i1
          %or3A_1268 = arith.ori %gt3A_1264, %and3A_1267 : i1
          %gt3A_1269 = arith.cmpf ogt, %reduce_max3A_1225, %get3A_1250 : f32
          %eq3A_1270 = arith.cmpf oeq, %reduce_max3A_1225, %get3A_1250 : f32
          %lt3A_1271 = arith.cmpi slt, %add3A_1241, %get3A_1259 : i32
          %and3A_1272 = arith.andi %eq3A_1270, %lt3A_1271 : i1
          %or3A_1273 = arith.ori %gt3A_1269, %and3A_1272 : i1
          %select_n3A_1274 = arith.select %or3A, %reduce_max3A_1225, %get3A_1244 : f32
          %swap3A_1275 = arith.constant 0 : i32
          %swap3A_1276 = arith.index_cast %swap3A_1275 : i32 to index
          %swap3A_1277 = memref.load %arg11[%swap3A_1276] : memref<4xf32, #tpu.memory_space<smem>>
          memref.store %select_n3A_1274, %arg11[%swap3A_1276] : memref<4xf32, #tpu.memory_space<smem>>
          %select_n3A_1278 = arith.select %or3A, %add3A_1241, %get3A_1253 : i32
          %swap3A_1279 = arith.constant 0 : i32
          %swap3A_1280 = arith.index_cast %swap3A_1279 : i32 to index
          %swap3A_1281 = memref.load %arg12[%swap3A_1280] : memref<4xi32, #tpu.memory_space<smem>>
          memref.store %select_n3A_1278, %arg12[%swap3A_1280] : memref<4xi32, #tpu.memory_space<smem>>
          %select_n3A_1282 = arith.select %or3A_1268, %reduce_max3A_1225, %get3A_1247 : f32
          %select_n3A_1283 = arith.select %or3A, %get3A_1244, %select_n3A_1282 : f32
          %swap3A_1284 = arith.constant 1 : i32
          %swap3A_1285 = arith.index_cast %swap3A_1284 : i32 to index
          %swap3A_1286 = memref.load %arg11[%swap3A_1285] : memref<4xf32, #tpu.memory_space<smem>>
          memref.store %select_n3A_1283, %arg11[%swap3A_1285] : memref<4xf32, #tpu.memory_space<smem>>
          %select_n3A_1287 = arith.select %or3A_1268, %add3A_1241, %get3A_1256 : i32
          %select_n3A_1288 = arith.select %or3A, %get3A_1253, %select_n3A_1287 : i32
          %swap3A_1289 = arith.constant 1 : i32
          %swap3A_1290 = arith.index_cast %swap3A_1289 : i32 to index
          %swap3A_1291 = memref.load %arg12[%swap3A_1290] : memref<4xi32, #tpu.memory_space<smem>>
          memref.store %select_n3A_1288, %arg12[%swap3A_1290] : memref<4xi32, #tpu.memory_space<smem>>
          %select_n3A_1292 = arith.select %or3A_1273, %reduce_max3A_1225, %get3A_1250 : f32
          %select_n3A_1293 = arith.select %or3A_1268, %get3A_1247, %select_n3A_1292 : f32
          %swap3A_1294 = arith.constant 2 : i32
          %swap3A_1295 = arith.index_cast %swap3A_1294 : i32 to index
          %swap3A_1296 = memref.load %arg11[%swap3A_1295] : memref<4xf32, #tpu.memory_space<smem>>
          memref.store %select_n3A_1293, %arg11[%swap3A_1295] : memref<4xf32, #tpu.memory_space<smem>>
          %select_n3A_1297 = arith.select %or3A_1273, %add3A_1241, %get3A_1259 : i32
          %select_n3A_1298 = arith.select %or3A_1268, %get3A_1256, %select_n3A_1297 : i32
          %swap3A_1299 = arith.constant 2 : i32
          %swap3A_1300 = arith.index_cast %swap3A_1299 : i32 to index
          %swap3A_1301 = memref.load %arg12[%swap3A_1300] : memref<4xi32, #tpu.memory_space<smem>>
          memref.store %select_n3A_1298, %arg12[%swap3A_1300] : memref<4xi32, #tpu.memory_space<smem>>
          %eq3A_1302 = vector.broadcast %reduce_min3A_1237 : i32 to vector<16xi32>
          %eq3A_1303 = arith.cmpi eq, %iota3A, %eq3A_1302 : vector<16xi32>
          %jit3A_1304 = arith.constant 0xFF800000 : f32
          %broadcast_in_dim3A_1305 = vector.broadcast %jit3A_1304 : f32 to vector<16xf32>
          %select_n3A_1306 = arith.select %eq3A_1303, %broadcast_in_dim3A_1305, %mul3A_1212 : vector<16xi1>, vector<16xf32>
          %reduce_max3A_1307 = arith.constant true
          %reduce_max3A_1308 = vector.broadcast %reduce_max3A_1307 : i1 to vector<16xi1>
          %reduce_max3A_1309 = tpu.scan <max>, %select_n3A_1306 masked %reduce_max3A_1308 : vector<16xf32>, vector<16xi1> -> vector<16xf32>
          %reduce_max3A_1310 = vector.extract %reduce_max3A_1309[15] : f32 from vector<16xf32>
          %eq3A_1311 = vector.broadcast %reduce_max3A_1310 : f32 to vector<16xf32>
          %eq3A_1312 = arith.cmpf oeq, %select_n3A_1306, %eq3A_1311 : vector<16xf32>
          %jit3A_1313 = arith.constant 1073741824 : i32
          %broadcast_in_dim3A_1314 = vector.broadcast %jit3A_1313 : i32 to vector<16xi32>
          %select_n3A_1315 = arith.select %eq3A_1312, %iota3A, %broadcast_in_dim3A_1314 : vector<16xi1>, vector<16xi32>
          %reduce_min3A_1316 = arith.constant true
          %reduce_min3A_1317 = vector.broadcast %reduce_min3A_1316 : i1 to vector<16xi1>
          %reduce_min3A_1318 = arith.constant -2147483648 : i32
          %reduce_min3A_1319 = vector.broadcast %reduce_min3A_1318 : i32 to vector<16xi32>
          %reduce_min3A_1320 = arith.xori %select_n3A_1315, %reduce_min3A_1319 : vector<16xi32>
          %reduce_min3A_1321 = tpu.scan <min>, %reduce_min3A_1320 masked %reduce_min3A_1317 : vector<16xi32>, vector<16xi1> -> vector<16xi32>
          %reduce_min3A_1322 = arith.xori %reduce_min3A_1321, %reduce_min3A_1319 : vector<16xi32>
          %reduce_min3A_1323 = vector.extract %reduce_min3A_1322[15] : i32 from vector<16xi32>
          %mul3A_1324 = arith.constant 16 : i32
          %mul3A_1325 = arith.muli %scan3A_143, %mul3A_1324 : i32
          %add3A_1326 = arith.addi %add3A_136, %mul3A_1325 : i32
          %add3A_1327 = arith.addi %add3A_1326, %reduce_min3A_1323 : i32
          %get3A_1328 = arith.constant 0 : i32
          %get3A_1329 = arith.index_cast %get3A_1328 : i32 to index
          %get3A_1330 = memref.load %arg11[%get3A_1329] : memref<4xf32, #tpu.memory_space<smem>>
          %get3A_1331 = arith.constant 1 : i32
          %get3A_1332 = arith.index_cast %get3A_1331 : i32 to index
          %get3A_1333 = memref.load %arg11[%get3A_1332] : memref<4xf32, #tpu.memory_space<smem>>
          %get3A_1334 = arith.constant 2 : i32
          %get3A_1335 = arith.index_cast %get3A_1334 : i32 to index
          %get3A_1336 = memref.load %arg11[%get3A_1335] : memref<4xf32, #tpu.memory_space<smem>>
          %get3A_1337 = arith.constant 0 : i32
          %get3A_1338 = arith.index_cast %get3A_1337 : i32 to index
          %get3A_1339 = memref.load %arg12[%get3A_1338] : memref<4xi32, #tpu.memory_space<smem>>
          %get3A_1340 = arith.constant 1 : i32
          %get3A_1341 = arith.index_cast %get3A_1340 : i32 to index
          %get3A_1342 = memref.load %arg12[%get3A_1341] : memref<4xi32, #tpu.memory_space<smem>>
          %get3A_1343 = arith.constant 2 : i32
          %get3A_1344 = arith.index_cast %get3A_1343 : i32 to index
          %get3A_1345 = memref.load %arg12[%get3A_1344] : memref<4xi32, #tpu.memory_space<smem>>
          %gt3A_1346 = arith.cmpf ogt, %reduce_max3A_1310, %get3A_1330 : f32
          %eq3A_1347 = arith.cmpf oeq, %reduce_max3A_1310, %get3A_1330 : f32
          %lt3A_1348 = arith.cmpi slt, %add3A_1327, %get3A_1339 : i32
          %and3A_1349 = arith.andi %eq3A_1347, %lt3A_1348 : i1
          %or3A_1350 = arith.ori %gt3A_1346, %and3A_1349 : i1
          %gt3A_1351 = arith.cmpf ogt, %reduce_max3A_1310, %get3A_1333 : f32
          %eq3A_1352 = arith.cmpf oeq, %reduce_max3A_1310, %get3A_1333 : f32
          %lt3A_1353 = arith.cmpi slt, %add3A_1327, %get3A_1342 : i32
          %and3A_1354 = arith.andi %eq3A_1352, %lt3A_1353 : i1
          %or3A_1355 = arith.ori %gt3A_1351, %and3A_1354 : i1
          %gt3A_1356 = arith.cmpf ogt, %reduce_max3A_1310, %get3A_1336 : f32
          %eq3A_1357 = arith.cmpf oeq, %reduce_max3A_1310, %get3A_1336 : f32
          %lt3A_1358 = arith.cmpi slt, %add3A_1327, %get3A_1345 : i32
          %and3A_1359 = arith.andi %eq3A_1357, %lt3A_1358 : i1
          %or3A_1360 = arith.ori %gt3A_1356, %and3A_1359 : i1
          %select_n3A_1361 = arith.select %or3A_1350, %reduce_max3A_1310, %get3A_1330 : f32
          %swap3A_1362 = arith.constant 0 : i32
          %swap3A_1363 = arith.index_cast %swap3A_1362 : i32 to index
          %swap3A_1364 = memref.load %arg11[%swap3A_1363] : memref<4xf32, #tpu.memory_space<smem>>
          memref.store %select_n3A_1361, %arg11[%swap3A_1363] : memref<4xf32, #tpu.memory_space<smem>>
          %select_n3A_1365 = arith.select %or3A_1350, %add3A_1327, %get3A_1339 : i32
          %swap3A_1366 = arith.constant 0 : i32
          %swap3A_1367 = arith.index_cast %swap3A_1366 : i32 to index
          %swap3A_1368 = memref.load %arg12[%swap3A_1367] : memref<4xi32, #tpu.memory_space<smem>>
          memref.store %select_n3A_1365, %arg12[%swap3A_1367] : memref<4xi32, #tpu.memory_space<smem>>
          %select_n3A_1369 = arith.select %or3A_1355, %reduce_max3A_1310, %get3A_1333 : f32
          %select_n3A_1370 = arith.select %or3A_1350, %get3A_1330, %select_n3A_1369 : f32
          %swap3A_1371 = arith.constant 1 : i32
          %swap3A_1372 = arith.index_cast %swap3A_1371 : i32 to index
          %swap3A_1373 = memref.load %arg11[%swap3A_1372] : memref<4xf32, #tpu.memory_space<smem>>
          memref.store %select_n3A_1370, %arg11[%swap3A_1372] : memref<4xf32, #tpu.memory_space<smem>>
          %select_n3A_1374 = arith.select %or3A_1355, %add3A_1327, %get3A_1342 : i32
          %select_n3A_1375 = arith.select %or3A_1350, %get3A_1339, %select_n3A_1374 : i32
          %swap3A_1376 = arith.constant 1 : i32
          %swap3A_1377 = arith.index_cast %swap3A_1376 : i32 to index
          %swap3A_1378 = memref.load %arg12[%swap3A_1377] : memref<4xi32, #tpu.memory_space<smem>>
          memref.store %select_n3A_1375, %arg12[%swap3A_1377] : memref<4xi32, #tpu.memory_space<smem>>
          %select_n3A_1379 = arith.select %or3A_1360, %reduce_max3A_1310, %get3A_1336 : f32
          %select_n3A_1380 = arith.select %or3A_1355, %get3A_1333, %select_n3A_1379 : f32
          %swap3A_1381 = arith.constant 2 : i32
          %swap3A_1382 = arith.index_cast %swap3A_1381 : i32 to index
          %swap3A_1383 = memref.load %arg11[%swap3A_1382] : memref<4xf32, #tpu.memory_space<smem>>
          memref.store %select_n3A_1380, %arg11[%swap3A_1382] : memref<4xf32, #tpu.memory_space<smem>>
          %select_n3A_1384 = arith.select %or3A_1360, %add3A_1327, %get3A_1345 : i32
          %select_n3A_1385 = arith.select %or3A_1355, %get3A_1342, %select_n3A_1384 : i32
          %swap3A_1386 = arith.constant 2 : i32
          %swap3A_1387 = arith.index_cast %swap3A_1386 : i32 to index
          %swap3A_1388 = memref.load %arg12[%swap3A_1387] : memref<4xi32, #tpu.memory_space<smem>>
          memref.store %select_n3A_1385, %arg12[%swap3A_1387] : memref<4xi32, #tpu.memory_space<smem>>
          %eq3A_1389 = vector.broadcast %reduce_min3A_1323 : i32 to vector<16xi32>
          %eq3A_1390 = arith.cmpi eq, %iota3A, %eq3A_1389 : vector<16xi32>
          %jit3A_1391 = arith.constant 0xFF800000 : f32
          %broadcast_in_dim3A_1392 = vector.broadcast %jit3A_1391 : f32 to vector<16xf32>
          %select_n3A_1393 = arith.select %eq3A_1390, %broadcast_in_dim3A_1392, %select_n3A_1306 : vector<16xi1>, vector<16xf32>
          %reduce_max3A_1394 = arith.constant true
          %reduce_max3A_1395 = vector.broadcast %reduce_max3A_1394 : i1 to vector<16xi1>
          %reduce_max3A_1396 = tpu.scan <max>, %select_n3A_1393 masked %reduce_max3A_1395 : vector<16xf32>, vector<16xi1> -> vector<16xf32>
          %reduce_max3A_1397 = vector.extract %reduce_max3A_1396[15] : f32 from vector<16xf32>
          %eq3A_1398 = vector.broadcast %reduce_max3A_1397 : f32 to vector<16xf32>
          %eq3A_1399 = arith.cmpf oeq, %select_n3A_1393, %eq3A_1398 : vector<16xf32>
          %jit3A_1400 = arith.constant 1073741824 : i32
          %broadcast_in_dim3A_1401 = vector.broadcast %jit3A_1400 : i32 to vector<16xi32>
          %select_n3A_1402 = arith.select %eq3A_1399, %iota3A, %broadcast_in_dim3A_1401 : vector<16xi1>, vector<16xi32>
          %reduce_min3A_1403 = arith.constant true
          %reduce_min3A_1404 = vector.broadcast %reduce_min3A_1403 : i1 to vector<16xi1>
          %reduce_min3A_1405 = arith.constant -2147483648 : i32
          %reduce_min3A_1406 = vector.broadcast %reduce_min3A_1405 : i32 to vector<16xi32>
          %reduce_min3A_1407 = arith.xori %select_n3A_1402, %reduce_min3A_1406 : vector<16xi32>
          %reduce_min3A_1408 = tpu.scan <min>, %reduce_min3A_1407 masked %reduce_min3A_1404 : vector<16xi32>, vector<16xi1> -> vector<16xi32>
          %reduce_min3A_1409 = arith.xori %reduce_min3A_1408, %reduce_min3A_1406 : vector<16xi32>
          %reduce_min3A_1410 = vector.extract %reduce_min3A_1409[15] : i32 from vector<16xi32>
          %mul3A_1411 = arith.constant 16 : i32
          %mul3A_1412 = arith.muli %scan3A_143, %mul3A_1411 : i32
          %add3A_1413 = arith.addi %add3A_136, %mul3A_1412 : i32
          %add3A_1414 = arith.addi %add3A_1413, %reduce_min3A_1410 : i32
          %get3A_1415 = arith.constant 0 : i32
          %get3A_1416 = arith.index_cast %get3A_1415 : i32 to index
          %get3A_1417 = memref.load %arg11[%get3A_1416] : memref<4xf32, #tpu.memory_space<smem>>
          %get3A_1418 = arith.constant 1 : i32
          %get3A_1419 = arith.index_cast %get3A_1418 : i32 to index
          %get3A_1420 = memref.load %arg11[%get3A_1419] : memref<4xf32, #tpu.memory_space<smem>>
          %get3A_1421 = arith.constant 2 : i32
          %get3A_1422 = arith.index_cast %get3A_1421 : i32 to index
          %get3A_1423 = memref.load %arg11[%get3A_1422] : memref<4xf32, #tpu.memory_space<smem>>
          %get3A_1424 = arith.constant 0 : i32
          %get3A_1425 = arith.index_cast %get3A_1424 : i32 to index
          %get3A_1426 = memref.load %arg12[%get3A_1425] : memref<4xi32, #tpu.memory_space<smem>>
          %get3A_1427 = arith.constant 1 : i32
          %get3A_1428 = arith.index_cast %get3A_1427 : i32 to index
          %get3A_1429 = memref.load %arg12[%get3A_1428] : memref<4xi32, #tpu.memory_space<smem>>
          %get3A_1430 = arith.constant 2 : i32
          %get3A_1431 = arith.index_cast %get3A_1430 : i32 to index
          %get3A_1432 = memref.load %arg12[%get3A_1431] : memref<4xi32, #tpu.memory_space<smem>>
          %gt3A_1433 = arith.cmpf ogt, %reduce_max3A_1397, %get3A_1417 : f32
          %eq3A_1434 = arith.cmpf oeq, %reduce_max3A_1397, %get3A_1417 : f32
          %lt3A_1435 = arith.cmpi slt, %add3A_1414, %get3A_1426 : i32
          %and3A_1436 = arith.andi %eq3A_1434, %lt3A_1435 : i1
          %or3A_1437 = arith.ori %gt3A_1433, %and3A_1436 : i1
          %gt3A_1438 = arith.cmpf ogt, %reduce_max3A_1397, %get3A_1420 : f32
          %eq3A_1439 = arith.cmpf oeq, %reduce_max3A_1397, %get3A_1420 : f32
          %lt3A_1440 = arith.cmpi slt, %add3A_1414, %get3A_1429 : i32
          %and3A_1441 = arith.andi %eq3A_1439, %lt3A_1440 : i1
          %or3A_1442 = arith.ori %gt3A_1438, %and3A_1441 : i1
          %gt3A_1443 = arith.cmpf ogt, %reduce_max3A_1397, %get3A_1423 : f32
          %eq3A_1444 = arith.cmpf oeq, %reduce_max3A_1397, %get3A_1423 : f32
          %lt3A_1445 = arith.cmpi slt, %add3A_1414, %get3A_1432 : i32
          %and3A_1446 = arith.andi %eq3A_1444, %lt3A_1445 : i1
          %or3A_1447 = arith.ori %gt3A_1443, %and3A_1446 : i1
          %select_n3A_1448 = arith.select %or3A_1437, %reduce_max3A_1397, %get3A_1417 : f32
          %swap3A_1449 = arith.constant 0 : i32
          %swap3A_1450 = arith.index_cast %swap3A_1449 : i32 to index
          %swap3A_1451 = memref.load %arg11[%swap3A_1450] : memref<4xf32, #tpu.memory_space<smem>>
          memref.store %select_n3A_1448, %arg11[%swap3A_1450] : memref<4xf32, #tpu.memory_space<smem>>
          %select_n3A_1452 = arith.select %or3A_1437, %add3A_1414, %get3A_1426 : i32
          %swap3A_1453 = arith.constant 0 : i32
          %swap3A_1454 = arith.index_cast %swap3A_1453 : i32 to index
          %swap3A_1455 = memref.load %arg12[%swap3A_1454] : memref<4xi32, #tpu.memory_space<smem>>
          memref.store %select_n3A_1452, %arg12[%swap3A_1454] : memref<4xi32, #tpu.memory_space<smem>>
          %select_n3A_1456 = arith.select %or3A_1442, %reduce_max3A_1397, %get3A_1420 : f32
          %select_n3A_1457 = arith.select %or3A_1437, %get3A_1417, %select_n3A_1456 : f32
          %swap3A_1458 = arith.constant 1 : i32
          %swap3A_1459 = arith.index_cast %swap3A_1458 : i32 to index
          %swap3A_1460 = memref.load %arg11[%swap3A_1459] : memref<4xf32, #tpu.memory_space<smem>>
          memref.store %select_n3A_1457, %arg11[%swap3A_1459] : memref<4xf32, #tpu.memory_space<smem>>
          %select_n3A_1461 = arith.select %or3A_1442, %add3A_1414, %get3A_1429 : i32
          %select_n3A_1462 = arith.select %or3A_1437, %get3A_1426, %select_n3A_1461 : i32
          %swap3A_1463 = arith.constant 1 : i32
          %swap3A_1464 = arith.index_cast %swap3A_1463 : i32 to index
          %swap3A_1465 = memref.load %arg12[%swap3A_1464] : memref<4xi32, #tpu.memory_space<smem>>
          memref.store %select_n3A_1462, %arg12[%swap3A_1464] : memref<4xi32, #tpu.memory_space<smem>>
          %select_n3A_1466 = arith.select %or3A_1447, %reduce_max3A_1397, %get3A_1423 : f32
          %select_n3A_1467 = arith.select %or3A_1442, %get3A_1420, %select_n3A_1466 : f32
          %swap3A_1468 = arith.constant 2 : i32
          %swap3A_1469 = arith.index_cast %swap3A_1468 : i32 to index
          %swap3A_1470 = memref.load %arg11[%swap3A_1469] : memref<4xf32, #tpu.memory_space<smem>>
          memref.store %select_n3A_1467, %arg11[%swap3A_1469] : memref<4xf32, #tpu.memory_space<smem>>
          %select_n3A_1471 = arith.select %or3A_1447, %add3A_1414, %get3A_1432 : i32
          %select_n3A_1472 = arith.select %or3A_1442, %get3A_1429, %select_n3A_1471 : i32
          %swap3A_1473 = arith.constant 2 : i32
          %swap3A_1474 = arith.index_cast %swap3A_1473 : i32 to index
          %swap3A_1475 = memref.load %arg12[%swap3A_1474] : memref<4xi32, #tpu.memory_space<smem>>
          memref.store %select_n3A_1472, %arg12[%swap3A_1474] : memref<4xi32, #tpu.memory_space<smem>>
          %eq3A_1476 = vector.broadcast %reduce_min3A_1410 : i32 to vector<16xi32>
          %eq3A_1477 = arith.cmpi eq, %iota3A, %eq3A_1476 : vector<16xi32>
          %jit3A_1478 = arith.constant 0xFF800000 : f32
          %broadcast_in_dim3A_1479 = vector.broadcast %jit3A_1478 : f32 to vector<16xf32>
          %select_n3A_1480 = arith.select %eq3A_1477, %broadcast_in_dim3A_1479, %select_n3A_1393 : vector<16xi1>, vector<16xf32>
        } else {
        }
      }
      %scan3A_142 = arith.constant 31 : i32
    }
    %scan3A_40 = arith.constant 16 : i32
    %eq3A = arith.constant 0 : i32
    %eq3A_41 = vector.broadcast %eq3A : i32 to vector<16xi32>
    %eq3A_42 = arith.cmpi eq, %iota3A, %eq3A_41 : vector<16xi32>
    %get3A = arith.constant 0 : i32
    %get3A_43 = arith.index_cast %get3A : i32 to index
    %get3A_44 = memref.load %arg11[%get3A_43] : memref<4xf32, #tpu.memory_space<smem>>
    %eq3A_45 = arith.constant 1 : i32
    %eq3A_46 = vector.broadcast %eq3A_45 : i32 to vector<16xi32>
    %eq3A_47 = arith.cmpi eq, %iota3A, %eq3A_46 : vector<16xi32>
    %get3A_48 = arith.constant 1 : i32
    %get3A_49 = arith.index_cast %get3A_48 : i32 to index
    %get3A_50 = memref.load %arg11[%get3A_49] : memref<4xf32, #tpu.memory_space<smem>>
    %eq3A_51 = arith.constant 2 : i32
    %eq3A_52 = vector.broadcast %eq3A_51 : i32 to vector<16xi32>
    %eq3A_53 = arith.cmpi eq, %iota3A, %eq3A_52 : vector<16xi32>
    %get3A_54 = arith.constant 2 : i32
    %get3A_55 = arith.index_cast %get3A_54 : i32 to index
    %get3A_56 = memref.load %arg11[%get3A_55] : memref<4xf32, #tpu.memory_space<smem>>
    %jit3A = arith.constant 0xFF800000 : f32
    %broadcast_in_dim3A = vector.broadcast %get3A_56 : f32 to vector<16xf32>
    %broadcast_in_dim3A_57 = vector.broadcast %jit3A : f32 to vector<16xf32>
    %select_n3A = arith.select %eq3A_53, %broadcast_in_dim3A, %broadcast_in_dim3A_57 : vector<16xi1>, vector<16xf32>
    %broadcast_in_dim3A_58 = vector.broadcast %get3A_50 : f32 to vector<16xf32>
    %select_n3A_59 = arith.select %eq3A_47, %broadcast_in_dim3A_58, %select_n3A : vector<16xi1>, vector<16xf32>
    %broadcast_in_dim3A_60 = vector.broadcast %get3A_44 : f32 to vector<16xf32>
    %select_n3A_61 = arith.select %eq3A_42, %broadcast_in_dim3A_60, %select_n3A_59 : vector<16xi1>, vector<16xf32>
    %eq3A_62 = arith.constant 0 : i32
    %eq3A_63 = vector.broadcast %eq3A_62 : i32 to vector<16xi32>
    %eq3A_64 = arith.cmpi eq, %iota3A, %eq3A_63 : vector<16xi32>
    %get3A_65 = arith.constant 0 : i32
    %get3A_66 = arith.index_cast %get3A_65 : i32 to index
    %get3A_67 = memref.load %arg12[%get3A_66] : memref<4xi32, #tpu.memory_space<smem>>
    %eq3A_68 = arith.constant 1 : i32
    %eq3A_69 = vector.broadcast %eq3A_68 : i32 to vector<16xi32>
    %eq3A_70 = arith.cmpi eq, %iota3A, %eq3A_69 : vector<16xi32>
    %get3A_71 = arith.constant 1 : i32
    %get3A_72 = arith.index_cast %get3A_71 : i32 to index
    %get3A_73 = memref.load %arg12[%get3A_72] : memref<4xi32, #tpu.memory_space<smem>>
    %eq3A_74 = arith.constant 2 : i32
    %eq3A_75 = vector.broadcast %eq3A_74 : i32 to vector<16xi32>
    %eq3A_76 = arith.cmpi eq, %iota3A, %eq3A_75 : vector<16xi32>
    %get3A_77 = arith.constant 2 : i32
    %get3A_78 = arith.index_cast %get3A_77 : i32 to index
    %get3A_79 = memref.load %arg12[%get3A_78] : memref<4xi32, #tpu.memory_space<smem>>
    %jit3A_80 = arith.constant 1073741824 : i32
    %broadcast_in_dim3A_81 = vector.broadcast %get3A_79 : i32 to vector<16xi32>
    %broadcast_in_dim3A_82 = vector.broadcast %jit3A_80 : i32 to vector<16xi32>
    %select_n3A_83 = arith.select %eq3A_76, %broadcast_in_dim3A_81, %broadcast_in_dim3A_82 : vector<16xi1>, vector<16xi32>
    %broadcast_in_dim3A_84 = vector.broadcast %get3A_73 : i32 to vector<16xi32>
    %select_n3A_85 = arith.select %eq3A_70, %broadcast_in_dim3A_84, %select_n3A_83 : vector<16xi1>, vector<16xi32>
    %broadcast_in_dim3A_86 = vector.broadcast %get3A_67 : i32 to vector<16xi32>
    %select_n3A_87 = arith.select %eq3A_64, %broadcast_in_dim3A_86, %select_n3A_85 : vector<16xi1>, vector<16xi32>
    %swap3A_88 = arith.constant 0 : index
    %swap3A_89 = tpu.vector_load %arg9[%swap3A_88] {strides = array<i32>} : memref<16xf32, #tpu.memory_space<vmem>>, vector<16xf32>,
    tpu.vector_store %arg9[%swap3A_88], %select_n3A_61 {strides = array<i32>} : memref<16xf32, #tpu.memory_space<vmem>>, vector<16xf32>,
    %swap3A_90 = arith.constant 0 : index
    %swap3A_91 = tpu.vector_load %arg10[%swap3A_90] {strides = array<i32>} : memref<16xi32, #tpu.memory_space<vmem>>, vector<16xi32>,
    tpu.vector_store %arg10[%swap3A_90], %select_n3A_87 {strides = array<i32>} : memref<16xi32, #tpu.memory_space<vmem>>, vector<16xi32>,
    "tpu.region"() ({
      %run_scoped3A = tpu.sem_alloc : memref<!tpu.dma_semaphore, #tpu.memory_space<semaphore_mem>>
      %dma_start3A_92 = arith.constant 0 : i32
      %dma_start3A_93 = tpu.memref_slice %arg4[%add3A, %dma_start3A_92] : memref<32x16xf32, #tpu.memory_space<hbm>> -> memref<1x16xf32, #tpu.memory_space<hbm>>
      %dma_start3A_94 = tpu.memref_squeeze %dma_start3A_93 : memref<1x16xf32, #tpu.memory_space<hbm>> -> memref<16xf32, #tpu.memory_space<hbm>>
      %dma_start3A_95 = arith.constant 0 : i32
      %dma_start3A_96 = tpu.memref_slice %arg4[%add3A, %dma_start3A_95] : memref<32x16xf32, #tpu.memory_space<hbm>> -> memref<1x16xf32, #tpu.memory_space<hbm>>
      %dma_start3A_97 = tpu.memref_squeeze %dma_start3A_96 : memref<1x16xf32, #tpu.memory_space<hbm>> -> memref<16xf32, #tpu.memory_space<hbm>>
      tpu.enqueue_dma source(%arg9 : memref<16xf32, #tpu.memory_space<vmem>>) target(%dma_start3A_97 : memref<16xf32, #tpu.memory_space<hbm>>) target_semaphore(%run_scoped3A : memref<!tpu.dma_semaphore, #tpu.memory_space<semaphore_mem>>)
      %dma_wait3A = arith.constant 0 : i32
      %dma_wait3A_98 = tpu.memref_slice %arg4[%add3A, %dma_wait3A] : memref<32x16xf32, #tpu.memory_space<hbm>> -> memref<1x16xf32, #tpu.memory_space<hbm>>
      %dma_wait3A_99 = tpu.memref_squeeze %dma_wait3A_98 : memref<1x16xf32, #tpu.memory_space<hbm>> -> memref<16xf32, #tpu.memory_space<hbm>>
      %dma_wait3A_100 = arith.constant 0 : i32
      %dma_wait3A_101 = tpu.memref_slice %arg4[%add3A, %dma_wait3A_100] : memref<32x16xf32, #tpu.memory_space<hbm>> -> memref<1x16xf32, #tpu.memory_space<hbm>>
      %dma_wait3A_102 = tpu.memref_squeeze %dma_wait3A_101 : memref<1x16xf32, #tpu.memory_space<hbm>> -> memref<16xf32, #tpu.memory_space<hbm>>
      tpu.wait_dma2 semaphore(%run_scoped3A : memref<!tpu.dma_semaphore, #tpu.memory_space<semaphore_mem>>) src(%arg9 : memref<16xf32, #tpu.memory_space<vmem>>) dst(%dma_wait3A_102 : memref<16xf32, #tpu.memory_space<hbm>>)
      tpu.yield
    }) : () -> ()
    "tpu.region"() ({
      %run_scoped3A = tpu.sem_alloc : memref<!tpu.dma_semaphore, #tpu.memory_space<semaphore_mem>>
      %dma_start3A_92 = arith.constant 0 : i32
      %dma_start3A_93 = tpu.memref_slice %arg5[%add3A, %dma_start3A_92] : memref<32x16xi32, #tpu.memory_space<hbm>> -> memref<1x16xi32, #tpu.memory_space<hbm>>
      %dma_start3A_94 = tpu.memref_squeeze %dma_start3A_93 : memref<1x16xi32, #tpu.memory_space<hbm>> -> memref<16xi32, #tpu.memory_space<hbm>>
      %dma_start3A_95 = arith.constant 0 : i32
      %dma_start3A_96 = tpu.memref_slice %arg5[%add3A, %dma_start3A_95] : memref<32x16xi32, #tpu.memory_space<hbm>> -> memref<1x16xi32, #tpu.memory_space<hbm>>
      %dma_start3A_97 = tpu.memref_squeeze %dma_start3A_96 : memref<1x16xi32, #tpu.memory_space<hbm>> -> memref<16xi32, #tpu.memory_space<hbm>>
      tpu.enqueue_dma source(%arg10 : memref<16xi32, #tpu.memory_space<vmem>>) target(%dma_start3A_97 : memref<16xi32, #tpu.memory_space<hbm>>) target_semaphore(%run_scoped3A : memref<!tpu.dma_semaphore, #tpu.memory_space<semaphore_mem>>)
      %dma_wait3A = arith.constant 0 : i32
      %dma_wait3A_98 = tpu.memref_slice %arg5[%add3A, %dma_wait3A] : memref<32x16xi32, #tpu.memory_space<hbm>> -> memref<1x16xi32, #tpu.memory_space<hbm>>
      %dma_wait3A_99 = tpu.memref_squeeze %dma_wait3A_98 : memref<1x16xi32, #tpu.memory_space<hbm>> -> memref<16xi32, #tpu.memory_space<hbm>>
      %dma_wait3A_100 = arith.constant 0 : i32
      %dma_wait3A_101 = tpu.memref_slice %arg5[%add3A, %dma_wait3A_100] : memref<32x16xi32, #tpu.memory_space<hbm>> -> memref<1x16xi32, #tpu.memory_space<hbm>>
      %dma_wait3A_102 = tpu.memref_squeeze %dma_wait3A_101 : memref<1x16xi32, #tpu.memory_space<hbm>> -> memref<16xi32, #tpu.memory_space<hbm>>
      tpu.wait_dma2 semaphore(%run_scoped3A : memref<!tpu.dma_semaphore, #tpu.memory_space<semaphore_mem>>) src(%arg10 : memref<16xi32, #tpu.memory_space<vmem>>) dst(%dma_wait3A_102 : memref<16xi32, #tpu.memory_space<hbm>>)
      tpu.yield
    }) : () -> ()
    return
  }
}

module attributes {stable_mosaic.version = 14 : i64} {
  func.func @_tc_scan_body(%arg0: i32, %arg1: memref<8x128xf32, #tpu.memory_space<vmem>>, %arg2: memref<8x64xf32, #tpu.memory_space<vmem>>, %arg3: memref<4096x128xf32, #tpu.memory_space<vmem>>, %arg4: memref<4096x128xf32, #tpu.memory_space<vmem>>, %arg5: memref<4096x128xf32, #tpu.memory_space<vmem>>, %arg6: memref<4096x128xf32, #tpu.memory_space<vmem>>, %arg7: memref<576x64xf32, #tpu.memory_space<vmem>>, %arg8: memref<1x16xf32, #tpu.memory_space<smem>>, %arg9: memref<1x16xi32, #tpu.memory_space<smem>>, %arg10: memref<4xf32, #tpu.memory_space<smem>>, %arg11: memref<4xi32, #tpu.memory_space<smem>>) attributes {dimension_semantics = [#tpu.dimension_semantics<arbitrary>], iteration_bounds = array<i64: 15>, scalar_prefetch = 0 : i64, scratch_operands = 2 : i64, tpu.core_type = #tpu.core_type<tc>, window_params = [{pipeline_mode = #tpu.pipeline_mode<synchronous>, transform_indices = @transform_0, window_bounds = array<i64: 8, 128>}, {pipeline_mode = #tpu.pipeline_mode<synchronous>, transform_indices = @transform_1, window_bounds = array<i64: 8, 64>}, {transform_indices = @transform_2, window_bounds = array<i64: 4096, 128>}, {transform_indices = @transform_3, window_bounds = array<i64: 4096, 128>}, {transform_indices = @transform_4, window_bounds = array<i64: 4096, 128>}, {transform_indices = @transform_5, window_bounds = array<i64: 4096, 128>}, {pipeline_mode = #tpu.pipeline_mode<synchronous>, transform_indices = @transform_6, window_bounds = array<i64: 576, 64>}, {transform_indices = @transform_7, window_bounds = array<i64: 1, 16>}, {transform_indices = @transform_8, window_bounds = array<i64: 1, 16>}]} {
    %eq3A = arith.constant 0 : i32
    %eq3A_0 = arith.cmpi eq, %arg0, %eq3A : i32
    %convert_element_type3A = arith.extui %eq3A_0 : i1 to i32
    %cond3A = arith.constant 0 : i32
    %cond3A_1 = arith.cmpi ne, %convert_element_type3A, %cond3A : i32
    scf.if %cond3A_1 {
      %swap3A = arith.constant 0xFF800000 : f32
      %swap3A_73 = arith.constant 0 : index
      %swap3A_74 = memref.load %arg10[%swap3A_73] : memref<4xf32, #tpu.memory_space<smem>>
      memref.store %swap3A, %arg10[%swap3A_73] : memref<4xf32, #tpu.memory_space<smem>>
      %swap3A_75 = arith.constant 0 : i32
      %swap3A_76 = arith.constant 0 : index
      %swap3A_77 = memref.load %arg11[%swap3A_76] : memref<4xi32, #tpu.memory_space<smem>>
      memref.store %swap3A_75, %arg11[%swap3A_76] : memref<4xi32, #tpu.memory_space<smem>>
      %swap3A_78 = arith.constant 0xFF800000 : f32
      %swap3A_79 = arith.constant 1 : index
      %swap3A_80 = memref.load %arg10[%swap3A_79] : memref<4xf32, #tpu.memory_space<smem>>
      memref.store %swap3A_78, %arg10[%swap3A_79] : memref<4xf32, #tpu.memory_space<smem>>
      %swap3A_81 = arith.constant 0 : i32
      %swap3A_82 = arith.constant 1 : index
      %swap3A_83 = memref.load %arg11[%swap3A_82] : memref<4xi32, #tpu.memory_space<smem>>
      memref.store %swap3A_81, %arg11[%swap3A_82] : memref<4xi32, #tpu.memory_space<smem>>
      %swap3A_84 = arith.constant 0xFF800000 : f32
      %swap3A_85 = arith.constant 2 : index
      %swap3A_86 = memref.load %arg10[%swap3A_85] : memref<4xf32, #tpu.memory_space<smem>>
      memref.store %swap3A_84, %arg10[%swap3A_85] : memref<4xf32, #tpu.memory_space<smem>>
      %swap3A_87 = arith.constant 0 : i32
      %swap3A_88 = arith.constant 2 : index
      %swap3A_89 = memref.load %arg11[%swap3A_88] : memref<4xi32, #tpu.memory_space<smem>>
      memref.store %swap3A_87, %arg11[%swap3A_88] : memref<4xi32, #tpu.memory_space<smem>>
    } else {
    }
    %get3A = arith.constant 0 : index
    %get3A_2 = arith.constant 0 : index
    %get3A_3 = vector.load %arg1[%get3A, %get3A_2] : memref<8x128xf32, #tpu.memory_space<vmem>>, vector<8x128xf32>
    %get3A_4 = arith.constant 0 : index
    %get3A_5 = arith.constant 0 : index
    %get3A_6 = vector.load %arg3[%get3A_4, %get3A_5] : memref<4096x128xf32, #tpu.memory_space<vmem>>, vector<4096x128xf32>
    %dot_general3A = arith.constant dense<0.000000e+00> : vector<8x4096xf32>
    %dot_general3A_7 = tpu.matmul %get3A_3, %get3A_6, %dot_general3A {dimension_numbers = #tpu.dot_dimension_numbers<[1], [1], [0], [0], [0, 0, 1, 0], [], []>, transpose_lhs_hint = false} : vector<8x128xf32>, vector<4096x128xf32>, vector<8x4096xf32> -> vector<8x4096xf32>
    %mul3A = arith.mulf %get3A_6, %get3A_6 : vector<4096x128xf32>
    %dot_general3A_8 = arith.constant dense<0.000000e+00> : vector<8x4096xf32>
    %dot_general3A_9 = tpu.matmul %get3A_3, %mul3A, %dot_general3A_8 {dimension_numbers = #tpu.dot_dimension_numbers<[1], [1], [0], [0], [0, 0, 1, 0], [], []>, transpose_lhs_hint = false} : vector<8x128xf32>, vector<4096x128xf32>, vector<8x4096xf32> -> vector<8x4096xf32>
    %slice3A = vector.extract_strided_slice %dot_general3A_7 {offsets = [0, 0], sizes = [2, 4096], strides = [1, 1]} : vector<8x4096xf32> to vector<2x4096xf32>
    %slice3A_10 = vector.extract_strided_slice %dot_general3A_9 {offsets = [2, 0], sizes = [2, 4096], strides = [1, 1]} : vector<8x4096xf32> to vector<2x4096xf32>
    %max3A = arith.constant 1.000000e-30 : f32
    %max3A_11 = vector.broadcast %max3A : f32 to vector<2x4096xf32>
    %max3A_12 = arith.maximumf %slice3A_10, %max3A_11 : vector<2x4096xf32>
    %rsqrt3A = math.rsqrt %max3A_12 : vector<2x4096xf32>
    %mul3A_13 = arith.mulf %slice3A, %rsqrt3A : vector<2x4096xf32>
    %get3A_14 = arith.constant 0 : index
    %get3A_15 = arith.constant 0 : index
    %get3A_16 = vector.load %arg4[%get3A_14, %get3A_15] : memref<4096x128xf32, #tpu.memory_space<vmem>>, vector<4096x128xf32>
    %dot_general3A_17 = arith.constant dense<0.000000e+00> : vector<8x4096xf32>
    %dot_general3A_18 = tpu.matmul %get3A_3, %get3A_16, %dot_general3A_17 {dimension_numbers = #tpu.dot_dimension_numbers<[1], [1], [0], [0], [0, 0, 1, 0], [], []>, transpose_lhs_hint = false} : vector<8x128xf32>, vector<4096x128xf32>, vector<8x4096xf32> -> vector<8x4096xf32>
    %mul3A_19 = arith.mulf %get3A_16, %get3A_16 : vector<4096x128xf32>
    %dot_general3A_20 = arith.constant dense<0.000000e+00> : vector<8x4096xf32>
    %dot_general3A_21 = tpu.matmul %get3A_3, %mul3A_19, %dot_general3A_20 {dimension_numbers = #tpu.dot_dimension_numbers<[1], [1], [0], [0], [0, 0, 1, 0], [], []>, transpose_lhs_hint = false} : vector<8x128xf32>, vector<4096x128xf32>, vector<8x4096xf32> -> vector<8x4096xf32>
    %slice3A_22 = vector.extract_strided_slice %dot_general3A_18 {offsets = [0, 0], sizes = [2, 4096], strides = [1, 1]} : vector<8x4096xf32> to vector<2x4096xf32>
    %slice3A_23 = vector.extract_strided_slice %dot_general3A_21 {offsets = [2, 0], sizes = [2, 4096], strides = [1, 1]} : vector<8x4096xf32> to vector<2x4096xf32>
    %max3A_24 = arith.constant 1.000000e-30 : f32
    %max3A_25 = vector.broadcast %max3A_24 : f32 to vector<2x4096xf32>
    %max3A_26 = arith.maximumf %slice3A_23, %max3A_25 : vector<2x4096xf32>
    %rsqrt3A_27 = math.rsqrt %max3A_26 : vector<2x4096xf32>
    %mul3A_28 = arith.mulf %slice3A_22, %rsqrt3A_27 : vector<2x4096xf32>
    %get3A_29 = arith.constant 0 : index
    %get3A_30 = arith.constant 0 : index
    %get3A_31 = vector.load %arg5[%get3A_29, %get3A_30] : memref<4096x128xf32, #tpu.memory_space<vmem>>, vector<4096x128xf32>
    %dot_general3A_32 = arith.constant dense<0.000000e+00> : vector<8x4096xf32>
    %dot_general3A_33 = tpu.matmul %get3A_3, %get3A_31, %dot_general3A_32 {dimension_numbers = #tpu.dot_dimension_numbers<[1], [1], [0], [0], [0, 0, 1, 0], [], []>, transpose_lhs_hint = false} : vector<8x128xf32>, vector<4096x128xf32>, vector<8x4096xf32> -> vector<8x4096xf32>
    %mul3A_34 = arith.mulf %get3A_31, %get3A_31 : vector<4096x128xf32>
    %dot_general3A_35 = arith.constant dense<0.000000e+00> : vector<8x4096xf32>
    %dot_general3A_36 = tpu.matmul %get3A_3, %mul3A_34, %dot_general3A_35 {dimension_numbers = #tpu.dot_dimension_numbers<[1], [1], [0], [0], [0, 0, 1, 0], [], []>, transpose_lhs_hint = false} : vector<8x128xf32>, vector<4096x128xf32>, vector<8x4096xf32> -> vector<8x4096xf32>
    %slice3A_37 = vector.extract_strided_slice %dot_general3A_33 {offsets = [0, 0], sizes = [2, 4096], strides = [1, 1]} : vector<8x4096xf32> to vector<2x4096xf32>
    %slice3A_38 = vector.extract_strided_slice %dot_general3A_36 {offsets = [2, 0], sizes = [2, 4096], strides = [1, 1]} : vector<8x4096xf32> to vector<2x4096xf32>
    %max3A_39 = arith.constant 1.000000e-30 : f32
    %max3A_40 = vector.broadcast %max3A_39 : f32 to vector<2x4096xf32>
    %max3A_41 = arith.maximumf %slice3A_38, %max3A_40 : vector<2x4096xf32>
    %rsqrt3A_42 = math.rsqrt %max3A_41 : vector<2x4096xf32>
    %mul3A_43 = arith.mulf %slice3A_37, %rsqrt3A_42 : vector<2x4096xf32>
    %get3A_44 = arith.constant 0 : index
    %get3A_45 = arith.constant 0 : index
    %get3A_46 = vector.load %arg6[%get3A_44, %get3A_45] : memref<4096x128xf32, #tpu.memory_space<vmem>>, vector<4096x128xf32>
    %dot_general3A_47 = arith.constant dense<0.000000e+00> : vector<8x4096xf32>
    %dot_general3A_48 = tpu.matmul %get3A_3, %get3A_46, %dot_general3A_47 {dimension_numbers = #tpu.dot_dimension_numbers<[1], [1], [0], [0], [0, 0, 1, 0], [], []>, transpose_lhs_hint = false} : vector<8x128xf32>, vector<4096x128xf32>, vector<8x4096xf32> -> vector<8x4096xf32>
    %mul3A_49 = arith.mulf %get3A_46, %get3A_46 : vector<4096x128xf32>
    %dot_general3A_50 = arith.constant dense<0.000000e+00> : vector<8x4096xf32>
    %dot_general3A_51 = tpu.matmul %get3A_3, %mul3A_49, %dot_general3A_50 {dimension_numbers = #tpu.dot_dimension_numbers<[1], [1], [0], [0], [0, 0, 1, 0], [], []>, transpose_lhs_hint = false} : vector<8x128xf32>, vector<4096x128xf32>, vector<8x4096xf32> -> vector<8x4096xf32>
    %slice3A_52 = vector.extract_strided_slice %dot_general3A_48 {offsets = [0, 0], sizes = [2, 4096], strides = [1, 1]} : vector<8x4096xf32> to vector<2x4096xf32>
    %slice3A_53 = vector.extract_strided_slice %dot_general3A_51 {offsets = [2, 0], sizes = [2, 4096], strides = [1, 1]} : vector<8x4096xf32> to vector<2x4096xf32>
    %max3A_54 = arith.constant 1.000000e-30 : f32
    %max3A_55 = vector.broadcast %max3A_54 : f32 to vector<2x4096xf32>
    %max3A_56 = arith.maximumf %slice3A_53, %max3A_55 : vector<2x4096xf32>
    %rsqrt3A_57 = math.rsqrt %max3A_56 : vector<2x4096xf32>
    %mul3A_58 = arith.mulf %slice3A_52, %rsqrt3A_57 : vector<2x4096xf32>
    %concatenate3A = tpu.concatenate %mul3A_13, %mul3A_28, %mul3A_43, %mul3A_58 in 0 : vector<2x4096xf32>, vector<2x4096xf32>, vector<2x4096xf32>, vector<2x4096xf32> -> vector<8x4096xf32>
    %reduce_max3A = vector.shape_cast %concatenate3A : vector<8x4096xf32> to vector<1x8x4096xf32>
    %reduce_max3A_59 = arith.constant dense<0xFF800000> : vector<1xf32>
    %reduce_max3A_60 = vector.multi_reduction <maximumf>, %reduce_max3A, %reduce_max3A_59 [1, 2] : vector<1x8x4096xf32> to vector<1xf32>
    %reduce_max3A_61 = vector.shape_cast %reduce_max3A_60 : vector<1xf32> to vector<1x1x1xf32>
    %reduce_max3A_62 = vector.extract %reduce_max3A_61[0, 0, 0] : f32 from vector<1x1x1xf32>
    %broadcast_in_dim3A = vector.broadcast %reduce_max3A_62 : f32 to vector<1x1xf32>
    %squeeze3A = vector.extract %broadcast_in_dim3A[0, 0] : f32 from vector<1x1xf32>
    %get3A_63 = arith.constant 2 : index
    %get3A_64 = memref.load %arg10[%get3A_63] : memref<4xf32, #tpu.memory_space<smem>>
    %gt3A = arith.cmpf ogt, %squeeze3A, %get3A_64 : f32
    %convert_element_type3A_65 = arith.extui %gt3A : i1 to i32
    %cond3A_66 = arith.constant 0 : i32
    %cond3A_67 = arith.cmpi ne, %convert_element_type3A_65, %cond3A_66 : i32
    scf.if %cond3A_67 {
      %iota3A = tpu.iota {dimensions = array<i32: 0>} : vector<8x4096xi32>
      %iota3A_73 = tpu.iota {dimensions = array<i32: 1>} : vector<8x4096xi32>
      %mul3A_74 = arith.constant 32768 : i32
      %mul3A_75 = arith.muli %arg0, %mul3A_74 : i32
      %shift_right_arithmetic3A = arith.constant 1 : i32
      %shift_right_arithmetic3A_76 = vector.broadcast %shift_right_arithmetic3A : i32 to vector<8x4096xi32>
      %shift_right_arithmetic3A_77 = arith.shrsi %iota3A, %shift_right_arithmetic3A_76 : vector<8x4096xi32>
      %mul3A_78 = arith.constant 8192 : i32
      %mul3A_79 = vector.broadcast %mul3A_78 : i32 to vector<8x4096xi32>
      %mul3A_80 = arith.muli %shift_right_arithmetic3A_77, %mul3A_79 : vector<8x4096xi32>
      %add3A = vector.broadcast %mul3A_75 : i32 to vector<8x4096xi32>
      %add3A_81 = arith.addi %add3A, %mul3A_80 : vector<8x4096xi32>
      %mul3A_82 = arith.constant 2 : i32
      %mul3A_83 = vector.broadcast %mul3A_82 : i32 to vector<8x4096xi32>
      %mul3A_84 = arith.muli %iota3A_73, %mul3A_83 : vector<8x4096xi32>
      %add3A_85 = arith.addi %add3A_81, %mul3A_84 : vector<8x4096xi32>
      %and3A = arith.constant 1 : i32
      %and3A_86 = vector.broadcast %and3A : i32 to vector<8x4096xi32>
      %and3A_87 = arith.andi %iota3A, %and3A_86 : vector<8x4096xi32>
      %add3A_88 = arith.addi %add3A_85, %and3A_87 : vector<8x4096xi32>
      %lt3A = arith.constant 1073741824 : i32
      %lt3A_89 = vector.broadcast %lt3A : i32 to vector<8x4096xi32>
      %lt3A_90 = arith.cmpi slt, %add3A_88, %lt3A_89 : vector<8x4096xi32>
      %jit3A = arith.constant 0xFF800000 : f32
      %broadcast_in_dim3A_91 = vector.broadcast %jit3A : f32 to vector<8x4096xf32>
      %select_n3A = arith.select %lt3A_90, %concatenate3A, %broadcast_in_dim3A_91 : vector<8x4096xi1>, vector<8x4096xf32>
      %reduce_max3A_92 = vector.shape_cast %select_n3A : vector<8x4096xf32> to vector<1x8x4096xf32>
      %reduce_max3A_93 = arith.constant dense<0xFF800000> : vector<1xf32>
      %reduce_max3A_94 = vector.multi_reduction <maximumf>, %reduce_max3A_92, %reduce_max3A_93 [1, 2] : vector<1x8x4096xf32> to vector<1xf32>
      %reduce_max3A_95 = vector.shape_cast %reduce_max3A_94 : vector<1xf32> to vector<1x1x1xf32>
      %reduce_max3A_96 = vector.extract %reduce_max3A_95[0, 0, 0] : f32 from vector<1x1x1xf32>
      %broadcast_in_dim3A_97 = vector.broadcast %reduce_max3A_96 : f32 to vector<1x1xf32>
      %eq3A_98 = vector.broadcast %broadcast_in_dim3A_97 : vector<1x1xf32> to vector<8x4096xf32>
      %eq3A_99 = arith.cmpf oeq, %select_n3A, %eq3A_98 : vector<8x4096xf32>
      %and3A_100 = arith.andi %lt3A_90, %eq3A_99 : vector<8x4096xi1>
      %jit3A_101 = arith.constant 1073741824 : i32
      %broadcast_in_dim3A_102 = vector.broadcast %jit3A_101 : i32 to vector<8x4096xi32>
      %select_n3A_103 = arith.select %and3A_100, %add3A_88, %broadcast_in_dim3A_102 : vector<8x4096xi1>, vector<8x4096xi32>
      %reduce_min3A = vector.shape_cast %select_n3A_103 : vector<8x4096xi32> to vector<1x8x4096xi32>
      %reduce_min3A_104 = arith.constant dense<2147483647> : vector<1xi32>
      %reduce_min3A_105 = vector.multi_reduction <minsi>, %reduce_min3A, %reduce_min3A_104 [1, 2] : vector<1x8x4096xi32> to vector<1xi32>
      %reduce_min3A_106 = vector.shape_cast %reduce_min3A_105 : vector<1xi32> to vector<1x1x1xi32>
      %reduce_min3A_107 = vector.extract %reduce_min3A_106[0, 0, 0] : i32 from vector<1x1x1xi32>
      %broadcast_in_dim3A_108 = vector.broadcast %reduce_min3A_107 : i32 to vector<1x1xi32>
      %squeeze3A_109 = vector.extract %broadcast_in_dim3A_97[0, 0] : f32 from vector<1x1xf32>
      %squeeze3A_110 = vector.extract %broadcast_in_dim3A_108[0, 0] : i32 from vector<1x1xi32>
      %ne3A = vector.broadcast %broadcast_in_dim3A_108 : vector<1x1xi32> to vector<8x4096xi32>
      %ne3A_111 = arith.cmpi ne, %add3A_88, %ne3A : vector<8x4096xi32>
      %and3A_112 = arith.andi %lt3A_90, %ne3A_111 : vector<8x4096xi1>
      %jit3A_113 = arith.constant 0xFF800000 : f32
      %broadcast_in_dim3A_114 = vector.broadcast %jit3A_113 : f32 to vector<8x4096xf32>
      %select_n3A_115 = arith.select %and3A_112, %concatenate3A, %broadcast_in_dim3A_114 : vector<8x4096xi1>, vector<8x4096xf32>
      %reduce_max3A_116 = vector.shape_cast %select_n3A_115 : vector<8x4096xf32> to vector<1x8x4096xf32>
      %reduce_max3A_117 = arith.constant dense<0xFF800000> : vector<1xf32>
      %reduce_max3A_118 = vector.multi_reduction <maximumf>, %reduce_max3A_116, %reduce_max3A_117 [1, 2] : vector<1x8x4096xf32> to vector<1xf32>
      %reduce_max3A_119 = vector.shape_cast %reduce_max3A_118 : vector<1xf32> to vector<1x1x1xf32>
      %reduce_max3A_120 = vector.extract %reduce_max3A_119[0, 0, 0] : f32 from vector<1x1x1xf32>
      %broadcast_in_dim3A_121 = vector.broadcast %reduce_max3A_120 : f32 to vector<1x1xf32>
      %eq3A_122 = vector.broadcast %broadcast_in_dim3A_121 : vector<1x1xf32> to vector<8x4096xf32>
      %eq3A_123 = arith.cmpf oeq, %select_n3A_115, %eq3A_122 : vector<8x4096xf32>
      %and3A_124 = arith.andi %and3A_112, %eq3A_123 : vector<8x4096xi1>
      %jit3A_125 = arith.constant 1073741824 : i32
      %broadcast_in_dim3A_126 = vector.broadcast %jit3A_125 : i32 to vector<8x4096xi32>
      %select_n3A_127 = arith.select %and3A_124, %add3A_88, %broadcast_in_dim3A_126 : vector<8x4096xi1>, vector<8x4096xi32>
      %reduce_min3A_128 = vector.shape_cast %select_n3A_127 : vector<8x4096xi32> to vector<1x8x4096xi32>
      %reduce_min3A_129 = arith.constant dense<2147483647> : vector<1xi32>
      %reduce_min3A_130 = vector.multi_reduction <minsi>, %reduce_min3A_128, %reduce_min3A_129 [1, 2] : vector<1x8x4096xi32> to vector<1xi32>
      %reduce_min3A_131 = vector.shape_cast %reduce_min3A_130 : vector<1xi32> to vector<1x1x1xi32>
      %reduce_min3A_132 = vector.extract %reduce_min3A_131[0, 0, 0] : i32 from vector<1x1x1xi32>
      %broadcast_in_dim3A_133 = vector.broadcast %reduce_min3A_132 : i32 to vector<1x1xi32>
      %squeeze3A_134 = vector.extract %broadcast_in_dim3A_121[0, 0] : f32 from vector<1x1xf32>
      %squeeze3A_135 = vector.extract %broadcast_in_dim3A_133[0, 0] : i32 from vector<1x1xi32>
      %ne3A_136 = vector.broadcast %broadcast_in_dim3A_133 : vector<1x1xi32> to vector<8x4096xi32>
      %ne3A_137 = arith.cmpi ne, %add3A_88, %ne3A_136 : vector<8x4096xi32>
      %and3A_138 = arith.andi %and3A_112, %ne3A_137 : vector<8x4096xi1>
      %jit3A_139 = arith.constant 0xFF800000 : f32
      %broadcast_in_dim3A_140 = vector.broadcast %jit3A_139 : f32 to vector<8x4096xf32>
      %select_n3A_141 = arith.select %and3A_138, %concatenate3A, %broadcast_in_dim3A_140 : vector<8x4096xi1>, vector<8x4096xf32>
      %reduce_max3A_142 = vector.shape_cast %select_n3A_141 : vector<8x4096xf32> to vector<1x8x4096xf32>
      %reduce_max3A_143 = arith.constant dense<0xFF800000> : vector<1xf32>
      %reduce_max3A_144 = vector.multi_reduction <maximumf>, %reduce_max3A_142, %reduce_max3A_143 [1, 2] : vector<1x8x4096xf32> to vector<1xf32>
      %reduce_max3A_145 = vector.shape_cast %reduce_max3A_144 : vector<1xf32> to vector<1x1x1xf32>
      %reduce_max3A_146 = vector.extract %reduce_max3A_145[0, 0, 0] : f32 from vector<1x1x1xf32>
      %broadcast_in_dim3A_147 = vector.broadcast %reduce_max3A_146 : f32 to vector<1x1xf32>
      %eq3A_148 = vector.broadcast %broadcast_in_dim3A_147 : vector<1x1xf32> to vector<8x4096xf32>
      %eq3A_149 = arith.cmpf oeq, %select_n3A_141, %eq3A_148 : vector<8x4096xf32>
      %and3A_150 = arith.andi %and3A_138, %eq3A_149 : vector<8x4096xi1>
      %jit3A_151 = arith.constant 1073741824 : i32
      %broadcast_in_dim3A_152 = vector.broadcast %jit3A_151 : i32 to vector<8x4096xi32>
      %select_n3A_153 = arith.select %and3A_150, %add3A_88, %broadcast_in_dim3A_152 : vector<8x4096xi1>, vector<8x4096xi32>
      %reduce_min3A_154 = vector.shape_cast %select_n3A_153 : vector<8x4096xi32> to vector<1x8x4096xi32>
      %reduce_min3A_155 = arith.constant dense<2147483647> : vector<1xi32>
      %reduce_min3A_156 = vector.multi_reduction <minsi>, %reduce_min3A_154, %reduce_min3A_155 [1, 2] : vector<1x8x4096xi32> to vector<1xi32>
      %reduce_min3A_157 = vector.shape_cast %reduce_min3A_156 : vector<1xi32> to vector<1x1x1xi32>
      %reduce_min3A_158 = vector.extract %reduce_min3A_157[0, 0, 0] : i32 from vector<1x1x1xi32>
      %broadcast_in_dim3A_159 = vector.broadcast %reduce_min3A_158 : i32 to vector<1x1xi32>
      %squeeze3A_160 = vector.extract %broadcast_in_dim3A_147[0, 0] : f32 from vector<1x1xf32>
      %squeeze3A_161 = vector.extract %broadcast_in_dim3A_159[0, 0] : i32 from vector<1x1xi32>
      %get3A_162 = arith.constant 0 : index
      %get3A_163 = memref.load %arg10[%get3A_162] : memref<4xf32, #tpu.memory_space<smem>>
      %get3A_164 = arith.constant 1 : index
      %get3A_165 = memref.load %arg10[%get3A_164] : memref<4xf32, #tpu.memory_space<smem>>
      %get3A_166 = arith.constant 2 : index
      %get3A_167 = memref.load %arg10[%get3A_166] : memref<4xf32, #tpu.memory_space<smem>>
      %get3A_168 = arith.constant 0 : index
      %get3A_169 = memref.load %arg11[%get3A_168] : memref<4xi32, #tpu.memory_space<smem>>
      %get3A_170 = arith.constant 1 : index
      %get3A_171 = memref.load %arg11[%get3A_170] : memref<4xi32, #tpu.memory_space<smem>>
      %get3A_172 = arith.constant 2 : index
      %get3A_173 = memref.load %arg11[%get3A_172] : memref<4xi32, #tpu.memory_space<smem>>
      %gt3A_174 = arith.cmpf ogt, %squeeze3A_109, %get3A_163 : f32
      %eq3A_175 = arith.cmpf oeq, %squeeze3A_109, %get3A_163 : f32
      %lt3A_176 = arith.cmpi slt, %squeeze3A_110, %get3A_169 : i32
      %and3A_177 = arith.andi %eq3A_175, %lt3A_176 : i1
      %or3A = arith.ori %gt3A_174, %and3A_177 : i1
      %gt3A_178 = arith.cmpf ogt, %squeeze3A_109, %get3A_165 : f32
      %eq3A_179 = arith.cmpf oeq, %squeeze3A_109, %get3A_165 : f32
      %lt3A_180 = arith.cmpi slt, %squeeze3A_110, %get3A_171 : i32
      %and3A_181 = arith.andi %eq3A_179, %lt3A_180 : i1
      %or3A_182 = arith.ori %gt3A_178, %and3A_181 : i1
      %gt3A_183 = arith.cmpf ogt, %squeeze3A_109, %get3A_167 : f32
      %eq3A_184 = arith.cmpf oeq, %squeeze3A_109, %get3A_167 : f32
      %lt3A_185 = arith.cmpi slt, %squeeze3A_110, %get3A_173 : i32
      %and3A_186 = arith.andi %eq3A_184, %lt3A_185 : i1
      %or3A_187 = arith.ori %gt3A_183, %and3A_186 : i1
      %select_n3A_188 = arith.select %or3A, %squeeze3A_109, %get3A_163 : f32
      %swap3A = arith.constant 0 : index
      %swap3A_189 = memref.load %arg10[%swap3A] : memref<4xf32, #tpu.memory_space<smem>>
      memref.store %select_n3A_188, %arg10[%swap3A] : memref<4xf32, #tpu.memory_space<smem>>
      %select_n3A_190 = arith.select %or3A, %squeeze3A_110, %get3A_169 : i32
      %swap3A_191 = arith.constant 0 : index
      %swap3A_192 = memref.load %arg11[%swap3A_191] : memref<4xi32, #tpu.memory_space<smem>>
      memref.store %select_n3A_190, %arg11[%swap3A_191] : memref<4xi32, #tpu.memory_space<smem>>
      %select_n3A_193 = arith.select %or3A_182, %squeeze3A_109, %get3A_165 : f32
      %select_n3A_194 = arith.select %or3A, %get3A_163, %select_n3A_193 : f32
      %swap3A_195 = arith.constant 1 : index
      %swap3A_196 = memref.load %arg10[%swap3A_195] : memref<4xf32, #tpu.memory_space<smem>>
      memref.store %select_n3A_194, %arg10[%swap3A_195] : memref<4xf32, #tpu.memory_space<smem>>
      %select_n3A_197 = arith.select %or3A_182, %squeeze3A_110, %get3A_171 : i32
      %select_n3A_198 = arith.select %or3A, %get3A_169, %select_n3A_197 : i32
      %swap3A_199 = arith.constant 1 : index
      %swap3A_200 = memref.load %arg11[%swap3A_199] : memref<4xi32, #tpu.memory_space<smem>>
      memref.store %select_n3A_198, %arg11[%swap3A_199] : memref<4xi32, #tpu.memory_space<smem>>
      %select_n3A_201 = arith.select %or3A_187, %squeeze3A_109, %get3A_167 : f32
      %select_n3A_202 = arith.select %or3A_182, %get3A_165, %select_n3A_201 : f32
      %swap3A_203 = arith.constant 2 : index
      %swap3A_204 = memref.load %arg10[%swap3A_203] : memref<4xf32, #tpu.memory_space<smem>>
      memref.store %select_n3A_202, %arg10[%swap3A_203] : memref<4xf32, #tpu.memory_space<smem>>
      %select_n3A_205 = arith.select %or3A_187, %squeeze3A_110, %get3A_173 : i32
      %select_n3A_206 = arith.select %or3A_182, %get3A_171, %select_n3A_205 : i32
      %swap3A_207 = arith.constant 2 : index
      %swap3A_208 = memref.load %arg11[%swap3A_207] : memref<4xi32, #tpu.memory_space<smem>>
      memref.store %select_n3A_206, %arg11[%swap3A_207] : memref<4xi32, #tpu.memory_space<smem>>
      %get3A_209 = arith.constant 0 : index
      %get3A_210 = memref.load %arg10[%get3A_209] : memref<4xf32, #tpu.memory_space<smem>>
      %get3A_211 = arith.constant 1 : index
      %get3A_212 = memref.load %arg10[%get3A_211] : memref<4xf32, #tpu.memory_space<smem>>
      %get3A_213 = arith.constant 2 : index
      %get3A_214 = memref.load %arg10[%get3A_213] : memref<4xf32, #tpu.memory_space<smem>>
      %get3A_215 = arith.constant 0 : index
      %get3A_216 = memref.load %arg11[%get3A_215] : memref<4xi32, #tpu.memory_space<smem>>
      %get3A_217 = arith.constant 1 : index
      %get3A_218 = memref.load %arg11[%get3A_217] : memref<4xi32, #tpu.memory_space<smem>>
      %get3A_219 = arith.constant 2 : index
      %get3A_220 = memref.load %arg11[%get3A_219] : memref<4xi32, #tpu.memory_space<smem>>
      %gt3A_221 = arith.cmpf ogt, %squeeze3A_134, %get3A_210 : f32
      %eq3A_222 = arith.cmpf oeq, %squeeze3A_134, %get3A_210 : f32
      %lt3A_223 = arith.cmpi slt, %squeeze3A_135, %get3A_216 : i32
      %and3A_224 = arith.andi %eq3A_222, %lt3A_223 : i1
      %or3A_225 = arith.ori %gt3A_221, %and3A_224 : i1
      %gt3A_226 = arith.cmpf ogt, %squeeze3A_134, %get3A_212 : f32
      %eq3A_227 = arith.cmpf oeq, %squeeze3A_134, %get3A_212 : f32
      %lt3A_228 = arith.cmpi slt, %squeeze3A_135, %get3A_218 : i32
      %and3A_229 = arith.andi %eq3A_227, %lt3A_228 : i1
      %or3A_230 = arith.ori %gt3A_226, %and3A_229 : i1
      %gt3A_231 = arith.cmpf ogt, %squeeze3A_134, %get3A_214 : f32
      %eq3A_232 = arith.cmpf oeq, %squeeze3A_134, %get3A_214 : f32
      %lt3A_233 = arith.cmpi slt, %squeeze3A_135, %get3A_220 : i32
      %and3A_234 = arith.andi %eq3A_232, %lt3A_233 : i1
      %or3A_235 = arith.ori %gt3A_231, %and3A_234 : i1
      %select_n3A_236 = arith.select %or3A_225, %squeeze3A_134, %get3A_210 : f32
      %swap3A_237 = arith.constant 0 : index
      %swap3A_238 = memref.load %arg10[%swap3A_237] : memref<4xf32, #tpu.memory_space<smem>>
      memref.store %select_n3A_236, %arg10[%swap3A_237] : memref<4xf32, #tpu.memory_space<smem>>
      %select_n3A_239 = arith.select %or3A_225, %squeeze3A_135, %get3A_216 : i32
      %swap3A_240 = arith.constant 0 : index
      %swap3A_241 = memref.load %arg11[%swap3A_240] : memref<4xi32, #tpu.memory_space<smem>>
      memref.store %select_n3A_239, %arg11[%swap3A_240] : memref<4xi32, #tpu.memory_space<smem>>
      %select_n3A_242 = arith.select %or3A_230, %squeeze3A_134, %get3A_212 : f32
      %select_n3A_243 = arith.select %or3A_225, %get3A_210, %select_n3A_242 : f32
      %swap3A_244 = arith.constant 1 : index
      %swap3A_245 = memref.load %arg10[%swap3A_244] : memref<4xf32, #tpu.memory_space<smem>>
      memref.store %select_n3A_243, %arg10[%swap3A_244] : memref<4xf32, #tpu.memory_space<smem>>
      %select_n3A_246 = arith.select %or3A_230, %squeeze3A_135, %get3A_218 : i32
      %select_n3A_247 = arith.select %or3A_225, %get3A_216, %select_n3A_246 : i32
      %swap3A_248 = arith.constant 1 : index
      %swap3A_249 = memref.load %arg11[%swap3A_248] : memref<4xi32, #tpu.memory_space<smem>>
      memref.store %select_n3A_247, %arg11[%swap3A_248] : memref<4xi32, #tpu.memory_space<smem>>
      %select_n3A_250 = arith.select %or3A_235, %squeeze3A_134, %get3A_214 : f32
      %select_n3A_251 = arith.select %or3A_230, %get3A_212, %select_n3A_250 : f32
      %swap3A_252 = arith.constant 2 : index
      %swap3A_253 = memref.load %arg10[%swap3A_252] : memref<4xf32, #tpu.memory_space<smem>>
      memref.store %select_n3A_251, %arg10[%swap3A_252] : memref<4xf32, #tpu.memory_space<smem>>
      %select_n3A_254 = arith.select %or3A_235, %squeeze3A_135, %get3A_220 : i32
      %select_n3A_255 = arith.select %or3A_230, %get3A_218, %select_n3A_254 : i32
      %swap3A_256 = arith.constant 2 : index
      %swap3A_257 = memref.load %arg11[%swap3A_256] : memref<4xi32, #tpu.memory_space<smem>>
      memref.store %select_n3A_255, %arg11[%swap3A_256] : memref<4xi32, #tpu.memory_space<smem>>
      %get3A_258 = arith.constant 0 : index
      %get3A_259 = memref.load %arg10[%get3A_258] : memref<4xf32, #tpu.memory_space<smem>>
      %get3A_260 = arith.constant 1 : index
      %get3A_261 = memref.load %arg10[%get3A_260] : memref<4xf32, #tpu.memory_space<smem>>
      %get3A_262 = arith.constant 2 : index
      %get3A_263 = memref.load %arg10[%get3A_262] : memref<4xf32, #tpu.memory_space<smem>>
      %get3A_264 = arith.constant 0 : index
      %get3A_265 = memref.load %arg11[%get3A_264] : memref<4xi32, #tpu.memory_space<smem>>
      %get3A_266 = arith.constant 1 : index
      %get3A_267 = memref.load %arg11[%get3A_266] : memref<4xi32, #tpu.memory_space<smem>>
      %get3A_268 = arith.constant 2 : index
      %get3A_269 = memref.load %arg11[%get3A_268] : memref<4xi32, #tpu.memory_space<smem>>
      %gt3A_270 = arith.cmpf ogt, %squeeze3A_160, %get3A_259 : f32
      %eq3A_271 = arith.cmpf oeq, %squeeze3A_160, %get3A_259 : f32
      %lt3A_272 = arith.cmpi slt, %squeeze3A_161, %get3A_265 : i32
      %and3A_273 = arith.andi %eq3A_271, %lt3A_272 : i1
      %or3A_274 = arith.ori %gt3A_270, %and3A_273 : i1
      %gt3A_275 = arith.cmpf ogt, %squeeze3A_160, %get3A_261 : f32
      %eq3A_276 = arith.cmpf oeq, %squeeze3A_160, %get3A_261 : f32
      %lt3A_277 = arith.cmpi slt, %squeeze3A_161, %get3A_267 : i32
      %and3A_278 = arith.andi %eq3A_276, %lt3A_277 : i1
      %or3A_279 = arith.ori %gt3A_275, %and3A_278 : i1
      %gt3A_280 = arith.cmpf ogt, %squeeze3A_160, %get3A_263 : f32
      %eq3A_281 = arith.cmpf oeq, %squeeze3A_160, %get3A_263 : f32
      %lt3A_282 = arith.cmpi slt, %squeeze3A_161, %get3A_269 : i32
      %and3A_283 = arith.andi %eq3A_281, %lt3A_282 : i1
      %or3A_284 = arith.ori %gt3A_280, %and3A_283 : i1
      %select_n3A_285 = arith.select %or3A_274, %squeeze3A_160, %get3A_259 : f32
      %swap3A_286 = arith.constant 0 : index
      %swap3A_287 = memref.load %arg10[%swap3A_286] : memref<4xf32, #tpu.memory_space<smem>>
      memref.store %select_n3A_285, %arg10[%swap3A_286] : memref<4xf32, #tpu.memory_space<smem>>
      %select_n3A_288 = arith.select %or3A_274, %squeeze3A_161, %get3A_265 : i32
      %swap3A_289 = arith.constant 0 : index
      %swap3A_290 = memref.load %arg11[%swap3A_289] : memref<4xi32, #tpu.memory_space<smem>>
      memref.store %select_n3A_288, %arg11[%swap3A_289] : memref<4xi32, #tpu.memory_space<smem>>
      %select_n3A_291 = arith.select %or3A_279, %squeeze3A_160, %get3A_261 : f32
      %select_n3A_292 = arith.select %or3A_274, %get3A_259, %select_n3A_291 : f32
      %swap3A_293 = arith.constant 1 : index
      %swap3A_294 = memref.load %arg10[%swap3A_293] : memref<4xf32, #tpu.memory_space<smem>>
      memref.store %select_n3A_292, %arg10[%swap3A_293] : memref<4xf32, #tpu.memory_space<smem>>
      %select_n3A_295 = arith.select %or3A_279, %squeeze3A_161, %get3A_267 : i32
      %select_n3A_296 = arith.select %or3A_274, %get3A_265, %select_n3A_295 : i32
      %swap3A_297 = arith.constant 1 : index
      %swap3A_298 = memref.load %arg11[%swap3A_297] : memref<4xi32, #tpu.memory_space<smem>>
      memref.store %select_n3A_296, %arg11[%swap3A_297] : memref<4xi32, #tpu.memory_space<smem>>
      %select_n3A_299 = arith.select %or3A_284, %squeeze3A_160, %get3A_263 : f32
      %select_n3A_300 = arith.select %or3A_279, %get3A_261, %select_n3A_299 : f32
      %swap3A_301 = arith.constant 2 : index
      %swap3A_302 = memref.load %arg10[%swap3A_301] : memref<4xf32, #tpu.memory_space<smem>>
      memref.store %select_n3A_300, %arg10[%swap3A_301] : memref<4xf32, #tpu.memory_space<smem>>
      %select_n3A_303 = arith.select %or3A_284, %squeeze3A_161, %get3A_269 : i32
      %select_n3A_304 = arith.select %or3A_279, %get3A_267, %select_n3A_303 : i32
      %swap3A_305 = arith.constant 2 : index
      %swap3A_306 = memref.load %arg11[%swap3A_305] : memref<4xi32, #tpu.memory_space<smem>>
      memref.store %select_n3A_304, %arg11[%swap3A_305] : memref<4xi32, #tpu.memory_space<smem>>
    } else {
    }
    %eq3A_68 = arith.constant 14 : i32
    %eq3A_69 = arith.cmpi eq, %arg0, %eq3A_68 : i32
    %convert_element_type3A_70 = arith.extui %eq3A_69 : i1 to i32
    %cond3A_71 = arith.constant 0 : i32
    %cond3A_72 = arith.cmpi ne, %convert_element_type3A_70, %cond3A_71 : i32
    scf.if %cond3A_72 {
      %get3A_73 = arith.constant 0 : index
      %get3A_74 = arith.constant 0 : index
      %get3A_75 = vector.load %arg2[%get3A_73, %get3A_74] : memref<8x64xf32, #tpu.memory_space<vmem>>, vector<8x64xf32>
      %get3A_76 = arith.constant 0 : index
      %get3A_77 = arith.constant 0 : index
      %get3A_78 = vector.load %arg7[%get3A_76, %get3A_77] : memref<576x64xf32, #tpu.memory_space<vmem>>, vector<576x64xf32>
      %dot_general3A_79 = arith.constant dense<0.000000e+00> : vector<8x576xf32>
      %dot_general3A_80 = tpu.matmul %get3A_75, %get3A_78, %dot_general3A_79 {dimension_numbers = #tpu.dot_dimension_numbers<[1], [1], [0], [0], [0, 0, 1, 0], [], []>, transpose_lhs_hint = false} : vector<8x64xf32>, vector<576x64xf32>, vector<8x576xf32> -> vector<8x576xf32>
      %mul3A_81 = arith.mulf %get3A_78, %get3A_78 : vector<576x64xf32>
      %dot_general3A_82 = arith.constant dense<0.000000e+00> : vector<8x576xf32>
      %dot_general3A_83 = tpu.matmul %get3A_75, %mul3A_81, %dot_general3A_82 {dimension_numbers = #tpu.dot_dimension_numbers<[1], [1], [0], [0], [0, 0, 1, 0], [], []>, transpose_lhs_hint = false} : vector<8x64xf32>, vector<576x64xf32>, vector<8x576xf32> -> vector<8x576xf32>
      %slice3A_84 = vector.extract_strided_slice %dot_general3A_80 {offsets = [0, 0], sizes = [1, 576], strides = [1, 1]} : vector<8x576xf32> to vector<1x576xf32>
      %slice3A_85 = vector.extract_strided_slice %dot_general3A_83 {offsets = [1, 0], sizes = [1, 576], strides = [1, 1]} : vector<8x576xf32> to vector<1x576xf32>
      %max3A_86 = arith.constant 1.000000e-30 : f32
      %max3A_87 = vector.broadcast %max3A_86 : f32 to vector<1x576xf32>
      %max3A_88 = arith.maximumf %slice3A_85, %max3A_87 : vector<1x576xf32>
      %rsqrt3A_89 = math.rsqrt %max3A_88 : vector<1x576xf32>
      %mul3A_90 = arith.mulf %slice3A_84, %rsqrt3A_89 : vector<1x576xf32>
      %iota3A = tpu.iota {dimensions = array<i32: 1>} : vector<1x576xi32>
      %add3A = arith.constant 999424 : i32
      %add3A_91 = vector.broadcast %add3A : i32 to vector<1x576xi32>
      %add3A_92 = arith.addi %iota3A, %add3A_91 : vector<1x576xi32>
      %lt3A = arith.constant 1073741824 : i32
      %lt3A_93 = vector.broadcast %lt3A : i32 to vector<1x576xi32>
      %lt3A_94 = arith.cmpi slt, %add3A_92, %lt3A_93 : vector<1x576xi32>
      %jit3A = arith.constant 0xFF800000 : f32
      %broadcast_in_dim3A_95 = vector.broadcast %jit3A : f32 to vector<1x576xf32>
      %select_n3A = arith.select %lt3A_94, %mul3A_90, %broadcast_in_dim3A_95 : vector<1x576xi1>, vector<1x576xf32>
      %reduce_max3A_96 = vector.shape_cast %select_n3A : vector<1x576xf32> to vector<1x1x576xf32>
      %reduce_max3A_97 = arith.constant dense<0xFF800000> : vector<1xf32>
      %reduce_max3A_98 = vector.multi_reduction <maximumf>, %reduce_max3A_96, %reduce_max3A_97 [1, 2] : vector<1x1x576xf32> to vector<1xf32>
      %reduce_max3A_99 = vector.shape_cast %reduce_max3A_98 : vector<1xf32> to vector<1x1x1xf32>
      %reduce_max3A_100 = vector.extract %reduce_max3A_99[0, 0, 0] : f32 from vector<1x1x1xf32>
      %broadcast_in_dim3A_101 = vector.broadcast %reduce_max3A_100 : f32 to vector<1x1xf32>
      %eq3A_102 = vector.broadcast %broadcast_in_dim3A_101 : vector<1x1xf32> to vector<1x576xf32>
      %eq3A_103 = arith.cmpf oeq, %select_n3A, %eq3A_102 : vector<1x576xf32>
      %and3A = arith.andi %lt3A_94, %eq3A_103 : vector<1x576xi1>
      %jit3A_104 = arith.constant 1073741824 : i32
      %broadcast_in_dim3A_105 = vector.broadcast %jit3A_104 : i32 to vector<1x576xi32>
      %select_n3A_106 = arith.select %and3A, %add3A_92, %broadcast_in_dim3A_105 : vector<1x576xi1>, vector<1x576xi32>
      %reduce_min3A = vector.shape_cast %select_n3A_106 : vector<1x576xi32> to vector<1x1x576xi32>
      %reduce_min3A_107 = arith.constant dense<2147483647> : vector<1xi32>
      %reduce_min3A_108 = vector.multi_reduction <minsi>, %reduce_min3A, %reduce_min3A_107 [1, 2] : vector<1x1x576xi32> to vector<1xi32>
      %reduce_min3A_109 = vector.shape_cast %reduce_min3A_108 : vector<1xi32> to vector<1x1x1xi32>
      %reduce_min3A_110 = vector.extract %reduce_min3A_109[0, 0, 0] : i32 from vector<1x1x1xi32>
      %broadcast_in_dim3A_111 = vector.broadcast %reduce_min3A_110 : i32 to vector<1x1xi32>
      %squeeze3A_112 = vector.extract %broadcast_in_dim3A_101[0, 0] : f32 from vector<1x1xf32>
      %squeeze3A_113 = vector.extract %broadcast_in_dim3A_111[0, 0] : i32 from vector<1x1xi32>
      %ne3A = vector.broadcast %broadcast_in_dim3A_111 : vector<1x1xi32> to vector<1x576xi32>
      %ne3A_114 = arith.cmpi ne, %add3A_92, %ne3A : vector<1x576xi32>
      %and3A_115 = arith.andi %lt3A_94, %ne3A_114 : vector<1x576xi1>
      %jit3A_116 = arith.constant 0xFF800000 : f32
      %broadcast_in_dim3A_117 = vector.broadcast %jit3A_116 : f32 to vector<1x576xf32>
      %select_n3A_118 = arith.select %and3A_115, %mul3A_90, %broadcast_in_dim3A_117 : vector<1x576xi1>, vector<1x576xf32>
      %reduce_max3A_119 = vector.shape_cast %select_n3A_118 : vector<1x576xf32> to vector<1x1x576xf32>
      %reduce_max3A_120 = arith.constant dense<0xFF800000> : vector<1xf32>
      %reduce_max3A_121 = vector.multi_reduction <maximumf>, %reduce_max3A_119, %reduce_max3A_120 [1, 2] : vector<1x1x576xf32> to vector<1xf32>
      %reduce_max3A_122 = vector.shape_cast %reduce_max3A_121 : vector<1xf32> to vector<1x1x1xf32>
      %reduce_max3A_123 = vector.extract %reduce_max3A_122[0, 0, 0] : f32 from vector<1x1x1xf32>
      %broadcast_in_dim3A_124 = vector.broadcast %reduce_max3A_123 : f32 to vector<1x1xf32>
      %eq3A_125 = vector.broadcast %broadcast_in_dim3A_124 : vector<1x1xf32> to vector<1x576xf32>
      %eq3A_126 = arith.cmpf oeq, %select_n3A_118, %eq3A_125 : vector<1x576xf32>
      %and3A_127 = arith.andi %and3A_115, %eq3A_126 : vector<1x576xi1>
      %jit3A_128 = arith.constant 1073741824 : i32
      %broadcast_in_dim3A_129 = vector.broadcast %jit3A_128 : i32 to vector<1x576xi32>
      %select_n3A_130 = arith.select %and3A_127, %add3A_92, %broadcast_in_dim3A_129 : vector<1x576xi1>, vector<1x576xi32>
      %reduce_min3A_131 = vector.shape_cast %select_n3A_130 : vector<1x576xi32> to vector<1x1x576xi32>
      %reduce_min3A_132 = arith.constant dense<2147483647> : vector<1xi32>
      %reduce_min3A_133 = vector.multi_reduction <minsi>, %reduce_min3A_131, %reduce_min3A_132 [1, 2] : vector<1x1x576xi32> to vector<1xi32>
      %reduce_min3A_134 = vector.shape_cast %reduce_min3A_133 : vector<1xi32> to vector<1x1x1xi32>
      %reduce_min3A_135 = vector.extract %reduce_min3A_134[0, 0, 0] : i32 from vector<1x1x1xi32>
      %broadcast_in_dim3A_136 = vector.broadcast %reduce_min3A_135 : i32 to vector<1x1xi32>
      %squeeze3A_137 = vector.extract %broadcast_in_dim3A_124[0, 0] : f32 from vector<1x1xf32>
      %squeeze3A_138 = vector.extract %broadcast_in_dim3A_136[0, 0] : i32 from vector<1x1xi32>
      %ne3A_139 = vector.broadcast %broadcast_in_dim3A_136 : vector<1x1xi32> to vector<1x576xi32>
      %ne3A_140 = arith.cmpi ne, %add3A_92, %ne3A_139 : vector<1x576xi32>
      %and3A_141 = arith.andi %and3A_115, %ne3A_140 : vector<1x576xi1>
      %jit3A_142 = arith.constant 0xFF800000 : f32
      %broadcast_in_dim3A_143 = vector.broadcast %jit3A_142 : f32 to vector<1x576xf32>
      %select_n3A_144 = arith.select %and3A_141, %mul3A_90, %broadcast_in_dim3A_143 : vector<1x576xi1>, vector<1x576xf32>
      %reduce_max3A_145 = vector.shape_cast %select_n3A_144 : vector<1x576xf32> to vector<1x1x576xf32>
      %reduce_max3A_146 = arith.constant dense<0xFF800000> : vector<1xf32>
      %reduce_max3A_147 = vector.multi_reduction <maximumf>, %reduce_max3A_145, %reduce_max3A_146 [1, 2] : vector<1x1x576xf32> to vector<1xf32>
      %reduce_max3A_148 = vector.shape_cast %reduce_max3A_147 : vector<1xf32> to vector<1x1x1xf32>
      %reduce_max3A_149 = vector.extract %reduce_max3A_148[0, 0, 0] : f32 from vector<1x1x1xf32>
      %broadcast_in_dim3A_150 = vector.broadcast %reduce_max3A_149 : f32 to vector<1x1xf32>
      %eq3A_151 = vector.broadcast %broadcast_in_dim3A_150 : vector<1x1xf32> to vector<1x576xf32>
      %eq3A_152 = arith.cmpf oeq, %select_n3A_144, %eq3A_151 : vector<1x576xf32>
      %and3A_153 = arith.andi %and3A_141, %eq3A_152 : vector<1x576xi1>
      %jit3A_154 = arith.constant 1073741824 : i32
      %broadcast_in_dim3A_155 = vector.broadcast %jit3A_154 : i32 to vector<1x576xi32>
      %select_n3A_156 = arith.select %and3A_153, %add3A_92, %broadcast_in_dim3A_155 : vector<1x576xi1>, vector<1x576xi32>
      %reduce_min3A_157 = vector.shape_cast %select_n3A_156 : vector<1x576xi32> to vector<1x1x576xi32>
      %reduce_min3A_158 = arith.constant dense<2147483647> : vector<1xi32>
      %reduce_min3A_159 = vector.multi_reduction <minsi>, %reduce_min3A_157, %reduce_min3A_158 [1, 2] : vector<1x1x576xi32> to vector<1xi32>
      %reduce_min3A_160 = vector.shape_cast %reduce_min3A_159 : vector<1xi32> to vector<1x1x1xi32>
      %reduce_min3A_161 = vector.extract %reduce_min3A_160[0, 0, 0] : i32 from vector<1x1x1xi32>
      %broadcast_in_dim3A_162 = vector.broadcast %reduce_min3A_161 : i32 to vector<1x1xi32>
      %squeeze3A_163 = vector.extract %broadcast_in_dim3A_150[0, 0] : f32 from vector<1x1xf32>
      %squeeze3A_164 = vector.extract %broadcast_in_dim3A_162[0, 0] : i32 from vector<1x1xi32>
      %get3A_165 = arith.constant 0 : index
      %get3A_166 = memref.load %arg10[%get3A_165] : memref<4xf32, #tpu.memory_space<smem>>
      %get3A_167 = arith.constant 1 : index
      %get3A_168 = memref.load %arg10[%get3A_167] : memref<4xf32, #tpu.memory_space<smem>>
      %get3A_169 = arith.constant 2 : index
      %get3A_170 = memref.load %arg10[%get3A_169] : memref<4xf32, #tpu.memory_space<smem>>
      %get3A_171 = arith.constant 0 : index
      %get3A_172 = memref.load %arg11[%get3A_171] : memref<4xi32, #tpu.memory_space<smem>>
      %get3A_173 = arith.constant 1 : index
      %get3A_174 = memref.load %arg11[%get3A_173] : memref<4xi32, #tpu.memory_space<smem>>
      %get3A_175 = arith.constant 2 : index
      %get3A_176 = memref.load %arg11[%get3A_175] : memref<4xi32, #tpu.memory_space<smem>>
      %gt3A_177 = arith.cmpf ogt, %squeeze3A_112, %get3A_166 : f32
      %eq3A_178 = arith.cmpf oeq, %squeeze3A_112, %get3A_166 : f32
      %lt3A_179 = arith.cmpi slt, %squeeze3A_113, %get3A_172 : i32
      %and3A_180 = arith.andi %eq3A_178, %lt3A_179 : i1
      %or3A = arith.ori %gt3A_177, %and3A_180 : i1
      %gt3A_181 = arith.cmpf ogt, %squeeze3A_112, %get3A_168 : f32
      %eq3A_182 = arith.cmpf oeq, %squeeze3A_112, %get3A_168 : f32
      %lt3A_183 = arith.cmpi slt, %squeeze3A_113, %get3A_174 : i32
      %and3A_184 = arith.andi %eq3A_182, %lt3A_183 : i1
      %or3A_185 = arith.ori %gt3A_181, %and3A_184 : i1
      %gt3A_186 = arith.cmpf ogt, %squeeze3A_112, %get3A_170 : f32
      %eq3A_187 = arith.cmpf oeq, %squeeze3A_112, %get3A_170 : f32
      %lt3A_188 = arith.cmpi slt, %squeeze3A_113, %get3A_176 : i32
      %and3A_189 = arith.andi %eq3A_187, %lt3A_188 : i1
      %or3A_190 = arith.ori %gt3A_186, %and3A_189 : i1
      %select_n3A_191 = arith.select %or3A, %squeeze3A_112, %get3A_166 : f32
      %swap3A = arith.constant 0 : index
      %swap3A_192 = memref.load %arg10[%swap3A] : memref<4xf32, #tpu.memory_space<smem>>
      memref.store %select_n3A_191, %arg10[%swap3A] : memref<4xf32, #tpu.memory_space<smem>>
      %select_n3A_193 = arith.select %or3A, %squeeze3A_113, %get3A_172 : i32
      %swap3A_194 = arith.constant 0 : index
      %swap3A_195 = memref.load %arg11[%swap3A_194] : memref<4xi32, #tpu.memory_space<smem>>
      memref.store %select_n3A_193, %arg11[%swap3A_194] : memref<4xi32, #tpu.memory_space<smem>>
      %select_n3A_196 = arith.select %or3A_185, %squeeze3A_112, %get3A_168 : f32
      %select_n3A_197 = arith.select %or3A, %get3A_166, %select_n3A_196 : f32
      %swap3A_198 = arith.constant 1 : index
      %swap3A_199 = memref.load %arg10[%swap3A_198] : memref<4xf32, #tpu.memory_space<smem>>
      memref.store %select_n3A_197, %arg10[%swap3A_198] : memref<4xf32, #tpu.memory_space<smem>>
      %select_n3A_200 = arith.select %or3A_185, %squeeze3A_113, %get3A_174 : i32
      %select_n3A_201 = arith.select %or3A, %get3A_172, %select_n3A_200 : i32
      %swap3A_202 = arith.constant 1 : index
      %swap3A_203 = memref.load %arg11[%swap3A_202] : memref<4xi32, #tpu.memory_space<smem>>
      memref.store %select_n3A_201, %arg11[%swap3A_202] : memref<4xi32, #tpu.memory_space<smem>>
      %select_n3A_204 = arith.select %or3A_190, %squeeze3A_112, %get3A_170 : f32
      %select_n3A_205 = arith.select %or3A_185, %get3A_168, %select_n3A_204 : f32
      %swap3A_206 = arith.constant 2 : index
      %swap3A_207 = memref.load %arg10[%swap3A_206] : memref<4xf32, #tpu.memory_space<smem>>
      memref.store %select_n3A_205, %arg10[%swap3A_206] : memref<4xf32, #tpu.memory_space<smem>>
      %select_n3A_208 = arith.select %or3A_190, %squeeze3A_113, %get3A_176 : i32
      %select_n3A_209 = arith.select %or3A_185, %get3A_174, %select_n3A_208 : i32
      %swap3A_210 = arith.constant 2 : index
      %swap3A_211 = memref.load %arg11[%swap3A_210] : memref<4xi32, #tpu.memory_space<smem>>
      memref.store %select_n3A_209, %arg11[%swap3A_210] : memref<4xi32, #tpu.memory_space<smem>>
      %get3A_212 = arith.constant 0 : index
      %get3A_213 = memref.load %arg10[%get3A_212] : memref<4xf32, #tpu.memory_space<smem>>
      %get3A_214 = arith.constant 1 : index
      %get3A_215 = memref.load %arg10[%get3A_214] : memref<4xf32, #tpu.memory_space<smem>>
      %get3A_216 = arith.constant 2 : index
      %get3A_217 = memref.load %arg10[%get3A_216] : memref<4xf32, #tpu.memory_space<smem>>
      %get3A_218 = arith.constant 0 : index
      %get3A_219 = memref.load %arg11[%get3A_218] : memref<4xi32, #tpu.memory_space<smem>>
      %get3A_220 = arith.constant 1 : index
      %get3A_221 = memref.load %arg11[%get3A_220] : memref<4xi32, #tpu.memory_space<smem>>
      %get3A_222 = arith.constant 2 : index
      %get3A_223 = memref.load %arg11[%get3A_222] : memref<4xi32, #tpu.memory_space<smem>>
      %gt3A_224 = arith.cmpf ogt, %squeeze3A_137, %get3A_213 : f32
      %eq3A_225 = arith.cmpf oeq, %squeeze3A_137, %get3A_213 : f32
      %lt3A_226 = arith.cmpi slt, %squeeze3A_138, %get3A_219 : i32
      %and3A_227 = arith.andi %eq3A_225, %lt3A_226 : i1
      %or3A_228 = arith.ori %gt3A_224, %and3A_227 : i1
      %gt3A_229 = arith.cmpf ogt, %squeeze3A_137, %get3A_215 : f32
      %eq3A_230 = arith.cmpf oeq, %squeeze3A_137, %get3A_215 : f32
      %lt3A_231 = arith.cmpi slt, %squeeze3A_138, %get3A_221 : i32
      %and3A_232 = arith.andi %eq3A_230, %lt3A_231 : i1
      %or3A_233 = arith.ori %gt3A_229, %and3A_232 : i1
      %gt3A_234 = arith.cmpf ogt, %squeeze3A_137, %get3A_217 : f32
      %eq3A_235 = arith.cmpf oeq, %squeeze3A_137, %get3A_217 : f32
      %lt3A_236 = arith.cmpi slt, %squeeze3A_138, %get3A_223 : i32
      %and3A_237 = arith.andi %eq3A_235, %lt3A_236 : i1
      %or3A_238 = arith.ori %gt3A_234, %and3A_237 : i1
      %select_n3A_239 = arith.select %or3A_228, %squeeze3A_137, %get3A_213 : f32
      %swap3A_240 = arith.constant 0 : index
      %swap3A_241 = memref.load %arg10[%swap3A_240] : memref<4xf32, #tpu.memory_space<smem>>
      memref.store %select_n3A_239, %arg10[%swap3A_240] : memref<4xf32, #tpu.memory_space<smem>>
      %select_n3A_242 = arith.select %or3A_228, %squeeze3A_138, %get3A_219 : i32
      %swap3A_243 = arith.constant 0 : index
      %swap3A_244 = memref.load %arg11[%swap3A_243] : memref<4xi32, #tpu.memory_space<smem>>
      memref.store %select_n3A_242, %arg11[%swap3A_243] : memref<4xi32, #tpu.memory_space<smem>>
      %select_n3A_245 = arith.select %or3A_233, %squeeze3A_137, %get3A_215 : f32
      %select_n3A_246 = arith.select %or3A_228, %get3A_213, %select_n3A_245 : f32
      %swap3A_247 = arith.constant 1 : index
      %swap3A_248 = memref.load %arg10[%swap3A_247] : memref<4xf32, #tpu.memory_space<smem>>
      memref.store %select_n3A_246, %arg10[%swap3A_247] : memref<4xf32, #tpu.memory_space<smem>>
      %select_n3A_249 = arith.select %or3A_233, %squeeze3A_138, %get3A_221 : i32
      %select_n3A_250 = arith.select %or3A_228, %get3A_219, %select_n3A_249 : i32
      %swap3A_251 = arith.constant 1 : index
      %swap3A_252 = memref.load %arg11[%swap3A_251] : memref<4xi32, #tpu.memory_space<smem>>
      memref.store %select_n3A_250, %arg11[%swap3A_251] : memref<4xi32, #tpu.memory_space<smem>>
      %select_n3A_253 = arith.select %or3A_238, %squeeze3A_137, %get3A_217 : f32
      %select_n3A_254 = arith.select %or3A_233, %get3A_215, %select_n3A_253 : f32
      %swap3A_255 = arith.constant 2 : index
      %swap3A_256 = memref.load %arg10[%swap3A_255] : memref<4xf32, #tpu.memory_space<smem>>
      memref.store %select_n3A_254, %arg10[%swap3A_255] : memref<4xf32, #tpu.memory_space<smem>>
      %select_n3A_257 = arith.select %or3A_238, %squeeze3A_138, %get3A_223 : i32
      %select_n3A_258 = arith.select %or3A_233, %get3A_221, %select_n3A_257 : i32
      %swap3A_259 = arith.constant 2 : index
      %swap3A_260 = memref.load %arg11[%swap3A_259] : memref<4xi32, #tpu.memory_space<smem>>
      memref.store %select_n3A_258, %arg11[%swap3A_259] : memref<4xi32, #tpu.memory_space<smem>>
      %get3A_261 = arith.constant 0 : index
      %get3A_262 = memref.load %arg10[%get3A_261] : memref<4xf32, #tpu.memory_space<smem>>
      %get3A_263 = arith.constant 1 : index
      %get3A_264 = memref.load %arg10[%get3A_263] : memref<4xf32, #tpu.memory_space<smem>>
      %get3A_265 = arith.constant 2 : index
      %get3A_266 = memref.load %arg10[%get3A_265] : memref<4xf32, #tpu.memory_space<smem>>
      %get3A_267 = arith.constant 0 : index
      %get3A_268 = memref.load %arg11[%get3A_267] : memref<4xi32, #tpu.memory_space<smem>>
      %get3A_269 = arith.constant 1 : index
      %get3A_270 = memref.load %arg11[%get3A_269] : memref<4xi32, #tpu.memory_space<smem>>
      %get3A_271 = arith.constant 2 : index
      %get3A_272 = memref.load %arg11[%get3A_271] : memref<4xi32, #tpu.memory_space<smem>>
      %gt3A_273 = arith.cmpf ogt, %squeeze3A_163, %get3A_262 : f32
      %eq3A_274 = arith.cmpf oeq, %squeeze3A_163, %get3A_262 : f32
      %lt3A_275 = arith.cmpi slt, %squeeze3A_164, %get3A_268 : i32
      %and3A_276 = arith.andi %eq3A_274, %lt3A_275 : i1
      %or3A_277 = arith.ori %gt3A_273, %and3A_276 : i1
      %gt3A_278 = arith.cmpf ogt, %squeeze3A_163, %get3A_264 : f32
      %eq3A_279 = arith.cmpf oeq, %squeeze3A_163, %get3A_264 : f32
      %lt3A_280 = arith.cmpi slt, %squeeze3A_164, %get3A_270 : i32
      %and3A_281 = arith.andi %eq3A_279, %lt3A_280 : i1
      %or3A_282 = arith.ori %gt3A_278, %and3A_281 : i1
      %gt3A_283 = arith.cmpf ogt, %squeeze3A_163, %get3A_266 : f32
      %eq3A_284 = arith.cmpf oeq, %squeeze3A_163, %get3A_266 : f32
      %lt3A_285 = arith.cmpi slt, %squeeze3A_164, %get3A_272 : i32
      %and3A_286 = arith.andi %eq3A_284, %lt3A_285 : i1
      %or3A_287 = arith.ori %gt3A_283, %and3A_286 : i1
      %select_n3A_288 = arith.select %or3A_277, %squeeze3A_163, %get3A_262 : f32
      %swap3A_289 = arith.constant 0 : index
      %swap3A_290 = memref.load %arg10[%swap3A_289] : memref<4xf32, #tpu.memory_space<smem>>
      memref.store %select_n3A_288, %arg10[%swap3A_289] : memref<4xf32, #tpu.memory_space<smem>>
      %select_n3A_291 = arith.select %or3A_277, %squeeze3A_164, %get3A_268 : i32
      %swap3A_292 = arith.constant 0 : index
      %swap3A_293 = memref.load %arg11[%swap3A_292] : memref<4xi32, #tpu.memory_space<smem>>
      memref.store %select_n3A_291, %arg11[%swap3A_292] : memref<4xi32, #tpu.memory_space<smem>>
      %select_n3A_294 = arith.select %or3A_282, %squeeze3A_163, %get3A_264 : f32
      %select_n3A_295 = arith.select %or3A_277, %get3A_262, %select_n3A_294 : f32
      %swap3A_296 = arith.constant 1 : index
      %swap3A_297 = memref.load %arg10[%swap3A_296] : memref<4xf32, #tpu.memory_space<smem>>
      memref.store %select_n3A_295, %arg10[%swap3A_296] : memref<4xf32, #tpu.memory_space<smem>>
      %select_n3A_298 = arith.select %or3A_282, %squeeze3A_164, %get3A_270 : i32
      %select_n3A_299 = arith.select %or3A_277, %get3A_268, %select_n3A_298 : i32
      %swap3A_300 = arith.constant 1 : index
      %swap3A_301 = memref.load %arg11[%swap3A_300] : memref<4xi32, #tpu.memory_space<smem>>
      memref.store %select_n3A_299, %arg11[%swap3A_300] : memref<4xi32, #tpu.memory_space<smem>>
      %select_n3A_302 = arith.select %or3A_287, %squeeze3A_163, %get3A_266 : f32
      %select_n3A_303 = arith.select %or3A_282, %get3A_264, %select_n3A_302 : f32
      %swap3A_304 = arith.constant 2 : index
      %swap3A_305 = memref.load %arg10[%swap3A_304] : memref<4xf32, #tpu.memory_space<smem>>
      memref.store %select_n3A_303, %arg10[%swap3A_304] : memref<4xf32, #tpu.memory_space<smem>>
      %select_n3A_306 = arith.select %or3A_287, %squeeze3A_164, %get3A_272 : i32
      %select_n3A_307 = arith.select %or3A_282, %get3A_270, %select_n3A_306 : i32
      %swap3A_308 = arith.constant 2 : index
      %swap3A_309 = memref.load %arg11[%swap3A_308] : memref<4xi32, #tpu.memory_space<smem>>
      memref.store %select_n3A_307, %arg11[%swap3A_308] : memref<4xi32, #tpu.memory_space<smem>>
      %get3A_310 = arith.constant 0 : index
      %get3A_311 = memref.load %arg10[%get3A_310] : memref<4xf32, #tpu.memory_space<smem>>
      %swap3A_312 = arith.constant 0 : index
      %swap3A_313 = arith.constant 0 : index
      %swap3A_314 = memref.load %arg8[%swap3A_312, %swap3A_313] : memref<1x16xf32, #tpu.memory_space<smem>>
      memref.store %get3A_311, %arg8[%swap3A_312, %swap3A_313] : memref<1x16xf32, #tpu.memory_space<smem>>
      %get3A_315 = arith.constant 0 : index
      %get3A_316 = memref.load %arg11[%get3A_315] : memref<4xi32, #tpu.memory_space<smem>>
      %swap3A_317 = arith.constant 0 : index
      %swap3A_318 = arith.constant 0 : index
      %swap3A_319 = memref.load %arg9[%swap3A_317, %swap3A_318] : memref<1x16xi32, #tpu.memory_space<smem>>
      memref.store %get3A_316, %arg9[%swap3A_317, %swap3A_318] : memref<1x16xi32, #tpu.memory_space<smem>>
      %get3A_320 = arith.constant 1 : index
      %get3A_321 = memref.load %arg10[%get3A_320] : memref<4xf32, #tpu.memory_space<smem>>
      %swap3A_322 = arith.constant 0 : index
      %swap3A_323 = arith.constant 1 : index
      %swap3A_324 = memref.load %arg8[%swap3A_322, %swap3A_323] : memref<1x16xf32, #tpu.memory_space<smem>>
      memref.store %get3A_321, %arg8[%swap3A_322, %swap3A_323] : memref<1x16xf32, #tpu.memory_space<smem>>
      %get3A_325 = arith.constant 1 : index
      %get3A_326 = memref.load %arg11[%get3A_325] : memref<4xi32, #tpu.memory_space<smem>>
      %swap3A_327 = arith.constant 0 : index
      %swap3A_328 = arith.constant 1 : index
      %swap3A_329 = memref.load %arg9[%swap3A_327, %swap3A_328] : memref<1x16xi32, #tpu.memory_space<smem>>
      memref.store %get3A_326, %arg9[%swap3A_327, %swap3A_328] : memref<1x16xi32, #tpu.memory_space<smem>>
      %get3A_330 = arith.constant 2 : index
      %get3A_331 = memref.load %arg10[%get3A_330] : memref<4xf32, #tpu.memory_space<smem>>
      %swap3A_332 = arith.constant 0 : index
      %swap3A_333 = arith.constant 2 : index
      %swap3A_334 = memref.load %arg8[%swap3A_332, %swap3A_333] : memref<1x16xf32, #tpu.memory_space<smem>>
      memref.store %get3A_331, %arg8[%swap3A_332, %swap3A_333] : memref<1x16xf32, #tpu.memory_space<smem>>
      %get3A_335 = arith.constant 2 : index
      %get3A_336 = memref.load %arg11[%get3A_335] : memref<4xi32, #tpu.memory_space<smem>>
      %swap3A_337 = arith.constant 0 : index
      %swap3A_338 = arith.constant 2 : index
      %swap3A_339 = memref.load %arg9[%swap3A_337, %swap3A_338] : memref<1x16xi32, #tpu.memory_space<smem>>
      memref.store %get3A_336, %arg9[%swap3A_337, %swap3A_338] : memref<1x16xi32, #tpu.memory_space<smem>>
      %swap3A_340 = arith.constant 0xFF800000 : f32
      %swap3A_341 = arith.constant 0 : index
      %swap3A_342 = arith.constant 3 : index
      %swap3A_343 = memref.load %arg8[%swap3A_341, %swap3A_342] : memref<1x16xf32, #tpu.memory_space<smem>>
      memref.store %swap3A_340, %arg8[%swap3A_341, %swap3A_342] : memref<1x16xf32, #tpu.memory_space<smem>>
      %swap3A_344 = arith.constant 1073741824 : i32
      %swap3A_345 = arith.constant 0 : index
      %swap3A_346 = arith.constant 3 : index
      %swap3A_347 = memref.load %arg9[%swap3A_345, %swap3A_346] : memref<1x16xi32, #tpu.memory_space<smem>>
      memref.store %swap3A_344, %arg9[%swap3A_345, %swap3A_346] : memref<1x16xi32, #tpu.memory_space<smem>>
      %swap3A_348 = arith.constant 0xFF800000 : f32
      %swap3A_349 = arith.constant 0 : index
      %swap3A_350 = arith.constant 4 : index
      %swap3A_351 = memref.load %arg8[%swap3A_349, %swap3A_350] : memref<1x16xf32, #tpu.memory_space<smem>>
      memref.store %swap3A_348, %arg8[%swap3A_349, %swap3A_350] : memref<1x16xf32, #tpu.memory_space<smem>>
      %swap3A_352 = arith.constant 1073741824 : i32
      %swap3A_353 = arith.constant 0 : index
      %swap3A_354 = arith.constant 4 : index
      %swap3A_355 = memref.load %arg9[%swap3A_353, %swap3A_354] : memref<1x16xi32, #tpu.memory_space<smem>>
      memref.store %swap3A_352, %arg9[%swap3A_353, %swap3A_354] : memref<1x16xi32, #tpu.memory_space<smem>>
      %swap3A_356 = arith.constant 0xFF800000 : f32
      %swap3A_357 = arith.constant 0 : index
      %swap3A_358 = arith.constant 5 : index
      %swap3A_359 = memref.load %arg8[%swap3A_357, %swap3A_358] : memref<1x16xf32, #tpu.memory_space<smem>>
      memref.store %swap3A_356, %arg8[%swap3A_357, %swap3A_358] : memref<1x16xf32, #tpu.memory_space<smem>>
      %swap3A_360 = arith.constant 1073741824 : i32
      %swap3A_361 = arith.constant 0 : index
      %swap3A_362 = arith.constant 5 : index
      %swap3A_363 = memref.load %arg9[%swap3A_361, %swap3A_362] : memref<1x16xi32, #tpu.memory_space<smem>>
      memref.store %swap3A_360, %arg9[%swap3A_361, %swap3A_362] : memref<1x16xi32, #tpu.memory_space<smem>>
      %swap3A_364 = arith.constant 0xFF800000 : f32
      %swap3A_365 = arith.constant 0 : index
      %swap3A_366 = arith.constant 6 : index
      %swap3A_367 = memref.load %arg8[%swap3A_365, %swap3A_366] : memref<1x16xf32, #tpu.memory_space<smem>>
      memref.store %swap3A_364, %arg8[%swap3A_365, %swap3A_366] : memref<1x16xf32, #tpu.memory_space<smem>>
      %swap3A_368 = arith.constant 1073741824 : i32
      %swap3A_369 = arith.constant 0 : index
      %swap3A_370 = arith.constant 6 : index
      %swap3A_371 = memref.load %arg9[%swap3A_369, %swap3A_370] : memref<1x16xi32, #tpu.memory_space<smem>>
      memref.store %swap3A_368, %arg9[%swap3A_369, %swap3A_370] : memref<1x16xi32, #tpu.memory_space<smem>>
      %swap3A_372 = arith.constant 0xFF800000 : f32
      %swap3A_373 = arith.constant 0 : index
      %swap3A_374 = arith.constant 7 : index
      %swap3A_375 = memref.load %arg8[%swap3A_373, %swap3A_374] : memref<1x16xf32, #tpu.memory_space<smem>>
      memref.store %swap3A_372, %arg8[%swap3A_373, %swap3A_374] : memref<1x16xf32, #tpu.memory_space<smem>>
      %swap3A_376 = arith.constant 1073741824 : i32
      %swap3A_377 = arith.constant 0 : index
      %swap3A_378 = arith.constant 7 : index
      %swap3A_379 = memref.load %arg9[%swap3A_377, %swap3A_378] : memref<1x16xi32, #tpu.memory_space<smem>>
      memref.store %swap3A_376, %arg9[%swap3A_377, %swap3A_378] : memref<1x16xi32, #tpu.memory_space<smem>>
      %swap3A_380 = arith.constant 0xFF800000 : f32
      %swap3A_381 = arith.constant 0 : index
      %swap3A_382 = arith.constant 8 : index
      %swap3A_383 = memref.load %arg8[%swap3A_381, %swap3A_382] : memref<1x16xf32, #tpu.memory_space<smem>>
      memref.store %swap3A_380, %arg8[%swap3A_381, %swap3A_382] : memref<1x16xf32, #tpu.memory_space<smem>>
      %swap3A_384 = arith.constant 1073741824 : i32
      %swap3A_385 = arith.constant 0 : index
      %swap3A_386 = arith.constant 8 : index
      %swap3A_387 = memref.load %arg9[%swap3A_385, %swap3A_386] : memref<1x16xi32, #tpu.memory_space<smem>>
      memref.store %swap3A_384, %arg9[%swap3A_385, %swap3A_386] : memref<1x16xi32, #tpu.memory_space<smem>>
      %swap3A_388 = arith.constant 0xFF800000 : f32
      %swap3A_389 = arith.constant 0 : index
      %swap3A_390 = arith.constant 9 : index
      %swap3A_391 = memref.load %arg8[%swap3A_389, %swap3A_390] : memref<1x16xf32, #tpu.memory_space<smem>>
      memref.store %swap3A_388, %arg8[%swap3A_389, %swap3A_390] : memref<1x16xf32, #tpu.memory_space<smem>>
      %swap3A_392 = arith.constant 1073741824 : i32
      %swap3A_393 = arith.constant 0 : index
      %swap3A_394 = arith.constant 9 : index
      %swap3A_395 = memref.load %arg9[%swap3A_393, %swap3A_394] : memref<1x16xi32, #tpu.memory_space<smem>>
      memref.store %swap3A_392, %arg9[%swap3A_393, %swap3A_394] : memref<1x16xi32, #tpu.memory_space<smem>>
      %swap3A_396 = arith.constant 0xFF800000 : f32
      %swap3A_397 = arith.constant 0 : index
      %swap3A_398 = arith.constant 10 : index
      %swap3A_399 = memref.load %arg8[%swap3A_397, %swap3A_398] : memref<1x16xf32, #tpu.memory_space<smem>>
      memref.store %swap3A_396, %arg8[%swap3A_397, %swap3A_398] : memref<1x16xf32, #tpu.memory_space<smem>>
      %swap3A_400 = arith.constant 1073741824 : i32
      %swap3A_401 = arith.constant 0 : index
      %swap3A_402 = arith.constant 10 : index
      %swap3A_403 = memref.load %arg9[%swap3A_401, %swap3A_402] : memref<1x16xi32, #tpu.memory_space<smem>>
      memref.store %swap3A_400, %arg9[%swap3A_401, %swap3A_402] : memref<1x16xi32, #tpu.memory_space<smem>>
      %swap3A_404 = arith.constant 0xFF800000 : f32
      %swap3A_405 = arith.constant 0 : index
      %swap3A_406 = arith.constant 11 : index
      %swap3A_407 = memref.load %arg8[%swap3A_405, %swap3A_406] : memref<1x16xf32, #tpu.memory_space<smem>>
      memref.store %swap3A_404, %arg8[%swap3A_405, %swap3A_406] : memref<1x16xf32, #tpu.memory_space<smem>>
      %swap3A_408 = arith.constant 1073741824 : i32
      %swap3A_409 = arith.constant 0 : index
      %swap3A_410 = arith.constant 11 : index
      %swap3A_411 = memref.load %arg9[%swap3A_409, %swap3A_410] : memref<1x16xi32, #tpu.memory_space<smem>>
      memref.store %swap3A_408, %arg9[%swap3A_409, %swap3A_410] : memref<1x16xi32, #tpu.memory_space<smem>>
      %swap3A_412 = arith.constant 0xFF800000 : f32
      %swap3A_413 = arith.constant 0 : index
      %swap3A_414 = arith.constant 12 : index
      %swap3A_415 = memref.load %arg8[%swap3A_413, %swap3A_414] : memref<1x16xf32, #tpu.memory_space<smem>>
      memref.store %swap3A_412, %arg8[%swap3A_413, %swap3A_414] : memref<1x16xf32, #tpu.memory_space<smem>>
      %swap3A_416 = arith.constant 1073741824 : i32
      %swap3A_417 = arith.constant 0 : index
      %swap3A_418 = arith.constant 12 : index
      %swap3A_419 = memref.load %arg9[%swap3A_417, %swap3A_418] : memref<1x16xi32, #tpu.memory_space<smem>>
      memref.store %swap3A_416, %arg9[%swap3A_417, %swap3A_418] : memref<1x16xi32, #tpu.memory_space<smem>>
      %swap3A_420 = arith.constant 0xFF800000 : f32
      %swap3A_421 = arith.constant 0 : index
      %swap3A_422 = arith.constant 13 : index
      %swap3A_423 = memref.load %arg8[%swap3A_421, %swap3A_422] : memref<1x16xf32, #tpu.memory_space<smem>>
      memref.store %swap3A_420, %arg8[%swap3A_421, %swap3A_422] : memref<1x16xf32, #tpu.memory_space<smem>>
      %swap3A_424 = arith.constant 1073741824 : i32
      %swap3A_425 = arith.constant 0 : index
      %swap3A_426 = arith.constant 13 : index
      %swap3A_427 = memref.load %arg9[%swap3A_425, %swap3A_426] : memref<1x16xi32, #tpu.memory_space<smem>>
      memref.store %swap3A_424, %arg9[%swap3A_425, %swap3A_426] : memref<1x16xi32, #tpu.memory_space<smem>>
      %swap3A_428 = arith.constant 0xFF800000 : f32
      %swap3A_429 = arith.constant 0 : index
      %swap3A_430 = arith.constant 14 : index
      %swap3A_431 = memref.load %arg8[%swap3A_429, %swap3A_430] : memref<1x16xf32, #tpu.memory_space<smem>>
      memref.store %swap3A_428, %arg8[%swap3A_429, %swap3A_430] : memref<1x16xf32, #tpu.memory_space<smem>>
      %swap3A_432 = arith.constant 1073741824 : i32
      %swap3A_433 = arith.constant 0 : index
      %swap3A_434 = arith.constant 14 : index
      %swap3A_435 = memref.load %arg9[%swap3A_433, %swap3A_434] : memref<1x16xi32, #tpu.memory_space<smem>>
      memref.store %swap3A_432, %arg9[%swap3A_433, %swap3A_434] : memref<1x16xi32, #tpu.memory_space<smem>>
      %swap3A_436 = arith.constant 0xFF800000 : f32
      %swap3A_437 = arith.constant 0 : index
      %swap3A_438 = arith.constant 15 : index
      %swap3A_439 = memref.load %arg8[%swap3A_437, %swap3A_438] : memref<1x16xf32, #tpu.memory_space<smem>>
      memref.store %swap3A_436, %arg8[%swap3A_437, %swap3A_438] : memref<1x16xf32, #tpu.memory_space<smem>>
      %swap3A_440 = arith.constant 1073741824 : i32
      %swap3A_441 = arith.constant 0 : index
      %swap3A_442 = arith.constant 15 : index
      %swap3A_443 = memref.load %arg9[%swap3A_441, %swap3A_442] : memref<1x16xi32, #tpu.memory_space<smem>>
      memref.store %swap3A_440, %arg9[%swap3A_441, %swap3A_442] : memref<1x16xi32, #tpu.memory_space<smem>>
    } else {
    }
    return
  }
  func.func @transform_0(%arg0: i32) -> (i32, i32) {
    %c0_i32 = arith.constant 0 : i32
    %c0_i32_0 = arith.constant 0 : i32
    %c0_i32_1 = arith.constant 0 : i32
    return %c0_i32, %c0_i32_0 : i32, i32
  }
  func.func @transform_1(%arg0: i32) -> (i32, i32) {
    %c0_i32 = arith.constant 0 : i32
    %c0_i32_0 = arith.constant 0 : i32
    %c0_i32_1 = arith.constant 0 : i32
    return %c0_i32, %c0_i32_0 : i32, i32
  }
  func.func @transform_2(%arg0: i32) -> (i32, i32) {
    %mul3A = arith.constant 4 : i32
    %mul3A_0 = arith.muli %mul3A, %arg0 : i32
    %add3A = arith.constant 0 : i32
    %add3A_1 = arith.addi %mul3A_0, %add3A : i32
    %c0_i32 = arith.constant 0 : i32
    %c0_i32_2 = arith.constant 0 : i32
    return %add3A_1, %c0_i32 : i32, i32
  }
  func.func @transform_3(%arg0: i32) -> (i32, i32) {
    %mul3A = arith.constant 4 : i32
    %mul3A_0 = arith.muli %mul3A, %arg0 : i32
    %add3A = arith.constant 1 : i32
    %add3A_1 = arith.addi %mul3A_0, %add3A : i32
    %c0_i32 = arith.constant 0 : i32
    %c0_i32_2 = arith.constant 0 : i32
    return %add3A_1, %c0_i32 : i32, i32
  }
  func.func @transform_4(%arg0: i32) -> (i32, i32) {
    %mul3A = arith.constant 4 : i32
    %mul3A_0 = arith.muli %mul3A, %arg0 : i32
    %add3A = arith.constant 2 : i32
    %add3A_1 = arith.addi %mul3A_0, %add3A : i32
    %c0_i32 = arith.constant 0 : i32
    %c0_i32_2 = arith.constant 0 : i32
    return %add3A_1, %c0_i32 : i32, i32
  }
  func.func @transform_5(%arg0: i32) -> (i32, i32) {
    %mul3A = arith.constant 4 : i32
    %mul3A_0 = arith.muli %mul3A, %arg0 : i32
    %add3A = arith.constant 3 : i32
    %add3A_1 = arith.addi %mul3A_0, %add3A : i32
    %c0_i32 = arith.constant 0 : i32
    %c0_i32_2 = arith.constant 0 : i32
    return %add3A_1, %c0_i32 : i32, i32
  }
  func.func @transform_6(%arg0: i32) -> (i32, i32) {
    %c0_i32 = arith.constant 0 : i32
    %c0_i32_0 = arith.constant 0 : i32
    %c0_i32_1 = arith.constant 0 : i32
    return %c0_i32, %c0_i32_0 : i32, i32
  }
  func.func @transform_7(%arg0: i32) -> (i32, i32) {
    %c0_i32 = arith.constant 0 : i32
    %c0_i32_0 = arith.constant 0 : i32
    %c0_i32_1 = arith.constant 0 : i32
    return %c0_i32, %c0_i32_0 : i32, i32
  }
  func.func @transform_8(%arg0: i32) -> (i32, i32) {
    %c0_i32 = arith.constant 0 : i32
    %c0_i32_0 = arith.constant 0 : i32
    %c0_i32_1 = arith.constant 0 : i32
    return %c0_i32, %c0_i32_0 : i32, i32
  }
}

module attributes {stable_mosaic.version = 14 : i64} {
  func.func @_finish_body(%arg0: i32, %arg1: memref<1x64xf32, #tpu.memory_space<vmem>>, %arg2: memref<8x64xf32, #tpu.memory_space<vmem>>, %arg3: memref<1x3xf32, #tpu.memory_space<vmem>>, %arg4: memref<1x3xf32, #tpu.memory_space<vmem>>, %arg5: memref<128x64xf32, #tpu.memory_space<vmem>>, %arg6: memref<128x3xf32, #tpu.memory_space<vmem>>, %arg7: memref<1x528xf32, #tpu.memory_space<vmem>>, %arg8: memref<1x528xi32, #tpu.memory_space<vmem>>, %arg9: memref<1000000x64xf32, #tpu.memory_space<any>>, %arg10: memref<1000000x3xf32, #tpu.memory_space<any>>, %arg11: memref<3x64xf32, #tpu.memory_space<vmem>>, %arg12: memref<3x3xf32, #tpu.memory_space<vmem>>, %arg13: memref<1x3xf32, #tpu.memory_space<smem>>, %arg14: memref<1x1xf32, #tpu.memory_space<smem>>, %arg15: memref<!tpu.dma_semaphore, #tpu.memory_space<semaphore_mem>>) attributes {dimension_semantics = [#tpu.dimension_semantics<arbitrary>], iteration_bounds = array<i64: 1>, scalar_prefetch = 0 : i64, scratch_operands = 1 : i64, tpu.core_type = #tpu.core_type<tc>, window_params = [{pipeline_mode = #tpu.pipeline_mode<synchronous>, transform_indices = @transform_0, window_bounds = array<i64: 1, 64>}, {pipeline_mode = #tpu.pipeline_mode<synchronous>, transform_indices = @transform_1, window_bounds = array<i64: 8, 64>}, {pipeline_mode = #tpu.pipeline_mode<synchronous>, transform_indices = @transform_2, window_bounds = array<i64: 1, 3>}, {pipeline_mode = #tpu.pipeline_mode<synchronous>, transform_indices = @transform_3, window_bounds = array<i64: 1, 3>}, {pipeline_mode = #tpu.pipeline_mode<synchronous>, transform_indices = @transform_4, window_bounds = array<i64: 128, 64>}, {pipeline_mode = #tpu.pipeline_mode<synchronous>, transform_indices = @transform_5, window_bounds = array<i64: 128, 3>}, {pipeline_mode = #tpu.pipeline_mode<synchronous>, transform_indices = @transform_6, window_bounds = array<i64: 1, 528>}, {pipeline_mode = #tpu.pipeline_mode<synchronous>, transform_indices = @transform_7, window_bounds = array<i64: 1, 528>}, {}, {}, {pipeline_mode = #tpu.pipeline_mode<synchronous>, transform_indices = @transform_10, window_bounds = array<i64: 3, 64>}, {pipeline_mode = #tpu.pipeline_mode<synchronous>, transform_indices = @transform_11, window_bounds = array<i64: 3, 3>}, {transform_indices = @transform_12, window_bounds = array<i64: 1, 3>}, {transform_indices = @transform_13, window_bounds = array<i64: 1, 1>}]} {
    %get3A = arith.constant 0 : index
    %get3A_0 = arith.constant 0 : index
    %get3A_1 = vector.load %arg1[%get3A, %get3A_0] : memref<1x64xf32, #tpu.memory_space<vmem>>, vector<1x64xf32>
    %get3A_2 = arith.constant 0 : index
    %get3A_3 = arith.constant 0 : index
    %get3A_4 = vector.load %arg2[%get3A_2, %get3A_3] : memref<8x64xf32, #tpu.memory_space<vmem>>, vector<8x64xf32>
    %mul3A = arith.mulf %get3A_1, %get3A_1 : vector<1x64xf32>
    %reduce_sum3A = vector.shape_cast %mul3A : vector<1x64xf32> to vector<1x1x64xf32>
    %reduce_sum3A_5 = arith.constant dense<0.000000e+00> : vector<1xf32>
    %reduce_sum3A_6 = vector.multi_reduction <add>, %reduce_sum3A, %reduce_sum3A_5 [1, 2] : vector<1x1x64xf32> to vector<1xf32>
    %reduce_sum3A_7 = vector.shape_cast %reduce_sum3A_6 : vector<1xf32> to vector<1x1x1xf32>
    %reduce_sum3A_8 = vector.extract %reduce_sum3A_7[0, 0, 0] : f32 from vector<1x1x1xf32>
    %broadcast_in_dim3A = vector.broadcast %reduce_sum3A_8 : f32 to vector<1x1xf32>
    %squeeze3A = vector.extract %broadcast_in_dim3A[0, 0] : f32 from vector<1x1xf32>
    %sqrt3A = math.sqrt %squeeze3A : f32
    %add3A = arith.constant 9.99999993E-9 : f32
    %add3A_9 = arith.addf %sqrt3A, %add3A : f32
    %div3A = arith.constant 1.000000e+00 : f32
    %div3A_10 = arith.divf %div3A, %add3A_9 : f32
    %get3A_11 = arith.constant 0 : index
    %get3A_12 = arith.constant 0 : index
    %get3A_13 = vector.load %arg7[%get3A_11, %get3A_12] : memref<1x528xf32, #tpu.memory_space<vmem>>, vector<1x528xf32>
    %get3A_14 = arith.constant 0 : index
    %get3A_15 = arith.constant 0 : index
    %get3A_16 = vector.load %arg8[%get3A_14, %get3A_15] : memref<1x528xi32, #tpu.memory_space<vmem>>, vector<1x528xi32>
    %lt3A = arith.constant 1073741824 : i32
    %lt3A_17 = vector.broadcast %lt3A : i32 to vector<1x528xi32>
    %lt3A_18 = arith.cmpi slt, %get3A_16, %lt3A_17 : vector<1x528xi32>
    %jit3A = arith.constant 0xFF800000 : f32
    %broadcast_in_dim3A_19 = vector.broadcast %jit3A : f32 to vector<1x528xf32>
    %select_n3A = arith.select %lt3A_18, %get3A_13, %broadcast_in_dim3A_19 : vector<1x528xi1>, vector<1x528xf32>
    %reduce_max3A = vector.shape_cast %select_n3A : vector<1x528xf32> to vector<1x1x528xf32>
    %reduce_max3A_20 = arith.constant dense<0xFF800000> : vector<1xf32>
    %reduce_max3A_21 = vector.multi_reduction <maximumf>, %reduce_max3A, %reduce_max3A_20 [1, 2] : vector<1x1x528xf32> to vector<1xf32>
    %reduce_max3A_22 = vector.shape_cast %reduce_max3A_21 : vector<1xf32> to vector<1x1x1xf32>
    %reduce_max3A_23 = vector.extract %reduce_max3A_22[0, 0, 0] : f32 from vector<1x1x1xf32>
    %broadcast_in_dim3A_24 = vector.broadcast %reduce_max3A_23 : f32 to vector<1x1xf32>
    %eq3A = vector.broadcast %broadcast_in_dim3A_24 : vector<1x1xf32> to vector<1x528xf32>
    %eq3A_25 = arith.cmpf oeq, %select_n3A, %eq3A : vector<1x528xf32>
    %and3A = arith.andi %lt3A_18, %eq3A_25 : vector<1x528xi1>
    %jit3A_26 = arith.constant 1073741824 : i32
    %broadcast_in_dim3A_27 = vector.broadcast %jit3A_26 : i32 to vector<1x528xi32>
    %select_n3A_28 = arith.select %and3A, %get3A_16, %broadcast_in_dim3A_27 : vector<1x528xi1>, vector<1x528xi32>
    %reduce_min3A = vector.shape_cast %select_n3A_28 : vector<1x528xi32> to vector<1x1x528xi32>
    %reduce_min3A_29 = arith.constant dense<2147483647> : vector<1xi32>
    %reduce_min3A_30 = vector.multi_reduction <minsi>, %reduce_min3A, %reduce_min3A_29 [1, 2] : vector<1x1x528xi32> to vector<1xi32>
    %reduce_min3A_31 = vector.shape_cast %reduce_min3A_30 : vector<1xi32> to vector<1x1x1xi32>
    %reduce_min3A_32 = vector.extract %reduce_min3A_31[0, 0, 0] : i32 from vector<1x1x1xi32>
    %broadcast_in_dim3A_33 = vector.broadcast %reduce_min3A_32 : i32 to vector<1x1xi32>
    %squeeze3A_34 = vector.extract %broadcast_in_dim3A_24[0, 0] : f32 from vector<1x1xf32>
    %squeeze3A_35 = vector.extract %broadcast_in_dim3A_33[0, 0] : i32 from vector<1x1xi32>
    %ne3A = vector.broadcast %broadcast_in_dim3A_33 : vector<1x1xi32> to vector<1x528xi32>
    %ne3A_36 = arith.cmpi ne, %get3A_16, %ne3A : vector<1x528xi32>
    %and3A_37 = arith.andi %lt3A_18, %ne3A_36 : vector<1x528xi1>
    %jit3A_38 = arith.constant 0xFF800000 : f32
    %broadcast_in_dim3A_39 = vector.broadcast %jit3A_38 : f32 to vector<1x528xf32>
    %select_n3A_40 = arith.select %and3A_37, %get3A_13, %broadcast_in_dim3A_39 : vector<1x528xi1>, vector<1x528xf32>
    %reduce_max3A_41 = vector.shape_cast %select_n3A_40 : vector<1x528xf32> to vector<1x1x528xf32>
    %reduce_max3A_42 = arith.constant dense<0xFF800000> : vector<1xf32>
    %reduce_max3A_43 = vector.multi_reduction <maximumf>, %reduce_max3A_41, %reduce_max3A_42 [1, 2] : vector<1x1x528xf32> to vector<1xf32>
    %reduce_max3A_44 = vector.shape_cast %reduce_max3A_43 : vector<1xf32> to vector<1x1x1xf32>
    %reduce_max3A_45 = vector.extract %reduce_max3A_44[0, 0, 0] : f32 from vector<1x1x1xf32>
    %broadcast_in_dim3A_46 = vector.broadcast %reduce_max3A_45 : f32 to vector<1x1xf32>
    %eq3A_47 = vector.broadcast %broadcast_in_dim3A_46 : vector<1x1xf32> to vector<1x528xf32>
    %eq3A_48 = arith.cmpf oeq, %select_n3A_40, %eq3A_47 : vector<1x528xf32>
    %and3A_49 = arith.andi %and3A_37, %eq3A_48 : vector<1x528xi1>
    %jit3A_50 = arith.constant 1073741824 : i32
    %broadcast_in_dim3A_51 = vector.broadcast %jit3A_50 : i32 to vector<1x528xi32>
    %select_n3A_52 = arith.select %and3A_49, %get3A_16, %broadcast_in_dim3A_51 : vector<1x528xi1>, vector<1x528xi32>
    %reduce_min3A_53 = vector.shape_cast %select_n3A_52 : vector<1x528xi32> to vector<1x1x528xi32>
    %reduce_min3A_54 = arith.constant dense<2147483647> : vector<1xi32>
    %reduce_min3A_55 = vector.multi_reduction <minsi>, %reduce_min3A_53, %reduce_min3A_54 [1, 2] : vector<1x1x528xi32> to vector<1xi32>
    %reduce_min3A_56 = vector.shape_cast %reduce_min3A_55 : vector<1xi32> to vector<1x1x1xi32>
    %reduce_min3A_57 = vector.extract %reduce_min3A_56[0, 0, 0] : i32 from vector<1x1x1xi32>
    %broadcast_in_dim3A_58 = vector.broadcast %reduce_min3A_57 : i32 to vector<1x1xi32>
    %squeeze3A_59 = vector.extract %broadcast_in_dim3A_46[0, 0] : f32 from vector<1x1xf32>
    %squeeze3A_60 = vector.extract %broadcast_in_dim3A_58[0, 0] : i32 from vector<1x1xi32>
    %ne3A_61 = vector.broadcast %broadcast_in_dim3A_58 : vector<1x1xi32> to vector<1x528xi32>
    %ne3A_62 = arith.cmpi ne, %get3A_16, %ne3A_61 : vector<1x528xi32>
    %and3A_63 = arith.andi %and3A_37, %ne3A_62 : vector<1x528xi1>
    %jit3A_64 = arith.constant 0xFF800000 : f32
    %broadcast_in_dim3A_65 = vector.broadcast %jit3A_64 : f32 to vector<1x528xf32>
    %select_n3A_66 = arith.select %and3A_63, %get3A_13, %broadcast_in_dim3A_65 : vector<1x528xi1>, vector<1x528xf32>
    %reduce_max3A_67 = vector.shape_cast %select_n3A_66 : vector<1x528xf32> to vector<1x1x528xf32>
    %reduce_max3A_68 = arith.constant dense<0xFF800000> : vector<1xf32>
    %reduce_max3A_69 = vector.multi_reduction <maximumf>, %reduce_max3A_67, %reduce_max3A_68 [1, 2] : vector<1x1x528xf32> to vector<1xf32>
    %reduce_max3A_70 = vector.shape_cast %reduce_max3A_69 : vector<1xf32> to vector<1x1x1xf32>
    %reduce_max3A_71 = vector.extract %reduce_max3A_70[0, 0, 0] : f32 from vector<1x1x1xf32>
    %broadcast_in_dim3A_72 = vector.broadcast %reduce_max3A_71 : f32 to vector<1x1xf32>
    %eq3A_73 = vector.broadcast %broadcast_in_dim3A_72 : vector<1x1xf32> to vector<1x528xf32>
    %eq3A_74 = arith.cmpf oeq, %select_n3A_66, %eq3A_73 : vector<1x528xf32>
    %and3A_75 = arith.andi %and3A_63, %eq3A_74 : vector<1x528xi1>
    %jit3A_76 = arith.constant 1073741824 : i32
    %broadcast_in_dim3A_77 = vector.broadcast %jit3A_76 : i32 to vector<1x528xi32>
    %select_n3A_78 = arith.select %and3A_75, %get3A_16, %broadcast_in_dim3A_77 : vector<1x528xi1>, vector<1x528xi32>
    %reduce_min3A_79 = vector.shape_cast %select_n3A_78 : vector<1x528xi32> to vector<1x1x528xi32>
    %reduce_min3A_80 = arith.constant dense<2147483647> : vector<1xi32>
    %reduce_min3A_81 = vector.multi_reduction <minsi>, %reduce_min3A_79, %reduce_min3A_80 [1, 2] : vector<1x1x528xi32> to vector<1xi32>
    %reduce_min3A_82 = vector.shape_cast %reduce_min3A_81 : vector<1xi32> to vector<1x1x1xi32>
    %reduce_min3A_83 = vector.extract %reduce_min3A_82[0, 0, 0] : i32 from vector<1x1x1xi32>
    %broadcast_in_dim3A_84 = vector.broadcast %reduce_min3A_83 : i32 to vector<1x1xi32>
    %squeeze3A_85 = vector.extract %broadcast_in_dim3A_72[0, 0] : f32 from vector<1x1xf32>
    %squeeze3A_86 = vector.extract %broadcast_in_dim3A_84[0, 0] : i32 from vector<1x1xi32>
    %get3A_87 = arith.constant 0 : index
    %get3A_88 = arith.constant 0 : index
    %get3A_89 = vector.load %arg3[%get3A_87, %get3A_88] : memref<1x3xf32, #tpu.memory_space<vmem>>, vector<1x3xf32>
    %get3A_90 = arith.constant 0 : index
    %get3A_91 = arith.constant 0 : index
    %get3A_92 = vector.load %arg6[%get3A_90, %get3A_91] : memref<128x3xf32, #tpu.memory_space<vmem>>, vector<128x3xf32>
    %sub3A = vector.broadcast %get3A_89 : vector<1x3xf32> to vector<128x3xf32>
    %sub3A_93 = arith.subf %get3A_92, %sub3A : vector<128x3xf32>
    %mul3A_94 = arith.mulf %sub3A_93, %sub3A_93 : vector<128x3xf32>
    %reduce_sum3A_95 = arith.constant dense<0.000000e+00> : vector<128xf32>
    %reduce_sum3A_96 = vector.multi_reduction <add>, %mul3A_94, %reduce_sum3A_95 [1] : vector<128x3xf32> to vector<128xf32>
    %le3A = arith.constant 9.000000e+00 : f32
    %le3A_97 = vector.broadcast %le3A : f32 to vector<128xf32>
    %le3A_98 = arith.cmpf ole, %reduce_sum3A_96, %le3A_97 : vector<128xf32>
    %reshape3A = vector.shape_cast %le3A_98 : vector<128xi1> to vector<1x128xi1>
    %get3A_99 = arith.constant 0 : index
    %get3A_100 = arith.constant 0 : index
    %get3A_101 = vector.load %arg5[%get3A_99, %get3A_100] : memref<128x64xf32, #tpu.memory_space<vmem>>, vector<128x64xf32>
    %dot_general3A = arith.constant dense<0.000000e+00> : vector<8x128xf32>
    %dot_general3A_102 = tpu.matmul %get3A_4, %get3A_101, %dot_general3A {dimension_numbers = #tpu.dot_dimension_numbers<[1], [1], [0], [0], [0, 0, 1, 0], [], []>, transpose_lhs_hint = false} : vector<8x64xf32>, vector<128x64xf32>, vector<8x128xf32> -> vector<8x128xf32>
    %mul3A_103 = arith.mulf %get3A_101, %get3A_101 : vector<128x64xf32>
    %dot_general3A_104 = arith.constant dense<0.000000e+00> : vector<8x128xf32>
    %dot_general3A_105 = tpu.matmul %get3A_4, %mul3A_103, %dot_general3A_104 {dimension_numbers = #tpu.dot_dimension_numbers<[1], [1], [0], [0], [0, 0, 1, 0], [], []>, transpose_lhs_hint = false} : vector<8x64xf32>, vector<128x64xf32>, vector<8x128xf32> -> vector<8x128xf32>
    %slice3A = vector.extract_strided_slice %dot_general3A_102 {offsets = [0, 0], sizes = [1, 128], strides = [1, 1]} : vector<8x128xf32> to vector<1x128xf32>
    %slice3A_106 = vector.extract_strided_slice %dot_general3A_105 {offsets = [1, 0], sizes = [1, 128], strides = [1, 1]} : vector<8x128xf32> to vector<1x128xf32>
    %sqrt3A_107 = math.sqrt %slice3A_106 : vector<1x128xf32>
    %add3A_108 = arith.constant 9.99999993E-9 : f32
    %add3A_109 = vector.broadcast %add3A_108 : f32 to vector<1x128xf32>
    %add3A_110 = arith.addf %sqrt3A_107, %add3A_109 : vector<1x128xf32>
    %div3A_111 = arith.divf %slice3A, %add3A_110 : vector<1x128xf32>
    %mul3A_112 = vector.broadcast %div3A_10 : f32 to vector<1x128xf32>
    %mul3A_113 = arith.mulf %div3A_111, %mul3A_112 : vector<1x128xf32>
    %jit3A_114 = arith.constant 0xFF800000 : f32
    %broadcast_in_dim3A_115 = vector.broadcast %jit3A_114 : f32 to vector<1x128xf32>
    %select_n3A_116 = arith.select %reshape3A, %mul3A_113, %broadcast_in_dim3A_115 : vector<1x128xi1>, vector<1x128xf32>
    %iota3A = tpu.iota {dimensions = array<i32: 1>} : vector<1x128xi32>
    %lt3A_117 = arith.constant 1073741824 : i32
    %lt3A_118 = vector.broadcast %lt3A_117 : i32 to vector<1x128xi32>
    %lt3A_119 = arith.cmpi slt, %iota3A, %lt3A_118 : vector<1x128xi32>
    %jit3A_120 = arith.constant 0xFF800000 : f32
    %broadcast_in_dim3A_121 = vector.broadcast %jit3A_120 : f32 to vector<1x128xf32>
    %select_n3A_122 = arith.select %lt3A_119, %select_n3A_116, %broadcast_in_dim3A_121 : vector<1x128xi1>, vector<1x128xf32>
    %reduce_max3A_123 = vector.shape_cast %select_n3A_122 : vector<1x128xf32> to vector<1x1x128xf32>
    %reduce_max3A_124 = arith.constant dense<0xFF800000> : vector<1xf32>
    %reduce_max3A_125 = vector.multi_reduction <maximumf>, %reduce_max3A_123, %reduce_max3A_124 [1, 2] : vector<1x1x128xf32> to vector<1xf32>
    %reduce_max3A_126 = vector.shape_cast %reduce_max3A_125 : vector<1xf32> to vector<1x1x1xf32>
    %reduce_max3A_127 = vector.extract %reduce_max3A_126[0, 0, 0] : f32 from vector<1x1x1xf32>
    %broadcast_in_dim3A_128 = vector.broadcast %reduce_max3A_127 : f32 to vector<1x1xf32>
    %eq3A_129 = vector.broadcast %broadcast_in_dim3A_128 : vector<1x1xf32> to vector<1x128xf32>
    %eq3A_130 = arith.cmpf oeq, %select_n3A_122, %eq3A_129 : vector<1x128xf32>
    %and3A_131 = arith.andi %lt3A_119, %eq3A_130 : vector<1x128xi1>
    %jit3A_132 = arith.constant 1073741824 : i32
    %broadcast_in_dim3A_133 = vector.broadcast %jit3A_132 : i32 to vector<1x128xi32>
    %select_n3A_134 = arith.select %and3A_131, %iota3A, %broadcast_in_dim3A_133 : vector<1x128xi1>, vector<1x128xi32>
    %reduce_min3A_135 = vector.shape_cast %select_n3A_134 : vector<1x128xi32> to vector<1x1x128xi32>
    %reduce_min3A_136 = arith.constant dense<2147483647> : vector<1xi32>
    %reduce_min3A_137 = vector.multi_reduction <minsi>, %reduce_min3A_135, %reduce_min3A_136 [1, 2] : vector<1x1x128xi32> to vector<1xi32>
    %reduce_min3A_138 = vector.shape_cast %reduce_min3A_137 : vector<1xi32> to vector<1x1x1xi32>
    %reduce_min3A_139 = vector.extract %reduce_min3A_138[0, 0, 0] : i32 from vector<1x1x1xi32>
    %broadcast_in_dim3A_140 = vector.broadcast %reduce_min3A_139 : i32 to vector<1x1xi32>
    %squeeze3A_141 = vector.extract %broadcast_in_dim3A_128[0, 0] : f32 from vector<1x1xf32>
    %squeeze3A_142 = vector.extract %broadcast_in_dim3A_140[0, 0] : i32 from vector<1x1xi32>
    %ne3A_143 = vector.broadcast %broadcast_in_dim3A_140 : vector<1x1xi32> to vector<1x128xi32>
    %ne3A_144 = arith.cmpi ne, %iota3A, %ne3A_143 : vector<1x128xi32>
    %and3A_145 = arith.andi %lt3A_119, %ne3A_144 : vector<1x128xi1>
    %jit3A_146 = arith.constant 0xFF800000 : f32
    %broadcast_in_dim3A_147 = vector.broadcast %jit3A_146 : f32 to vector<1x128xf32>
    %select_n3A_148 = arith.select %and3A_145, %select_n3A_116, %broadcast_in_dim3A_147 : vector<1x128xi1>, vector<1x128xf32>
    %reduce_max3A_149 = vector.shape_cast %select_n3A_148 : vector<1x128xf32> to vector<1x1x128xf32>
    %reduce_max3A_150 = arith.constant dense<0xFF800000> : vector<1xf32>
    %reduce_max3A_151 = vector.multi_reduction <maximumf>, %reduce_max3A_149, %reduce_max3A_150 [1, 2] : vector<1x1x128xf32> to vector<1xf32>
    %reduce_max3A_152 = vector.shape_cast %reduce_max3A_151 : vector<1xf32> to vector<1x1x1xf32>
    %reduce_max3A_153 = vector.extract %reduce_max3A_152[0, 0, 0] : f32 from vector<1x1x1xf32>
    %broadcast_in_dim3A_154 = vector.broadcast %reduce_max3A_153 : f32 to vector<1x1xf32>
    %eq3A_155 = vector.broadcast %broadcast_in_dim3A_154 : vector<1x1xf32> to vector<1x128xf32>
    %eq3A_156 = arith.cmpf oeq, %select_n3A_148, %eq3A_155 : vector<1x128xf32>
    %and3A_157 = arith.andi %and3A_145, %eq3A_156 : vector<1x128xi1>
    %jit3A_158 = arith.constant 1073741824 : i32
    %broadcast_in_dim3A_159 = vector.broadcast %jit3A_158 : i32 to vector<1x128xi32>
    %select_n3A_160 = arith.select %and3A_157, %iota3A, %broadcast_in_dim3A_159 : vector<1x128xi1>, vector<1x128xi32>
    %reduce_min3A_161 = vector.shape_cast %select_n3A_160 : vector<1x128xi32> to vector<1x1x128xi32>
    %reduce_min3A_162 = arith.constant dense<2147483647> : vector<1xi32>
    %reduce_min3A_163 = vector.multi_reduction <minsi>, %reduce_min3A_161, %reduce_min3A_162 [1, 2] : vector<1x1x128xi32> to vector<1xi32>
    %reduce_min3A_164 = vector.shape_cast %reduce_min3A_163 : vector<1xi32> to vector<1x1x1xi32>
    %reduce_min3A_165 = vector.extract %reduce_min3A_164[0, 0, 0] : i32 from vector<1x1x1xi32>
    %broadcast_in_dim3A_166 = vector.broadcast %reduce_min3A_165 : i32 to vector<1x1xi32>
    %squeeze3A_167 = vector.extract %broadcast_in_dim3A_154[0, 0] : f32 from vector<1x1xf32>
    %squeeze3A_168 = vector.extract %broadcast_in_dim3A_166[0, 0] : i32 from vector<1x1xi32>
    %ne3A_169 = vector.broadcast %broadcast_in_dim3A_166 : vector<1x1xi32> to vector<1x128xi32>
    %ne3A_170 = arith.cmpi ne, %iota3A, %ne3A_169 : vector<1x128xi32>
    %and3A_171 = arith.andi %and3A_145, %ne3A_170 : vector<1x128xi1>
    %jit3A_172 = arith.constant 0xFF800000 : f32
    %broadcast_in_dim3A_173 = vector.broadcast %jit3A_172 : f32 to vector<1x128xf32>
    %select_n3A_174 = arith.select %and3A_171, %select_n3A_116, %broadcast_in_dim3A_173 : vector<1x128xi1>, vector<1x128xf32>
    %reduce_max3A_175 = vector.shape_cast %select_n3A_174 : vector<1x128xf32> to vector<1x1x128xf32>
    %reduce_max3A_176 = arith.constant dense<0xFF800000> : vector<1xf32>
    %reduce_max3A_177 = vector.multi_reduction <maximumf>, %reduce_max3A_175, %reduce_max3A_176 [1, 2] : vector<1x1x128xf32> to vector<1xf32>
    %reduce_max3A_178 = vector.shape_cast %reduce_max3A_177 : vector<1xf32> to vector<1x1x1xf32>
    %reduce_max3A_179 = vector.extract %reduce_max3A_178[0, 0, 0] : f32 from vector<1x1x1xf32>
    %broadcast_in_dim3A_180 = vector.broadcast %reduce_max3A_179 : f32 to vector<1x1xf32>
    %eq3A_181 = vector.broadcast %broadcast_in_dim3A_180 : vector<1x1xf32> to vector<1x128xf32>
    %eq3A_182 = arith.cmpf oeq, %select_n3A_174, %eq3A_181 : vector<1x128xf32>
    %and3A_183 = arith.andi %and3A_171, %eq3A_182 : vector<1x128xi1>
    %jit3A_184 = arith.constant 1073741824 : i32
    %broadcast_in_dim3A_185 = vector.broadcast %jit3A_184 : i32 to vector<1x128xi32>
    %select_n3A_186 = arith.select %and3A_183, %iota3A, %broadcast_in_dim3A_185 : vector<1x128xi1>, vector<1x128xi32>
    %reduce_min3A_187 = vector.shape_cast %select_n3A_186 : vector<1x128xi32> to vector<1x1x128xi32>
    %reduce_min3A_188 = arith.constant dense<2147483647> : vector<1xi32>
    %reduce_min3A_189 = vector.multi_reduction <minsi>, %reduce_min3A_187, %reduce_min3A_188 [1, 2] : vector<1x1x128xi32> to vector<1xi32>
    %reduce_min3A_190 = vector.shape_cast %reduce_min3A_189 : vector<1xi32> to vector<1x1x1xi32>
    %reduce_min3A_191 = vector.extract %reduce_min3A_190[0, 0, 0] : i32 from vector<1x1x1xi32>
    %broadcast_in_dim3A_192 = vector.broadcast %reduce_min3A_191 : i32 to vector<1x1xi32>
    %squeeze3A_193 = vector.extract %broadcast_in_dim3A_180[0, 0] : f32 from vector<1x1xf32>
    %squeeze3A_194 = vector.extract %broadcast_in_dim3A_192[0, 0] : i32 from vector<1x1xi32>
    %ge3A = arith.constant 0.699999988 : f32
    %ge3A_195 = arith.cmpf oge, %squeeze3A_141, %ge3A : f32
    %jit3A_196 = arith.constant 1.000000e+00 : f32
    %jit3A_197 = arith.constant 0.000000e+00 : f32
    %select_n3A_198 = arith.select %ge3A_195, %jit3A_196, %jit3A_197 : f32
    %swap3A = arith.constant 0 : index
    %swap3A_199 = arith.constant 0 : index
    %swap3A_200 = memref.load %arg14[%swap3A, %swap3A_199] : memref<1x1xf32, #tpu.memory_space<smem>>
    memref.store %select_n3A_198, %arg14[%swap3A, %swap3A_199] : memref<1x1xf32, #tpu.memory_space<smem>>
    %mul3A_201 = arith.mulf %squeeze3A_34, %div3A_10 : f32
    %select_n3A_202 = arith.select %ge3A_195, %squeeze3A_141, %mul3A_201 : f32
    %swap3A_203 = arith.constant 0 : index
    %swap3A_204 = arith.constant 0 : index
    %swap3A_205 = memref.load %arg13[%swap3A_203, %swap3A_204] : memref<1x3xf32, #tpu.memory_space<smem>>
    memref.store %select_n3A_202, %arg13[%swap3A_203, %swap3A_204] : memref<1x3xf32, #tpu.memory_space<smem>>
    %mul3A_206 = arith.mulf %squeeze3A_59, %div3A_10 : f32
    %select_n3A_207 = arith.select %ge3A_195, %squeeze3A_167, %mul3A_206 : f32
    %swap3A_208 = arith.constant 0 : index
    %swap3A_209 = arith.constant 1 : index
    %swap3A_210 = memref.load %arg13[%swap3A_208, %swap3A_209] : memref<1x3xf32, #tpu.memory_space<smem>>
    memref.store %select_n3A_207, %arg13[%swap3A_208, %swap3A_209] : memref<1x3xf32, #tpu.memory_space<smem>>
    %mul3A_211 = arith.mulf %squeeze3A_85, %div3A_10 : f32
    %select_n3A_212 = arith.select %ge3A_195, %squeeze3A_193, %mul3A_211 : f32
    %swap3A_213 = arith.constant 0 : index
    %swap3A_214 = arith.constant 2 : index
    %swap3A_215 = memref.load %arg13[%swap3A_213, %swap3A_214] : memref<1x3xf32, #tpu.memory_space<smem>>
    memref.store %select_n3A_212, %arg13[%swap3A_213, %swap3A_214] : memref<1x3xf32, #tpu.memory_space<smem>>
    %convert_element_type3A = arith.extui %ge3A_195 : i1 to i32
    %cond3A = arith.constant 0 : i32
    %cond3A_216 = arith.cmpi ne, %convert_element_type3A, %cond3A : i32
    scf.if %cond3A_216 {
      %dma_start3A = arith.constant 0 : i32
      %dma_start3A_221 = arith.constant 0 : i32
      %dma_start3A_222 = tpu.memref_slice %arg11[%dma_start3A, %dma_start3A_221] : memref<3x64xf32, #tpu.memory_space<vmem>> -> memref<1x64xf32, #tpu.memory_space<vmem>>
      %dma_start3A_223 = arith.constant 0 : i32
      %dma_start3A_224 = tpu.memref_slice %arg5[%squeeze3A_142, %dma_start3A_223] : memref<128x64xf32, #tpu.memory_space<vmem>> -> memref<1x64xf32, #tpu.memory_space<vmem>>
      tpu.enqueue_dma source(%dma_start3A_224 : memref<1x64xf32, #tpu.memory_space<vmem>>) target(%dma_start3A_222 : memref<1x64xf32, #tpu.memory_space<vmem>>) target_semaphore(%arg15 : memref<!tpu.dma_semaphore, #tpu.memory_space<semaphore_mem>>)
      %dma_wait3A = arith.constant 0 : i32
      %dma_wait3A_225 = arith.constant 0 : i32
      %dma_wait3A_226 = tpu.memref_slice %arg11[%dma_wait3A, %dma_wait3A_225] : memref<3x64xf32, #tpu.memory_space<vmem>> -> memref<1x64xf32, #tpu.memory_space<vmem>>
      %dma_wait3A_227 = arith.constant 0 : i32
      %dma_wait3A_228 = tpu.memref_slice %arg5[%squeeze3A_142, %dma_wait3A_227] : memref<128x64xf32, #tpu.memory_space<vmem>> -> memref<1x64xf32, #tpu.memory_space<vmem>>
      tpu.wait_dma2 semaphore(%arg15 : memref<!tpu.dma_semaphore, #tpu.memory_space<semaphore_mem>>) src(%dma_wait3A_228 : memref<1x64xf32, #tpu.memory_space<vmem>>) dst(%dma_wait3A_226 : memref<1x64xf32, #tpu.memory_space<vmem>>)
      %dma_start3A_229 = arith.constant 0 : i32
      %dma_start3A_230 = arith.constant 0 : i32
      %dma_start3A_231 = tpu.memref_slice %arg12[%dma_start3A_229, %dma_start3A_230] : memref<3x3xf32, #tpu.memory_space<vmem>> -> memref<1x3xf32, #tpu.memory_space<vmem>>
      %dma_start3A_232 = arith.constant 0 : i32
      %dma_start3A_233 = tpu.memref_slice %arg6[%squeeze3A_142, %dma_start3A_232] : memref<128x3xf32, #tpu.memory_space<vmem>> -> memref<1x3xf32, #tpu.memory_space<vmem>>
      tpu.enqueue_dma source(%dma_start3A_233 : memref<1x3xf32, #tpu.memory_space<vmem>>) target(%dma_start3A_231 : memref<1x3xf32, #tpu.memory_space<vmem>>) target_semaphore(%arg15 : memref<!tpu.dma_semaphore, #tpu.memory_space<semaphore_mem>>)
      %dma_wait3A_234 = arith.constant 0 : i32
      %dma_wait3A_235 = arith.constant 0 : i32
      %dma_wait3A_236 = tpu.memref_slice %arg12[%dma_wait3A_234, %dma_wait3A_235] : memref<3x3xf32, #tpu.memory_space<vmem>> -> memref<1x3xf32, #tpu.memory_space<vmem>>
      %dma_wait3A_237 = arith.constant 0 : i32
      %dma_wait3A_238 = tpu.memref_slice %arg6[%squeeze3A_142, %dma_wait3A_237] : memref<128x3xf32, #tpu.memory_space<vmem>> -> memref<1x3xf32, #tpu.memory_space<vmem>>
      tpu.wait_dma2 semaphore(%arg15 : memref<!tpu.dma_semaphore, #tpu.memory_space<semaphore_mem>>) src(%dma_wait3A_238 : memref<1x3xf32, #tpu.memory_space<vmem>>) dst(%dma_wait3A_236 : memref<1x3xf32, #tpu.memory_space<vmem>>)
      %dma_start3A_239 = arith.constant 1 : i32
      %dma_start3A_240 = arith.constant 0 : i32
      %dma_start3A_241 = tpu.memref_slice %arg11[%dma_start3A_239, %dma_start3A_240] : memref<3x64xf32, #tpu.memory_space<vmem>> -> memref<1x64xf32, #tpu.memory_space<vmem>>
      %dma_start3A_242 = arith.constant 0 : i32
      %dma_start3A_243 = tpu.memref_slice %arg5[%squeeze3A_168, %dma_start3A_242] : memref<128x64xf32, #tpu.memory_space<vmem>> -> memref<1x64xf32, #tpu.memory_space<vmem>>
      tpu.enqueue_dma source(%dma_start3A_243 : memref<1x64xf32, #tpu.memory_space<vmem>>) target(%dma_start3A_241 : memref<1x64xf32, #tpu.memory_space<vmem>>) target_semaphore(%arg15 : memref<!tpu.dma_semaphore, #tpu.memory_space<semaphore_mem>>)
      %dma_wait3A_244 = arith.constant 1 : i32
      %dma_wait3A_245 = arith.constant 0 : i32
      %dma_wait3A_246 = tpu.memref_slice %arg11[%dma_wait3A_244, %dma_wait3A_245] : memref<3x64xf32, #tpu.memory_space<vmem>> -> memref<1x64xf32, #tpu.memory_space<vmem>>
      %dma_wait3A_247 = arith.constant 0 : i32
      %dma_wait3A_248 = tpu.memref_slice %arg5[%squeeze3A_168, %dma_wait3A_247] : memref<128x64xf32, #tpu.memory_space<vmem>> -> memref<1x64xf32, #tpu.memory_space<vmem>>
      tpu.wait_dma2 semaphore(%arg15 : memref<!tpu.dma_semaphore, #tpu.memory_space<semaphore_mem>>) src(%dma_wait3A_248 : memref<1x64xf32, #tpu.memory_space<vmem>>) dst(%dma_wait3A_246 : memref<1x64xf32, #tpu.memory_space<vmem>>)
      %dma_start3A_249 = arith.constant 1 : i32
      %dma_start3A_250 = arith.constant 0 : i32
      %dma_start3A_251 = tpu.memref_slice %arg12[%dma_start3A_249, %dma_start3A_250] : memref<3x3xf32, #tpu.memory_space<vmem>> -> memref<1x3xf32, #tpu.memory_space<vmem>>
      %dma_start3A_252 = arith.constant 0 : i32
      %dma_start3A_253 = tpu.memref_slice %arg6[%squeeze3A_168, %dma_start3A_252] : memref<128x3xf32, #tpu.memory_space<vmem>> -> memref<1x3xf32, #tpu.memory_space<vmem>>
      tpu.enqueue_dma source(%dma_start3A_253 : memref<1x3xf32, #tpu.memory_space<vmem>>) target(%dma_start3A_251 : memref<1x3xf32, #tpu.memory_space<vmem>>) target_semaphore(%arg15 : memref<!tpu.dma_semaphore, #tpu.memory_space<semaphore_mem>>)
      %dma_wait3A_254 = arith.constant 1 : i32
      %dma_wait3A_255 = arith.constant 0 : i32
      %dma_wait3A_256 = tpu.memref_slice %arg12[%dma_wait3A_254, %dma_wait3A_255] : memref<3x3xf32, #tpu.memory_space<vmem>> -> memref<1x3xf32, #tpu.memory_space<vmem>>
      %dma_wait3A_257 = arith.constant 0 : i32
      %dma_wait3A_258 = tpu.memref_slice %arg6[%squeeze3A_168, %dma_wait3A_257] : memref<128x3xf32, #tpu.memory_space<vmem>> -> memref<1x3xf32, #tpu.memory_space<vmem>>
      tpu.wait_dma2 semaphore(%arg15 : memref<!tpu.dma_semaphore, #tpu.memory_space<semaphore_mem>>) src(%dma_wait3A_258 : memref<1x3xf32, #tpu.memory_space<vmem>>) dst(%dma_wait3A_256 : memref<1x3xf32, #tpu.memory_space<vmem>>)
      %dma_start3A_259 = arith.constant 2 : i32
      %dma_start3A_260 = arith.constant 0 : i32
      %dma_start3A_261 = tpu.memref_slice %arg11[%dma_start3A_259, %dma_start3A_260] : memref<3x64xf32, #tpu.memory_space<vmem>> -> memref<1x64xf32, #tpu.memory_space<vmem>>
      %dma_start3A_262 = arith.constant 0 : i32
      %dma_start3A_263 = tpu.memref_slice %arg5[%squeeze3A_194, %dma_start3A_262] : memref<128x64xf32, #tpu.memory_space<vmem>> -> memref<1x64xf32, #tpu.memory_space<vmem>>
      tpu.enqueue_dma source(%dma_start3A_263 : memref<1x64xf32, #tpu.memory_space<vmem>>) target(%dma_start3A_261 : memref<1x64xf32, #tpu.memory_space<vmem>>) target_semaphore(%arg15 : memref<!tpu.dma_semaphore, #tpu.memory_space<semaphore_mem>>)
      %dma_wait3A_264 = arith.constant 2 : i32
      %dma_wait3A_265 = arith.constant 0 : i32
      %dma_wait3A_266 = tpu.memref_slice %arg11[%dma_wait3A_264, %dma_wait3A_265] : memref<3x64xf32, #tpu.memory_space<vmem>> -> memref<1x64xf32, #tpu.memory_space<vmem>>
      %dma_wait3A_267 = arith.constant 0 : i32
      %dma_wait3A_268 = tpu.memref_slice %arg5[%squeeze3A_194, %dma_wait3A_267] : memref<128x64xf32, #tpu.memory_space<vmem>> -> memref<1x64xf32, #tpu.memory_space<vmem>>
      tpu.wait_dma2 semaphore(%arg15 : memref<!tpu.dma_semaphore, #tpu.memory_space<semaphore_mem>>) src(%dma_wait3A_268 : memref<1x64xf32, #tpu.memory_space<vmem>>) dst(%dma_wait3A_266 : memref<1x64xf32, #tpu.memory_space<vmem>>)
      %dma_start3A_269 = arith.constant 2 : i32
      %dma_start3A_270 = arith.constant 0 : i32
      %dma_start3A_271 = tpu.memref_slice %arg12[%dma_start3A_269, %dma_start3A_270] : memref<3x3xf32, #tpu.memory_space<vmem>> -> memref<1x3xf32, #tpu.memory_space<vmem>>
      %dma_start3A_272 = arith.constant 0 : i32
      %dma_start3A_273 = tpu.memref_slice %arg6[%squeeze3A_194, %dma_start3A_272] : memref<128x3xf32, #tpu.memory_space<vmem>> -> memref<1x3xf32, #tpu.memory_space<vmem>>
      tpu.enqueue_dma source(%dma_start3A_273 : memref<1x3xf32, #tpu.memory_space<vmem>>) target(%dma_start3A_271 : memref<1x3xf32, #tpu.memory_space<vmem>>) target_semaphore(%arg15 : memref<!tpu.dma_semaphore, #tpu.memory_space<semaphore_mem>>)
      %dma_wait3A_274 = arith.constant 2 : i32
      %dma_wait3A_275 = arith.constant 0 : i32
      %dma_wait3A_276 = tpu.memref_slice %arg12[%dma_wait3A_274, %dma_wait3A_275] : memref<3x3xf32, #tpu.memory_space<vmem>> -> memref<1x3xf32, #tpu.memory_space<vmem>>
      %dma_wait3A_277 = arith.constant 0 : i32
      %dma_wait3A_278 = tpu.memref_slice %arg6[%squeeze3A_194, %dma_wait3A_277] : memref<128x3xf32, #tpu.memory_space<vmem>> -> memref<1x3xf32, #tpu.memory_space<vmem>>
      tpu.wait_dma2 semaphore(%arg15 : memref<!tpu.dma_semaphore, #tpu.memory_space<semaphore_mem>>) src(%dma_wait3A_278 : memref<1x3xf32, #tpu.memory_space<vmem>>) dst(%dma_wait3A_276 : memref<1x3xf32, #tpu.memory_space<vmem>>)
      %get3A_279 = arith.constant 0 : index
      %get3A_280 = arith.constant 0 : index
      %get3A_281 = vector.load %arg12[%get3A_279, %get3A_280] : memref<3x3xf32, #tpu.memory_space<vmem>>, vector<3x3xf32>
      %get3A_282 = arith.constant 0 : index
      %get3A_283 = arith.constant 0 : index
      %get3A_284 = vector.load %arg4[%get3A_282, %get3A_283] : memref<1x3xf32, #tpu.memory_space<vmem>>, vector<1x3xf32>
      %add3A_285 = vector.broadcast %get3A_284 : vector<1x3xf32> to vector<3x3xf32>
      %add3A_286 = arith.addf %get3A_281, %add3A_285 : vector<3x3xf32>
      %swap3A_287 = arith.constant 0 : index
      %swap3A_288 = arith.constant 0 : index
      %swap3A_289 = vector.load %arg12[%swap3A_287, %swap3A_288] : memref<3x3xf32, #tpu.memory_space<vmem>>, vector<3x3xf32>
      tpu.vector_store %arg12[%swap3A_287, %swap3A_288], %add3A_286 {strides = array<i32>} : memref<3x3xf32, #tpu.memory_space<vmem>>, vector<3x3xf32>,
    } else {
    }
    %not3A = arith.constant true
    %not3A_217 = arith.xori %ge3A_195, %not3A : i1
    %convert_element_type3A_218 = arith.extui %not3A_217 : i1 to i32
    %cond3A_219 = arith.constant 0 : i32
    %cond3A_220 = arith.cmpi ne, %convert_element_type3A_218, %cond3A_219 : i32
    scf.if %cond3A_220 {
      %dma_start3A = arith.constant 0 : i32
      %dma_start3A_221 = arith.constant 0 : i32
      %dma_start3A_222 = tpu.memref_slice %arg11[%dma_start3A, %dma_start3A_221] : memref<3x64xf32, #tpu.memory_space<vmem>> -> memref<1x64xf32, #tpu.memory_space<vmem>>
      %dma_start3A_223 = arith.constant 0 : i32
      %dma_start3A_224 = tpu.memref_slice %arg9[%squeeze3A_35, %dma_start3A_223] : memref<1000000x64xf32, #tpu.memory_space<any>> -> memref<1x64xf32, #tpu.memory_space<any>>
      tpu.enqueue_dma source(%dma_start3A_224 : memref<1x64xf32, #tpu.memory_space<any>>) target(%dma_start3A_222 : memref<1x64xf32, #tpu.memory_space<vmem>>) target_semaphore(%arg15 : memref<!tpu.dma_semaphore, #tpu.memory_space<semaphore_mem>>)
      %dma_wait3A = arith.constant 0 : i32
      %dma_wait3A_225 = arith.constant 0 : i32
      %dma_wait3A_226 = tpu.memref_slice %arg11[%dma_wait3A, %dma_wait3A_225] : memref<3x64xf32, #tpu.memory_space<vmem>> -> memref<1x64xf32, #tpu.memory_space<vmem>>
      %dma_wait3A_227 = arith.constant 0 : i32
      %dma_wait3A_228 = tpu.memref_slice %arg9[%squeeze3A_35, %dma_wait3A_227] : memref<1000000x64xf32, #tpu.memory_space<any>> -> memref<1x64xf32, #tpu.memory_space<any>>
      tpu.wait_dma2 semaphore(%arg15 : memref<!tpu.dma_semaphore, #tpu.memory_space<semaphore_mem>>) src(%dma_wait3A_228 : memref<1x64xf32, #tpu.memory_space<any>>) dst(%dma_wait3A_226 : memref<1x64xf32, #tpu.memory_space<vmem>>)
      %dma_start3A_229 = arith.constant 0 : i32
      %dma_start3A_230 = arith.constant 0 : i32
      %dma_start3A_231 = tpu.memref_slice %arg12[%dma_start3A_229, %dma_start3A_230] : memref<3x3xf32, #tpu.memory_space<vmem>> -> memref<1x3xf32, #tpu.memory_space<vmem>>
      %dma_start3A_232 = arith.constant 0 : i32
      %dma_start3A_233 = tpu.memref_slice %arg10[%squeeze3A_35, %dma_start3A_232] : memref<1000000x3xf32, #tpu.memory_space<any>> -> memref<1x3xf32, #tpu.memory_space<any>>
      tpu.enqueue_dma source(%dma_start3A_233 : memref<1x3xf32, #tpu.memory_space<any>>) target(%dma_start3A_231 : memref<1x3xf32, #tpu.memory_space<vmem>>) target_semaphore(%arg15 : memref<!tpu.dma_semaphore, #tpu.memory_space<semaphore_mem>>)
      %dma_wait3A_234 = arith.constant 0 : i32
      %dma_wait3A_235 = arith.constant 0 : i32
      %dma_wait3A_236 = tpu.memref_slice %arg12[%dma_wait3A_234, %dma_wait3A_235] : memref<3x3xf32, #tpu.memory_space<vmem>> -> memref<1x3xf32, #tpu.memory_space<vmem>>
      %dma_wait3A_237 = arith.constant 0 : i32
      %dma_wait3A_238 = tpu.memref_slice %arg10[%squeeze3A_35, %dma_wait3A_237] : memref<1000000x3xf32, #tpu.memory_space<any>> -> memref<1x3xf32, #tpu.memory_space<any>>
      tpu.wait_dma2 semaphore(%arg15 : memref<!tpu.dma_semaphore, #tpu.memory_space<semaphore_mem>>) src(%dma_wait3A_238 : memref<1x3xf32, #tpu.memory_space<any>>) dst(%dma_wait3A_236 : memref<1x3xf32, #tpu.memory_space<vmem>>)
      %dma_start3A_239 = arith.constant 1 : i32
      %dma_start3A_240 = arith.constant 0 : i32
      %dma_start3A_241 = tpu.memref_slice %arg11[%dma_start3A_239, %dma_start3A_240] : memref<3x64xf32, #tpu.memory_space<vmem>> -> memref<1x64xf32, #tpu.memory_space<vmem>>
      %dma_start3A_242 = arith.constant 0 : i32
      %dma_start3A_243 = tpu.memref_slice %arg9[%squeeze3A_60, %dma_start3A_242] : memref<1000000x64xf32, #tpu.memory_space<any>> -> memref<1x64xf32, #tpu.memory_space<any>>
      tpu.enqueue_dma source(%dma_start3A_243 : memref<1x64xf32, #tpu.memory_space<any>>) target(%dma_start3A_241 : memref<1x64xf32, #tpu.memory_space<vmem>>) target_semaphore(%arg15 : memref<!tpu.dma_semaphore, #tpu.memory_space<semaphore_mem>>)
      %dma_wait3A_244 = arith.constant 1 : i32
      %dma_wait3A_245 = arith.constant 0 : i32
      %dma_wait3A_246 = tpu.memref_slice %arg11[%dma_wait3A_244, %dma_wait3A_245] : memref<3x64xf32, #tpu.memory_space<vmem>> -> memref<1x64xf32, #tpu.memory_space<vmem>>
      %dma_wait3A_247 = arith.constant 0 : i32
      %dma_wait3A_248 = tpu.memref_slice %arg9[%squeeze3A_60, %dma_wait3A_247] : memref<1000000x64xf32, #tpu.memory_space<any>> -> memref<1x64xf32, #tpu.memory_space<any>>
      tpu.wait_dma2 semaphore(%arg15 : memref<!tpu.dma_semaphore, #tpu.memory_space<semaphore_mem>>) src(%dma_wait3A_248 : memref<1x64xf32, #tpu.memory_space<any>>) dst(%dma_wait3A_246 : memref<1x64xf32, #tpu.memory_space<vmem>>)
      %dma_start3A_249 = arith.constant 1 : i32
      %dma_start3A_250 = arith.constant 0 : i32
      %dma_start3A_251 = tpu.memref_slice %arg12[%dma_start3A_249, %dma_start3A_250] : memref<3x3xf32, #tpu.memory_space<vmem>> -> memref<1x3xf32, #tpu.memory_space<vmem>>
      %dma_start3A_252 = arith.constant 0 : i32
      %dma_start3A_253 = tpu.memref_slice %arg10[%squeeze3A_60, %dma_start3A_252] : memref<1000000x3xf32, #tpu.memory_space<any>> -> memref<1x3xf32, #tpu.memory_space<any>>
      tpu.enqueue_dma source(%dma_start3A_253 : memref<1x3xf32, #tpu.memory_space<any>>) target(%dma_start3A_251 : memref<1x3xf32, #tpu.memory_space<vmem>>) target_semaphore(%arg15 : memref<!tpu.dma_semaphore, #tpu.memory_space<semaphore_mem>>)
      %dma_wait3A_254 = arith.constant 1 : i32
      %dma_wait3A_255 = arith.constant 0 : i32
      %dma_wait3A_256 = tpu.memref_slice %arg12[%dma_wait3A_254, %dma_wait3A_255] : memref<3x3xf32, #tpu.memory_space<vmem>> -> memref<1x3xf32, #tpu.memory_space<vmem>>
      %dma_wait3A_257 = arith.constant 0 : i32
      %dma_wait3A_258 = tpu.memref_slice %arg10[%squeeze3A_60, %dma_wait3A_257] : memref<1000000x3xf32, #tpu.memory_space<any>> -> memref<1x3xf32, #tpu.memory_space<any>>
      tpu.wait_dma2 semaphore(%arg15 : memref<!tpu.dma_semaphore, #tpu.memory_space<semaphore_mem>>) src(%dma_wait3A_258 : memref<1x3xf32, #tpu.memory_space<any>>) dst(%dma_wait3A_256 : memref<1x3xf32, #tpu.memory_space<vmem>>)
      %dma_start3A_259 = arith.constant 2 : i32
      %dma_start3A_260 = arith.constant 0 : i32
      %dma_start3A_261 = tpu.memref_slice %arg11[%dma_start3A_259, %dma_start3A_260] : memref<3x64xf32, #tpu.memory_space<vmem>> -> memref<1x64xf32, #tpu.memory_space<vmem>>
      %dma_start3A_262 = arith.constant 0 : i32
      %dma_start3A_263 = tpu.memref_slice %arg9[%squeeze3A_86, %dma_start3A_262] : memref<1000000x64xf32, #tpu.memory_space<any>> -> memref<1x64xf32, #tpu.memory_space<any>>
      tpu.enqueue_dma source(%dma_start3A_263 : memref<1x64xf32, #tpu.memory_space<any>>) target(%dma_start3A_261 : memref<1x64xf32, #tpu.memory_space<vmem>>) target_semaphore(%arg15 : memref<!tpu.dma_semaphore, #tpu.memory_space<semaphore_mem>>)
      %dma_wait3A_264 = arith.constant 2 : i32
      %dma_wait3A_265 = arith.constant 0 : i32
      %dma_wait3A_266 = tpu.memref_slice %arg11[%dma_wait3A_264, %dma_wait3A_265] : memref<3x64xf32, #tpu.memory_space<vmem>> -> memref<1x64xf32, #tpu.memory_space<vmem>>
      %dma_wait3A_267 = arith.constant 0 : i32
      %dma_wait3A_268 = tpu.memref_slice %arg9[%squeeze3A_86, %dma_wait3A_267] : memref<1000000x64xf32, #tpu.memory_space<any>> -> memref<1x64xf32, #tpu.memory_space<any>>
      tpu.wait_dma2 semaphore(%arg15 : memref<!tpu.dma_semaphore, #tpu.memory_space<semaphore_mem>>) src(%dma_wait3A_268 : memref<1x64xf32, #tpu.memory_space<any>>) dst(%dma_wait3A_266 : memref<1x64xf32, #tpu.memory_space<vmem>>)
      %dma_start3A_269 = arith.constant 2 : i32
      %dma_start3A_270 = arith.constant 0 : i32
      %dma_start3A_271 = tpu.memref_slice %arg12[%dma_start3A_269, %dma_start3A_270] : memref<3x3xf32, #tpu.memory_space<vmem>> -> memref<1x3xf32, #tpu.memory_space<vmem>>
      %dma_start3A_272 = arith.constant 0 : i32
      %dma_start3A_273 = tpu.memref_slice %arg10[%squeeze3A_86, %dma_start3A_272] : memref<1000000x3xf32, #tpu.memory_space<any>> -> memref<1x3xf32, #tpu.memory_space<any>>
      tpu.enqueue_dma source(%dma_start3A_273 : memref<1x3xf32, #tpu.memory_space<any>>) target(%dma_start3A_271 : memref<1x3xf32, #tpu.memory_space<vmem>>) target_semaphore(%arg15 : memref<!tpu.dma_semaphore, #tpu.memory_space<semaphore_mem>>)
      %dma_wait3A_274 = arith.constant 2 : i32
      %dma_wait3A_275 = arith.constant 0 : i32
      %dma_wait3A_276 = tpu.memref_slice %arg12[%dma_wait3A_274, %dma_wait3A_275] : memref<3x3xf32, #tpu.memory_space<vmem>> -> memref<1x3xf32, #tpu.memory_space<vmem>>
      %dma_wait3A_277 = arith.constant 0 : i32
      %dma_wait3A_278 = tpu.memref_slice %arg10[%squeeze3A_86, %dma_wait3A_277] : memref<1000000x3xf32, #tpu.memory_space<any>> -> memref<1x3xf32, #tpu.memory_space<any>>
      tpu.wait_dma2 semaphore(%arg15 : memref<!tpu.dma_semaphore, #tpu.memory_space<semaphore_mem>>) src(%dma_wait3A_278 : memref<1x3xf32, #tpu.memory_space<any>>) dst(%dma_wait3A_276 : memref<1x3xf32, #tpu.memory_space<vmem>>)
    } else {
    }
    return
  }
  func.func @transform_0(%arg0: i32) -> (i32, i32) {
    %c0_i32 = arith.constant 0 : i32
    %c0_i32_0 = arith.constant 0 : i32
    %c0_i32_1 = arith.constant 0 : i32
    return %c0_i32, %c0_i32_0 : i32, i32
  }
  func.func @transform_1(%arg0: i32) -> (i32, i32) {
    %c0_i32 = arith.constant 0 : i32
    %c0_i32_0 = arith.constant 0 : i32
    %c0_i32_1 = arith.constant 0 : i32
    return %c0_i32, %c0_i32_0 : i32, i32
  }
  func.func @transform_2(%arg0: i32) -> (i32, i32) {
    %c0_i32 = arith.constant 0 : i32
    %c0_i32_0 = arith.constant 0 : i32
    %c0_i32_1 = arith.constant 0 : i32
    return %c0_i32, %c0_i32_0 : i32, i32
  }
  func.func @transform_3(%arg0: i32) -> (i32, i32) {
    %c0_i32 = arith.constant 0 : i32
    %c0_i32_0 = arith.constant 0 : i32
    %c0_i32_1 = arith.constant 0 : i32
    return %c0_i32, %c0_i32_0 : i32, i32
  }
  func.func @transform_4(%arg0: i32) -> (i32, i32) {
    %c0_i32 = arith.constant 0 : i32
    %c0_i32_0 = arith.constant 0 : i32
    %c0_i32_1 = arith.constant 0 : i32
    return %c0_i32, %c0_i32_0 : i32, i32
  }
  func.func @transform_5(%arg0: i32) -> (i32, i32) {
    %c0_i32 = arith.constant 0 : i32
    %c0_i32_0 = arith.constant 0 : i32
    %c0_i32_1 = arith.constant 0 : i32
    return %c0_i32, %c0_i32_0 : i32, i32
  }
  func.func @transform_6(%arg0: i32) -> (i32, i32) {
    %c0_i32 = arith.constant 0 : i32
    %c0_i32_0 = arith.constant 0 : i32
    %c0_i32_1 = arith.constant 0 : i32
    return %c0_i32, %c0_i32_0 : i32, i32
  }
  func.func @transform_7(%arg0: i32) -> (i32, i32) {
    %c0_i32 = arith.constant 0 : i32
    %c0_i32_0 = arith.constant 0 : i32
    %c0_i32_1 = arith.constant 0 : i32
    return %c0_i32, %c0_i32_0 : i32, i32
  }
  func.func @transform_10(%arg0: i32) -> (i32, i32) {
    %c0_i32 = arith.constant 0 : i32
    %c0_i32_0 = arith.constant 0 : i32
    %c0_i32_1 = arith.constant 0 : i32
    return %c0_i32, %c0_i32_0 : i32, i32
  }
  func.func @transform_11(%arg0: i32) -> (i32, i32) {
    %c0_i32 = arith.constant 0 : i32
    %c0_i32_0 = arith.constant 0 : i32
    %c0_i32_1 = arith.constant 0 : i32
    return %c0_i32, %c0_i32_0 : i32, i32
  }
  func.func @transform_12(%arg0: i32) -> (i32, i32) {
    %c0_i32 = arith.constant 0 : i32
    %c0_i32_0 = arith.constant 0 : i32
    %c0_i32_1 = arith.constant 0 : i32
    return %c0_i32, %c0_i32_0 : i32, i32
  }
  func.func @transform_13(%arg0: i32) -> (i32, i32) {
    %c0_i32 = arith.constant 0 : i32
    %c0_i32_0 = arith.constant 0 : i32
    %c0_i32_1 = arith.constant 0 : i32
    return %c0_i32, %c0_i32_0 : i32, i32
  }
}

</mosaic_0001>

<sc_bundles>
// kernel: kernel.5.cloned.1.call-start
scs
__scs_entry_jumppad:
0x0: {  	(pc) =	sbr.rel $0x88, $3  }
0x1: {  	(tag) =	ssettag $0x0;
	lr =	simm.s32 $0x1  }
0x2: {  	[smem:$0x3F9A] =	sst lr;
	_ =	strace $0xD0000000  }
0x3: {  	_ = 	snop  }
0x4: {  	_ = 	snop  }
0x5: {  	_ = 	snop  }
0x6: {  	_ = 	snop  }
0x7: {  	_ = 	snop  }
__scs_overlays_trampoline_lowered:
0x8: {  	[smem:$0x3FA9] =	sst s0  }
0x9: {  	[smem:$0x3FAA] =	sst s1  }
0xa: {  	[smem:$0x3FAB] =	sst s2  }
0xb: {  	[smem:$0x3FAC] =	sst s3  }
0xc: {  	[smem:$0x3FAD] =	sst s4  }
0xd: {  	[smem:$0x3FAE] =	sst s5  }
0xe: {  	[smem:$0x3FAF] =	sst s6  }
0xf: {  	[smem:$0x3FB0] =	sst s7  }
0x10: {  	[smem:$0x3FB1] =	sst s8  }
0x11: {  	[smem:$0x3FB2] =	sst s9;
	s0 =	simm.s32 @!p0 $0x0  }
0x12: {  	s1 =	sld [smem:$0x3F98];
	s0 =	simm.s32 @p0 $0x1  }
0x13: {  	[smem:$0x3FB3] =	sst s0;
	s0 =	simm.s32 @!p1 $0x0  }
0x14: {  	s2 =	sld [smem:$0x3F97];
	s0 =	simm.s32 @p1 $0x1  }
0x15: {  	[smem:$0x3FB4] =	sst s0;
	s0 =	simm.s32 @!p2 $0x0  }
0x16: {  	s3 =	sld [smem:$0x3FDB];
	s0 =	simm.s32 @p2 $0x1  }
0x17: {  	s4 =	simm.s32 $0x1BF5;
	[smem:$0x3FB6] =	sst s0  }
0x18: {  	s0 =	sld [smem:$0x3F99];
	_ =	swait.ge [sflag:s4], $0x0  }
0x19: {  	s7 =	sld [smem:$0x3F9A]  }
0x1a: {  	s8 =	sadd.s32 $0xFFFFE003, lr  }
0x1b: {  	s9 =	sadd.s32 $0xFFFFFEF7, lr;
	s5 =	simm.s32 $0xFFFFFFFF;
	p2 =	slt.u32 s8, $0xFFFFF086  }
0x1c: {  	p1 =	slt.u32 s9, $0xF7A;
	s5 =	simm.s32 @!p2 $0x0  }
0x1d: {  	s5 =	simm.s32 @p1 $0x1;
	p0 =	seq.s32 s7, s2  }
0x1e: {  	s7 =	smul.u32 @!p0 $0xF7A, s2;
	p2 =	seq.s32 @!p0 s5, $0x0  }
0x1f: {  	s9 =	smul.u32 $0xF7A, s1;
	s8 =	simm.s32 @!p0 $0x1BF5;
	p2 =	por !p2, p0  }
0x20: {  	[sflag:s8] =	ssyncset.s32 @!p0 $0xFFFFF086;
	s6 =	sadd.s32 @!p0 s3, s7;
	s7 =	simm.s32 @!p0 $0x108  }
0x21: {  	s3 =	sadd.s32 s3, s9;
	s6 =	sadd.s32 @!p0 $0x88, s6;
	s7 =	simm.s32 @p2 $0x1082  }
0x22: {  	[simem:s7], [sflag:s8] =	dma.local @!p0 [hbm:s6], $0xF7A  }
0x23: {  	s9 =	sor.u32 $0xD0000000, s2;
	s6 =	simm.s32 $0x108;
	_ =	swait.ge @!p0 [sflag:s8], $0x0  }
0x24: {  	s3 =	sadd.s32 $0x88, s3;
	s6 =	simm.s32 @!p1 $0x1082;
	[sflag:s4] =	ssyncset.s32 $0xFFFFF086  }
0x25: {  	[simem:s6], [sflag:s4] =	dma.local [hbm:s3], $0xF7A  }
0x26: {  	[smem:$0x3F9A] =	sst s1;
	(tag) =	ssettag s2;
	_ =	strace s9  }
0x27: {  	s1 =	sld [smem:$0x3FAA]  }
0x28: {  	s2 =	sld [smem:$0x3FAB]  }
0x29: {  	s4 =	sld [smem:$0x3FAD]  }
0x2a: {  	p0 =	seq.s32 s5, $0x0;
	s5 =	sld [smem:$0x3FAE]  }
0x2b: {  	s6 =	sld [smem:$0x3FAF]  }
0x2c: {  	s7 =	sld [smem:$0x3FB0]  }
0x2d: {  	s3 =	simm.s32 $0x108;
	s8 =	sld [smem:$0x3FB1]  }
0x2e: {  	s3 =	simm.s32 @!p0 $0x1082;
	s9 =	sld [smem:$0x3FB2]  }
0x2f: {  	lr =	sadd.s32 s0, s3;
	s0 =	sld [smem:$0x3FA9]  }
0x30: {  	s3 =	sld [smem:$0x3FAC]  }
0x31: {  	[smem:$0x3FB5] =	sst s10  }
0x32: {  	s10 =	sld [smem:$0x3FB3];
	_ =	sdelay $0x3  }
0x33: {  	p0 =	seq.s32 s10, $0x1;
	s10 =	sld [smem:$0x3FB5];
	_ =	sdelay $0x3  }
0x34: {  	[smem:$0x3FB5] =	sst s10  }
0x35: {  	s10 =	sld [smem:$0x3FB4];
	_ =	sdelay $0x3  }
0x36: {  	p1 =	seq.s32 s10, $0x1;
	s10 =	sld [smem:$0x3FB5];
	_ =	sdelay $0x3  }
0x37: {  	[smem:$0x3FB5] =	sst s10  }
0x38: {  	s10 =	sld [smem:$0x3FB6]  }
0x39: {  	_ = 	snop;
	(pc) =	sbr.ind lr, $3  }
0x3a: {  	_ = 	snop  }
0x3b: {  	_ = 	snop  }
0x3c: {  	p2 =	seq.s32 s10, $0x1;
	s10 =	sld [smem:$0x3FB5]  }
0x3d: {  	_ =	shalt  }
0x3e: {  	_ =	shalt  }
0x3f: {  	_ =	shalt  }
0x40: {  	_ =	shalt  }
0x41: {  	_ =	shalt  }
0x42: {  	_ =	shalt  }
0x43: {  	_ =	shalt  }
0x44: {  	_ =	shalt  }
0x45: {  	_ =	shalt  }
0x46: {  	_ =	shalt  }
0x47: {  	_ =	shalt  }
0x48: {  	_ =	shalt  }
0x49: {  	_ =	shalt  }
0x4a: {  	_ =	shalt  }
0x4b: {  	_ =	shalt  }
0x4c: {  	_ =	shalt  }
0x4d: {  	_ =	shalt  }
0x4e: {  	_ =	shalt  }
0x4f: {  	_ =	shalt  }
0x50: {  	_ =	shalt  }
0x51: {  	_ =	shalt  }
0x52: {  	_ =	shalt  }
0x53: {  	_ =	shalt  }
0x54: {  	_ =	shalt  }
0x55: {  	_ =	shalt  }
0x56: {  	_ =	shalt  }
0x57: {  	_ =	shalt  }
0x58: {  	_ =	shalt  }
0x59: {  	_ =	shalt  }
0x5a: {  	_ =	shalt  }
0x5b: {  	_ =	shalt  }
0x5c: {  	_ =	shalt  }
0x5d: {  	_ =	shalt  }
0x5e: {  	_ =	shalt  }
0x5f: {  	_ =	shalt  }
0x60: {  	_ =	shalt  }
0x61: {  	_ =	shalt  }
0x62: {  	_ =	shalt  }
0x63: {  	_ =	shalt  }
0x64: {  	_ =	shalt  }
0x65: {  	_ =	shalt  }
0x66: {  	_ =	shalt  }
0x67: {  	_ =	shalt  }
0x68: {  	_ =	shalt  }
0x69: {  	_ =	shalt  }
0x6a: {  	_ =	shalt  }
0x6b: {  	_ =	shalt  }
0x6c: {  	_ =	shalt  }
0x6d: {  	_ =	shalt  }
0x6e: {  	_ =	shalt  }
0x6f: {  	_ =	shalt  }
0x70: {  	_ =	shalt  }
0x71: {  	_ =	shalt  }
0x72: {  	_ =	shalt  }
0x73: {  	_ =	shalt  }
0x74: {  	_ =	shalt  }
0x75: {  	_ =	shalt  }
0x76: {  	_ =	shalt  }
0x77: {  	_ =	shalt  }
0x78: {  	_ =	shalt  }
0x79: {  	_ =	shalt  }
0x7a: {  	_ =	shalt  }
0x7b: {  	_ =	shalt  }
0x7c: {  	_ =	shalt  }
0x7d: {  	_ =	shalt  }
0x7e: {  	_ =	shalt  }
0x7f: {  	_ =	shalt  }
0x80: {  	_ =	shalt  }
0x81: {  	_ =	shalt  }
0x82: {  	_ =	shalt  }
0x83: {  	_ =	shalt  }
0x84: {  	_ =	shalt  }
0x85: {  	_ =	shalt  }
0x86: {  	_ =	shalt  }
0x87: {  	_ =	shalt  }
.Lfunc_end0:
.L_simem_size_0:
called_computation_lowered:
.L_overlay_start_0:
0x88: {  	s2 =	sld [smem:$0x3FD9]  }
0x89: {  	s3 =	sld [smem:$0x3FFE];
	_ =	sdelay $0x1  }
0x8a: {  	s1 =	srdreg.scid  }
0x8b: {  	s0 =	sand.u32 $0x1, s1  }
0x8c: {  	s16 =	sshll.u32 s0, $0xA;
	s2 =	sadd.s32 s3, s2  }
0x8d: {  	s2 =	sadd.s32 s2, s16  }
0x8e: {  	[smem:$0x3FC1] =	sst s2  }
0x8f: {  	_ = 	snop  }
0x90: {  	(tm) =	ssettm $0x1  }
0x91: {  	s17 =	sld [smem:$0x3FFB];
	_ =	sdelay $0x3  }
0x92: {  	_ =	strace s17  }
0x93: {  	s2 =	sld [smem:$0x3FFC];
	_ =	sdelay $0x3  }
0x94: {  	_ =	strace s2  }
0x95: {  	s2 =	sld [smem:$0x3FFD];
	_ =	sdelay $0x3  }
0x96: {  	_ =	strace s2  }
0x97: {  	_ =	strace $0x8FFFFFFF  }
0x98: {  	s18 =	sld [smem:$0x3FDB];
	_ =	sdelay $0x1  }
0x99: {  	s19 =	simm.s32 $_scs_section_size  }
0x9a: {  	s4 =	simm.s32 $_size__tile_overlayer_lowered;
	s5 =	simm.s32 $_tile_overlayer_lowered  }
0x9b: {  	s22 =	simm.s32 $0x1BFF;
	s21 =	sshll.u32 s5, $0x1;
	s2 =	sadd.s32 s19, s18  }
0x9c: {  	s6 =	simm.s32 $0x0;
	s20 =	sshll.u32 s4, $0x1;
	s4 =	sadd.s32 s21, s2  }
0x9d: {  	[timem:s6], [sflag:s22] =	dma.local [hbm:s4], s20  }
0x9e: {  	_ =	swait.ge [sflag:s22], s20  }
0x9f: {  	s3 =	ssub.s32 $0x0, s20;
	[sflag:s22] =	ssyncset.done $0x0  }
0xa0: {  	[sflag:s22] =	ssyncadd.s32 s3;
	_ =	sdelay $0x1  }
0xa1: {  	s23 =	simm.s32 $0x1B8B  }
0xa2: {  	_ =	swait.ge [sflag:s23], $0x1  }
0xa3: {  	[sflag:s23] =	ssyncset.done $0x0  }
0xa4: {  	s25 =	simm.s32 $0x1B8E;
	s24 =	sld [smem:$0x3FFE];
	[sflag:s23] =	ssyncadd.s32 $0xFFFFFFFF  }
0xa5: {  	s26 =	simm.s32 $execute0_lowered;
	[smem:$0x3FD2] =	sst s25  }
0xa6: {  	s4 =	sshll.u32 s26, $0x1;
	_ =	strace $0x80000046;
	[dreg:$0x1] =	wrdreg $0xFFFFFFFF  }
0xa7: {  	s28 =	simm.s32 $_size_execute0_lowered;
	s2 =	sadd.s32 s2, s4;
	[dreg:$0x0] =	wrdreg $0x0  }
0xa8: {  	s4 =	sshll.u32 s28, $0x1;
	[dreg:$0x2] =	wrdreg s2  }
0xa9: {  	[dreg:$0x3] =	wrdreg s4  }
0xaa: {  	[dreg:$0x4] =	wrdreg $0xC0  }
0xab: {  	_ =	task [dreg:s6], $0x5FFFF  }
0xac: {  	[dreg:$0x1] =	wrdreg $0xFFFFFFFF  }
0xad: {  	[dreg:$0x0] =	wrdreg $0x60  }
0xae: {  	[dreg:$0x2] =	wrdreg s24  }
0xaf: {  	[dreg:$0x3] =	wrdreg $0x9  }
0xb0: {  	_ =	task.clear_ibuf [dreg:s6], $0x4FFFF;
	_ =	strace $0x90000046  }
0xb1: {  	s29 =	simm.s32 $0x9;
	_ =	strace $0x80000048  }
0xb2: {  	_ =	swait.ge [sflag:s29], $0x1  }
0xb3: {  	[sflag:s29] =	ssyncadd.s32 $0xFFFFFFFF  }
0xb4: {  	_ =	strace $0x90000048  }
0xb5: {  	_ =	sfence  }
0xb6: {  	s30 =	sld [smem:$0x0];
	_ =	sdelay $0x2  }
0xb7: {  	s31 =	sshll.u32 s1, $0xD;
	s1 =	sshrl.u32 s1, $0x2  }
0xb8: {  	s3 =	sand.u32 $0x4000, s31;
	s1 =	sadd.s32 s1, s30  }
0xb9: {  	s0 =	sor.u32 s3, s0;
	s1 =	sshll.u32 s1, $0x11  }
0xba: {  	s0 =	sor.u32 s1, s0  }
0xbb: {  	s0 =	sadd.s32 $0x8F2B, s0  }
0xbc: {  	[sflag:s0] =	ssyncadd.remote.s32 $0x1  }
0xbd: {  	_ =	sfence.sel $0xFFFF  }
0xbe: {  	[dreg:$0x0] =	wrdreg $0xFFFFFFFF;
	(pc) =	sbr.abs _section_cstart, $3  }
0xbf: {  	[dreg:$0x1] =	wrdreg $0xFFFFFFFF  }
0xc0: {  	_ =	task.clear_ibuf [dreg:s6], $0x2FFFF;
	_ =	strace $0x9FFFFFFF  }
0xc1: {  	(tm) =	ssettm $0x7FFFFFFF  }
tec
execute0_lowered:
.L_overlay_start_1:
0x0: {  	(tag) =	ssettag $0x1  }
0x1: {  	v54 =	vlaneseq.u32  }
0x2: {  	v5 =	vmul.u32 $0x41, v54;
	_ =	sdelay $0x1  }
0x3: {  	v0 =	vadd.s32 $0x1, v5  }
0x4: {  	v1 =	vadd.s32 $0x24, v5;
	[tilespmem:$0x1FCA0] =	vst v0  }
0x5: {  	v0 =	vadd.s32 $0x2, v5;
	[tilespmem:$0x1FED0] =	vst v1  }
0x6: {  	v1 =	vadd.s32 $0x25, v5;
	[tilespmem:$0x1FCB0] =	vst v0  }
0x7: {  	v0 =	vadd.s32 $0x3, v5;
	[tilespmem:$0x1FEE0] =	vst v1  }
0x8: {  	v1 =	vadd.s32 $0x26, v5;
	[tilespmem:$0x1FCC0] =	vst v0  }
0x9: {  	v0 =	vadd.s32 $0x4, v5;
	[tilespmem:$0x1FEF0] =	vst v1  }
0xa: {  	v1 =	vadd.s32 $0x27, v5;
	[tilespmem:$0x1FCD0] =	vst v0  }
0xb: {  	v0 =	vadd.s32 $0x5, v5;
	[tilespmem:$0x1FF00] =	vst v1  }
0xc: {  	v1 =	vadd.s32 $0x28, v5;
	[tilespmem:$0x1FCE0] =	vst v0  }
0xd: {  	v0 =	vadd.s32 $0x6, v5;
	[tilespmem:$0x1FF10] =	vst v1  }
0xe: {  	[tilespmem:$0x1FCF0] =	vst v0;
	v0 =	vadd.s32 $0x7, v5  }
0xf: {  	[tilespmem:$0x1FD00] =	vst v0;
	v0 =	vadd.s32 $0x8, v5  }
0x10: {  	[tilespmem:$0x1FD10] =	vst v0;
	v0 =	vadd.s32 $0x9, v5  }
0x11: {  	[tilespmem:$0x1FD20] =	vst v0;
	v0 =	vadd.s32 $0xA, v5  }
0x12: {  	[tilespmem:$0x1FD30] =	vst v0;
	v0 =	vadd.s32 $0xB, v5  }
0x13: {  	[tilespmem:$0x1FD40] =	vst v0;
	v0 =	vadd.s32 $0xC, v5  }
0x14: {  	[tilespmem:$0x1FD50] =	vst v0;
	v0 =	vadd.s32 $0xD, v5  }
0x15: {  	[tilespmem:$0x1FD60] =	vst v0;
	v0 =	vadd.s32 $0xE, v5  }
0x16: {  	[tilespmem:$0x1FD70] =	vst v0;
	v0 =	vadd.s32 $0xF, v5  }
0x17: {  	[tilespmem:$0x1FD80] =	vst v0;
	v0 =	vadd.s32 $0x10, v5  }
0x18: {  	[tilespmem:$0x1FD90] =	vst v0;
	v0 =	vadd.s32 $0x11, v5  }
0x19: {  	[tilespmem:$0x1FDA0] =	vst v0;
	v0 =	vadd.s32 $0x12, v5  }
0x1a: {  	[tilespmem:$0x1FDB0] =	vst v0;
	v0 =	vadd.s32 $0x13, v5  }
0x1b: {  	[tilespmem:$0x1FDC0] =	vst v0;
	v0 =	vadd.s32 $0x14, v5  }
0x1c: {  	[tilespmem:$0x1FDD0] =	vst v0;
	v0 =	vadd.s32 $0x15, v5  }
0x1d: {  	[tilespmem:$0x1FDE0] =	vst v0;
	v0 =	vadd.s32 $0x16, v5  }
0x1e: {  	[tilespmem:$0x1FDF0] =	vst v0;
	v0 =	vadd.s32 $0x17, v5  }
0x1f: {  	[tilespmem:$0x1FE00] =	vst v0;
	v0 =	vadd.s32 $0x18, v5  }
0x20: {  	[tilespmem:$0x1FE10] =	vst v0;
	v0 =	vadd.s32 $0x19, v5  }
0x21: {  	[tilespmem:$0x1FE20] =	vst v0;
	v0 =	vadd.s32 $0x1A, v5  }
0x22: {  	[tilespmem:$0x1FE30] =	vst v0;
	v0 =	vadd.s32 $0x1B, v5  }
0x23: {  	[tilespmem:$0x1FE40] =	vst v0;
	v0 =	vadd.s32 $0x1C, v5  }
0x24: {  	[tilespmem:$0x1FE50] =	vst v0;
	v0 =	vadd.s32 $0x1D, v5  }
0x25: {  	[tilespmem:$0x1FE60] =	vst v0;
	v0 =	vadd.s32 $0x1E, v5  }
0x26: {  	[tilespmem:$0x1FE70] =	vst v0;
	v0 =	vadd.s32 $0x1F, v5  }
0x27: {  	[tilespmem:$0x1FE80] =	vst v0;
	v0 =	vadd.s32 $0x20, v5  }
0x28: {  	[tilespmem:$0x1FE90] =	vst v0;
	v0 =	vadd.s32 $0x21, v5  }
0x29: {  	vm11 =	vcmask $0xF00;
	[tilespmem:$0x1FEA0] =	vst v0;
	v0 =	vadd.s32 $0x22, v5  }
0x2a: {  	vm10 =	vcmask $0x1310;
	vm9 =	vcmask $0x1714;
	[tilespmem:$0x1FEB0] =	vst v0;
	v0 =	vadd.s32 $0x23, v5  }
0x2b: {  	vm8 =	vcmask $0x1B18;
	v1 =	vadd.s32 $0x29, v5;
	[tilespmem:$0x1FEC0] =	vst v0;
	v0 =	vimm.s32 $0xF4B37231  }
0x2c: {  	vm7 =	vcmask $0x1F1C;
	[tilespmem:$0x1FF20] =	vst v1;
	v1 =	vadd.s32 $0x2A, v5;
	v0 =	vunpack.c.0.s8.s32 v0  }
0x2d: {  	vm6 =	vcmask $0x2320;
	vm5 =	vcmask $0x2724;
	[tilespmem:$0x1FF30] =	vst v1;
	v1 =	vadd.s32 $0x2B, v5  }
0x2e: {  	vm3 =	vcmask $0x2B28;
	[tilespmem:$0x1FF40] =	vst v1;
	v1 =	vadd.s32 $0x2C, v5;
	v0 =	vand.u32 $0xFF, v0  }
0x2f: {  	vm0 =	vcmask $0x2F2C;
	[tilespmem:$0x1FF50] =	vst v1;
	v1 =	vadd.s32 $0x2D, v5;
	v0 =	vnsel vm11, $0x3C0, v0  }
0x30: {  	vm1 =	vcmask $0x3330;
	[tilespmem:$0x1FF60] =	vst v1;
	v1 =	vimm.s32 $0xF5B47332;
	v0 =	vsel vm10, $0x135, v0  }
0x31: {  	vm2 =	vcmask $0x3734;
	v1 =	vunpack.c.0.s8.s32 v1;
	v0 =	vsel vm9, $0x176, v0  }
0x32: {  	vm4 =	vcmask $0x3B38;
	v2 =	vadd.s32 $0x2E, v5;
	v0 =	vsel vm8, $0x1B7, v0  }
0x33: {  	[tilespmem:$0x1FF70] =	vst v2;
	v2 =	vimm.s32 $0xF6B57433;
	v1 =	vand.u32 $0xFF, v1;
	v0 =	vsel vm7, $0x1F8, v0  }
0x34: {  	v2 =	vunpack.c.0.s8.s32 v2;
	v1 =	vnsel vm11, $0x3C1, v1;
	v0 =	vsel vm6, $0x239, v0  }
0x35: {  	v3 =	vadd.s32 $0x2F, v5;
	v1 =	vsel vm10, $0x136, v1;
	v0 =	vsel vm5, $0x27A, v0  }
0x36: {  	v2 =	vand.u32 $0xFF, v2;
	v1 =	vsel vm9, $0x177, v1;
	v0 =	vsel vm3, $0x2BB, v0  }
0x37: {  	v2 =	vnsel vm11, $0x3C2, v2;
	v1 =	vsel vm8, $0x1B8, v1;
	v0 =	vsel vm0, $0x2FC, v0  }
0x38: {  	v2 =	vsel vm10, $0x137, v2;
	v1 =	vsel vm7, $0x1F9, v1;
	v0 =	vsel vm1, $0x33D, v0  }
0x39: {  	v2 =	vsel vm9, $0x178, v2;
	v1 =	vsel vm6, $0x23A, v1;
	v0 =	vsel vm2, $0x37E, v0  }
0x3a: {  	[tilespmem:$0x1FF80] =	vst v3;
	v2 =	vsel vm8, $0x1B9, v2;
	v1 =	vsel vm5, $0x27B, v1;
	v0 =	vsel vm4, $0x3BF, v0  }
0x3b: {  	v3 =	vimm.s32 $0xF8B77635;
	[tilespmem:$0x1FF90] =	vst v0;
	v0 =	vsel vm3, $0x2BC, v1;
	v1 =	vsel vm7, $0x1FA, v2  }
0x3c: {  	v2 =	vimm.s32 $0xF7B67534;
	v0 =	vsel vm0, $0x2FD, v0;
	v1 =	vsel vm6, $0x23B, v1  }
0x3d: {  	v2 =	vunpack.c.0.s8.s32 v2;
	v0 =	vsel vm1, $0x33E, v0;
	v1 =	vsel vm5, $0x27C, v1  }
0x3e: {  	v3 =	vunpack.c.0.s8.s32 v3;
	v0 =	vsel vm2, $0x37F, v0;
	v1 =	vsel vm3, $0x2BD, v1  }
0x3f: {  	v2 =	vand.u32 $0xFF, v2;
	v1 =	vsel vm0, $0x2FE, v1;
	v0 =	vsel vm4, $0x380, v0  }
0x40: {  	[tilespmem:$0x1FFA0] =	vst v0;
	v0 =	vsel vm1, $0x33F, v1;
	v1 =	vnsel vm11, $0x3C3, v2;
	v2 =	vand.u32 $0xFF, v3  }
0x41: {  	v3 =	vimm.s32 $0xF9B87736;
	v0 =	vsel vm2, $0x340, v0;
	v1 =	vsel vm10, $0x138, v1  }
0x42: {  	v2 =	vnsel vm11, $0x3C4, v2;
	v3 =	vunpack.c.0.s8.s32 v3;
	v1 =	vsel vm9, $0x179, v1  }
0x43: {  	v2 =	vsel vm10, $0x139, v2;
	v0 =	vsel vm4, $0x381, v0;
	v1 =	vsel vm8, $0x1BA, v1  }
0x44: {  	[tilespmem:$0x1FFB0] =	vst v0;
	v0 =	vsel vm7, $0x1FB, v1;
	v1 =	vsel vm9, $0x17A, v2  }
0x45: {  	v2 =	vand.u32 $0xFF, v3;
	v1 =	vsel vm8, $0x1BB, v1  }
0x46: {  	v3 =	vimm.s32 $0xFAB97837;
	v0 =	vsel vm6, $0x23C, v0;
	v1 =	vsel vm7, $0x1FC, v1  }
0x47: {  	v2 =	vnsel vm11, $0x3C5, v2;
	v0 =	vsel vm5, $0x27D, v0;
	v1 =	vsel vm6, $0x23D, v1  }
0x48: {  	v2 =	vsel vm10, $0x13A, v2;
	v0 =	vsel vm3, $0x2BE, v0;
	v1 =	vsel vm5, $0x27E, v1  }
0x49: {  	v2 =	vsel vm9, $0x17B, v2;
	v0 =	vsel vm0, $0x2FF, v0;
	v1 =	vsel vm3, $0x2BF, v1  }
0x4a: {  	v2 =	vsel vm8, $0x1BC, v2;
	v0 =	vsel vm1, $0x300, v0;
	v1 =	vsel vm0, $0x2C0, v1  }
0x4b: {  	v2 =	vsel vm7, $0x1FD, v2;
	v0 =	vsel vm2, $0x341, v0;
	v1 =	vsel vm1, $0x301, v1  }
0x4c: {  	v2 =	vsel vm6, $0x23E, v2;
	v0 =	vsel vm4, $0x382, v0;
	v1 =	vsel vm2, $0x342, v1  }
0x4d: {  	v3 =	vunpack.c.0.s8.s32 v3;
	v2 =	vsel vm5, $0x27F, v2;
	[tilespmem:$0x1FFC0] =	vst v0;
	v0 =	vsel vm4, $0x383, v1  }
0x4e: {  	[tilespmem:$0x1FFD0] =	vst v0;
	v0 =	vsel vm3, $0x280, v2  }
0x4f: {  	v1 =	vand.u32 $0xFF, v3;
	v0 =	vsel vm0, $0x2C1, v0  }
0x50: {  	v2 =	vimm.s32 $0xFBBA7938;
	v1 =	vnsel vm11, $0x3C6, v1;
	v0 =	vsel vm1, $0x302, v0  }
0x51: {  	v2 =	vunpack.c.0.s8.s32 v2;
	v1 =	vsel vm10, $0x13B, v1;
	v0 =	vsel vm2, $0x343, v0  }
0x52: {  	v1 =	vsel vm9, $0x17C, v1;
	v0 =	vsel vm4, $0x384, v0  }
0x53: {  	v3 =	vimm.s32 $0xFCBB7A39;
	v2 =	vand.u32 $0xFF, v2;
	[tilespmem:$0x1FFE0] =	vst v0;
	v0 =	vsel vm8, $0x1BD, v1  }
0x54: {  	v3 =	vunpack.c.0.s8.s32 v3;
	v1 =	vnsel vm11, $0x3C7, v2;
	v0 =	vsel vm7, $0x1FE, v0  }
0x55: {  	v1 =	vsel vm10, $0x13C, v1;
	v0 =	vsel vm6, $0x23F, v0  }
0x56: {  	v2 =	vand.u32 $0xFF, v3;
	v1 =	vsel vm9, $0x17D, v1;
	v0 =	vsel vm5, $0x240, v0  }
0x57: {  	v2 =	vnsel vm11, $0x3C8, v2;
	v1 =	vsel vm8, $0x1BE, v1;
	v0 =	vsel vm3, $0x281, v0  }
0x58: {  	v2 =	vsel vm10, $0x13D, v2;
	v1 =	vsel vm7, $0x1FF, v1;
	v0 =	vsel vm0, $0x2C2, v0  }
0x59: {  	v2 =	vsel vm9, $0x17E, v2;
	v1 =	vsel vm6, $0x200, v1;
	v0 =	vsel vm1, $0x303, v0  }
0x5a: {  	v2 =	vsel vm8, $0x1BF, v2;
	v1 =	vsel vm5, $0x241, v1;
	v0 =	vsel vm2, $0x344, v0  }
0x5b: {  	v2 =	vsel vm7, $0x1C0, v2;
	v1 =	vsel vm3, $0x282, v1;
	v0 =	vsel vm4, $0x385, v0  }
0x5c: {  	v4 =	vimm.s32 $0xC281403F;
	v2 =	vsel vm6, $0x201, v2;
	[tilespmem:$0x1FFF0] =	vst v0;
	v0 =	vsel vm0, $0x2C3, v1  }
0x5d: {  	v1 =	vsel vm5, $0x242, v2;
	v2 =	vimm.s32 $0xFDBC7B3A;
	v0 =	vsel vm1, $0x304, v0  }
0x5e: {  	v1 =	vsel vm3, $0x283, v1;
	v2 =	vunpack.c.0.s8.s32 v2;
	v0 =	vsel vm2, $0x345, v0  }
0x5f: {  	v3 =	vimm.s32 $0xFFBE7D3C;
	v1 =	vsel vm0, $0x2C4, v1;
	v56 =	vsel vm4, $0x386, v0  }
0x60: {  	v0 =	vsel vm1, $0x305, v1;
	v1 =	vimm.s32 $0xFEBD7C3B;
	v2 =	vand.u32 $0xFF, v2  }
0x61: {  	v1 =	vunpack.c.0.s8.s32 v1;
	v0 =	vsel vm2, $0x346, v0;
	v2 =	vnsel vm11, $0x3C9, v2  }
0x62: {  	v3 =	vunpack.c.0.s8.s32 v3;
	v57 =	vsel vm4, $0x387, v0;
	v0 =	vsel vm10, $0x13E, v2  }
0x63: {  	v4 =	vunpack.c.0.s8.s32 v4;
	v1 =	vand.u32 $0xFF, v1;
	v0 =	vsel vm9, $0x17F, v0  }
0x64: {  	v2 =	vand.u32 $0xFF, v3;
	v1 =	vnsel vm11, $0x3CA, v1;
	v0 =	vsel vm8, $0x180, v0  }
0x65: {  	v2 =	vnsel vm11, $0x3CB, v2;
	v1 =	vsel vm10, $0x13F, v1;
	v0 =	vsel vm7, $0x1C1, v0  }
0x66: {  	v2 =	vsel vm10, $0x100, v2;
	v1 =	vsel vm9, $0x140, v1;
	v0 =	vsel vm6, $0x202, v0  }
0x67: {  	v2 =	vsel vm9, $0x141, v2;
	v1 =	vsel vm8, $0x181, v1;
	v0 =	vsel vm5, $0x243, v0  }
0x68: {  	v2 =	vsel vm8, $0x182, v2;
	v1 =	vsel vm7, $0x1C2, v1;
	v0 =	vsel vm3, $0x284, v0  }
0x69: {  	v2 =	vsel vm7, $0x1C3, v2;
	v1 =	vsel vm6, $0x203, v1;
	v0 =	vsel vm0, $0x2C5, v0  }
0x6a: {  	v2 =	vsel vm6, $0x204, v2;
	v1 =	vsel vm5, $0x244, v1;
	v0 =	vsel vm1, $0x306, v0  }
0x6b: {  	v2 =	vsel vm5, $0x245, v2;
	v1 =	vsel vm3, $0x285, v1;
	v0 =	vsel vm2, $0x347, v0  }
0x6c: {  	v2 =	vsel vm3, $0x286, v2;
	v1 =	vsel vm0, $0x2C6, v1;
	v58 =	vsel vm4, $0x388, v0  }
0x6d: {  	v0 =	vsel vm1, $0x307, v1;
	v1 =	vsel vm0, $0x2C7, v2;
	v2 =	vimm.s32 $0xC0BF7E3D  }
0x6e: {  	v3 =	vimm.s32 $0xC1807F3E;
	v1 =	vsel vm1, $0x308, v1;
	v2 =	vunpack.c.0.s8.s32 v2  }
0x6f: {  	v3 =	vunpack.c.0.s8.s32 v3;
	v0 =	vsel vm2, $0x348, v0;
	v1 =	vsel vm2, $0x349, v1  }
0x70: {  	v59 =	vsel vm4, $0x389, v0;
	v60 =	vsel vm4, $0x38A, v1;
	v0 =	vand.u32 $0xFF, v2  }
0x71: {  	v1 =	vand.u32 $0xFF, v3;
	v2 =	vand.u32 $0xFF, v4;
	v0 =	vnsel vm11, $0x3CC, v0  }
0x72: {  	s5 =	rddreg [dreg:$0x0];
	s2 =	simm.s32 $0x0;
	s3 =	srdreg.scid;
	v1 =	vnsel vm11, $0x3CD, v1;
	v2 =	vnsel vm11, $0x3CE, v2;
	v0 =	vsel vm10, $0x101, v0  }
0x73: {  	s0 =	stileid.u32;
	s14 =	simm.s32 $0x3;
	s15 =	simm.s32 $0xFF800000;
	v1 =	vsel vm10, $0x102, v1;
	v2 =	vsel vm10, $0x103, v2;
	v0 =	vsel vm9, $0x142, v0  }
0x74: {  	s16 =	simm.s32 $0x1;
	s17 =	simm.s32 $0x7C00;
	s18 =	simm.s32 $0x2;
	v1 =	vsel vm9, $0x143, v1;
	v2 =	vsel vm9, $0x144, v2;
	v0 =	vsel vm8, $0x183, v0  }
0x75: {  	s21 =	simm.s32 $0x0;
	[smem:$0x7FF] =	sst s2;
	s6 =	sand.u32 $0x1, s3;
	v1 =	vsel vm8, $0x184, v1;
	v2 =	vsel vm8, $0x185, v2;
	v0 =	vsel vm7, $0x1C4, v0  }
0x76: {  	s25 =	sshll.u32 s0, $0x1;
	s3 =	sadd.s32 $0xF44E00, s5;
	s11 =	smul.u32 $0x7C00, s0;
	v1 =	vsel vm7, $0x1C5, v1;
	v2 =	vsel vm7, $0x1C6, v2;
	v0 =	vsel vm6, $0x205, v0  }
0x77: {  	s4 =	sor.u32 s6, s25;
	s26 =	ssub.s32 $0x2, s6;
	s30 =	smul.u32 $0x3E00, s6;
	v1 =	vsel vm6, $0x206, v1;
	v2 =	vsel vm6, $0x207, v2;
	v0 =	vsel vm5, $0x246, v0  }
0x78: {  	s7 =	sshll.u32 s4, $0x4;
	s8 =	smul.u32 $0x3E00, s4;
	s28 =	sshrl.u32 s26, $0x1;
	v1 =	vsel vm5, $0x247, v1;
	v2 =	vsel vm5, $0x248, v2;
	v0 =	vsel vm3, $0x287, v0  }
0x79: {  	s1 =	sadd.s32 $0x2600, s5;
	s9 =	sadd.s32 s7, s5;
	s12 =	ssub.s32 s26, s28;
	v1 =	vsel vm3, $0x288, v1;
	v2 =	vsel vm3, $0x289, v2;
	v0 =	vsel vm0, $0x2C8, v0  }
.Ltmp0:
0x7a: {  	s13 =	sadd.s32 s30, s11;
	s10 =	sshll.u32 s8, $0x3;
	v1 =	vsel vm0, $0x2C9, v1;
	v2 =	vsel vm0, $0x2CA, v2;
	v0 =	vsel vm1, $0x309, v0;
	(pc) =	sbr.rel .LBB2_1-.Ltmp0, $4  }
0x7b: {  	s6 =	sadd.s32 $0x781F0, s8;
	s7 =	sadd.s32 $0x783E0, s8;
	s8 =	sadd.s32 $0x16E6000, s9;
	vm0 =	vcmask $0x300;
	v1 =	vsel vm1, $0x30A, v1;
	v0 =	vsel vm2, $0x34A, v0  }
0x7c: {  	s9 =	sadd.s32 $0x16E6200, s9;
	s11 =	sadd.s32 $0x80078000, s13;
	s29 =	sadd.s32 s3, s10;
	v2 =	vsel vm1, $0x30B, v2;
	vm1 =	vcmask $0x704;
	v61 =	vsel vm4, $0x38B, v0  }
0x7d: {  	s31 =	sadd.s32 $0x3C0000, s29;
	_ =	strace $0x80000047;
	[dreg:$0x2] =	wrdreg s1;
	v0 =	vsel vm2, $0x34B, v1;
	v1 =	vsel vm2, $0x34C, v2;
	vm2 =	vcmask $0xB08  }
0x7e: {  	v55 =	vmovc v5;
	s10 =	smax.u32 s12, $0x1;
	s12 =	sadd.s32 $0x800781F0, s13;
	[dreg:$0x3] =	wrdreg s31;
	v62 =	vsel vm4, $0x38C, v0;
	v63 =	vsel vm4, $0x38D, v1;
	v0 =	vadd.s32 $0x30, v5  }
.LBB2_11:
0x7f: {  	s0 =	sld [smem:$0x0]  }
0x80: {  	s1 =	sld [smem:$0x1]  }
0x81: {  	s4 =	sld [smem:$0x80]  }
0x82: {  	s5 =	sld [smem:$0x2]  }
0x83: {  	s28 =	sld [smem:$0x81];
	v1 =	vmov s0  }
0x84: {  	s29 =	sld [smem:$0x82];
	v2 =	vmov s4;
	v1 =	vnsel vm0, $0xFF800000, v1  }
0x85: {  	v2 =	vnsel vm0, $0x40000000, v2;
	v1 =	vsel vm1, s1, v1  }
0x86: {  	v2 =	vsel vm1, s28, v2;
	v1 =	vsel vm2, s5, v1  }
0x87: {  	v2 =	vsel vm2, s29, v2;
	[tilespmem:$0x11800] =	vst v1  }
0x88: {  	s30 =	simm.s32 $0x11800;
	[tilespmem:$0x11880] =	vst v2  }
0x89: {  	[hbm4b:s8+s2] =	stream.linear.scatter [tilespmem:s30], [sflag:$0x3], $0x80, $0x38;
	[tilespmem:$0x11900] =	vst v63  }
0x8a: {  	s21 =	sadd.s32 $0x1, s21;
	_ =	swait.ge [sflag:s14], $0x80  }
0x8b: {  	p0 =	sne.s32 s21, s10;
	[sflag:s14] =	ssyncset.done $0x0  }
.Ltmp1:
0x8c: {  	s31 =	simm.s32 $0x11880;
	[sflag:s14] =	ssyncadd.s32 $0xFFFFFF80;
	(pc) =	sbr.rel @!p0 .LBB2_12-.Ltmp1, $4  }
0x8d: {  	[hbm4b:s9+s2] =	stream.linear.scatter [tilespmem:s31], [sflag:$0x3], $0x80, $0x38;
	[tilespmem:$0x11900] =	vst v63  }
0x8e: {  	_ =	swait.ge [sflag:s14], $0x80  }
0x8f: {  	[sflag:s14] =	ssyncset.done $0x0  }
0x90: {  	[sflag:s14] =	ssyncadd.s32 $0xFFFFFF80  }
.LBB2_1:
0x91: {  	s0 =	rddreg [dreg:$0x2];
	s1 =	simm.s32 $0xF800  }
0x92: {  	[tilespmem:s1], [sflag:$0x3] =	stream.linear.gather [hbm4b:s0+s2], $0x2000, $0x38;
	[tilespmem:$0x11900] =	vst v63  }
0x93: {  	_ =	swait.ge [sflag:s14], $0x2000  }
0x94: {  	[sflag:s14] =	ssyncset.done $0x0  }
0x95: {  	s31 =	rddreg [dreg:$0x3];
	[sflag:s14] =	ssyncadd.s32 $0xFFFFE000  }
0x96: {  	[smem:$0x0] =	sst s15  }
0x97: {  	[tilespmem:s2], [sflag:$0x1] =	stream.linear.gather [hbm4b:s31+s2], $0x7C00, $0x38;
	[tilespmem:$0x11900] =	vst v63  }
.Ltmp2:
0x98: {  	[smem:$0x80] =	sst s2;
	(pc) =	sbr.rel .LBB2_2-.Ltmp2, $4  }
0x99: {  	[smem:$0x1] =	sst s15  }
0x9a: {  	[smem:$0x81] =	sst s2  }
0x9b: {  	s22 =	smov.u32 s12;
	[smem:$0x2] =	sst s15  }
0x9c: {  	s23 =	smov.u32 s11;
	s24 =	simm.s32 $0x0;
	[smem:$0x82] =	sst s2  }
.LBB2_10:
0x9d: {  	s24 =	sadd.s32 $0x1, s24  }
0x9e: {  	p0 =	sne.s32 s24, $0x10  }
.Ltmp3:
0x9f: {  	_ = 	snop;
	(pc) =	sbr.rel @!p0 .LBB2_11-.Ltmp3, $2  }
0xa0: {  	_ =	sdelay $0x2  }
0xa1: {  	s23 =	sadd.s32 $0x3E0, s23;
	s22 =	sadd.s32 $0x3E0, s22  }
.LBB2_2:
0xa2: {  	s25 =	smul.u32 $0x3E0, s24;
	_ =	sdelay $0x1  }
0xa3: {  	s26 =	sadd.s32 s25, s6  }
.Ltmp4:
0xa4: {  	_ =	swait.ge [sflag:s16], $0x7C00;
	s26 =	sshll.u32 s26, $0x3;
	(pc) =	sbr.rel .LBB2_3-.Ltmp4, $4  }
0xa5: {  	[sflag:s16] =	ssyncset.done $0x0;
	s26 =	sand.u32 $0x1FFFFF80, s26  }
0xa6: {  	[sflag:s16] =	ssyncadd.s32 $0xFFFF8400;
	s28 =	sadd.s32 s3, s26;
	s26 =	simm.s32 $0x0  }
0xa7: {  	[tilespmem:s17], [sflag:$0x2] =	stream.linear.gather [hbm4b:s28+s26], $0x7C00, $0x38;
	[tilespmem:$0x11900] =	vst v63  }
0xa8: {  	s28 =	smov.u32 s23  }
.LBB2_5:
0xa9: {  	s26 =	sadd.s32 $0x400, s26  }
0xaa: {  	p0 =	sne.s32 s26, $0x7C00  }
.Ltmp5:
0xab: {  	_ = 	snop;
	(pc) =	sbr.rel @!p0 .LBB2_6-.Ltmp5, $2  }
0xac: {  	_ =	sdelay $0x2  }
0xad: {  	s28 =	sadd.s32 $0x10, s28  }
.LBB2_3:
0xae: {  	v2 =	vld [tilespmem:$0x1FCA0]  }
0xaf: {  	v3 =	vld [tilespmem:$0x1FCB0]  }
0xb0: {  	v4 =	vld [tilespmem:$0xF800]  }
0xb1: {  	v5 =	vld [tilespmem:$0x1FCC0]  }
0xb2: {  	v6 =	vld [tilespmem:$0xF880]  }
0xb3: {  	v7 =	vld [tilespmem:$0x1FCD0]  }
0xb4: {  	v8 =	vld [tilespmem:$0xF900]  }
0xb5: {  	v9 =	vld [tilespmem:$0x1FCE0]  }
0xb6: {  	v10 =	vld [tilespmem:$0xF980]  }
0xb7: {  	v11 =	vld [tilespmem:$0x1FCF0]  }
0xb8: {  	v12 =	vld [tilespmem:$0xFA00]  }
0xb9: {  	v13 =	vld [tilespmem:$0x1FD00]  }
0xba: {  	v14 =	vld [tilespmem:$0xFA80]  }
0xbb: {  	v15 =	vld [tilespmem:$0x1FD10]  }
0xbc: {  	v16 =	vld [tilespmem:$0xFB00]  }
0xbd: {  	v17 =	vld [tilespmem:$0x1FD20]  }
0xbe: {  	v18 =	vld [tilespmem:$0xFB80]  }
0xbf: {  	v19 =	vld [tilespmem:$0x1FD30]  }
0xc0: {  	v20 =	vld [tilespmem:$0xFC00]  }
0xc1: {  	v21 =	vld [tilespmem:$0x1FD40]  }
0xc2: {  	v22 =	vld [tilespmem:$0xFC80]  }
0xc3: {  	v23 =	vld [tilespmem:$0x1FD50]  }
0xc4: {  	v24 =	vld [tilespmem:$0xFD00]  }
0xc5: {  	v25 =	vld [tilespmem:$0x1FD60]  }
0xc6: {  	v26 =	vld [tilespmem:$0xFD80]  }
0xc7: {  	v27 =	vld [tilespmem:$0x1FD70]  }
0xc8: {  	v28 =	vld [tilespmem:$0xFE00]  }
0xc9: {  	v29 =	vld [tilespmem:$0x1FD80]  }
0xca: {  	v30 =	vld [tilespmem:$0xFE80]  }
0xcb: {  	v31 =	vld [tilespmem:$0x1FD90]  }
0xcc: {  	v32 =	vld [tilespmem:$0xFF00]  }
0xcd: {  	v33 =	vld [tilespmem:$0x1FDA0]  }
0xce: {  	v34 =	vld [tilespmem:$0xFF80]  }
0xcf: {  	v35 =	vld [tilespmem:$0x1FDB0]  }
0xd0: {  	v36 =	vld [tilespmem:$0x10000]  }
0xd1: {  	v37 =	vld [tilespmem:$0x1FDC0]  }
0xd2: {  	v1 =	vor.u32 s26, v55;
	v42 =	vld [tilespmem:$0x1FDD0]  }
0xd3: {  	v45 =	vld [tilespmem:$0x1FDE0];
	v2 =	vor.u32 s26, v2  }
0xd4: {  	v48 =	vld [tilespmem:$0x1FDF0];
	v3 =	vor.u32 s26, v3  }
0xd5: {  	v52 =	vld [tilespmem:$0x1FE00];
	v5 =	vor.u32 s26, v5  }
0xd6: {  	v41 =	vld [tilespmem:$0x1FE20];
	v7 =	vor.u32 s26, v7  }
0xd7: {  	v1 =	vld.idx.msk [tilespmem:v1+s2+$0x0], $0xffff;
	v9 =	vor.u32 s26, v9  }
0xd8: {  	v11 =	vor.u32 s26, v11;
	v2 =	vld.idx.msk [tilespmem:v2+s2+$0x0], $0xffff  }
0xd9: {  	v13 =	vor.u32 s26, v13;
	v3 =	vld.idx.msk [tilespmem:v3+s2+$0x0], $0xffff  }
0xda: {  	v15 =	vor.u32 s26, v15;
	v5 =	vld.idx.msk [tilespmem:v5+s2+$0x0], $0xffff  }
0xdb: {  	v17 =	vor.u32 s26, v17;
	v7 =	vld.idx.msk [tilespmem:v7+s2+$0x0], $0xffff  }
0xdc: {  	v19 =	vor.u32 s26, v19;
	v9 =	vld.idx.msk [tilespmem:v9+s2+$0x0], $0xffff  }
0xdd: {  	v21 =	vor.u32 s26, v21;
	v11 =	vld.idx.msk [tilespmem:v11+s2+$0x0], $0xffff  }
0xde: {  	v23 =	vor.u32 s26, v23;
	v13 =	vld.idx.msk [tilespmem:v13+s2+$0x0], $0xffff  }
0xdf: {  	v25 =	vor.u32 s26, v25;
	v15 =	vld.idx.msk [tilespmem:v15+s2+$0x0], $0xffff  }
0xe0: {  	v27 =	vor.u32 s26, v27;
	v17 =	vld.idx.msk [tilespmem:v17+s2+$0x0], $0xffff  }
0xe1: {  	v29 =	vor.u32 s26, v29;
	v19 =	vld.idx.msk [tilespmem:v19+s2+$0x0], $0xffff  }
0xe2: {  	v31 =	vor.u32 s26, v31;
	v21 =	vld.idx.msk [tilespmem:v21+s2+$0x0], $0xffff  }
0xe3: {  	v33 =	vor.u32 s26, v33;
	v23 =	vld.idx.msk [tilespmem:v23+s2+$0x0], $0xffff  }
0xe4: {  	v25 =	vld.idx.msk [tilespmem:v25+s2+$0x0], $0xffff  }
0xe5: {  	v37 =	vor.u32 s26, v37;
	v27 =	vld.idx.msk [tilespmem:v27+s2+$0x0], $0xffff  }
0xe6: {  	v4 =	vmul.f32 v4, v1;
	v1 =	vmul.f32 v1, v1;
	v29 =	vld.idx.msk [tilespmem:v29+s2+$0x0], $0xffff  }
0xe7: {  	v31 =	vld.idx.msk [tilespmem:v31+s2+$0x0], $0xffff;
	v6 =	vmul.f32 v6, v2;
	v8 =	vmul.f32 v8, v3  }
0xe8: {  	v33 =	vld.idx.msk [tilespmem:v33+s2+$0x0], $0xffff;
	v2 =	vmul.f32 v2, v2;
	v3 =	vmul.f32 v3, v3  }
0xe9: {  	v10 =	vmul.f32 v10, v5;
	v44 =	vmul.f32 v18, v13;
	v18 =	vld [tilespmem:$0x10100]  }
0xea: {  	v5 =	vmul.f32 v5, v5;
	v47 =	vmul.f32 v20, v15;
	v20 =	vld.idx.msk [tilespmem:v37+s2+$0x0], $0xffff  }
0xeb: {  	v50 =	vmul.f32 v22, v17;
	v51 =	vmul.f32 v17, v17;
	v17 =	vld [tilespmem:$0x10200]  }
0xec: {  	v12 =	vmul.f32 v12, v7;
	v46 =	vmul.f32 v13, v13;
	v13 =	vld [tilespmem:$0x10280]  }
0xed: {  	v35 =	vor.u32 s26, v35;
	v7 =	vmul.f32 v7, v7;
	v14 =	vmul.f32 v14, v9;
	v37 =	vld [tilespmem:$0x1FE10]  }
0xee: {  	v4 =	vadd.f32 $0.0e+00, v4;
	v9 =	vmul.f32 v9, v9;
	v38 =	vmul.f32 v26, v21;
	v26 =	vld [tilespmem:$0x10300]  }
0xef: {  	v43 =	vmul.f32 v16, v11;
	v11 =	vmul.f32 v11, v11;
	v16 =	vor.u32 s26, v48;
	v48 =	vld [tilespmem:$0x1FE40]  }
0xf0: {  	v53 =	vmul.f32 v24, v19;
	v19 =	vmul.f32 v19, v19;
	v1 =	vadd.f32 v7, v1;
	v7 =	vld [tilespmem:$0x10080]  }
0xf1: {  	v40 =	vmul.f32 v28, v23;
	v6 =	vadd.f32 $0.0e+00, v6;
	v3 =	vadd.f32 v11, v3;
	v11 =	vld [tilespmem:$0x10180]  }
0xf2: {  	v4 =	vadd.f32 v12, v4;
	v12 =	vor.u32 s26, v42;
	v42 =	vmul.f32 v23, v23;
	v23 =	vld [tilespmem:$0x10480]  }
0xf3: {  	v49 =	vmul.f32 v15, v15;
	v10 =	vadd.f32 $0.0e+00, v10;
	v6 =	vadd.f32 v14, v6;
	v14 =	vld.idx.msk [tilespmem:v35+s2+$0x0], $0xffff  }
0xf4: {  	v22 =	vor.u32 s26, v52;
	v2 =	vadd.f32 v9, v2;
	v3 =	vadd.f32 v19, v3;
	v19 =	vld [tilespmem:$0x10380]  }
0xf5: {  	v28 =	vor.u32 s26, v41;
	v5 =	vadd.f32 v46, v5;
	v10 =	vadd.f32 v44, v10;
	v44 =	vld [tilespmem:$0x1FE30]  }
0xf6: {  	v46 =	vmul.f32 v32, v27;
	v4 =	vadd.f32 v47, v4;
	v47 =	vmul.f32 v27, v27;
	v27 =	vld [tilespmem:$0x10400]  }
0xf7: {  	v52 =	vmul.f32 v31, v31;
	v2 =	vadd.f32 v51, v2;
	v51 =	vmul.f32 v36, v31;
	v31 =	vld [tilespmem:$0x10500]  }
0xf8: {  	v1 =	vadd.f32 v49, v1;
	v49 =	vmul.f32 v34, v29;
	v34 =	vld [tilespmem:$0x10580]  }
0xf9: {  	v16 =	vld.idx.msk [tilespmem:v16+s2+$0x0], $0xffff  }
0xfa: {  	v8 =	vadd.f32 $0.0e+00, v8;
	v22 =	vld.idx.msk [tilespmem:v22+s2+$0x0], $0xffff  }
0xfb: {  	v28 =	vld.idx.msk [tilespmem:v28+s2+$0x0], $0xffff  }
0xfc: {  	v8 =	vadd.f32 v43, v8;
	v43 =	vmul.f32 v30, v25;
	v30 =	vor.u32 s26, v48;
	v48 =	vld [tilespmem:$0x1FEC0]  }
0xfd: {  	v6 =	vadd.f32 v50, v6;
	v50 =	vld [tilespmem:$0x1FE50]  }
0xfe: {  	v8 =	vadd.f32 v53, v8;
	v53 =	vld [tilespmem:$0x1FE60]  }
0xff: {  	v35 =	vor.u32 s26, v45;
	v9 =	vadd.f32 v38, v10;
	v38 =	vld [tilespmem:$0x1FE80]  }
0x100: {  	v4 =	vadd.f32 v40, v4;
	v40 =	vld [tilespmem:$0x1FE90]  }
0x101: {  	v12 =	vld.idx.msk [tilespmem:v12+s2+$0x0], $0xffff  }
0x102: {  	v15 =	vor.u32 s26, v37;
	v37 =	vmul.f32 v20, v20;
	v11 =	vmul.f32 v11, v20;
	v20 =	vld [tilespmem:$0x10600]  }
0x103: {  	v8 =	vadd.f32 v46, v8;
	v46 =	vld [tilespmem:$0x1FEB0]  }
0x104: {  	v39 =	vmul.f32 v21, v21;
	v24 =	vld.idx.msk [tilespmem:v35+s2+$0x0], $0xffff  }
0x105: {  	v35 =	vld [tilespmem:$0x1FE70]  }
0x106: {  	v5 =	vadd.f32 v39, v5;
	v45 =	vmul.f32 v25, v25;
	v21 =	vor.u32 s26, v44;
	v44 =	vld [tilespmem:$0x1FEA0]  }
0x107: {  	v1 =	vadd.f32 v42, v1;
	v9 =	vadd.f32 v49, v9;
	v15 =	vld.idx.msk [tilespmem:v15+s2+$0x0], $0xffff  }
0x108: {  	v2 =	vadd.f32 v45, v2;
	v3 =	vadd.f32 v47, v3;
	v36 =	vmul.f32 v14, v14;
	v30 =	vld.idx.msk [tilespmem:v30+s2+$0x0], $0xffff  }
0x109: {  	v6 =	vadd.f32 v43, v6;
	v18 =	vmul.f32 v18, v14;
	v9 =	vadd.f32 v11, v9;
	v11 =	vld [tilespmem:$0x10680]  }
0x10a: {  	v1 =	vadd.f32 v52, v1;
	v45 =	vmul.f32 v19, v22;
	v3 =	vadd.f32 v36, v3;
	v36 =	vld [tilespmem:$0x1FEF0]  }
0x10b: {  	v43 =	vmul.f32 v26, v16;
	v8 =	vadd.f32 v18, v8;
	v18 =	vor.u32 s26, v40;
	v40 =	vld [tilespmem:$0x1FF10]  }
0x10c: {  	v25 =	vor.u32 s26, v50;
	v32 =	vor.u32 s26, v53;
	v9 =	vadd.f32 v45, v9;
	v45 =	vld [tilespmem:$0x1FF30]  }
0x10d: {  	v39 =	vmul.f32 v17, v12;
	v12 =	vmul.f32 v12, v12;
	v8 =	vadd.f32 v43, v8;
	v43 =	vld [tilespmem:$0x1FF20]  }
0x10e: {  	v7 =	vmul.f32 v7, v33;
	v21 =	vld.idx.msk [tilespmem:v21+s2+$0x0], $0xffff  }
0x10f: {  	v41 =	vadd.f32 v12, v1;
	v1 =	vmul.f32 v13, v24;
	v13 =	vld [tilespmem:$0x10780]  }
0x110: {  	v29 =	vmul.f32 v29, v29;
	v6 =	vadd.f32 v7, v6;
	v7 =	vmul.f32 v34, v30;
	v34 =	vld [tilespmem:$0x1FEE0]  }
0x111: {  	v14 =	vld.idx.msk [tilespmem:v25+s2+$0x0], $0xffff  }
0x112: {  	v5 =	vadd.f32 v29, v5;
	v29 =	vor.u32 s26, v35;
	v17 =	vld.idx.msk [tilespmem:v32+s2+$0x0], $0xffff  }
0x113: {  	v6 =	vadd.f32 v1, v6;
	v1 =	vmul.f32 v16, v16;
	v16 =	vld.idx.msk [tilespmem:v18+s2+$0x0], $0xffff  }
0x114: {  	v26 =	vor.u32 s26, v44;
	v18 =	vld [tilespmem:$0x10800]  }
0x115: {  	v33 =	vmul.f32 v33, v33;
	v4 =	vadd.f32 v51, v4;
	v25 =	vor.u32 s26, v38;
	v38 =	vld [tilespmem:$0x1FF00]  }
0x116: {  	v5 =	vadd.f32 v37, v5;
	v42 =	vmul.f32 v24, v24;
	v37 =	vadd.f32 v7, v9;
	v7 =	vld [tilespmem:$0x10980]  }
0x117: {  	v24 =	vor.u32 s26, v46;
	v47 =	vadd.f32 v1, v3;
	v1 =	vmul.f32 v22, v22;
	v12 =	vld.idx.msk [tilespmem:v29+s2+$0x0], $0xffff  }
0x118: {  	v2 =	vadd.f32 v33, v2;
	v4 =	vadd.f32 v39, v4;
	v3 =	vmul.f32 v27, v15;
	v29 =	vld [tilespmem:$0x10700]  }
0x119: {  	v49 =	vadd.f32 v1, v5;
	v1 =	vld.idx.msk [tilespmem:v26+s2+$0x0], $0xffff  }
0x11a: {  	v50 =	vmul.f32 v28, v28;
	v2 =	vadd.f32 v42, v2;
	v51 =	vadd.f32 v3, v4;
	v4 =	vld [tilespmem:$0x10880]  }
0x11b: {  	v3 =	vld [tilespmem:$0x1FED0]  }
0x11c: {  	v44 =	vor.u32 s26, v43;
	v5 =	vmul.f32 v23, v28;
	v23 =	vadd.f32 v50, v2;
	v2 =	vld.idx.msk [tilespmem:v24+s2+$0x0], $0xffff  }
0x11d: {  	v15 =	vmul.f32 v15, v15;
	v33 =	vmul.f32 v21, v21;
	v50 =	vld [tilespmem:$0x1FF50]  }
0x11e: {  	v35 =	vmul.f32 v30, v30;
	v22 =	vor.u32 s26, v48;
	v19 =	vld.idx.msk [tilespmem:v25+s2+$0x0], $0xffff  }
0x11f: {  	v10 =	vadd.f32 v15, v41;
	v25 =	vadd.f32 v33, v47;
	v42 =	vmul.f32 v14, v14;
	v47 =	vld [tilespmem:$0x1FF40]  }
0x120: {  	v27 =	vadd.f32 v35, v49;
	v35 =	vld [tilespmem:$0x1FF60]  }
0x121: {  	v20 =	vmul.f32 v20, v14;
	v46 =	vadd.f32 v42, v10;
	v10 =	vld.idx.msk [tilespmem:v44+s2+$0x0], $0xffff  }
0x122: {  	v53 =	vadd.f32 v5, v6;
	v5 =	vmul.f32 v31, v21;
	v42 =	vld [tilespmem:$0x1FF90]  }
0x123: {  	v26 =	vadd.f32 v20, v51;
	v20 =	vor.u32 s26, v45;
	v45 =	vld [tilespmem:$0x1FFD0]  }
0x124: {  	v39 =	vor.u32 s26, v38;
	v24 =	vadd.f32 v5, v8;
	v5 =	vld.idx.msk [tilespmem:v22+s2+$0x0], $0xffff  }
0x125: {  	v41 =	vor.u32 s26, v40;
	v8 =	vld [tilespmem:$0x10A00]  }
0x126: {  	v21 =	vor.u32 s26, v34;
	v22 =	vor.u32 s26, v36;
	v36 =	vld [tilespmem:$0x1FF70]  }
0x127: {  	v52 =	vor.u32 s26, v3;
	v3 =	vld [tilespmem:$0x10900]  }
0x128: {  	v11 =	vmul.f32 v11, v17;
	v51 =	vor.u32 s26, v50;
	v50 =	vld [tilespmem:$0x1FFB0]  }
0x129: {  	v40 =	vor.u32 s26, v0;
	v9 =	vld.idx.msk [tilespmem:v39+s2+$0x0], $0xffff  }
0x12a: {  	v32 =	vadd.f32 v11, v53;
	v53 =	vmul.f32 v13, v19;
	v13 =	vld.idx.msk [tilespmem:v41+s2+$0x0], $0xffff  }
0x12b: {  	v14 =	vld.idx.msk [tilespmem:v21+s2+$0x0], $0xffff  }
0x12c: {  	v48 =	vor.u32 s26, v47;
	v11 =	vld.idx.msk [tilespmem:v20+s2+$0x0], $0xffff  }
0x12d: {  	v33 =	vadd.f32 v53, v37;
	v37 =	vld [tilespmem:$0x1FF80]  }
0x12e: {  	v49 =	vmul.f32 v29, v12;
	v20 =	vld.idx.msk [tilespmem:v40+s2+$0x0], $0xffff  }
0x12f: {  	v17 =	vmul.f32 v17, v17;
	v28 =	vor.u32 s26, v35;
	v15 =	vld.idx.msk [tilespmem:v22+s2+$0x0], $0xffff  }
0x130: {  	v34 =	vadd.f32 v49, v24;
	v19 =	vmul.f32 v19, v19;
	v39 =	vmul.f32 v16, v16;
	v6 =	vld.idx.msk [tilespmem:v52+s2+$0x0], $0xffff  }
0x131: {  	v41 =	vmul.f32 v1, v1;
	v24 =	vor.u32 s26, v36;
	v52 =	vmul.f32 v12, v12;
	v12 =	vld.idx.msk [tilespmem:v48+s2+$0x0], $0xffff  }
0x132: {  	v17 =	vadd.f32 v17, v23;
	v47 =	vmul.f32 v2, v2;
	v1 =	vmul.f32 v4, v1;
	v48 =	vld [tilespmem:$0x1FFA0]  }
0x133: {  	v35 =	vmul.f32 v18, v16;
	v27 =	vadd.f32 v19, v27;
	v43 =	vor.u32 s26, v42;
	v16 =	vld.idx.msk [tilespmem:v51+s2+$0x0], $0xffff  }
0x134: {  	v21 =	vadd.f32 v39, v46;
	v29 =	vadd.f32 v41, v17;
	v36 =	vor.u32 s26, v62;
	v18 =	vld.idx.msk [tilespmem:v28+s2+$0x0], $0xffff  }
0x135: {  	v46 =	vor.u32 s26, v45;
	v40 =	vor.u32 s26, v56;
	v25 =	vadd.f32 v52, v25;
	v52 =	vld [tilespmem:$0x1FFC0]  }
0x136: {  	v49 =	vmul.f32 v5, v5;
	v26 =	vadd.f32 v35, v26;
	v2 =	vmul.f32 v3, v2;
	v17 =	vld.idx.msk [tilespmem:v24+s2+$0x0], $0xffff  }
0x137: {  	v44 =	vmul.f32 v14, v14;
	v38 =	vor.u32 s26, v37;
	v28 =	vor.u32 s26, v48;
	v48 =	vld [tilespmem:$0x1FFE0]  }
0x138: {  	v24 =	vor.u32 s26, v50;
	v25 =	vadd.f32 v47, v25;
	v47 =	vmul.f32 v15, v15;
	v50 =	vld [tilespmem:$0x1FFF0]  }
0x139: {  	v27 =	vadd.f32 v49, v27;
	v49 =	vmul.f32 v9, v9;
	v36 =	vld.idx.msk [tilespmem:v36+s2+$0x0], $0xffff;
	v51 =	vmul.f32 v6, v6  }
0x13a: {  	v29 =	vadd.f32 v44, v29;
	v44 =	vor.u32 s26, v60;
	v39 =	vadd.f32 v47, v25;
	v25 =	vld.idx.msk [tilespmem:v46+s2+$0x0], $0xffff  }
0x13b: {  	v2 =	vadd.f32 v2, v34;
	v53 =	vor.u32 s26, v52;
	v31 =	vadd.f32 v51, v21;
	v21 =	vld.idx.msk [tilespmem:v43+s2+$0x0], $0xffff  }
0x13c: {  	v30 =	vadd.f32 v49, v27;
	v41 =	vmul.f32 v11, v11;
	v19 =	vld.idx.msk [tilespmem:v38+s2+$0x0], $0xffff;
	v38 =	vor.u32 s26, v48  }
0x13d: {  	v49 =	vor.u32 s26, v59;
	v6 =	vmul.f32 v8, v6;
	v23 =	vld.idx.msk [tilespmem:v28+s2+$0x0], $0xffff;
	v28 =	vor.u32 s26, v50  }
0x13e: {  	v37 =	vor.u32 s26, v63;
	v51 =	vmul.f32 v13, v13;
	v52 =	vmul.f32 v10, v10;
	v22 =	vld.idx.msk [tilespmem:v24+s2+$0x0], $0xffff  }
0x13f: {  	v43 =	vmul.f32 v12, v12;
	v45 =	vmul.f32 v18, v18;
	v39 =	vadd.f32 v41, v39;
	v44 =	vld.idx.msk [tilespmem:v44+s2+$0x0], $0xffff  }
0x140: {  	v31 =	vadd.f32 v51, v31;
	v42 =	vadd.f32 v52, v29;
	v48 =	vor.u32 s26, v58;
	v24 =	vld.idx.msk [tilespmem:v53+s2+$0x0], $0xffff  }
0x141: {  	v43 =	vadd.f32 v43, v30;
	v50 =	vmul.f32 v16, v16;
	v53 =	vor.u32 s26, v57;
	v27 =	vld.idx.msk [tilespmem:v38+s2+$0x0], $0xffff  }
0x142: {  	v42 =	vadd.f32 v45, v42;
	v47 =	vmul.f32 v21, v21;
	v51 =	vmul.f32 v19, v19;
	v29 =	vld.idx.msk [tilespmem:v28+s2+$0x0], $0xffff  }
0x143: {  	v52 =	vmul.f32 v20, v20;
	v41 =	vadd.f32 v50, v31;
	v28 =	vld.idx.msk [tilespmem:v40+s2+$0x0], $0xffff;
	v40 =	vor.u32 s26, v61  }
0x144: {  	v46 =	vmul.f32 v17, v17;
	v42 =	vadd.f32 v47, v42;
	v43 =	vadd.f32 v51, v43;
	v38 =	vld.idx.msk [tilespmem:v49+s2+$0x0], $0xffff  }
0x145: {  	v41 =	vadd.f32 v52, v41;
	v52 =	vmul.f32 v25, v25;
	v31 =	vld.idx.msk [tilespmem:v48+s2+$0x0], $0xffff;
	v48 =	vmul.f32 v22, v22  }
0x146: {  	v6 =	vadd.f32 v6, v26;
	v39 =	vadd.f32 v46, v39;
	v30 =	vld.idx.msk [tilespmem:v53+s2+$0x0], $0xffff;
	v53 =	vmul.f32 v23, v23  }
0x147: {  	v37 =	vld.idx.msk [tilespmem:v37+s2+$0x0], $0xffff;
	v51 =	vmul.f32 v24, v24;
	v42 =	vadd.f32 v52, v42;
	v43 =	vadd.f32 v48, v43  }
0x148: {  	v39 =	vadd.f32 v53, v39;
	v40 =	vld.idx.msk [tilespmem:v40+s2+$0x0], $0xffff;
	v46 =	vmul.f32 v27, v27;
	v53 =	vmul.f32 v29, v29  }
0x149: {  	v50 =	vld [tilespmem:$0x10B00];
	v41 =	vadd.f32 v51, v41;
	v52 =	vmul.f32 v28, v28;
	v45 =	vmul.f32 v38, v38  }
0x14a: {  	v3 =	vld [tilespmem:$0x10E00];
	v39 =	vadd.f32 v46, v39;
	v43 =	vadd.f32 v53, v43;
	v53 =	vmul.f32 v31, v31  }
0x14b: {  	v8 =	vld [tilespmem:$0x11000];
	v49 =	vmul.f32 v30, v30;
	v41 =	vadd.f32 v52, v41;
	v46 =	vmul.f32 v44, v44  }
0x14c: {  	v26 =	vld [tilespmem:$0x11100];
	v39 =	vadd.f32 v53, v39;
	v43 =	vadd.f32 v45, v43;
	v45 =	vmul.f32 v36, v36  }
0x14d: {  	v47 =	vld [tilespmem:$0x10B80];
	v42 =	vadd.f32 v49, v42;
	v53 =	vmul.f32 v37, v37;
	v51 =	vmul.f32 v40, v40  }
0x14e: {  	v48 =	vld [tilespmem:$0x10A80];
	v15 =	vmul.f32 v50, v15;
	v4 =	vadd.f32 v46, v41;
	v39 =	vadd.f32 v45, v39  }
0x14f: {  	v50 =	vld [tilespmem:$0x10F80];
	v43 =	vadd.f32 v53, v43;
	v51 =	vadd.f32 v51, v42  }
0x150: {  	v2 =	vadd.f32 v15, v2;
	v15 =	vld [tilespmem:$0x11080]  }
0x151: {  	v52 =	vld [tilespmem:$0x10C80];
	v41 =	vadd.f32 v43, v39;
	v4 =	vadd.f32 v51, v4  }
0x152: {  	v5 =	vmul.f32 v7, v5;
	v49 =	vld [tilespmem:$0x10C00]  }
0x153: {  	v1 =	vadd.f32 v1, v32;
	v46 =	vmul.f32 v48, v14;
	v48 =	vld [tilespmem:$0x10F00];
	v4 =	vadd.f32 v41, v4  }
0x154: {  	v5 =	vadd.f32 v5, v33;
	v3 =	vmul.f32 v3, v16;
	v45 =	vld [tilespmem:$0x10D80]  }
0x155: {  	v9 =	vmul.f32 v47, v9;
	v1 =	vadd.f32 v46, v1;
	v42 =	vld [tilespmem:$0x10D00];
	v4 =	vmax.f32 v4, $1.000000000e-30  }
0x156: {  	v53 =	vmul.f32 v52, v10;
	v43 =	vld [tilespmem:$0x10E80];
	v51 =	vshrl.u32 v4, $0x1;
	v4 =	vmul.f32 $5.000000000e-01, v4  }
0x157: {  	v5 =	vadd.f32 v9, v5;
	v10 =	vld [tilespmem:$0x11180];
	v13 =	vmul.f32 v49, v13;
	v33 =	vsub.s32 $0x5F3759DF, v51  }
0x158: {  	v52 =	vmul.f32 v15, v21;
	v21 =	vld [tilespmem:$0x11500];
	v1 =	vadd.f32 v53, v1;
	v39 =	vmul.f32 v33, v4  }
0x159: {  	v47 =	vmul.f32 v48, v17;
	v53 =	vld [tilespmem:$0x11480];
	v6 =	vadd.f32 v13, v6;
	v41 =	vmul.f32 v45, v12  }
0x15a: {  	v13 =	vld [tilespmem:$0x11200];
	v11 =	vmul.f32 v42, v11;
	v46 =	vmul.f32 v33, v39  }
0x15b: {  	v48 =	vld [tilespmem:$0x11380];
	v3 =	vadd.f32 v3, v6;
	v43 =	vmul.f32 v43, v18;
	v5 =	vadd.f32 v41, v5  }
0x15c: {  	v7 =	vmul.f32 v50, v19;
	v42 =	vld [tilespmem:$0x11280];
	v2 =	vadd.f32 v11, v2;
	v50 =	vsub.f32 $1.500000000e+00, v46  }
0x15d: {  	v45 =	vld [tilespmem:$0x11300];
	v1 =	vadd.f32 v43, v1;
	v51 =	vmul.f32 v8, v20;
	v20 =	vmul.f32 v26, v23  }
0x15e: {  	v49 =	vld [tilespmem:$0x11400];
	v5 =	vadd.f32 v7, v5;
	v23 =	vmul.f32 v10, v22;
	v14 =	vmul.f32 v33, v50  }
0x15f: {  	v41 =	vld [tilespmem:$0x11680];
	v32 =	vmul.f32 v13, v24;
	v2 =	vadd.f32 v47, v2;
	v47 =	vmul.f32 v53, v30  }
0x160: {  	v26 =	vld [tilespmem:$0x11580];
	v3 =	vadd.f32 v51, v3;
	v1 =	vadd.f32 v52, v1;
	v34 =	vmul.f32 v14, v4  }
0x161: {  	v43 =	vld [tilespmem:$0x11700];
	v5 =	vadd.f32 v23, v5;
	v35 =	vmul.f32 v42, v25;
	v42 =	vmul.f32 v48, v29  }
0x162: {  	v2 =	vadd.f32 v20, v2;
	v39 =	vmul.f32 v45, v27;
	v46 =	vld [tilespmem:$0x11780];
	v13 =	vmul.f32 v34, v14  }
0x163: {  	v45 =	vmul.f32 v49, v28;
	v49 =	vmul.f32 v21, v31;
	v3 =	vadd.f32 v32, v3;
	v33 =	vld [tilespmem:$0x11600]  }
0x164: {  	v52 =	vmul.f32 v41, v40;
	v1 =	vadd.f32 v35, v1;
	v48 =	vsub.f32 $1.500000000e+00, v13  }
0x165: {  	v5 =	vadd.f32 v42, v5;
	v2 =	vadd.f32 v39, v2;
	v8 =	vmul.f32 v26, v38  }
0x166: {  	v9 =	vmul.f32 v43, v36;
	v3 =	vadd.f32 v45, v3;
	v51 =	vmul.f32 v48, v14  }
0x167: {  	v2 =	vadd.f32 v49, v2;
	v5 =	vadd.f32 v8, v5;
	v53 =	vmul.f32 v46, v37  }
0x168: {  	v1 =	vadd.f32 v47, v1;
	v50 =	vmul.f32 v33, v44;
	v4 =	vmul.f32 v51, v4  }
0x169: {  	v2 =	vadd.f32 v9, v2;
	v5 =	vadd.f32 v53, v5  }
0x16a: {  	v1 =	vadd.f32 v52, v1;
	v3 =	vadd.f32 v50, v3;
	v4 =	vmul.f32 v4, v51  }
0x16b: {  	v2 =	vadd.f32 v5, v2  }
0x16c: {  	v1 =	vadd.f32 v1, v3;
	v3 =	vsub.f32 $1.500000000e+00, v4;
	_ =	sdelay $0x1  }
0x16d: {  	v1 =	vadd.f32 v2, v1;
	v2 =	vmul.f32 v3, v51;
	_ =	sdelay $0x1  }
0x16e: {  	v1 =	vmul.f32 v2, v1;
	_ =	sdelay $0x1  }
0x16f: {  	(xrf0) =	vmax.scan.msk.f32 $0xffff, v1;
	_ =	sdelay $0x5  }
0x170: {  	v3, _, _ =	vpop (xrf0)  }
0x171: {  	(v2sf) =	vpush v3, $0xF;
	_ =	sdelay $0xc  }
0x172: {  	s29 =	sld [smem:$0x2];
	_ =	sdelay $0x1  }
0x173: {  	s31 =	spop (v2sf)  }
0x174: {  	p0 =	sgt.f32 s31, s29  }
.Ltmp6:
0x175: {  	_ = 	snop;
	(pc) =	sbr.rel @!p0 .LBB2_5-.Ltmp6, $2  }
0x176: {  	_ =	sdelay $0x2  }
0x177: {  	v2 =	vor.u32 $0x80000000, v54  }
0x178: {  	v3 =	vbroadcast v3, $0xF;
	_ =	sdelay $0x1  }
0x179: {  	vm3 =	veq.f32 v1, v3  }
0x17a: {  	v3 =	vnsel vm3, $0xC0000000, v2  }
0x17b: {  	(xrf0) =	vmin.scan.msk.u32 $0xffff, v3;
	_ =	sdelay $0x5  }
0x17c: {  	v3, _, _ =	vpop (xrf0)  }
0x17d: {  	(v2sf) =	vpush v3, $0xF;
	_ =	sdelay $0xe  }
0x17e: {  	s29 =	spop (v2sf)  }
0x17f: {  	s30 =	sxor.u32 $0x80000000, s29  }
0x180: {  	v3 =	vmov s30  }
0x181: {  	vm3 =	veq.s32 v3, v54  }
0x182: {  	v1 =	vsel vm3, $0xFF800000, v1  }
0x183: {  	(xrf0) =	vmax.scan.msk.f32 $0xffff, v1;
	_ =	sdelay $0x5  }
0x184: {  	v3, _, _ =	vpop (xrf0)  }
0x185: {  	v4 =	vbroadcast v3, $0xF;
	_ =	sdelay $0x1  }
0x186: {  	vm3 =	veq.f32 v1, v4  }
0x187: {  	v4 =	vnsel vm3, $0xC0000000, v2  }
0x188: {  	(xrf0) =	vmin.scan.msk.u32 $0xffff, v4;
	_ =	sdelay $0x5  }
0x189: {  	(v2sf) =	vpush v3, $0xF;
	v3, _, _ =	vpop (xrf0)  }
0x18a: {  	(v2sf) =	vpush v3, $0xF;
	_ =	sdelay $0xd  }
0x18b: {  	s30 =	spop (v2sf)  }
0x18c: {  	s4 =	sld [smem:$0x0];
	s0 =	spop (v2sf)  }
0x18d: {  	s5 =	sld [smem:$0x80];
	s13 =	sxor.u32 $0x80000000, s0  }
0x18e: {  	v3 =	vmov s13;
	s13 =	sld [smem:$0x1]  }
0x18f: {  	s20 =	sld [smem:$0x81];
	p0 =	seq.f32 s31, s4;
	s29 =	sadd.s32 s28, s29  }
0x190: {  	p2 =	sgt.f32 s31, s4;
	p1 =	slt.s32 s29, s5  }
0x191: {  	s1 =	smov.u32 s4;
	p0 =	por !p0, !p1;
	vm3 =	veq.s32 v3, v54;
	p5 =	seq.f32 s31, s13  }
0x192: {  	s19 =	smov.u32 s5;
	p3 =	slt.s32 s29, s20;
	p0 =	por !p0, !p0;
	v1 =	vsel vm3, $0xFF800000, v1  }
0x193: {  	p0 =	por p2, p0;
	(xrf0) =	vmax.scan.msk.f32 $0xffff, v1;
	p6 =	sgt.f32 s31, s13;
	p1 =	por !p5, !p3  }
0x194: {  	s1 =	smov.u32 @p0 s31;
	s19 =	smov.u32 @p0 s29;
	p1 =	por !p1, !p1  }
0x195: {  	[smem:$0x0] =	sst s1;
	s1 =	smov.u32 s13;
	p1 =	por p6, p1  }
0x196: {  	[smem:$0x80] =	sst s19;
	s19 =	smov.u32 s20;
	s1 =	smov.u32 @p1 s31  }
0x197: {  	s19 =	smov.u32 @p1 s29;
	s1 =	smov.u32 @p0 s4  }
0x198: {  	s19 =	smov.u32 @p0 s5;
	[smem:$0x1] =	sst s1  }
0x199: {  	s31 =	smov.u32 @p1 s13;
	v3, _, _ =	vpop (xrf0);
	[smem:$0x81] =	sst s19  }
0x19a: {  	s29 =	smov.u32 @p1 s20;
	v53 =	vbroadcast v3, $0xF;
	[smem:$0x2] =	sst s31  }
0x19b: {  	[smem:$0x82] =	sst s29  }
0x19c: {  	vm3 =	veq.f32 v1, v53;
	s1 =	sld [smem:$0x0]  }
0x19d: {  	v1 =	vnsel vm3, $0xC0000000, v2;
	s4 =	sld [smem:$0x1]  }
0x19e: {  	(xrf0) =	vmin.scan.msk.u32 $0xffff, v1;
	s5 =	sld [smem:$0x80]  }
0x19f: {  	s13 =	sld [smem:$0x81]  }
0x1a0: {  	s0 =	sadd.s32 s28, s0  }
0x1a1: {  	s19 =	sld [smem:$0x2];
	p1 =	seq.f32 s30, s1;
	p2 =	slt.s32 s0, s5  }
0x1a2: {  	p3 =	seq.f32 s30, s4;
	p5 =	sgt.f32 s30, s1;
	p6 =	slt.s32 s0, s13  }
0x1a3: {  	p4 =	sgt.f32 s30, s4;
	s20 =	smov.u32 s1;
	p0 =	por !p1, !p2  }
0x1a4: {  	(v2sf) =	vpush v3, $0xF;
	s31 =	smov.u32 s5;
	p2 =	por !p3, !p6;
	v1, _, _ =	vpop (xrf0);
	p0 =	por !p0, !p0  }
0x1a5: {  	p6 =	slt.s32 s0, s29;
	p3 =	por !p2, !p2;
	(v2sf) =	vpush v1, $0xF;
	p1 =	por p5, p0  }
0x1a6: {  	p2 =	sgt.f32 s30, s19;
	p5 =	seq.f32 s30, s19;
	s20 =	smov.u32 @p1 s30  }
0x1a7: {  	p0 =	por p4, p3;
	s31 =	smov.u32 @p1 s0;
	[smem:$0x0] =	sst s20  }
0x1a8: {  	s20 =	smov.u32 s4;
	p3 =	por !p6, !p5;
	[smem:$0x80] =	sst s31  }
0x1a9: {  	s20 =	smov.u32 @p0 s30;
	s31 =	smov.u32 s13;
	p3 =	por !p3, !p3  }
0x1aa: {  	s20 =	smov.u32 @p1 s1;
	s31 =	smov.u32 @p0 s0;
	p2 =	por p2, p3  }
0x1ab: {  	[smem:$0x1] =	sst s20;
	s31 =	smov.u32 @p1 s5;
	s19 =	smov.u32 @p2 s30  }
0x1ac: {  	s29 =	smov.u32 @p2 s0;
	[smem:$0x81] =	sst s31;
	s19 =	smov.u32 @p0 s4  }
0x1ad: {  	s29 =	smov.u32 @p0 s13;
	[smem:$0x2] =	sst s19  }
0x1ae: {  	[smem:$0x82] =	sst s29  }
0x1af: {  	s0 =	sld [smem:$0x0]  }
0x1b0: {  	s1 =	sld [smem:$0x1]  }
0x1b1: {  	s5 =	sld [smem:$0x80]  }
0x1b2: {  	s19 =	sld [smem:$0x81]  }
0x1b3: {  	s4 =	spop (v2sf);
	s20 =	sld [smem:$0x2]  }
0x1b4: {  	p1 =	seq.f32 s4, s0;
	s31 =	spop (v2sf)  }
0x1b5: {  	p3 =	seq.f32 s4, s1;
	p4 =	sgt.f32 s4, s0;
	s13 =	sadd.s32 s28, s31  }
0x1b6: {  	p6 =	sgt.f32 s4, s1;
	s30 =	smov.u32 s0;
	p2 =	slt.s32 s13, s5  }
0x1b7: {  	s31 =	smov.u32 s5;
	p5 =	slt.s32 s13, s19;
	p0 =	por !p1, !p2  }
0x1b8: {  	p2 =	por !p3, !p5;
	p5 =	seq.f32 s4, s20;
	p0 =	por !p0, !p0  }
0x1b9: {  	p3 =	por !p2, !p2;
	p2 =	sgt.f32 s4, s20;
	p1 =	por p4, p0  }
0x1ba: {  	p0 =	por p6, p3;
	p6 =	slt.s32 s13, s29;
	s30 =	smov.u32 @p1 s4  }
0x1bb: {  	s31 =	smov.u32 @p1 s13;
	p3 =	por !p6, !p5;
	[smem:$0x0] =	sst s30  }
0x1bc: {  	s30 =	smov.u32 s1;
	p3 =	por !p3, !p3;
	[smem:$0x80] =	sst s31  }
0x1bd: {  	s30 =	smov.u32 @p0 s4;
	s31 =	smov.u32 s19;
	p2 =	por p2, p3  }
.Ltmp7:
0x1be: {  	s30 =	smov.u32 @p1 s0;
	s31 =	smov.u32 @p0 s13;
	(pc) =	sbr.rel .LBB2_5-.Ltmp7, $4  }
0x1bf: {  	s20 =	smov.u32 @p2 s4;
	[smem:$0x1] =	sst s30;
	s31 =	smov.u32 @p1 s5  }
0x1c0: {  	s29 =	smov.u32 @p2 s13;
	s20 =	smov.u32 @p0 s1;
	[smem:$0x81] =	sst s31  }
0x1c1: {  	s29 =	smov.u32 @p0 s19;
	[smem:$0x2] =	sst s20  }
0x1c2: {  	[smem:$0x82] =	sst s29  }
.LBB2_6:
0x1c3: {  	p0 =	seq.s32 s24, $0xF  }
.Ltmp8:
0x1c4: {  	s0 =	sadd.s32 @!p0 s25, s7;
	(pc) =	sbr.rel .LBB2_7-.Ltmp8, $4  }
0x1c5: {  	_ =	swait.ge [sflag:s18], $0x7C00;
	s26 =	smov.u32 s22;
	s0 =	sshll.u32 @!p0 s0, $0x3  }
0x1c6: {  	[sflag:s18] =	ssyncset.done $0x0;
	s1 =	simm.s32 @!p0 $0x0;
	s0 =	sand.u32 @!p0 $0x1FFFFF00, s0  }
0x1c7: {  	s25 =	simm.s32 $0x0;
	[sflag:s18] =	ssyncadd.s32 $0xFFFF8400;
	s0 =	sadd.s32 @!p0 s3, s0  }
0x1c8: {  	[tilespmem:s1], [sflag:$0x1] =	stream.linear.gather @!p0 [hbm4b:s0+s1], $0x7C00, $0x38;
	[tilespmem:$0x11900] =	vst v63  }
.LBB2_9:
0x1c9: {  	s25 =	sadd.s32 $0x400, s25  }
0x1ca: {  	p0 =	sne.s32 s25, $0x7C00  }
.Ltmp9:
0x1cb: {  	_ = 	snop;
	(pc) =	sbr.rel @!p0 .LBB2_10-.Ltmp9, $2  }
0x1cc: {  	_ =	sdelay $0x2  }
0x1cd: {  	s26 =	sadd.s32 $0x10, s26  }
.LBB2_7:
0x1ce: {  	v3 =	vld [tilespmem:$0x1FCA0]  }
0x1cf: {  	v4 =	vld [tilespmem:$0x1FCB0]  }
0x1d0: {  	v5 =	vld [tilespmem:$0xF800]  }
0x1d1: {  	v6 =	vld [tilespmem:$0x1FCC0]  }
0x1d2: {  	v7 =	vld [tilespmem:$0xF880]  }
0x1d3: {  	v8 =	vld [tilespmem:$0x1FCD0]  }
0x1d4: {  	v9 =	vld [tilespmem:$0xF900]  }
0x1d5: {  	v10 =	vld [tilespmem:$0x1FCE0]  }
0x1d6: {  	v11 =	vld [tilespmem:$0xF980]  }
0x1d7: {  	v12 =	vld [tilespmem:$0x1FCF0]  }
0x1d8: {  	v13 =	vld [tilespmem:$0xFA00]  }
0x1d9: {  	v14 =	vld [tilespmem:$0x1FD00]  }
0x1da: {  	v15 =	vld [tilespmem:$0xFA80]  }
0x1db: {  	v16 =	vld [tilespmem:$0x1FD10]  }
0x1dc: {  	v17 =	vld [tilespmem:$0xFB00]  }
0x1dd: {  	v18 =	vld [tilespmem:$0x1FD20]  }
0x1de: {  	v19 =	vld [tilespmem:$0xFB80]  }
0x1df: {  	v20 =	vld [tilespmem:$0x1FD30]  }
0x1e0: {  	v21 =	vld [tilespmem:$0xFC00]  }
0x1e1: {  	v22 =	vld [tilespmem:$0x1FD40]  }
0x1e2: {  	v23 =	vld [tilespmem:$0xFC80]  }
0x1e3: {  	v24 =	vld [tilespmem:$0x1FD50]  }
0x1e4: {  	v25 =	vld [tilespmem:$0xFD00]  }
0x1e5: {  	v26 =	vld [tilespmem:$0x1FD60]  }
0x1e6: {  	v27 =	vld [tilespmem:$0xFD80]  }
0x1e7: {  	v28 =	vld [tilespmem:$0x1FD70]  }
0x1e8: {  	v29 =	vld [tilespmem:$0xFE00]  }
0x1e9: {  	v30 =	vld [tilespmem:$0x1FD80]  }
0x1ea: {  	v31 =	vld [tilespmem:$0xFE80]  }
0x1eb: {  	v32 =	vld [tilespmem:$0x1FD90]  }
0x1ec: {  	v33 =	vld [tilespmem:$0xFF00]  }
0x1ed: {  	v34 =	vld [tilespmem:$0x1FDA0]  }
0x1ee: {  	v35 =	vld [tilespmem:$0xFF80]  }
0x1ef: {  	v36 =	vld [tilespmem:$0x1FDB0]  }
0x1f0: {  	v37 =	vld [tilespmem:$0x10000]  }
0x1f1: {  	v38 =	vld [tilespmem:$0x1FDC0]  }
0x1f2: {  	v1 =	vor.u32 s25, v55;
	v43 =	vld [tilespmem:$0x1FDD0]  }
0x1f3: {  	v46 =	vld [tilespmem:$0x1FDE0];
	v3 =	vor.u32 s25, v3  }
0x1f4: {  	v49 =	vld [tilespmem:$0x1FDF0];
	v4 =	vor.u32 s25, v4  }
0x1f5: {  	v53 =	vld [tilespmem:$0x1FE00];
	v6 =	vor.u32 s25, v6  }
0x1f6: {  	v41 =	vld [tilespmem:$0x1FE20];
	v8 =	vor.u32 s25, v8  }
0x1f7: {  	v1 =	vld.idx.msk [tilespmem:v1+s17+$0x0], $0xffff;
	v10 =	vor.u32 s25, v10  }
0x1f8: {  	v12 =	vor.u32 s25, v12;
	v3 =	vld.idx.msk [tilespmem:v3+s17+$0x0], $0xffff  }
0x1f9: {  	v14 =	vor.u32 s25, v14;
	v4 =	vld.idx.msk [tilespmem:v4+s17+$0x0], $0xffff  }
0x1fa: {  	v16 =	vor.u32 s25, v16;
	v6 =	vld.idx.msk [tilespmem:v6+s17+$0x0], $0xffff  }
0x1fb: {  	v18 =	vor.u32 s25, v18;
	v8 =	vld.idx.msk [tilespmem:v8+s17+$0x0], $0xffff  }
0x1fc: {  	v20 =	vor.u32 s25, v20;
	v10 =	vld.idx.msk [tilespmem:v10+s17+$0x0], $0xffff  }
0x1fd: {  	v22 =	vor.u32 s25, v22;
	v12 =	vld.idx.msk [tilespmem:v12+s17+$0x0], $0xffff  }
0x1fe: {  	v24 =	vor.u32 s25, v24;
	v14 =	vld.idx.msk [tilespmem:v14+s17+$0x0], $0xffff  }
0x1ff: {  	v26 =	vor.u32 s25, v26;
	v16 =	vld.idx.msk [tilespmem:v16+s17+$0x0], $0xffff  }
0x200: {  	v28 =	vor.u32 s25, v28;
	v18 =	vld.idx.msk [tilespmem:v18+s17+$0x0], $0xffff  }
0x201: {  	v30 =	vor.u32 s25, v30;
	v20 =	vld.idx.msk [tilespmem:v20+s17+$0x0], $0xffff  }
0x202: {  	v32 =	vor.u32 s25, v32;
	v22 =	vld.idx.msk [tilespmem:v22+s17+$0x0], $0xffff  }
0x203: {  	v34 =	vor.u32 s25, v34;
	v24 =	vld.idx.msk [tilespmem:v24+s17+$0x0], $0xffff  }
0x204: {  	v26 =	vld.idx.msk [tilespmem:v26+s17+$0x0], $0xffff  }
0x205: {  	v38 =	vor.u32 s25, v38;
	v5 =	vmul.f32 v5, v1;
	v28 =	vld.idx.msk [tilespmem:v28+s17+$0x0], $0xffff;
	v1 =	vmul.f32 v1, v1  }
0x206: {  	v30 =	vld.idx.msk [tilespmem:v30+s17+$0x0], $0xffff;
	v7 =	vmul.f32 v7, v3;
	v9 =	vmul.f32 v9, v4  }
0x207: {  	v32 =	vld.idx.msk [tilespmem:v32+s17+$0x0], $0xffff;
	v3 =	vmul.f32 v3, v3;
	v4 =	vmul.f32 v4, v4  }
0x208: {  	v34 =	vld.idx.msk [tilespmem:v34+s17+$0x0], $0xffff;
	v11 =	vmul.f32 v11, v6;
	v6 =	vmul.f32 v6, v6  }
0x209: {  	v13 =	vmul.f32 v13, v8;
	v45 =	vmul.f32 v19, v14;
	v19 =	vld [tilespmem:$0x10100]  }
0x20a: {  	v8 =	vmul.f32 v8, v8;
	v48 =	vmul.f32 v21, v16;
	v21 =	vld.idx.msk [tilespmem:v38+s17+$0x0], $0xffff  }
0x20b: {  	v51 =	vmul.f32 v23, v18;
	v52 =	vmul.f32 v18, v18;
	v18 =	vld [tilespmem:$0x10200]  }
0x20c: {  	v36 =	vor.u32 s25, v36;
	v15 =	vmul.f32 v15, v10;
	v47 =	vmul.f32 v14, v14;
	v14 =	vld [tilespmem:$0x10280]  }
0x20d: {  	v5 =	vadd.f32 $0.0e+00, v5;
	v44 =	vmul.f32 v17, v12;
	v38 =	vmul.f32 v27, v22;
	v27 =	vld [tilespmem:$0x10300]  }
0x20e: {  	v12 =	vmul.f32 v12, v12;
	v17 =	vor.u32 s25, v49;
	v49 =	vmul.f32 v35, v30;
	v35 =	vld [tilespmem:$0x1FE70]  }
0x20f: {  	v10 =	vmul.f32 v10, v10;
	v7 =	vadd.f32 $0.0e+00, v7;
	v1 =	vadd.f32 v8, v1;
	v8 =	vld [tilespmem:$0x10080]  }
0x210: {  	v54 =	vmul.f32 v25, v20;
	v20 =	vmul.f32 v20, v20;
	v4 =	vadd.f32 v12, v4;
	v12 =	vld [tilespmem:$0x10180]  }
0x211: {  	v50 =	vmul.f32 v16, v16;
	v9 =	vadd.f32 $0.0e+00, v9;
	v7 =	vadd.f32 v15, v7;
	v15 =	vld.idx.msk [tilespmem:v36+s17+$0x0], $0xffff  }
0x212: {  	v23 =	vor.u32 s25, v53;
	v5 =	vadd.f32 v13, v5;
	v4 =	vadd.f32 v20, v4;
	v20 =	vld [tilespmem:$0x10380]  }
0x213: {  	v40 =	vmul.f32 v29, v24;
	v6 =	vadd.f32 v47, v6;
	v9 =	vadd.f32 v44, v9;
	v44 =	vld [tilespmem:$0x1FE30]  }
0x214: {  	v47 =	vmul.f32 v28, v28;
	v36 =	vor.u32 s25, v46;
	v46 =	vmul.f32 v33, v28;
	v28 =	vld [tilespmem:$0x10400]  }
0x215: {  	v29 =	vor.u32 s25, v41;
	v3 =	vadd.f32 v10, v3;
	v5 =	vadd.f32 v48, v5;
	v48 =	vld [tilespmem:$0x1FE40]  }
0x216: {  	v1 =	vadd.f32 v50, v1;
	v50 =	vld [tilespmem:$0x10480]  }
0x217: {  	v53 =	vmul.f32 v32, v32;
	v3 =	vadd.f32 v52, v3;
	v52 =	vmul.f32 v37, v32;
	v32 =	vld [tilespmem:$0x10500]  }
0x218: {  	v17 =	vld.idx.msk [tilespmem:v17+s17+$0x0], $0xffff  }
0x219: {  	v11 =	vadd.f32 $0.0e+00, v11;
	v23 =	vld.idx.msk [tilespmem:v23+s17+$0x0], $0xffff  }
0x21a: {  	v13 =	vor.u32 s25, v43;
	v29 =	vld.idx.msk [tilespmem:v29+s17+$0x0], $0xffff  }
0x21b: {  	v11 =	vadd.f32 v45, v11;
	v7 =	vadd.f32 v51, v7;
	v51 =	vld [tilespmem:$0x1FE50]  }
0x21c: {  	v9 =	vadd.f32 v54, v9;
	v54 =	vld [tilespmem:$0x1FE60]  }
0x21d: {  	v10 =	vadd.f32 v38, v11;
	v38 =	vld [tilespmem:$0x1FE80]  }
0x21e: {  	v5 =	vadd.f32 v40, v5;
	v40 =	vld [tilespmem:$0x1FE90]  }
0x21f: {  	v39 =	vmul.f32 v22, v22;
	v45 =	vmul.f32 v26, v26;
	v13 =	vld.idx.msk [tilespmem:v13+s17+$0x0], $0xffff  }
0x220: {  	v37 =	vmul.f32 v21, v21;
	v12 =	vmul.f32 v12, v21;
	v21 =	vld [tilespmem:$0x10600]  }
0x221: {  	v42 =	vmul.f32 v24, v24;
	v30 =	vmul.f32 v30, v30;
	v25 =	vld.idx.msk [tilespmem:v36+s17+$0x0], $0xffff  }
0x222: {  	v43 =	vmul.f32 v31, v26;
	v6 =	vadd.f32 v39, v6;
	v3 =	vadd.f32 v45, v3;
	v36 =	vld [tilespmem:$0x1FE10]  }
0x223: {  	v8 =	vmul.f32 v8, v34;
	v34 =	vmul.f32 v34, v34;
	v22 =	vor.u32 s25, v44;
	v44 =	vld [tilespmem:$0x1FEA0]  }
0x224: {  	v6 =	vadd.f32 v30, v6;
	v7 =	vadd.f32 v43, v7;
	v31 =	vor.u32 s25, v48;
	v48 =	vld [tilespmem:$0x1FEC0]  }
0x225: {  	v30 =	vor.u32 s25, v35;
	v10 =	vadd.f32 v49, v10;
	v3 =	vadd.f32 v34, v3;
	v34 =	vld [tilespmem:$0x1FEE0]  }
0x226: {  	v1 =	vadd.f32 v42, v1;
	v7 =	vadd.f32 v8, v7;
	v8 =	vld [tilespmem:$0x10580]  }
0x227: {  	v10 =	vadd.f32 v12, v10;
	v12 =	vld [tilespmem:$0x10680]  }
0x228: {  	v1 =	vadd.f32 v53, v1;
	v39 =	vmul.f32 v18, v13;
	v13 =	vmul.f32 v13, v13;
	v22 =	vld.idx.msk [tilespmem:v22+s17+$0x0], $0xffff  }
0x229: {  	v9 =	vadd.f32 v46, v9;
	v19 =	vmul.f32 v19, v15;
	v26 =	vor.u32 s25, v51;
	v31 =	vld.idx.msk [tilespmem:v31+s17+$0x0], $0xffff  }
0x22a: {  	v33 =	vor.u32 s25, v54;
	v1 =	vadd.f32 v13, v1;
	v13 =	vld.idx.msk [tilespmem:v30+s17+$0x0], $0xffff  }
0x22b: {  	v5 =	vadd.f32 v52, v5;
	v9 =	vadd.f32 v19, v9;
	v30 =	vld [tilespmem:$0x10700]  }
0x22c: {  	v19 =	vor.u32 s25, v40;
	v41 =	vmul.f32 v14, v25;
	v42 =	vmul.f32 v25, v25;
	v25 =	vld [tilespmem:$0x10780]  }
0x22d: {  	v5 =	vadd.f32 v39, v5;
	v39 =	vld [tilespmem:$0x1FF00]  }
0x22e: {  	v16 =	vor.u32 s25, v36;
	v36 =	vmul.f32 v15, v15;
	v15 =	vld.idx.msk [tilespmem:v26+s17+$0x0], $0xffff  }
0x22f: {  	v18 =	vld.idx.msk [tilespmem:v33+s17+$0x0], $0xffff  }
0x230: {  	v14 =	vadd.f32 v42, v3;
	v3 =	vld [tilespmem:$0x1FEB0]  }
0x231: {  	v4 =	vadd.f32 v47, v4;
	v43 =	vmul.f32 v27, v17;
	v45 =	vmul.f32 v17, v17;
	v17 =	vld.idx.msk [tilespmem:v19+s17+$0x0], $0xffff  }
0x232: {  	v19 =	vld [tilespmem:$0x10800]  }
0x233: {  	v26 =	vor.u32 s25, v38;
	v4 =	vadd.f32 v36, v4;
	v36 =	vld [tilespmem:$0x1FEF0]  }
0x234: {  	v50 =	vmul.f32 v50, v29;
	v7 =	vadd.f32 v41, v7;
	v42 =	vld [tilespmem:$0x1FF10]  }
0x235: {  	v11 =	vadd.f32 v45, v4;
	v45 =	vld [tilespmem:$0x1FF20]  }
0x236: {  	v46 =	vmul.f32 v20, v23;
	v27 =	vor.u32 s25, v44;
	v54 =	vadd.f32 v50, v7;
	v50 =	vld [tilespmem:$0x1FF40]  }
0x237: {  	v6 =	vadd.f32 v37, v6;
	v51 =	vmul.f32 v29, v29;
	v16 =	vld.idx.msk [tilespmem:v16+s17+$0x0], $0xffff;
	v24 =	vmul.f32 v32, v22  }
0x238: {  	v32 =	vmul.f32 v22, v22;
	v22 =	vor.u32 s25, v34;
	v40 =	vor.u32 s25, v39;
	v20 =	vld.idx.msk [tilespmem:v26+s17+$0x0], $0xffff  }
0x239: {  	v47 =	vor.u32 s25, v3;
	v3 =	vmul.f32 v23, v23;
	v23 =	vor.u32 s25, v48;
	v48 =	vld [tilespmem:$0x1FF30]  }
0x23a: {  	v10 =	vadd.f32 v46, v10;
	v9 =	vadd.f32 v43, v9;
	v43 =	vor.u32 s25, v42;
	v42 =	vld [tilespmem:$0x1FF60]  }
0x23b: {  	v14 =	vadd.f32 v51, v14;
	v49 =	vadd.f32 v3, v6;
	v3 =	vld.idx.msk [tilespmem:v27+s17+$0x0], $0xffff  }
0x23c: {  	v8 =	vmul.f32 v8, v31;
	v41 =	vmul.f32 v21, v15;
	v51 =	vor.u32 s25, v50;
	v50 =	vld [tilespmem:$0x1FFA0]  }
0x23d: {  	v44 =	vmul.f32 v15, v15;
	v4 =	vmul.f32 v28, v16;
	v15 =	vld.idx.msk [tilespmem:v22+s17+$0x0], $0xffff  }
0x23e: {  	v38 =	vadd.f32 v8, v10;
	v46 =	vor.u32 s25, v45;
	v16 =	vmul.f32 v16, v16;
	v10 =	vld.idx.msk [tilespmem:v40+s17+$0x0], $0xffff  }
0x23f: {  	v52 =	vadd.f32 v4, v5;
	v5 =	vld [tilespmem:$0x10880]  }
0x240: {  	v16 =	vadd.f32 v16, v1;
	v1 =	vld [tilespmem:$0x1FED0]  }
0x241: {  	v4 =	vld [tilespmem:$0x10900]  }
0x242: {  	v6 =	vld.idx.msk [tilespmem:v23+s17+$0x0], $0xffff  }
0x243: {  	v37 =	vadd.f32 v32, v11;
	v11 =	vld.idx.msk [tilespmem:v46+s17+$0x0], $0xffff  }
0x244: {  	v40 =	vmul.f32 v13, v13;
	v27 =	vadd.f32 v41, v52;
	v52 =	vmul.f32 v30, v13;
	v13 =	vld.idx.msk [tilespmem:v51+s17+$0x0], $0xffff  }
0x245: {  	v23 =	vor.u32 s25, v36;
	v53 =	vor.u32 s25, v1;
	v1 =	vld.idx.msk [tilespmem:v47+s17+$0x0], $0xffff;
	v47 =	vmul.f32 v18, v18  }
0x246: {  	v46 =	vld [tilespmem:$0x1FF90]  }
0x247: {  	v29 =	vadd.f32 v47, v14;
	v14 =	vld.idx.msk [tilespmem:v43+s17+$0x0], $0xffff  }
0x248: {  	v35 =	vmul.f32 v31, v31;
	v21 =	vor.u32 s25, v42;
	v43 =	vld [tilespmem:$0x1FF70]  }
0x249: {  	v12 =	vmul.f32 v12, v18;
	v18 =	vor.u32 s25, v48;
	v47 =	vld [tilespmem:$0x1FF80]  }
0x24a: {  	v28 =	vadd.f32 v35, v49;
	v49 =	vadd.f32 v44, v16;
	v16 =	vld.idx.msk [tilespmem:v23+s17+$0x0], $0xffff  }
0x24b: {  	v24 =	vadd.f32 v24, v9;
	v7 =	vld.idx.msk [tilespmem:v53+s17+$0x0], $0xffff  }
0x24c: {  	v53 =	vld [tilespmem:$0x1FF50]  }
0x24d: {  	v36 =	vmul.f32 v19, v17;
	v34 =	vadd.f32 v52, v24;
	v19 =	vld.idx.msk [tilespmem:v21+s17+$0x0], $0xffff;
	v24 =	vor.u32 s25, v43  }
0x24e: {  	v33 =	vadd.f32 v12, v54;
	v12 =	vld.idx.msk [tilespmem:v18+s17+$0x0], $0xffff;
	v48 =	vor.u32 s25, v47  }
0x24f: {  	v41 =	vmul.f32 v25, v20;
	v43 =	vld [tilespmem:$0x1FFC0]  }
0x250: {  	v20 =	vmul.f32 v20, v20;
	v44 =	vadd.f32 v40, v37;
	v47 =	vor.u32 s25, v46;
	v46 =	vld [tilespmem:$0x1FFE0]  }
0x251: {  	v40 =	vmul.f32 v17, v17;
	v51 =	vor.u32 s25, v50;
	v54 =	vor.u32 s25, v53;
	v53 =	vld [tilespmem:$0x1FFB0]  }
0x252: {  	v45 =	vmul.f32 v3, v3;
	v37 =	vor.u32 s25, v61;
	v50 =	vmul.f32 v10, v10;
	v18 =	vld.idx.msk [tilespmem:v24+s17+$0x0], $0xffff  }
0x253: {  	v28 =	vadd.f32 v20, v28;
	v22 =	vadd.f32 v40, v49;
	v42 =	vmul.f32 v7, v7;
	v20 =	vld.idx.msk [tilespmem:v48+s17+$0x0], $0xffff  }
0x254: {  	v35 =	vadd.f32 v41, v38;
	v41 =	vor.u32 s25, v0;
	v38 =	vor.u32 s25, v63;
	v48 =	vld [tilespmem:$0x1FFD0]  }
0x255: {  	v27 =	vadd.f32 v36, v27;
	v52 =	vmul.f32 v6, v6;
	v39 =	vadd.f32 v42, v22;
	v22 =	vld.idx.msk [tilespmem:v47+s17+$0x0], $0xffff  }
0x256: {  	v3 =	vmul.f32 v5, v3;
	v49 =	vmul.f32 v1, v1;
	v26 =	vor.u32 s25, v43;
	v24 =	vld.idx.msk [tilespmem:v51+s17+$0x0], $0xffff  }
0x257: {  	v28 =	vadd.f32 v52, v28;
	v52 =	vor.u32 s25, v56;
	v47 =	vor.u32 s25, v46;
	v51 =	vld [tilespmem:$0x1FFF0]  }
0x258: {  	v9 =	vld [tilespmem:$0x10A00];
	v29 =	vadd.f32 v45, v29;
	v25 =	vadd.f32 v49, v44;
	v44 =	vmul.f32 v15, v15  }
0x259: {  	v3 =	vadd.f32 v3, v33;
	v21 =	vld.idx.msk [tilespmem:v41+s17+$0x0], $0xffff;
	v31 =	vadd.f32 v50, v28;
	v45 =	vmul.f32 v16, v16  }
0x25a: {  	v29 =	vadd.f32 v44, v29;
	v17 =	vld.idx.msk [tilespmem:v54+s17+$0x0], $0xffff;
	v54 =	vor.u32 s25, v53;
	v53 =	vmul.f32 v11, v11  }
0x25b: {  	v1 =	vmul.f32 v4, v1;
	v40 =	vadd.f32 v45, v25;
	v49 =	vor.u32 s25, v48;
	v25 =	vld.idx.msk [tilespmem:v26+s17+$0x0], $0xffff  }
0x25c: {  	v32 =	vor.u32 s25, v51;
	v43 =	vadd.f32 v53, v29;
	v28 =	vld.idx.msk [tilespmem:v47+s17+$0x0], $0xffff;
	v51 =	vmul.f32 v19, v19  }
0x25d: {  	v41 =	vmul.f32 v14, v14;
	v1 =	vadd.f32 v1, v34;
	v48 =	vor.u32 s25, v58;
	v29 =	vld.idx.msk [tilespmem:v52+s17+$0x0], $0xffff  }
0x25e: {  	v44 =	vor.u32 s25, v59;
	v42 =	vor.u32 s25, v57;
	v43 =	vadd.f32 v51, v43;
	v51 =	vld [tilespmem:$0x10B00]  }
0x25f: {  	v45 =	vor.u32 s25, v60;
	v7 =	vmul.f32 v9, v7;
	v52 =	vmul.f32 v18, v18;
	v23 =	vld.idx.msk [tilespmem:v54+s17+$0x0], $0xffff  }
0x260: {  	v39 =	vadd.f32 v41, v39;
	v54 =	vmul.f32 v12, v12;
	v50 =	vmul.f32 v17, v17;
	v26 =	vld.idx.msk [tilespmem:v49+s17+$0x0], $0xffff  }
0x261: {  	v7 =	vadd.f32 v7, v27;
	v47 =	vmul.f32 v20, v20;
	v49 =	vmul.f32 v13, v13;
	v30 =	vld.idx.msk [tilespmem:v32+s17+$0x0], $0xffff  }
0x262: {  	v53 =	vmul.f32 v21, v21;
	v40 =	vadd.f32 v54, v40;
	v39 =	vadd.f32 v50, v39;
	v32 =	vld.idx.msk [tilespmem:v48+s17+$0x0], $0xffff  }
0x263: {  	v48 =	vmul.f32 v22, v22;
	v46 =	vadd.f32 v49, v31;
	v31 =	vld.idx.msk [tilespmem:v42+s17+$0x0], $0xffff;
	v42 =	vor.u32 s25, v62  }
0x264: {  	v37 =	vld.idx.msk [tilespmem:v37+s17+$0x0], $0xffff;
	v54 =	vmul.f32 v24, v24;
	v40 =	vadd.f32 v52, v40;
	v39 =	vadd.f32 v53, v39  }
0x265: {  	v38 =	vld.idx.msk [tilespmem:v38+s17+$0x0], $0xffff;
	v41 =	vadd.f32 v48, v43;
	v52 =	vmul.f32 v25, v25;
	v43 =	vmul.f32 v28, v28  }
0x266: {  	v44 =	vld.idx.msk [tilespmem:v44+s17+$0x0], $0xffff;
	v16 =	vmul.f32 v51, v16;
	v49 =	vmul.f32 v23, v23;
	v46 =	vadd.f32 v47, v46  }
0x267: {  	v45 =	vld.idx.msk [tilespmem:v45+s17+$0x0], $0xffff;
	v40 =	vadd.f32 v54, v40;
	v39 =	vadd.f32 v52, v39;
	v53 =	vmul.f32 v26, v26  }
0x268: {  	v47 =	vmul.f32 v29, v29;
	v54 =	vmul.f32 v30, v30;
	v46 =	vadd.f32 v49, v46;
	v42 =	vld.idx.msk [tilespmem:v42+s17+$0x0], $0xffff  }
0x269: {  	v8 =	vld [tilespmem:$0x10980];
	v52 =	vmul.f32 v37, v37;
	v40 =	vadd.f32 v43, v40;
	v41 =	vadd.f32 v53, v41  }
0x26a: {  	v33 =	vld [tilespmem:$0x10E80];
	v50 =	vmul.f32 v31, v31;
	v43 =	vadd.f32 v54, v46;
	v54 =	vmul.f32 v32, v32  }
0x26b: {  	v4 =	vld [tilespmem:$0x10E00];
	v1 =	vadd.f32 v16, v1;
	v39 =	vadd.f32 v47, v39;
	v47 =	vmul.f32 v44, v44  }
0x26c: {  	v27 =	vld [tilespmem:$0x11100];
	v46 =	vmul.f32 v45, v45;
	v41 =	vadd.f32 v50, v41;
	v40 =	vadd.f32 v54, v40  }
0x26d: {  	v48 =	vld [tilespmem:$0x10B80];
	v43 =	vadd.f32 v47, v43;
	v54 =	vmul.f32 v38, v38;
	v47 =	vmul.f32 v42, v42  }
0x26e: {  	v51 =	vld [tilespmem:$0x11000];
	v5 =	vadd.f32 v46, v39;
	v39 =	vadd.f32 v52, v41  }
0x26f: {  	v16 =	vld [tilespmem:$0x11080];
	v43 =	vadd.f32 v54, v43;
	v40 =	vadd.f32 v47, v40  }
0x270: {  	v49 =	vld [tilespmem:$0x10A80]  }
0x271: {  	v53 =	vld [tilespmem:$0x10C80];
	v5 =	vadd.f32 v39, v5;
	v40 =	vadd.f32 v43, v40  }
0x272: {  	v50 =	vld [tilespmem:$0x10C00]  }
0x273: {  	v6 =	vmul.f32 v8, v6;
	v46 =	vld [tilespmem:$0x10D80];
	v5 =	vadd.f32 v40, v5  }
0x274: {  	v51 =	vmul.f32 v51, v21;
	v21 =	vmul.f32 v27, v24;
	v24 =	vld [tilespmem:$0x11580]  }
0x275: {  	v6 =	vadd.f32 v6, v35;
	v4 =	vmul.f32 v4, v17;
	v41 =	vld [tilespmem:$0x10D00];
	v5 =	vmax.f32 v5, $1.000000000e-30  }
0x276: {  	v10 =	vmul.f32 v48, v10;
	v48 =	vld [tilespmem:$0x11380];
	v52 =	vshrl.u32 v5, $0x1;
	v5 =	vmul.f32 $5.000000000e-01, v5  }
0x277: {  	v53 =	vmul.f32 v53, v11;
	v47 =	vld [tilespmem:$0x10F00];
	v14 =	vmul.f32 v50, v14;
	v34 =	vsub.s32 $0x5F3759DF, v52  }
0x278: {  	v6 =	vadd.f32 v10, v6;
	v11 =	vld [tilespmem:$0x11180];
	v39 =	vmul.f32 v46, v13;
	v36 =	vmul.f32 v34, v5  }
0x279: {  	v9 =	vmul.f32 v24, v44;
	v43 =	vmul.f32 v49, v15;
	v49 =	vld [tilespmem:$0x10F80];
	v7 =	vadd.f32 v14, v7  }
0x27a: {  	v12 =	vmul.f32 v41, v12;
	v14 =	vld [tilespmem:$0x11200];
	v6 =	vadd.f32 v39, v6;
	v46 =	vmul.f32 v34, v36  }
0x27b: {  	v41 =	vmul.f32 v33, v19;
	v39 =	vld [tilespmem:$0x11680];
	v3 =	vadd.f32 v43, v3;
	v4 =	vadd.f32 v4, v7  }
0x27c: {  	v40 =	vld [tilespmem:$0x11280];
	v1 =	vadd.f32 v12, v1;
	v47 =	vmul.f32 v47, v18;
	v50 =	vsub.f32 $1.500000000e+00, v46  }
0x27d: {  	v23 =	vmul.f32 v11, v23;
	v43 =	vld [tilespmem:$0x11300];
	v3 =	vadd.f32 v53, v3;
	v4 =	vadd.f32 v51, v4  }
0x27e: {  	v53 =	vld [tilespmem:$0x11480];
	v8 =	vmul.f32 v49, v20;
	v1 =	vadd.f32 v47, v1;
	v15 =	vmul.f32 v34, v50  }
0x27f: {  	v49 =	vld [tilespmem:$0x11400];
	v27 =	vmul.f32 v14, v25;
	v3 =	vadd.f32 v41, v3;
	v52 =	vmul.f32 v16, v22  }
0x280: {  	v22 =	vld [tilespmem:$0x11500];
	v6 =	vadd.f32 v8, v6;
	v1 =	vadd.f32 v21, v1;
	v34 =	vmul.f32 v15, v5  }
0x281: {  	v41 =	vld [tilespmem:$0x11700];
	v35 =	vmul.f32 v40, v26;
	v4 =	vadd.f32 v27, v4;
	v40 =	vmul.f32 v48, v30  }
0x282: {  	v33 =	vld [tilespmem:$0x11600];
	v3 =	vadd.f32 v52, v3;
	v52 =	vmul.f32 v39, v37;
	v14 =	vmul.f32 v34, v15  }
0x283: {  	v6 =	vadd.f32 v23, v6;
	v36 =	vmul.f32 v43, v28;
	v47 =	vmul.f32 v53, v31;
	v46 =	vld [tilespmem:$0x11780]  }
0x284: {  	v3 =	vadd.f32 v35, v3;
	v43 =	vmul.f32 v49, v29;
	v48 =	vsub.f32 $1.500000000e+00, v14  }
0x285: {  	v1 =	vadd.f32 v36, v1;
	v6 =	vadd.f32 v40, v6;
	v49 =	vmul.f32 v22, v32  }
0x286: {  	v10 =	vmul.f32 v41, v42;
	v4 =	vadd.f32 v43, v4;
	v51 =	vmul.f32 v48, v15  }
0x287: {  	v3 =	vadd.f32 v47, v3;
	v50 =	vmul.f32 v33, v45;
	v1 =	vadd.f32 v49, v1  }
0x288: {  	v6 =	vadd.f32 v9, v6;
	v53 =	vmul.f32 v46, v38;
	v5 =	vmul.f32 v51, v5  }
0x289: {  	v3 =	vadd.f32 v52, v3;
	v4 =	vadd.f32 v50, v4  }
0x28a: {  	v1 =	vadd.f32 v10, v1;
	v6 =	vadd.f32 v53, v6;
	v5 =	vmul.f32 v5, v51  }
0x28b: {  	v3 =	vadd.f32 v3, v4  }
0x28c: {  	v1 =	vadd.f32 v6, v1;
	v4 =	vsub.f32 $1.500000000e+00, v5;
	_ =	sdelay $0x1  }
0x28d: {  	v1 =	vadd.f32 v1, v3;
	v3 =	vmul.f32 v4, v51;
	_ =	sdelay $0x1  }
0x28e: {  	v1 =	vmul.f32 v3, v1;
	_ =	sdelay $0x1  }
0x28f: {  	(xrf0) =	vmax.scan.msk.f32 $0xffff, v1;
	_ =	sdelay $0x5  }
0x290: {  	v3, _, _ =	vpop (xrf0)  }
0x291: {  	(v2sf) =	vpush v3, $0xF;
	_ =	sdelay $0xc  }
0x292: {  	s0 =	sld [smem:$0x2];
	_ =	sdelay $0x1  }
0x293: {  	s30 =	spop (v2sf)  }
0x294: {  	p0 =	sgt.f32 s30, s0  }
.Ltmp10:
0x295: {  	_ = 	snop;
	(pc) =	sbr.rel @!p0 .LBB2_9-.Ltmp10, $2  }
0x296: {  	_ =	sdelay $0x2  }
0x297: {  	v54 =	vlaneseq.u32  }
0x298: {  	v3 =	vbroadcast v3, $0xF;
	_ =	sdelay $0x1  }
0x299: {  	vm3 =	veq.f32 v1, v3  }
0x29a: {  	v3 =	vnsel vm3, $0xC0000000, v2  }
0x29b: {  	(xrf0) =	vmin.scan.msk.u32 $0xffff, v3;
	_ =	sdelay $0x5  }
0x29c: {  	v3, _, _ =	vpop (xrf0)  }
0x29d: {  	(v2sf) =	vpush v3, $0xF;
	_ =	sdelay $0xe  }
0x29e: {  	s0 =	spop (v2sf)  }
0x29f: {  	s1 =	sxor.u32 $0x80000000, s0  }
0x2a0: {  	v3 =	vmov s1  }
0x2a1: {  	vm3 =	veq.s32 v3, v54  }
0x2a2: {  	v1 =	vsel vm3, $0xFF800000, v1  }
0x2a3: {  	(xrf0) =	vmax.scan.msk.f32 $0xffff, v1;
	_ =	sdelay $0x5  }
0x2a4: {  	v3, _, _ =	vpop (xrf0)  }
0x2a5: {  	v4 =	vbroadcast v3, $0xF;
	_ =	sdelay $0x1  }
0x2a6: {  	vm3 =	veq.f32 v1, v4  }
0x2a7: {  	v4 =	vnsel vm3, $0xC0000000, v2  }
0x2a8: {  	(xrf0) =	vmin.scan.msk.u32 $0xffff, v4;
	_ =	sdelay $0x5  }
0x2a9: {  	(v2sf) =	vpush v3, $0xF;
	v3, _, _ =	vpop (xrf0)  }
0x2aa: {  	(v2sf) =	vpush v3, $0xF;
	_ =	sdelay $0xd  }
0x2ab: {  	s29 =	spop (v2sf)  }
0x2ac: {  	s4 =	sld [smem:$0x0];
	s31 =	spop (v2sf)  }
0x2ad: {  	s13 =	sld [smem:$0x80];
	s5 =	sxor.u32 $0x80000000, s31  }
0x2ae: {  	v3 =	vmov s5;
	s5 =	sld [smem:$0x1]  }
0x2af: {  	p0 =	seq.f32 s30, s4;
	s28 =	sadd.s32 s26, s0;
	s0 =	sld [smem:$0x81]  }
0x2b0: {  	p2 =	sgt.f32 s30, s4;
	p1 =	slt.s32 s28, s13  }
0x2b1: {  	s19 =	smov.u32 s4;
	p0 =	por !p0, !p1;
	vm3 =	veq.s32 v3, v54;
	p5 =	seq.f32 s30, s5  }
0x2b2: {  	s20 =	smov.u32 s13;
	p0 =	por !p0, !p0;
	p3 =	slt.s32 s28, s0;
	v1 =	vsel vm3, $0xFF800000, v1  }
0x2b3: {  	p0 =	por p2, p0;
	(xrf0) =	vmax.scan.msk.f32 $0xffff, v1;
	p6 =	sgt.f32 s30, s5;
	p1 =	por !p5, !p3  }
0x2b4: {  	s19 =	smov.u32 @p0 s30;
	s20 =	smov.u32 @p0 s28;
	p1 =	por !p1, !p1  }
0x2b5: {  	[smem:$0x0] =	sst s19;
	s19 =	smov.u32 s5;
	p1 =	por p6, p1  }
0x2b6: {  	[smem:$0x80] =	sst s20;
	s20 =	smov.u32 s0;
	s19 =	smov.u32 @p1 s30  }
0x2b7: {  	s20 =	smov.u32 @p1 s28;
	s19 =	smov.u32 @p0 s4  }
0x2b8: {  	s20 =	smov.u32 @p0 s13;
	[smem:$0x1] =	sst s19  }
0x2b9: {  	s30 =	smov.u32 @p1 s5;
	v3, _, _ =	vpop (xrf0);
	[smem:$0x81] =	sst s20  }
0x2ba: {  	s28 =	smov.u32 @p1 s0;
	v53 =	vbroadcast v3, $0xF;
	[smem:$0x2] =	sst s30  }
0x2bb: {  	[smem:$0x82] =	sst s28  }
0x2bc: {  	vm3 =	veq.f32 v1, v53;
	s0 =	sld [smem:$0x0]  }
0x2bd: {  	v1 =	vnsel vm3, $0xC0000000, v2;
	s4 =	sld [smem:$0x1]  }
0x2be: {  	(xrf0) =	vmin.scan.msk.u32 $0xffff, v1;
	s5 =	sld [smem:$0x80]  }
0x2bf: {  	s13 =	sld [smem:$0x81]  }
0x2c0: {  	s1 =	sadd.s32 s26, s31  }
0x2c1: {  	s19 =	sld [smem:$0x2];
	p1 =	seq.f32 s29, s0;
	p2 =	slt.s32 s1, s5  }
0x2c2: {  	p3 =	seq.f32 s29, s4;
	p5 =	sgt.f32 s29, s0;
	p6 =	slt.s32 s1, s13  }
0x2c3: {  	p4 =	sgt.f32 s29, s4;
	s20 =	smov.u32 s0;
	p0 =	por !p1, !p2  }
0x2c4: {  	(v2sf) =	vpush v3, $0xF;
	s30 =	smov.u32 s5;
	p2 =	por !p3, !p6;
	v1, _, _ =	vpop (xrf0);
	p0 =	por !p0, !p0  }
0x2c5: {  	p6 =	slt.s32 s1, s28;
	p3 =	por !p2, !p2;
	(v2sf) =	vpush v1, $0xF;
	p1 =	por p5, p0  }
0x2c6: {  	p2 =	sgt.f32 s29, s19;
	p5 =	seq.f32 s29, s19;
	s20 =	smov.u32 @p1 s29  }
0x2c7: {  	p0 =	por p4, p3;
	s30 =	smov.u32 @p1 s1;
	[smem:$0x0] =	sst s20  }
0x2c8: {  	s20 =	smov.u32 s4;
	p3 =	por !p6, !p5;
	[smem:$0x80] =	sst s30  }
0x2c9: {  	s20 =	smov.u32 @p0 s29;
	s30 =	smov.u32 s13;
	p3 =	por !p3, !p3  }
0x2ca: {  	s20 =	smov.u32 @p1 s0;
	s30 =	smov.u32 @p0 s1;
	p2 =	por p2, p3  }
0x2cb: {  	[smem:$0x1] =	sst s20;
	s30 =	smov.u32 @p1 s5;
	s19 =	smov.u32 @p2 s29  }
0x2cc: {  	s28 =	smov.u32 @p2 s1;
	[smem:$0x81] =	sst s30;
	s19 =	smov.u32 @p0 s4  }
0x2cd: {  	s28 =	smov.u32 @p0 s13;
	[smem:$0x2] =	sst s19  }
0x2ce: {  	[smem:$0x82] =	sst s28  }
0x2cf: {  	s0 =	sld [smem:$0x0]  }
0x2d0: {  	s1 =	sld [smem:$0x1]  }
0x2d1: {  	s5 =	sld [smem:$0x80]  }
0x2d2: {  	s19 =	sld [smem:$0x81]  }
0x2d3: {  	s4 =	spop (v2sf);
	s20 =	sld [smem:$0x2]  }
0x2d4: {  	p1 =	seq.f32 s4, s0;
	s31 =	spop (v2sf)  }
0x2d5: {  	p3 =	seq.f32 s4, s1;
	p4 =	sgt.f32 s4, s0;
	s13 =	sadd.s32 s26, s31  }
0x2d6: {  	p6 =	sgt.f32 s4, s1;
	s29 =	smov.u32 s0;
	p2 =	slt.s32 s13, s5  }
0x2d7: {  	s30 =	smov.u32 s5;
	p5 =	slt.s32 s13, s19;
	p0 =	por !p1, !p2  }
0x2d8: {  	p2 =	por !p3, !p5;
	p5 =	seq.f32 s4, s20;
	p0 =	por !p0, !p0  }
0x2d9: {  	p3 =	por !p2, !p2;
	p2 =	sgt.f32 s4, s20;
	p1 =	por p4, p0  }
0x2da: {  	p0 =	por p6, p3;
	p6 =	slt.s32 s13, s28;
	s29 =	smov.u32 @p1 s4  }
0x2db: {  	s30 =	smov.u32 @p1 s13;
	p3 =	por !p6, !p5;
	[smem:$0x0] =	sst s29  }
0x2dc: {  	s29 =	smov.u32 s1;
	p3 =	por !p3, !p3;
	[smem:$0x80] =	sst s30  }
0x2dd: {  	s29 =	smov.u32 @p0 s4;
	s30 =	smov.u32 s19;
	p2 =	por p2, p3  }
.Ltmp11:
0x2de: {  	s29 =	smov.u32 @p1 s0;
	s30 =	smov.u32 @p0 s13;
	(pc) =	sbr.rel .LBB2_9-.Ltmp11, $4  }
0x2df: {  	s20 =	smov.u32 @p2 s4;
	[smem:$0x1] =	sst s29;
	s30 =	smov.u32 @p1 s5  }
0x2e0: {  	s28 =	smov.u32 @p2 s13;
	s20 =	smov.u32 @p0 s1;
	[smem:$0x81] =	sst s30  }
0x2e1: {  	s28 =	smov.u32 @p0 s19;
	[smem:$0x2] =	sst s20  }
0x2e2: {  	[smem:$0x82] =	sst s28  }
.LBB2_12:
0x2e3: {  	_ =	sfence.sel $0x180000  }
0x2e4: {  	[bflag:$0x0] =	sbarrier.arrive $0xFFFF  }
0x2e5: {  	_ =	strace $0x90000047  }
0x2e6: {  	s0 =	stileid.u32;
	[bflag:$0x2] =	sbarrier.arrive $0xFFFF  }
0x2e7: {  	p0 =	sne.s32 s0, $0x0;
	s0 =	rddreg [dreg:$0x1]  }
0x2e8: {  	s0 =	sadd.s32 @!p0 $0x100000, s0  }
0x2e9: {  	[sflag:s0] =	ssyncadd.tile.s32 @!p0 $0x1;
	_ =	shalt  }
.Lfunc_end2:
_tile_overlayer_lowered:
.L_overlay_start_2:
0x2ea: {  	(tag) =	ssettag $0x2  }
0x2eb: {  	s0 =	rddreg [dreg:$0x0];
	s2 =	stileid.u32  }
0x2ec: {  	s1 =	rddreg [dreg:$0x1];
	p0 =	sne.s32 s2, $0x0  }
0x2ed: {  	s3 =	rddreg [dreg:$0x2];
	[bflag:$0x3] =	sbarrier.arrive $0xFFFF;
	s2 =	simm.s32 @!p0 $0x1C03  }
0x2ee: {  	[timem:s3], [sflag:s2] =	dma.local @!p0 [hbm:s0], s1  }
0x2ef: {  	s0 =	simm.s32 @!p0 $0x3  }
0x2f0: {  	_ =	swait.ge @!p0 [sflag:s0], s1  }
0x2f1: {  	s1 =	ssub.s32 @!p0 $0x0, s1;
	[sflag:s0] =	ssyncset.done @!p0 $0x0  }
0x2f2: {  	[sflag:s0] =	ssyncadd.s32 @!p0 s1  }
0x2f3: {  	[bflag:$0x3] =	sbarrier.arrive $0xFFFF  }
0x2f4: {  	_ =	shalt  }

</sc_bundles>
